<compile_context>
chip_gen: v7x
topology: tpu7x:2x2x1
jax: 0.10.2.dev20260603
libtpu: 0.0.44.dev20260713+nightly
codegen_flags: <defaults>
</compile_context>

<pallas_src>
import functools

import jax
import jax.numpy as jnp
from jax import lax
from jax.experimental import pallas as pl
from jax.experimental.pallas import tpu as pltpu, tpu_sc as plsc

NB = 512
C = 19
NT = 32
PIX = 1048576
TPIX = PIX // NT
ROWS = 8
COLS = 128
S = ROWS * COLS
NSUB = TPIX // S
CNB = C * NB
HSZ = 4 * CNB
K = float(NB * (1.0 - 2.0 ** -22))

_mesh = plsc.VectorSubcoreMesh(core_axis_name="c", subcore_axis_name="s")


@functools.partial(
    pl.kernel,
    mesh=_mesh,
    compiler_params=pltpu.CompilerParams(needs_layout_passes=False),
    out_type=jax.ShapeDtypeStruct((NT, HSZ), jnp.float32),
    scratch_types=[
        pltpu.VMEM((HSZ,), jnp.float32),
        pltpu.VMEM((ROWS, COLS), jnp.int32),
        pltpu.VMEM((C, ROWS, COLS), jnp.float32),
        pltpu.VMEM((ROWS, COLS), jnp.int32),
        pltpu.VMEM((C, ROWS, COLS), jnp.float32),
        pltpu.SemaphoreType.DMA,
        pltpu.SemaphoreType.DMA,
    ],
)
def _sc_hist(pred_hbm, tgt_hbm, out_hbm, hist, lab_v0, p_v0, lab_v1, p_v1,
             sem0, sem1):
    wid = lax.axis_index("s") * 2 + lax.axis_index("c")
    b = wid // 8
    part = wid % 8
    row0 = part * 64

    def zero_body(i, _):
        hist[pl.ds(i * 16, 16)] = jnp.zeros((16,), jnp.float32)
        return 0

    lax.fori_loop(0, HSZ // 16, zero_body, 0)

    ones = jnp.ones((16,), jnp.float32)
    lane = lax.iota(jnp.int32, 16)
    neg_ones = -ones

    def start_copy(si, lab_v, p_v, sem):
        r0 = row0 + (si // 4) * ROWS
        c0 = (si % 4) * COLS
        pltpu.async_copy(
            tgt_hbm.at[b, pl.ds(r0, ROWS), pl.ds(c0, COLS)], lab_v, sem)
        pltpu.async_copy(
            pred_hbm.at[pl.ds(b * C, C), pl.ds(r0, ROWS), pl.ds(c0, COLS)],
            p_v, sem)

    def drain(sem, lab_v, p_v):
        pltpu.make_async_copy(
            tgt_hbm.at[0, pl.ds(0, ROWS), pl.ds(0, COLS)], lab_v, sem).wait()
        pltpu.make_async_copy(
            pred_hbm.at[pl.ds(0, C), pl.ds(0, ROWS), pl.ds(0, COLS)], p_v,
            sem).wait()

    def compute(lab_v, p_v):
        @plsc.parallel_loop(0, S // 16, unroll=2)
        def v_body(i):
            j = i // (COLS // 16)
            k = (i % (COLS // 16)) * 16
            lab = lab_v[j, pl.ds(k, 16)]
            valid = lab != 0
            for c in range(C):
                p = p_v[c, j, pl.ds(k, 16)]
                t = p * K
                bin_i = t.astype(jnp.int32)
                frac = t - bin_i.astype(jnp.float32)
                plsc.addupdate_scatter(
                    hist.at[pl.ds(c * NB, NB)], [bin_i], ones, mask=valid)
                plsc.addupdate_scatter(
                    hist.at[pl.ds(CNB + c * NB, NB)], [bin_i], frac,
                    mask=valid)
            jv = jnp.full((16,), j, jnp.int32)
            kv = lane + k
            p_lab = plsc.load_gather(p_v, [lab, jv, kv])
            t_old = p_lab * K
            bo = t_old.astype(jnp.int32)
            frac_old = t_old - bo.astype(jnp.float32)
            lab_nb = lab * NB
            idx_old = lab_nb + bo
            t_new = K - t_old
            bn = t_new.astype(jnp.int32)
            frac_new = t_new - bn.astype(jnp.float32)
            idx_new = lab_nb + bn
            plsc.addupdate_scatter(
                hist.at[pl.ds(0, CNB)], [idx_old], neg_ones, mask=valid)
            plsc.addupdate_scatter(
                hist.at[pl.ds(CNB, CNB)], [idx_old], -frac_old, mask=valid)
            plsc.addupdate_scatter(
                hist.at[pl.ds(0, CNB)], [idx_new], ones, mask=valid)
            plsc.addupdate_scatter(
                hist.at[pl.ds(CNB, CNB)], [idx_new], frac_new, mask=valid)
            plsc.addupdate_scatter(
                hist.at[pl.ds(2 * CNB, CNB)], [idx_new], ones, mask=valid)
            plsc.addupdate_scatter(
                hist.at[pl.ds(3 * CNB, CNB)], [idx_new], frac_new, mask=valid)

    start_copy(0, lab_v0, p_v0, sem0)

    def pair_body(q, _):
        start_copy(2 * q + 1, lab_v1, p_v1, sem1)
        drain(sem0, lab_v0, p_v0)
        compute(lab_v0, p_v0)

        @pl.when(q < NSUB // 2 - 1)
        def _():
            start_copy(2 * q + 2, lab_v0, p_v0, sem0)

        drain(sem1, lab_v1, p_v1)
        compute(lab_v1, p_v1)
        return 0

    lax.fori_loop(0, NSUB // 2, pair_body, 0)
    pltpu.sync_copy(hist, out_hbm.at[wid])


def _tc_post_body(h_ref, o_ref):
    h = jnp.sum(h_ref[...], axis=0).reshape(4 * C, NB)
    cnt_all = h[0:C]
    frac_all = h[C:2 * C]
    cnt_hit = h[2 * C:3 * C]
    frac_hit = h[3 * C:4 * C]
    src = lax.broadcasted_iota(jnp.int32, (NB, NB), 0)
    dst = lax.broadcasted_iota(jnp.int32, (NB, NB), 1)
    above = (src > dst).astype(jnp.float32)
    g_above = lax.dot(cnt_all, above, precision=lax.Precision.HIGHEST)
    h_above = lax.dot(cnt_hit, above, precision=lax.Precision.HIGHEST)
    gbar = g_above + frac_all
    hbar = h_above + frac_hit
    gts = jnp.sum(cnt_hit, axis=1, keepdims=True)
    inter = gts - hbar
    union = gts + gbar - hbar
    jac = 1.0 - inter / jnp.maximum(union, jnp.float32(1e-30))
    losses = jnp.sum(jac, axis=1) * jnp.float32(1.0 / NB)
    w = (gts[:, 0] > 0).astype(jnp.float32)
    loss = jnp.sum(losses * w) / jnp.sum(w)
    o_ref[0, 0] = loss


def kernel(pred, target):
    B, c, H, W = pred.shape
    pred_flat = pred.reshape(B * c, H, W)
    hists = _sc_hist(pred_flat, target)
    out = pl.pallas_call(
        _tc_post_body,
        out_shape=jax.ShapeDtypeStruct((1, 1), jnp.float32),
        out_specs=pl.BlockSpec(memory_space=pltpu.SMEM),
    )(hists)
    return out[0, 0]

# --- scband reference (transcript-rebuilt; emitter-appended) ---
"""Pipeline reference for scband-lovasz-loss-89593017794565 (READ-ONLY COPY).

The authoritative reference and input builder live on the scoring server;
editing this copy changes nothing except your own understanding.
"""

import jax, jax.numpy as jnp
import numpy as np


def _lovasz_grad(gt_sorted):
    # Alg. 1 of the Lovasz-Softmax paper, vectorized over columns (classes)
    gts = jnp.sum(gt_sorted, axis=0, keepdims=True)
    intersection = gts - jnp.cumsum(gt_sorted, axis=0)
    union = gts + jnp.cumsum(1.0 - gt_sorted, axis=0)
    jaccard = 1.0 - intersection / union
    if gt_sorted.shape[0] > 1:
        jaccard = jnp.concatenate([jaccard[:1], jaccard[1:] - jaccard[:-1]], axis=0)
    return jaccard


def _lovasz_forward(pred, target, ignore=0, loss_weight=1.0):
    B, C = pred.shape[0], pred.shape[1]
    # flatten_probas
    probas = pred.reshape(B, C, -1).transpose(0, 2, 1).reshape(-1, C)
    labels = target.reshape(-1)
    valid = labels != ignore
    vmask = valid.astype(jnp.float32)[:, None]
    # lovasz_softmax_flat (world_size == 1 path), masked fixed-shape form
    labels_onehot = jax.nn.one_hot(labels, C, dtype=jnp.float32) * vmask
    class_errors = jnp.abs(labels_onehot - probas) * vmask
    class_presence = jnp.sum(labels_onehot, axis=0) > 0
    sort_key = jnp.where(valid[:, None], jnp.abs(labels_onehot - probas), -1.0)
    order = jnp.argsort(-sort_key, axis=0)  # descending argsort per class; invalid pixels sort last
    lab_sorted = jnp.take_along_axis(labels_onehot, order, axis=0)
    grad_sorted = _lovasz_grad(lab_sorted)
    cols = jnp.broadcast_to(jnp.arange(order.shape[1])[None, :], order.shape)
    lov = jnp.zeros_like(grad_sorted).at[order, cols].set(grad_sorted)  # scatter back to original pixel order
    lov = jax.lax.stop_gradient(lov)  # torch.no_grad() block
    world_size = 1
    losses = jnp.sum(class_errors * lov * world_size, axis=0).astype(pred.dtype)
    # classes == 'present' -> weight = presence, avg_factor = weight.sum(); weight_reduce_loss('mean')
    weight = class_presence.astype(jnp.float32)
    avg_factor = jnp.sum(weight)
    loss = jnp.sum(losses * weight) / avg_factor
    return loss_weight * loss


def setup_inputs(seed: int = 0):
    key = jax.random.key(seed)
    k1, k2 = jax.random.split(key)
    pred = jax.random.uniform(k1, (4, 19, 512, 512), dtype=jnp.float32)
    target = jax.random.randint(k2, (4, 512, 512), 0, 19, dtype=jnp.int32)
    return {"pred": pred, "target": target}


def reference(pred, target):
    return _lovasz_forward(pred, target, ignore=0, loss_weight=1.0)

if __name__ == "__main__":
    import jax
    _d = setup_inputs()
    print(jax.jit(kernel)(*tuple(_d.values())))

</pallas_src>

<mosaic_0001>
#map = affine_map<(d0, d1) -> (0, 0, 0)>
#map1 = affine_map<(d0, d1) -> (0, 0)>
module attributes {stable_mosaic.version = 14 : i64} {
  func.func @_sc_hist(%arg0: i32, %arg1: i32, %arg2: memref<76x512x512xf32, #tpu.memory_space<hbm>>, %arg3: memref<4x512x512xi32, #tpu.memory_space<hbm>>, %arg4: memref<32x38912xf32, #tpu.memory_space<hbm>>, %arg5: memref<38912xf32, #tpu.memory_space<vmem>>, %arg6: memref<8x128xi32, #tpu.memory_space<vmem>>, %arg7: memref<19x8x128xf32, #tpu.memory_space<vmem>>, %arg8: memref<8x128xi32, #tpu.memory_space<vmem>>, %arg9: memref<19x8x128xf32, #tpu.memory_space<vmem>>, %arg10: memref<!tpu.dma_semaphore, #tpu.memory_space<semaphore_mem>>, %arg11: memref<!tpu.dma_semaphore, #tpu.memory_space<semaphore_mem>>) attributes {dimension_semantics = [#tpu.dimension_semantics<core_parallel>, #tpu.dimension_semantics<subcore_parallel>], iteration_bounds = array<i64: 2, 16>, scalar_prefetch = 0 : i64, scratch_operands = 7 : i64, tpu.core_type = #tpu.core_type<sc_vector_subcore>, window_params = [{transform_indices = #map}, {transform_indices = #map}, {transform_indices = #map1}]} {
    %mul3A = arith.constant 2 : i32
    %mul3A_0 = arith.muli %arg1, %mul3A : i32
    %add3A = arith.addi %mul3A_0, %arg0 : i32
    %jit3A = arith.constant 8 : i32
    %div3A = arith.divsi %add3A, %jit3A : i32
    %sign3A = arith.constant 0 : i32
    %sign3A_1 = arith.cmpi sgt, %add3A, %sign3A : i32
    %sign3A_2 = arith.extui %sign3A_1 : i1 to i32
    %sign3A_3 = arith.constant 0 : i32
    %sign3A_4 = arith.cmpi slt, %add3A, %sign3A_3 : i32
    %sign3A_5 = arith.extui %sign3A_4 : i1 to i32
    %sign3A_6 = arith.subi %sign3A_2, %sign3A_5 : i32
    %sign3A_7 = arith.constant 0 : i32
    %sign3A_8 = arith.cmpi sgt, %jit3A, %sign3A_7 : i32
    %sign3A_9 = arith.extui %sign3A_8 : i1 to i32
    %sign3A_10 = arith.constant 0 : i32
    %sign3A_11 = arith.cmpi slt, %jit3A, %sign3A_10 : i32
    %sign3A_12 = arith.extui %sign3A_11 : i1 to i32
    %sign3A_13 = arith.subi %sign3A_9, %sign3A_12 : i32
    %ne3A = arith.cmpi ne, %sign3A_6, %sign3A_13 : i32
    %rem3A = arith.remsi %add3A, %jit3A : i32
    %ne3A_14 = arith.constant 0 : i32
    %ne3A_15 = arith.cmpi ne, %rem3A, %ne3A_14 : i32
    %and3A = arith.andi %ne3A, %ne3A_15 : i1
    %sub3A = arith.constant 1 : i32
    %sub3A_16 = arith.subi %div3A, %sub3A : i32
    %select_n3A = arith.select %and3A, %sub3A_16, %div3A : i32
    %jit3A_17 = arith.constant 8 : i32
    %eq3A = arith.constant 0 : i32
    %eq3A_18 = arith.cmpi eq, %jit3A_17, %eq3A : i32
    %jit3A_19 = arith.constant 1 : i32
    %select_n3A_20 = arith.select %eq3A_18, %jit3A_19, %jit3A_17 : i32
    %rem3A_21 = arith.remsi %add3A, %select_n3A_20 : i32
    %ne3A_22 = arith.constant 0 : i32
    %ne3A_23 = arith.cmpi ne, %rem3A_21, %ne3A_22 : i32
    %lt3A = arith.constant 0 : i32
    %lt3A_24 = arith.cmpi slt, %rem3A_21, %lt3A : i32
    %lt3A_25 = arith.constant 0 : i32
    %lt3A_26 = arith.cmpi slt, %select_n3A_20, %lt3A_25 : i32
    %ne3A_27 = arith.xori %lt3A_24, %lt3A_26 : i1
    %and3A_28 = arith.andi %ne3A_27, %ne3A_23 : i1
    %add3A_29 = arith.addi %rem3A_21, %select_n3A_20 : i32
    %select_n3A_30 = arith.select %and3A_28, %add3A_29, %rem3A_21 : i32
    %mul3A_31 = arith.constant 64 : i32
    %mul3A_32 = arith.muli %select_n3A_30, %mul3A_31 : i32
    %scan3A = arith.constant 0 : i32
    %scan3A_33 = arith.constant 0 : i32
    %scan3A_34 = arith.constant 2432 : i32
    %scan3A_35 = arith.addi %scan3A_33, %scan3A_34 : i32
    %scan3A_36 = arith.constant 1 : i32
    %scan3A_37 = scf.for %scan3A_62 = %scan3A_33 to %scan3A_35 step %scan3A_36 iter_args(%scan3A_63 = %scan3A) -> (i32)  : i32 {
      %broadcast_in_dim3A_64 = arith.constant 0.000000e+00 : f32
      %broadcast_in_dim3A_65 = vector.broadcast %broadcast_in_dim3A_64 : f32 to vector<16xf32>
      %mul3A_66 = arith.constant 16 : i32
      %mul3A_67 = arith.muli %scan3A_62, %mul3A_66 : i32
      %swap3A = arith.index_cast %mul3A_67 : i32 to index
      %swap3A_68 = tpu.vector_load %arg5[%swap3A] {strides = array<i32>} : memref<38912xf32, #tpu.memory_space<vmem>>, vector<16xf32>,
      tpu.vector_store %arg5[%swap3A], %broadcast_in_dim3A_65 {strides = array<i32>} : memref<38912xf32, #tpu.memory_space<vmem>>, vector<16xf32>,
      %scan3A_69 = arith.constant 0 : i32
      scf.yield %scan3A_69 : i32
    }
    %scan3A_38 = arith.constant 2432 : i32
    %broadcast_in_dim3A = arith.constant 1.000000e+00 : f32
    %broadcast_in_dim3A_39 = vector.broadcast %broadcast_in_dim3A : f32 to vector<16xf32>
    %iota3A = tpu.iota {dimensions = array<i32: 0>} : vector<16xi32>
    %neg3A = arith.constant 0.000000e+00 : f32
    %neg3A_40 = vector.broadcast %neg3A : f32 to vector<16xf32>
    %neg3A_41 = arith.subf %neg3A_40, %broadcast_in_dim3A_39 : vector<16xf32>
    %add3A_42 = arith.constant 0 : i32
    %add3A_43 = arith.addi %mul3A_32, %add3A_42 : i32
    %dma_start3A = arith.constant 0 : i32
    %dma_start3A_44 = tpu.memref_slice %arg3[%select_n3A, %add3A_43, %dma_start3A] : memref<4x512x512xi32, #tpu.memory_space<hbm>> -> memref<1x8x128xi32, #tpu.memory_space<hbm>>
    %dma_start3A_45 = tpu.memref_squeeze %dma_start3A_44 : memref<1x8x128xi32, #tpu.memory_space<hbm>> -> memref<8x128xi32, #tpu.memory_space<hbm>>
    %dma_start3A_46 = arith.constant 0 : i32
    %dma_start3A_47 = tpu.memref_slice %arg3[%select_n3A, %add3A_43, %dma_start3A_46] : memref<4x512x512xi32, #tpu.memory_space<hbm>> -> memref<1x8x128xi32, #tpu.memory_space<hbm>>
    %dma_start3A_48 = tpu.memref_squeeze %dma_start3A_47 : memref<1x8x128xi32, #tpu.memory_space<hbm>> -> memref<8x128xi32, #tpu.memory_space<hbm>>
    tpu.enqueue_dma source(%dma_start3A_48 : memref<8x128xi32, #tpu.memory_space<hbm>>) target(%arg6 : memref<8x128xi32, #tpu.memory_space<vmem>>) target_semaphore(%arg10 : memref<!tpu.dma_semaphore, #tpu.memory_space<semaphore_mem>>)
    %mul3A_49 = arith.constant 19 : i32
    %mul3A_50 = arith.muli %select_n3A, %mul3A_49 : i32
    %dma_start3A_51 = arith.constant 0 : i32
    %dma_start3A_52 = tpu.memref_slice %arg2[%mul3A_50, %add3A_43, %dma_start3A_51] : memref<76x512x512xf32, #tpu.memory_space<hbm>> -> memref<19x8x128xf32, #tpu.memory_space<hbm>>
    %dma_start3A_53 = arith.constant 0 : i32
    %dma_start3A_54 = tpu.memref_slice %arg2[%mul3A_50, %add3A_43, %dma_start3A_53] : memref<76x512x512xf32, #tpu.memory_space<hbm>> -> memref<19x8x128xf32, #tpu.memory_space<hbm>>
    tpu.enqueue_dma source(%dma_start3A_54 : memref<19x8x128xf32, #tpu.memory_space<hbm>>) target(%arg7 : memref<19x8x128xf32, #tpu.memory_space<vmem>>) target_semaphore(%arg10 : memref<!tpu.dma_semaphore, #tpu.memory_space<semaphore_mem>>)
    %scan3A_55 = arith.constant 0 : i32
    %scan3A_56 = arith.constant 0 : i32
    %scan3A_57 = arith.constant 16 : i32
    %scan3A_58 = arith.addi %scan3A_56, %scan3A_57 : i32
    %scan3A_59 = arith.constant 1 : i32
    %scan3A_60 = scf.for %scan3A_62 = %scan3A_56 to %scan3A_58 step %scan3A_59 iter_args(%scan3A_63 = %scan3A_55) -> (i32)  : i32 {
      %mul3A_64 = arith.constant 2 : i32
      %mul3A_65 = arith.muli %mul3A_64, %scan3A_62 : i32
      %add3A_66 = arith.constant 1 : i32
      %add3A_67 = arith.addi %mul3A_65, %add3A_66 : i32
      %jit3A_68 = arith.constant 4 : i32
      %div3A_69 = arith.divsi %add3A_67, %jit3A_68 : i32
      %sign3A_70 = arith.constant 0 : i32
      %sign3A_71 = arith.cmpi sgt, %add3A_67, %sign3A_70 : i32
      %sign3A_72 = arith.extui %sign3A_71 : i1 to i32
      %sign3A_73 = arith.constant 0 : i32
      %sign3A_74 = arith.cmpi slt, %add3A_67, %sign3A_73 : i32
      %sign3A_75 = arith.extui %sign3A_74 : i1 to i32
      %sign3A_76 = arith.subi %sign3A_72, %sign3A_75 : i32
      %sign3A_77 = arith.constant 0 : i32
      %sign3A_78 = arith.cmpi sgt, %jit3A_68, %sign3A_77 : i32
      %sign3A_79 = arith.extui %sign3A_78 : i1 to i32
      %sign3A_80 = arith.constant 0 : i32
      %sign3A_81 = arith.cmpi slt, %jit3A_68, %sign3A_80 : i32
      %sign3A_82 = arith.extui %sign3A_81 : i1 to i32
      %sign3A_83 = arith.subi %sign3A_79, %sign3A_82 : i32
      %ne3A_84 = arith.cmpi ne, %sign3A_76, %sign3A_83 : i32
      %rem3A_85 = arith.remsi %add3A_67, %jit3A_68 : i32
      %ne3A_86 = arith.constant 0 : i32
      %ne3A_87 = arith.cmpi ne, %rem3A_85, %ne3A_86 : i32
      %and3A_88 = arith.andi %ne3A_84, %ne3A_87 : i1
      %sub3A_89 = arith.constant 1 : i32
      %sub3A_90 = arith.subi %div3A_69, %sub3A_89 : i32
      %select_n3A_91 = arith.select %and3A_88, %sub3A_90, %div3A_69 : i32
      %mul3A_92 = arith.constant 8 : i32
      %mul3A_93 = arith.muli %select_n3A_91, %mul3A_92 : i32
      %add3A_94 = arith.addi %mul3A_32, %mul3A_93 : i32
      %jit3A_95 = arith.constant 4 : i32
      %eq3A_96 = arith.constant 0 : i32
      %eq3A_97 = arith.cmpi eq, %jit3A_95, %eq3A_96 : i32
      %jit3A_98 = arith.constant 1 : i32
      %select_n3A_99 = arith.select %eq3A_97, %jit3A_98, %jit3A_95 : i32
      %rem3A_100 = arith.remsi %add3A_67, %select_n3A_99 : i32
      %ne3A_101 = arith.constant 0 : i32
      %ne3A_102 = arith.cmpi ne, %rem3A_100, %ne3A_101 : i32
      %lt3A_103 = arith.constant 0 : i32
      %lt3A_104 = arith.cmpi slt, %rem3A_100, %lt3A_103 : i32
      %lt3A_105 = arith.constant 0 : i32
      %lt3A_106 = arith.cmpi slt, %select_n3A_99, %lt3A_105 : i32
      %ne3A_107 = arith.xori %lt3A_104, %lt3A_106 : i1
      %and3A_108 = arith.andi %ne3A_107, %ne3A_102 : i1
      %add3A_109 = arith.addi %rem3A_100, %select_n3A_99 : i32
      %select_n3A_110 = arith.select %and3A_108, %add3A_109, %rem3A_100 : i32
      %mul3A_111 = arith.constant 128 : i32
      %mul3A_112 = arith.muli %select_n3A_110, %mul3A_111 : i32
      %dma_start3A_113 = tpu.memref_slice %arg3[%select_n3A, %add3A_94, %mul3A_112] : memref<4x512x512xi32, #tpu.memory_space<hbm>> -> memref<1x8x128xi32, #tpu.memory_space<hbm>>
      %dma_start3A_114 = tpu.memref_squeeze %dma_start3A_113 : memref<1x8x128xi32, #tpu.memory_space<hbm>> -> memref<8x128xi32, #tpu.memory_space<hbm>>
      %dma_start3A_115 = tpu.memref_slice %arg3[%select_n3A, %add3A_94, %mul3A_112] : memref<4x512x512xi32, #tpu.memory_space<hbm>> -> memref<1x8x128xi32, #tpu.memory_space<hbm>>
      %dma_start3A_116 = tpu.memref_squeeze %dma_start3A_115 : memref<1x8x128xi32, #tpu.memory_space<hbm>> -> memref<8x128xi32, #tpu.memory_space<hbm>>
      tpu.enqueue_dma source(%dma_start3A_116 : memref<8x128xi32, #tpu.memory_space<hbm>>) target(%arg8 : memref<8x128xi32, #tpu.memory_space<vmem>>) target_semaphore(%arg11 : memref<!tpu.dma_semaphore, #tpu.memory_space<semaphore_mem>>)
      %mul3A_117 = arith.constant 19 : i32
      %mul3A_118 = arith.muli %select_n3A, %mul3A_117 : i32
      %dma_start3A_119 = tpu.memref_slice %arg2[%mul3A_118, %add3A_94, %mul3A_112] : memref<76x512x512xf32, #tpu.memory_space<hbm>> -> memref<19x8x128xf32, #tpu.memory_space<hbm>>
      %dma_start3A_120 = tpu.memref_slice %arg2[%mul3A_118, %add3A_94, %mul3A_112] : memref<76x512x512xf32, #tpu.memory_space<hbm>> -> memref<19x8x128xf32, #tpu.memory_space<hbm>>
      tpu.enqueue_dma source(%dma_start3A_120 : memref<19x8x128xf32, #tpu.memory_space<hbm>>) target(%arg9 : memref<19x8x128xf32, #tpu.memory_space<vmem>>) target_semaphore(%arg11 : memref<!tpu.dma_semaphore, #tpu.memory_space<semaphore_mem>>)
      %dma_wait3A = arith.constant 0 : i32
      %dma_wait3A_121 = arith.constant 0 : i32
      %dma_wait3A_122 = arith.constant 0 : i32
      %dma_wait3A_123 = tpu.memref_slice %arg3[%dma_wait3A, %dma_wait3A_121, %dma_wait3A_122] : memref<4x512x512xi32, #tpu.memory_space<hbm>> -> memref<1x8x128xi32, #tpu.memory_space<hbm>>
      %dma_wait3A_124 = tpu.memref_squeeze %dma_wait3A_123 : memref<1x8x128xi32, #tpu.memory_space<hbm>> -> memref<8x128xi32, #tpu.memory_space<hbm>>
      %dma_wait3A_125 = arith.constant 0 : i32
      %dma_wait3A_126 = arith.constant 0 : i32
      %dma_wait3A_127 = tpu.memref_slice %arg3[%dma_wait3A, %dma_wait3A_125, %dma_wait3A_126] : memref<4x512x512xi32, #tpu.memory_space<hbm>> -> memref<1x8x128xi32, #tpu.memory_space<hbm>>
      %dma_wait3A_128 = tpu.memref_squeeze %dma_wait3A_127 : memref<1x8x128xi32, #tpu.memory_space<hbm>> -> memref<8x128xi32, #tpu.memory_space<hbm>>
      tpu.wait_dma2 semaphore(%arg10 : memref<!tpu.dma_semaphore, #tpu.memory_space<semaphore_mem>>) src(%dma_wait3A_128 : memref<8x128xi32, #tpu.memory_space<hbm>>) dst(%arg6 : memref<8x128xi32, #tpu.memory_space<vmem>>)
      %dma_wait3A_129 = arith.constant 0 : i32
      %dma_wait3A_130 = arith.constant 0 : i32
      %dma_wait3A_131 = arith.constant 0 : i32
      %dma_wait3A_132 = tpu.memref_slice %arg2[%dma_wait3A_129, %dma_wait3A_130, %dma_wait3A_131] : memref<76x512x512xf32, #tpu.memory_space<hbm>> -> memref<19x8x128xf32, #tpu.memory_space<hbm>>
      %dma_wait3A_133 = arith.constant 0 : i32
      %dma_wait3A_134 = arith.constant 0 : i32
      %dma_wait3A_135 = arith.constant 0 : i32
      %dma_wait3A_136 = tpu.memref_slice %arg2[%dma_wait3A_133, %dma_wait3A_134, %dma_wait3A_135] : memref<76x512x512xf32, #tpu.memory_space<hbm>> -> memref<19x8x128xf32, #tpu.memory_space<hbm>>
      tpu.wait_dma2 semaphore(%arg10 : memref<!tpu.dma_semaphore, #tpu.memory_space<semaphore_mem>>) src(%dma_wait3A_136 : memref<19x8x128xf32, #tpu.memory_space<hbm>>) dst(%arg7 : memref<19x8x128xf32, #tpu.memory_space<vmem>>)
      %parallel_loop3A = arith.constant 0 : i32
      %parallel_loop3A_137 = arith.constant 64 : i32
      %parallel_loop3A_138 = arith.constant 1 : i32
      scf.for %parallel_loop3A_163 = %parallel_loop3A to %parallel_loop3A_137 step %parallel_loop3A_138  : i32 {
        %parallel_loop3A_164 = arith.constant 8 : i32
        %parallel_loop3A_165 = arith.divsi %parallel_loop3A_163, %parallel_loop3A_164 : i32
        %parallel_loop3A_166 = arith.constant 0 : i32
        %parallel_loop3A_167 = arith.cmpi sgt, %parallel_loop3A_163, %parallel_loop3A_166 : i32
        %parallel_loop3A_168 = arith.extui %parallel_loop3A_167 : i1 to i32
        %parallel_loop3A_169 = arith.constant 0 : i32
        %parallel_loop3A_170 = arith.cmpi slt, %parallel_loop3A_163, %parallel_loop3A_169 : i32
        %parallel_loop3A_171 = arith.extui %parallel_loop3A_170 : i1 to i32
        %parallel_loop3A_172 = arith.subi %parallel_loop3A_168, %parallel_loop3A_171 : i32
        %parallel_loop3A_173 = arith.constant 0 : i32
        %parallel_loop3A_174 = arith.cmpi sgt, %parallel_loop3A_164, %parallel_loop3A_173 : i32
        %parallel_loop3A_175 = arith.extui %parallel_loop3A_174 : i1 to i32
        %parallel_loop3A_176 = arith.constant 0 : i32
        %parallel_loop3A_177 = arith.cmpi slt, %parallel_loop3A_164, %parallel_loop3A_176 : i32
        %parallel_loop3A_178 = arith.extui %parallel_loop3A_177 : i1 to i32
        %parallel_loop3A_179 = arith.subi %parallel_loop3A_175, %parallel_loop3A_178 : i32
        %parallel_loop3A_180 = arith.cmpi ne, %parallel_loop3A_172, %parallel_loop3A_179 : i32
        %parallel_loop3A_181 = arith.remsi %parallel_loop3A_163, %parallel_loop3A_164 : i32
        %parallel_loop3A_182 = arith.constant 0 : i32
        %parallel_loop3A_183 = arith.cmpi ne, %parallel_loop3A_181, %parallel_loop3A_182 : i32
        %parallel_loop3A_184 = arith.andi %parallel_loop3A_180, %parallel_loop3A_183 : i1
        %parallel_loop3A_185 = arith.constant 1 : i32
        %parallel_loop3A_186 = arith.subi %parallel_loop3A_165, %parallel_loop3A_185 : i32
        %parallel_loop3A_187 = arith.select %parallel_loop3A_184, %parallel_loop3A_186, %parallel_loop3A_165 : i32
        %parallel_loop3A_188 = arith.constant 8 : i32
        %parallel_loop3A_189 = arith.constant 0 : i32
        %parallel_loop3A_190 = arith.cmpi eq, %parallel_loop3A_188, %parallel_loop3A_189 : i32
        %parallel_loop3A_191 = arith.constant 1 : i32
        %parallel_loop3A_192 = arith.select %parallel_loop3A_190, %parallel_loop3A_191, %parallel_loop3A_188 : i32
        %parallel_loop3A_193 = arith.remsi %parallel_loop3A_163, %parallel_loop3A_192 : i32
        %parallel_loop3A_194 = arith.constant 0 : i32
        %parallel_loop3A_195 = arith.cmpi ne, %parallel_loop3A_193, %parallel_loop3A_194 : i32
        %parallel_loop3A_196 = arith.constant 0 : i32
        %parallel_loop3A_197 = arith.cmpi slt, %parallel_loop3A_193, %parallel_loop3A_196 : i32
        %parallel_loop3A_198 = arith.constant 0 : i32
        %parallel_loop3A_199 = arith.cmpi slt, %parallel_loop3A_192, %parallel_loop3A_198 : i32
        %parallel_loop3A_200 = arith.xori %parallel_loop3A_197, %parallel_loop3A_199 : i1
        %parallel_loop3A_201 = arith.andi %parallel_loop3A_200, %parallel_loop3A_195 : i1
        %parallel_loop3A_202 = arith.addi %parallel_loop3A_193, %parallel_loop3A_192 : i32
        %parallel_loop3A_203 = arith.select %parallel_loop3A_201, %parallel_loop3A_202, %parallel_loop3A_193 : i32
        %parallel_loop3A_204 = arith.constant 16 : i32
        %parallel_loop3A_205 = arith.muli %parallel_loop3A_203, %parallel_loop3A_204 : i32
        %parallel_loop3A_206 = arith.index_cast %parallel_loop3A_187 : i32 to index
        %parallel_loop3A_207 = arith.index_cast %parallel_loop3A_205 : i32 to index
        %parallel_loop3A_208 = tpu.vector_load %arg6[%parallel_loop3A_206, %parallel_loop3A_207] {strides = array<i32>} : memref<8x128xi32, #tpu.memory_space<vmem>>, vector<16xi32>,
        %parallel_loop3A_209 = arith.constant 0 : i32
        %parallel_loop3A_210 = vector.broadcast %parallel_loop3A_209 : i32 to vector<16xi32>
        %parallel_loop3A_211 = arith.cmpi ne, %parallel_loop3A_208, %parallel_loop3A_210 : vector<16xi32>
        %parallel_loop3A_212 = arith.constant 0 : i32
        %parallel_loop3A_213 = arith.index_cast %parallel_loop3A_212 : i32 to index
        %parallel_loop3A_214 = arith.index_cast %parallel_loop3A_187 : i32 to index
        %parallel_loop3A_215 = arith.index_cast %parallel_loop3A_205 : i32 to index
        %parallel_loop3A_216 = tpu.vector_load %arg7[%parallel_loop3A_213, %parallel_loop3A_214, %parallel_loop3A_215] {strides = array<i32>} : memref<19x8x128xf32, #tpu.memory_space<vmem>>, vector<16xf32>,
        %parallel_loop3A_217 = arith.constant 511.999878 : f32
        %parallel_loop3A_218 = vector.broadcast %parallel_loop3A_217 : f32 to vector<16xf32>
        %parallel_loop3A_219 = arith.mulf %parallel_loop3A_216, %parallel_loop3A_218 : vector<16xf32>
        %parallel_loop3A_220 = arith.fptosi %parallel_loop3A_219 : vector<16xf32> to vector<16xi32>
        %parallel_loop3A_221 = arith.sitofp %parallel_loop3A_220 : vector<16xi32> to vector<16xf32>
        %parallel_loop3A_222 = arith.subf %parallel_loop3A_219, %parallel_loop3A_221 : vector<16xf32>
        %parallel_loop3A_223 = arith.constant 0 : i32
        %parallel_loop3A_224 = tpu.memref_slice %arg5[%parallel_loop3A_223] : memref<38912xf32, #tpu.memory_space<vmem>> -> memref<512xf32, #tpu.memory_space<vmem>>
        tpu.vector_store_idx %parallel_loop3A_224[%parallel_loop3A_220], %broadcast_in_dim3A_39 masked %parallel_loop3A_211 {add = true} : memref<512xf32, #tpu.memory_space<vmem>>[vector<16xi32>], vector<16xf32>, vector<16xi1>
        %parallel_loop3A_225 = arith.constant 9728 : i32
        %parallel_loop3A_226 = tpu.memref_slice %arg5[%parallel_loop3A_225] : memref<38912xf32, #tpu.memory_space<vmem>> -> memref<512xf32, #tpu.memory_space<vmem>>
        tpu.vector_store_idx %parallel_loop3A_226[%parallel_loop3A_220], %parallel_loop3A_222 masked %parallel_loop3A_211 {add = true} : memref<512xf32, #tpu.memory_space<vmem>>[vector<16xi32>], vector<16xf32>, vector<16xi1>
        %parallel_loop3A_227 = arith.constant 1 : i32
        %parallel_loop3A_228 = arith.index_cast %parallel_loop3A_227 : i32 to index
        %parallel_loop3A_229 = arith.index_cast %parallel_loop3A_187 : i32 to index
        %parallel_loop3A_230 = arith.index_cast %parallel_loop3A_205 : i32 to index
        %parallel_loop3A_231 = tpu.vector_load %arg7[%parallel_loop3A_228, %parallel_loop3A_229, %parallel_loop3A_230] {strides = array<i32>} : memref<19x8x128xf32, #tpu.memory_space<vmem>>, vector<16xf32>,
        %parallel_loop3A_232 = arith.constant 511.999878 : f32
        %parallel_loop3A_233 = vector.broadcast %parallel_loop3A_232 : f32 to vector<16xf32>
        %parallel_loop3A_234 = arith.mulf %parallel_loop3A_231, %parallel_loop3A_233 : vector<16xf32>
        %parallel_loop3A_235 = arith.fptosi %parallel_loop3A_234 : vector<16xf32> to vector<16xi32>
        %parallel_loop3A_236 = arith.sitofp %parallel_loop3A_235 : vector<16xi32> to vector<16xf32>
        %parallel_loop3A_237 = arith.subf %parallel_loop3A_234, %parallel_loop3A_236 : vector<16xf32>
        %parallel_loop3A_238 = arith.constant 512 : i32
        %parallel_loop3A_239 = tpu.memref_slice %arg5[%parallel_loop3A_238] : memref<38912xf32, #tpu.memory_space<vmem>> -> memref<512xf32, #tpu.memory_space<vmem>>
        tpu.vector_store_idx %parallel_loop3A_239[%parallel_loop3A_235], %broadcast_in_dim3A_39 masked %parallel_loop3A_211 {add = true} : memref<512xf32, #tpu.memory_space<vmem>>[vector<16xi32>], vector<16xf32>, vector<16xi1>
        %parallel_loop3A_240 = arith.constant 10240 : i32
        %parallel_loop3A_241 = tpu.memref_slice %arg5[%parallel_loop3A_240] : memref<38912xf32, #tpu.memory_space<vmem>> -> memref<512xf32, #tpu.memory_space<vmem>>
        tpu.vector_store_idx %parallel_loop3A_241[%parallel_loop3A_235], %parallel_loop3A_237 masked %parallel_loop3A_211 {add = true} : memref<512xf32, #tpu.memory_space<vmem>>[vector<16xi32>], vector<16xf32>, vector<16xi1>
        %parallel_loop3A_242 = arith.constant 2 : i32
        %parallel_loop3A_243 = arith.index_cast %parallel_loop3A_242 : i32 to index
        %parallel_loop3A_244 = arith.index_cast %parallel_loop3A_187 : i32 to index
        %parallel_loop3A_245 = arith.index_cast %parallel_loop3A_205 : i32 to index
        %parallel_loop3A_246 = tpu.vector_load %arg7[%parallel_loop3A_243, %parallel_loop3A_244, %parallel_loop3A_245] {strides = array<i32>} : memref<19x8x128xf32, #tpu.memory_space<vmem>>, vector<16xf32>,
        %parallel_loop3A_247 = arith.constant 511.999878 : f32
        %parallel_loop3A_248 = vector.broadcast %parallel_loop3A_247 : f32 to vector<16xf32>
        %parallel_loop3A_249 = arith.mulf %parallel_loop3A_246, %parallel_loop3A_248 : vector<16xf32>
        %parallel_loop3A_250 = arith.fptosi %parallel_loop3A_249 : vector<16xf32> to vector<16xi32>
        %parallel_loop3A_251 = arith.sitofp %parallel_loop3A_250 : vector<16xi32> to vector<16xf32>
        %parallel_loop3A_252 = arith.subf %parallel_loop3A_249, %parallel_loop3A_251 : vector<16xf32>
        %parallel_loop3A_253 = arith.constant 1024 : i32
        %parallel_loop3A_254 = tpu.memref_slice %arg5[%parallel_loop3A_253] : memref<38912xf32, #tpu.memory_space<vmem>> -> memref<512xf32, #tpu.memory_space<vmem>>
        tpu.vector_store_idx %parallel_loop3A_254[%parallel_loop3A_250], %broadcast_in_dim3A_39 masked %parallel_loop3A_211 {add = true} : memref<512xf32, #tpu.memory_space<vmem>>[vector<16xi32>], vector<16xf32>, vector<16xi1>
        %parallel_loop3A_255 = arith.constant 10752 : i32
        %parallel_loop3A_256 = tpu.memref_slice %arg5[%parallel_loop3A_255] : memref<38912xf32, #tpu.memory_space<vmem>> -> memref<512xf32, #tpu.memory_space<vmem>>
        tpu.vector_store_idx %parallel_loop3A_256[%parallel_loop3A_250], %parallel_loop3A_252 masked %parallel_loop3A_211 {add = true} : memref<512xf32, #tpu.memory_space<vmem>>[vector<16xi32>], vector<16xf32>, vector<16xi1>
        %parallel_loop3A_257 = arith.constant 3 : i32
        %parallel_loop3A_258 = arith.index_cast %parallel_loop3A_257 : i32 to index
        %parallel_loop3A_259 = arith.index_cast %parallel_loop3A_187 : i32 to index
        %parallel_loop3A_260 = arith.index_cast %parallel_loop3A_205 : i32 to index
        %parallel_loop3A_261 = tpu.vector_load %arg7[%parallel_loop3A_258, %parallel_loop3A_259, %parallel_loop3A_260] {strides = array<i32>} : memref<19x8x128xf32, #tpu.memory_space<vmem>>, vector<16xf32>,
        %parallel_loop3A_262 = arith.constant 511.999878 : f32
        %parallel_loop3A_263 = vector.broadcast %parallel_loop3A_262 : f32 to vector<16xf32>
        %parallel_loop3A_264 = arith.mulf %parallel_loop3A_261, %parallel_loop3A_263 : vector<16xf32>
        %parallel_loop3A_265 = arith.fptosi %parallel_loop3A_264 : vector<16xf32> to vector<16xi32>
        %parallel_loop3A_266 = arith.sitofp %parallel_loop3A_265 : vector<16xi32> to vector<16xf32>
        %parallel_loop3A_267 = arith.subf %parallel_loop3A_264, %parallel_loop3A_266 : vector<16xf32>
        %parallel_loop3A_268 = arith.constant 1536 : i32
        %parallel_loop3A_269 = tpu.memref_slice %arg5[%parallel_loop3A_268] : memref<38912xf32, #tpu.memory_space<vmem>> -> memref<512xf32, #tpu.memory_space<vmem>>
        tpu.vector_store_idx %parallel_loop3A_269[%parallel_loop3A_265], %broadcast_in_dim3A_39 masked %parallel_loop3A_211 {add = true} : memref<512xf32, #tpu.memory_space<vmem>>[vector<16xi32>], vector<16xf32>, vector<16xi1>
        %parallel_loop3A_270 = arith.constant 11264 : i32
        %parallel_loop3A_271 = tpu.memref_slice %arg5[%parallel_loop3A_270] : memref<38912xf32, #tpu.memory_space<vmem>> -> memref<512xf32, #tpu.memory_space<vmem>>
        tpu.vector_store_idx %parallel_loop3A_271[%parallel_loop3A_265], %parallel_loop3A_267 masked %parallel_loop3A_211 {add = true} : memref<512xf32, #tpu.memory_space<vmem>>[vector<16xi32>], vector<16xf32>, vector<16xi1>
        %parallel_loop3A_272 = arith.constant 4 : i32
        %parallel_loop3A_273 = arith.index_cast %parallel_loop3A_272 : i32 to index
        %parallel_loop3A_274 = arith.index_cast %parallel_loop3A_187 : i32 to index
        %parallel_loop3A_275 = arith.index_cast %parallel_loop3A_205 : i32 to index
        %parallel_loop3A_276 = tpu.vector_load %arg7[%parallel_loop3A_273, %parallel_loop3A_274, %parallel_loop3A_275] {strides = array<i32>} : memref<19x8x128xf32, #tpu.memory_space<vmem>>, vector<16xf32>,
        %parallel_loop3A_277 = arith.constant 511.999878 : f32
        %parallel_loop3A_278 = vector.broadcast %parallel_loop3A_277 : f32 to vector<16xf32>
        %parallel_loop3A_279 = arith.mulf %parallel_loop3A_276, %parallel_loop3A_278 : vector<16xf32>
        %parallel_loop3A_280 = arith.fptosi %parallel_loop3A_279 : vector<16xf32> to vector<16xi32>
        %parallel_loop3A_281 = arith.sitofp %parallel_loop3A_280 : vector<16xi32> to vector<16xf32>
        %parallel_loop3A_282 = arith.subf %parallel_loop3A_279, %parallel_loop3A_281 : vector<16xf32>
        %parallel_loop3A_283 = arith.constant 2048 : i32
        %parallel_loop3A_284 = tpu.memref_slice %arg5[%parallel_loop3A_283] : memref<38912xf32, #tpu.memory_space<vmem>> -> memref<512xf32, #tpu.memory_space<vmem>>
        tpu.vector_store_idx %parallel_loop3A_284[%parallel_loop3A_280], %broadcast_in_dim3A_39 masked %parallel_loop3A_211 {add = true} : memref<512xf32, #tpu.memory_space<vmem>>[vector<16xi32>], vector<16xf32>, vector<16xi1>
        %parallel_loop3A_285 = arith.constant 11776 : i32
        %parallel_loop3A_286 = tpu.memref_slice %arg5[%parallel_loop3A_285] : memref<38912xf32, #tpu.memory_space<vmem>> -> memref<512xf32, #tpu.memory_space<vmem>>
        tpu.vector_store_idx %parallel_loop3A_286[%parallel_loop3A_280], %parallel_loop3A_282 masked %parallel_loop3A_211 {add = true} : memref<512xf32, #tpu.memory_space<vmem>>[vector<16xi32>], vector<16xf32>, vector<16xi1>
        %parallel_loop3A_287 = arith.constant 5 : i32
        %parallel_loop3A_288 = arith.index_cast %parallel_loop3A_287 : i32 to index
        %parallel_loop3A_289 = arith.index_cast %parallel_loop3A_187 : i32 to index
        %parallel_loop3A_290 = arith.index_cast %parallel_loop3A_205 : i32 to index
        %parallel_loop3A_291 = tpu.vector_load %arg7[%parallel_loop3A_288, %parallel_loop3A_289, %parallel_loop3A_290] {strides = array<i32>} : memref<19x8x128xf32, #tpu.memory_space<vmem>>, vector<16xf32>,
        %parallel_loop3A_292 = arith.constant 511.999878 : f32
        %parallel_loop3A_293 = vector.broadcast %parallel_loop3A_292 : f32 to vector<16xf32>
        %parallel_loop3A_294 = arith.mulf %parallel_loop3A_291, %parallel_loop3A_293 : vector<16xf32>
        %parallel_loop3A_295 = arith.fptosi %parallel_loop3A_294 : vector<16xf32> to vector<16xi32>
        %parallel_loop3A_296 = arith.sitofp %parallel_loop3A_295 : vector<16xi32> to vector<16xf32>
        %parallel_loop3A_297 = arith.subf %parallel_loop3A_294, %parallel_loop3A_296 : vector<16xf32>
        %parallel_loop3A_298 = arith.constant 2560 : i32
        %parallel_loop3A_299 = tpu.memref_slice %arg5[%parallel_loop3A_298] : memref<38912xf32, #tpu.memory_space<vmem>> -> memref<512xf32, #tpu.memory_space<vmem>>
        tpu.vector_store_idx %parallel_loop3A_299[%parallel_loop3A_295], %broadcast_in_dim3A_39 masked %parallel_loop3A_211 {add = true} : memref<512xf32, #tpu.memory_space<vmem>>[vector<16xi32>], vector<16xf32>, vector<16xi1>
        %parallel_loop3A_300 = arith.constant 12288 : i32
        %parallel_loop3A_301 = tpu.memref_slice %arg5[%parallel_loop3A_300] : memref<38912xf32, #tpu.memory_space<vmem>> -> memref<512xf32, #tpu.memory_space<vmem>>
        tpu.vector_store_idx %parallel_loop3A_301[%parallel_loop3A_295], %parallel_loop3A_297 masked %parallel_loop3A_211 {add = true} : memref<512xf32, #tpu.memory_space<vmem>>[vector<16xi32>], vector<16xf32>, vector<16xi1>
        %parallel_loop3A_302 = arith.constant 6 : i32
        %parallel_loop3A_303 = arith.index_cast %parallel_loop3A_302 : i32 to index
        %parallel_loop3A_304 = arith.index_cast %parallel_loop3A_187 : i32 to index
        %parallel_loop3A_305 = arith.index_cast %parallel_loop3A_205 : i32 to index
        %parallel_loop3A_306 = tpu.vector_load %arg7[%parallel_loop3A_303, %parallel_loop3A_304, %parallel_loop3A_305] {strides = array<i32>} : memref<19x8x128xf32, #tpu.memory_space<vmem>>, vector<16xf32>,
        %parallel_loop3A_307 = arith.constant 511.999878 : f32
        %parallel_loop3A_308 = vector.broadcast %parallel_loop3A_307 : f32 to vector<16xf32>
        %parallel_loop3A_309 = arith.mulf %parallel_loop3A_306, %parallel_loop3A_308 : vector<16xf32>
        %parallel_loop3A_310 = arith.fptosi %parallel_loop3A_309 : vector<16xf32> to vector<16xi32>
        %parallel_loop3A_311 = arith.sitofp %parallel_loop3A_310 : vector<16xi32> to vector<16xf32>
        %parallel_loop3A_312 = arith.subf %parallel_loop3A_309, %parallel_loop3A_311 : vector<16xf32>
        %parallel_loop3A_313 = arith.constant 3072 : i32
        %parallel_loop3A_314 = tpu.memref_slice %arg5[%parallel_loop3A_313] : memref<38912xf32, #tpu.memory_space<vmem>> -> memref<512xf32, #tpu.memory_space<vmem>>
        tpu.vector_store_idx %parallel_loop3A_314[%parallel_loop3A_310], %broadcast_in_dim3A_39 masked %parallel_loop3A_211 {add = true} : memref<512xf32, #tpu.memory_space<vmem>>[vector<16xi32>], vector<16xf32>, vector<16xi1>
        %parallel_loop3A_315 = arith.constant 12800 : i32
        %parallel_loop3A_316 = tpu.memref_slice %arg5[%parallel_loop3A_315] : memref<38912xf32, #tpu.memory_space<vmem>> -> memref<512xf32, #tpu.memory_space<vmem>>
        tpu.vector_store_idx %parallel_loop3A_316[%parallel_loop3A_310], %parallel_loop3A_312 masked %parallel_loop3A_211 {add = true} : memref<512xf32, #tpu.memory_space<vmem>>[vector<16xi32>], vector<16xf32>, vector<16xi1>
        %parallel_loop3A_317 = arith.constant 7 : i32
        %parallel_loop3A_318 = arith.index_cast %parallel_loop3A_317 : i32 to index
        %parallel_loop3A_319 = arith.index_cast %parallel_loop3A_187 : i32 to index
        %parallel_loop3A_320 = arith.index_cast %parallel_loop3A_205 : i32 to index
        %parallel_loop3A_321 = tpu.vector_load %arg7[%parallel_loop3A_318, %parallel_loop3A_319, %parallel_loop3A_320] {strides = array<i32>} : memref<19x8x128xf32, #tpu.memory_space<vmem>>, vector<16xf32>,
        %parallel_loop3A_322 = arith.constant 511.999878 : f32
        %parallel_loop3A_323 = vector.broadcast %parallel_loop3A_322 : f32 to vector<16xf32>
        %parallel_loop3A_324 = arith.mulf %parallel_loop3A_321, %parallel_loop3A_323 : vector<16xf32>
        %parallel_loop3A_325 = arith.fptosi %parallel_loop3A_324 : vector<16xf32> to vector<16xi32>
        %parallel_loop3A_326 = arith.sitofp %parallel_loop3A_325 : vector<16xi32> to vector<16xf32>
        %parallel_loop3A_327 = arith.subf %parallel_loop3A_324, %parallel_loop3A_326 : vector<16xf32>
        %parallel_loop3A_328 = arith.constant 3584 : i32
        %parallel_loop3A_329 = tpu.memref_slice %arg5[%parallel_loop3A_328] : memref<38912xf32, #tpu.memory_space<vmem>> -> memref<512xf32, #tpu.memory_space<vmem>>
        tpu.vector_store_idx %parallel_loop3A_329[%parallel_loop3A_325], %broadcast_in_dim3A_39 masked %parallel_loop3A_211 {add = true} : memref<512xf32, #tpu.memory_space<vmem>>[vector<16xi32>], vector<16xf32>, vector<16xi1>
        %parallel_loop3A_330 = arith.constant 13312 : i32
        %parallel_loop3A_331 = tpu.memref_slice %arg5[%parallel_loop3A_330] : memref<38912xf32, #tpu.memory_space<vmem>> -> memref<512xf32, #tpu.memory_space<vmem>>
        tpu.vector_store_idx %parallel_loop3A_331[%parallel_loop3A_325], %parallel_loop3A_327 masked %parallel_loop3A_211 {add = true} : memref<512xf32, #tpu.memory_space<vmem>>[vector<16xi32>], vector<16xf32>, vector<16xi1>
        %parallel_loop3A_332 = arith.constant 8 : i32
        %parallel_loop3A_333 = arith.index_cast %parallel_loop3A_332 : i32 to index
        %parallel_loop3A_334 = arith.index_cast %parallel_loop3A_187 : i32 to index
        %parallel_loop3A_335 = arith.index_cast %parallel_loop3A_205 : i32 to index
        %parallel_loop3A_336 = tpu.vector_load %arg7[%parallel_loop3A_333, %parallel_loop3A_334, %parallel_loop3A_335] {strides = array<i32>} : memref<19x8x128xf32, #tpu.memory_space<vmem>>, vector<16xf32>,
        %parallel_loop3A_337 = arith.constant 511.999878 : f32
        %parallel_loop3A_338 = vector.broadcast %parallel_loop3A_337 : f32 to vector<16xf32>
        %parallel_loop3A_339 = arith.mulf %parallel_loop3A_336, %parallel_loop3A_338 : vector<16xf32>
        %parallel_loop3A_340 = arith.fptosi %parallel_loop3A_339 : vector<16xf32> to vector<16xi32>
        %parallel_loop3A_341 = arith.sitofp %parallel_loop3A_340 : vector<16xi32> to vector<16xf32>
        %parallel_loop3A_342 = arith.subf %parallel_loop3A_339, %parallel_loop3A_341 : vector<16xf32>
        %parallel_loop3A_343 = arith.constant 4096 : i32
        %parallel_loop3A_344 = tpu.memref_slice %arg5[%parallel_loop3A_343] : memref<38912xf32, #tpu.memory_space<vmem>> -> memref<512xf32, #tpu.memory_space<vmem>>
        tpu.vector_store_idx %parallel_loop3A_344[%parallel_loop3A_340], %broadcast_in_dim3A_39 masked %parallel_loop3A_211 {add = true} : memref<512xf32, #tpu.memory_space<vmem>>[vector<16xi32>], vector<16xf32>, vector<16xi1>
        %parallel_loop3A_345 = arith.constant 13824 : i32
        %parallel_loop3A_346 = tpu.memref_slice %arg5[%parallel_loop3A_345] : memref<38912xf32, #tpu.memory_space<vmem>> -> memref<512xf32, #tpu.memory_space<vmem>>
        tpu.vector_store_idx %parallel_loop3A_346[%parallel_loop3A_340], %parallel_loop3A_342 masked %parallel_loop3A_211 {add = true} : memref<512xf32, #tpu.memory_space<vmem>>[vector<16xi32>], vector<16xf32>, vector<16xi1>
        %parallel_loop3A_347 = arith.constant 9 : i32
        %parallel_loop3A_348 = arith.index_cast %parallel_loop3A_347 : i32 to index
        %parallel_loop3A_349 = arith.index_cast %parallel_loop3A_187 : i32 to index
        %parallel_loop3A_350 = arith.index_cast %parallel_loop3A_205 : i32 to index
        %parallel_loop3A_351 = tpu.vector_load %arg7[%parallel_loop3A_348, %parallel_loop3A_349, %parallel_loop3A_350] {strides = array<i32>} : memref<19x8x128xf32, #tpu.memory_space<vmem>>, vector<16xf32>,
        %parallel_loop3A_352 = arith.constant 511.999878 : f32
        %parallel_loop3A_353 = vector.broadcast %parallel_loop3A_352 : f32 to vector<16xf32>
        %parallel_loop3A_354 = arith.mulf %parallel_loop3A_351, %parallel_loop3A_353 : vector<16xf32>
        %parallel_loop3A_355 = arith.fptosi %parallel_loop3A_354 : vector<16xf32> to vector<16xi32>
        %parallel_loop3A_356 = arith.sitofp %parallel_loop3A_355 : vector<16xi32> to vector<16xf32>
        %parallel_loop3A_357 = arith.subf %parallel_loop3A_354, %parallel_loop3A_356 : vector<16xf32>
        %parallel_loop3A_358 = arith.constant 4608 : i32
        %parallel_loop3A_359 = tpu.memref_slice %arg5[%parallel_loop3A_358] : memref<38912xf32, #tpu.memory_space<vmem>> -> memref<512xf32, #tpu.memory_space<vmem>>
        tpu.vector_store_idx %parallel_loop3A_359[%parallel_loop3A_355], %broadcast_in_dim3A_39 masked %parallel_loop3A_211 {add = true} : memref<512xf32, #tpu.memory_space<vmem>>[vector<16xi32>], vector<16xf32>, vector<16xi1>
        %parallel_loop3A_360 = arith.constant 14336 : i32
        %parallel_loop3A_361 = tpu.memref_slice %arg5[%parallel_loop3A_360] : memref<38912xf32, #tpu.memory_space<vmem>> -> memref<512xf32, #tpu.memory_space<vmem>>
        tpu.vector_store_idx %parallel_loop3A_361[%parallel_loop3A_355], %parallel_loop3A_357 masked %parallel_loop3A_211 {add = true} : memref<512xf32, #tpu.memory_space<vmem>>[vector<16xi32>], vector<16xf32>, vector<16xi1>
        %parallel_loop3A_362 = arith.constant 10 : i32
        %parallel_loop3A_363 = arith.index_cast %parallel_loop3A_362 : i32 to index
        %parallel_loop3A_364 = arith.index_cast %parallel_loop3A_187 : i32 to index
        %parallel_loop3A_365 = arith.index_cast %parallel_loop3A_205 : i32 to index
        %parallel_loop3A_366 = tpu.vector_load %arg7[%parallel_loop3A_363, %parallel_loop3A_364, %parallel_loop3A_365] {strides = array<i32>} : memref<19x8x128xf32, #tpu.memory_space<vmem>>, vector<16xf32>,
        %parallel_loop3A_367 = arith.constant 511.999878 : f32
        %parallel_loop3A_368 = vector.broadcast %parallel_loop3A_367 : f32 to vector<16xf32>
        %parallel_loop3A_369 = arith.mulf %parallel_loop3A_366, %parallel_loop3A_368 : vector<16xf32>
        %parallel_loop3A_370 = arith.fptosi %parallel_loop3A_369 : vector<16xf32> to vector<16xi32>
        %parallel_loop3A_371 = arith.sitofp %parallel_loop3A_370 : vector<16xi32> to vector<16xf32>
        %parallel_loop3A_372 = arith.subf %parallel_loop3A_369, %parallel_loop3A_371 : vector<16xf32>
        %parallel_loop3A_373 = arith.constant 5120 : i32
        %parallel_loop3A_374 = tpu.memref_slice %arg5[%parallel_loop3A_373] : memref<38912xf32, #tpu.memory_space<vmem>> -> memref<512xf32, #tpu.memory_space<vmem>>
        tpu.vector_store_idx %parallel_loop3A_374[%parallel_loop3A_370], %broadcast_in_dim3A_39 masked %parallel_loop3A_211 {add = true} : memref<512xf32, #tpu.memory_space<vmem>>[vector<16xi32>], vector<16xf32>, vector<16xi1>
        %parallel_loop3A_375 = arith.constant 14848 : i32
        %parallel_loop3A_376 = tpu.memref_slice %arg5[%parallel_loop3A_375] : memref<38912xf32, #tpu.memory_space<vmem>> -> memref<512xf32, #tpu.memory_space<vmem>>
        tpu.vector_store_idx %parallel_loop3A_376[%parallel_loop3A_370], %parallel_loop3A_372 masked %parallel_loop3A_211 {add = true} : memref<512xf32, #tpu.memory_space<vmem>>[vector<16xi32>], vector<16xf32>, vector<16xi1>
        %parallel_loop3A_377 = arith.constant 11 : i32
        %parallel_loop3A_378 = arith.index_cast %parallel_loop3A_377 : i32 to index
        %parallel_loop3A_379 = arith.index_cast %parallel_loop3A_187 : i32 to index
        %parallel_loop3A_380 = arith.index_cast %parallel_loop3A_205 : i32 to index
        %parallel_loop3A_381 = tpu.vector_load %arg7[%parallel_loop3A_378, %parallel_loop3A_379, %parallel_loop3A_380] {strides = array<i32>} : memref<19x8x128xf32, #tpu.memory_space<vmem>>, vector<16xf32>,
        %parallel_loop3A_382 = arith.constant 511.999878 : f32
        %parallel_loop3A_383 = vector.broadcast %parallel_loop3A_382 : f32 to vector<16xf32>
        %parallel_loop3A_384 = arith.mulf %parallel_loop3A_381, %parallel_loop3A_383 : vector<16xf32>
        %parallel_loop3A_385 = arith.fptosi %parallel_loop3A_384 : vector<16xf32> to vector<16xi32>
        %parallel_loop3A_386 = arith.sitofp %parallel_loop3A_385 : vector<16xi32> to vector<16xf32>
        %parallel_loop3A_387 = arith.subf %parallel_loop3A_384, %parallel_loop3A_386 : vector<16xf32>
        %parallel_loop3A_388 = arith.constant 5632 : i32
        %parallel_loop3A_389 = tpu.memref_slice %arg5[%parallel_loop3A_388] : memref<38912xf32, #tpu.memory_space<vmem>> -> memref<512xf32, #tpu.memory_space<vmem>>
        tpu.vector_store_idx %parallel_loop3A_389[%parallel_loop3A_385], %broadcast_in_dim3A_39 masked %parallel_loop3A_211 {add = true} : memref<512xf32, #tpu.memory_space<vmem>>[vector<16xi32>], vector<16xf32>, vector<16xi1>
        %parallel_loop3A_390 = arith.constant 15360 : i32
        %parallel_loop3A_391 = tpu.memref_slice %arg5[%parallel_loop3A_390] : memref<38912xf32, #tpu.memory_space<vmem>> -> memref<512xf32, #tpu.memory_space<vmem>>
        tpu.vector_store_idx %parallel_loop3A_391[%parallel_loop3A_385], %parallel_loop3A_387 masked %parallel_loop3A_211 {add = true} : memref<512xf32, #tpu.memory_space<vmem>>[vector<16xi32>], vector<16xf32>, vector<16xi1>
        %parallel_loop3A_392 = arith.constant 12 : i32
        %parallel_loop3A_393 = arith.index_cast %parallel_loop3A_392 : i32 to index
        %parallel_loop3A_394 = arith.index_cast %parallel_loop3A_187 : i32 to index
        %parallel_loop3A_395 = arith.index_cast %parallel_loop3A_205 : i32 to index
        %parallel_loop3A_396 = tpu.vector_load %arg7[%parallel_loop3A_393, %parallel_loop3A_394, %parallel_loop3A_395] {strides = array<i32>} : memref<19x8x128xf32, #tpu.memory_space<vmem>>, vector<16xf32>,
        %parallel_loop3A_397 = arith.constant 511.999878 : f32
        %parallel_loop3A_398 = vector.broadcast %parallel_loop3A_397 : f32 to vector<16xf32>
        %parallel_loop3A_399 = arith.mulf %parallel_loop3A_396, %parallel_loop3A_398 : vector<16xf32>
        %parallel_loop3A_400 = arith.fptosi %parallel_loop3A_399 : vector<16xf32> to vector<16xi32>
        %parallel_loop3A_401 = arith.sitofp %parallel_loop3A_400 : vector<16xi32> to vector<16xf32>
        %parallel_loop3A_402 = arith.subf %parallel_loop3A_399, %parallel_loop3A_401 : vector<16xf32>
        %parallel_loop3A_403 = arith.constant 6144 : i32
        %parallel_loop3A_404 = tpu.memref_slice %arg5[%parallel_loop3A_403] : memref<38912xf32, #tpu.memory_space<vmem>> -> memref<512xf32, #tpu.memory_space<vmem>>
        tpu.vector_store_idx %parallel_loop3A_404[%parallel_loop3A_400], %broadcast_in_dim3A_39 masked %parallel_loop3A_211 {add = true} : memref<512xf32, #tpu.memory_space<vmem>>[vector<16xi32>], vector<16xf32>, vector<16xi1>
        %parallel_loop3A_405 = arith.constant 15872 : i32
        %parallel_loop3A_406 = tpu.memref_slice %arg5[%parallel_loop3A_405] : memref<38912xf32, #tpu.memory_space<vmem>> -> memref<512xf32, #tpu.memory_space<vmem>>
        tpu.vector_store_idx %parallel_loop3A_406[%parallel_loop3A_400], %parallel_loop3A_402 masked %parallel_loop3A_211 {add = true} : memref<512xf32, #tpu.memory_space<vmem>>[vector<16xi32>], vector<16xf32>, vector<16xi1>
        %parallel_loop3A_407 = arith.constant 13 : i32
        %parallel_loop3A_408 = arith.index_cast %parallel_loop3A_407 : i32 to index
        %parallel_loop3A_409 = arith.index_cast %parallel_loop3A_187 : i32 to index
        %parallel_loop3A_410 = arith.index_cast %parallel_loop3A_205 : i32 to index
        %parallel_loop3A_411 = tpu.vector_load %arg7[%parallel_loop3A_408, %parallel_loop3A_409, %parallel_loop3A_410] {strides = array<i32>} : memref<19x8x128xf32, #tpu.memory_space<vmem>>, vector<16xf32>,
        %parallel_loop3A_412 = arith.constant 511.999878 : f32
        %parallel_loop3A_413 = vector.broadcast %parallel_loop3A_412 : f32 to vector<16xf32>
        %parallel_loop3A_414 = arith.mulf %parallel_loop3A_411, %parallel_loop3A_413 : vector<16xf32>
        %parallel_loop3A_415 = arith.fptosi %parallel_loop3A_414 : vector<16xf32> to vector<16xi32>
        %parallel_loop3A_416 = arith.sitofp %parallel_loop3A_415 : vector<16xi32> to vector<16xf32>
        %parallel_loop3A_417 = arith.subf %parallel_loop3A_414, %parallel_loop3A_416 : vector<16xf32>
        %parallel_loop3A_418 = arith.constant 6656 : i32
        %parallel_loop3A_419 = tpu.memref_slice %arg5[%parallel_loop3A_418] : memref<38912xf32, #tpu.memory_space<vmem>> -> memref<512xf32, #tpu.memory_space<vmem>>
        tpu.vector_store_idx %parallel_loop3A_419[%parallel_loop3A_415], %broadcast_in_dim3A_39 masked %parallel_loop3A_211 {add = true} : memref<512xf32, #tpu.memory_space<vmem>>[vector<16xi32>], vector<16xf32>, vector<16xi1>
        %parallel_loop3A_420 = arith.constant 16384 : i32
        %parallel_loop3A_421 = tpu.memref_slice %arg5[%parallel_loop3A_420] : memref<38912xf32, #tpu.memory_space<vmem>> -> memref<512xf32, #tpu.memory_space<vmem>>
        tpu.vector_store_idx %parallel_loop3A_421[%parallel_loop3A_415], %parallel_loop3A_417 masked %parallel_loop3A_211 {add = true} : memref<512xf32, #tpu.memory_space<vmem>>[vector<16xi32>], vector<16xf32>, vector<16xi1>
        %parallel_loop3A_422 = arith.constant 14 : i32
        %parallel_loop3A_423 = arith.index_cast %parallel_loop3A_422 : i32 to index
        %parallel_loop3A_424 = arith.index_cast %parallel_loop3A_187 : i32 to index
        %parallel_loop3A_425 = arith.index_cast %parallel_loop3A_205 : i32 to index
        %parallel_loop3A_426 = tpu.vector_load %arg7[%parallel_loop3A_423, %parallel_loop3A_424, %parallel_loop3A_425] {strides = array<i32>} : memref<19x8x128xf32, #tpu.memory_space<vmem>>, vector<16xf32>,
        %parallel_loop3A_427 = arith.constant 511.999878 : f32
        %parallel_loop3A_428 = vector.broadcast %parallel_loop3A_427 : f32 to vector<16xf32>
        %parallel_loop3A_429 = arith.mulf %parallel_loop3A_426, %parallel_loop3A_428 : vector<16xf32>
        %parallel_loop3A_430 = arith.fptosi %parallel_loop3A_429 : vector<16xf32> to vector<16xi32>
        %parallel_loop3A_431 = arith.sitofp %parallel_loop3A_430 : vector<16xi32> to vector<16xf32>
        %parallel_loop3A_432 = arith.subf %parallel_loop3A_429, %parallel_loop3A_431 : vector<16xf32>
        %parallel_loop3A_433 = arith.constant 7168 : i32
        %parallel_loop3A_434 = tpu.memref_slice %arg5[%parallel_loop3A_433] : memref<38912xf32, #tpu.memory_space<vmem>> -> memref<512xf32, #tpu.memory_space<vmem>>
        tpu.vector_store_idx %parallel_loop3A_434[%parallel_loop3A_430], %broadcast_in_dim3A_39 masked %parallel_loop3A_211 {add = true} : memref<512xf32, #tpu.memory_space<vmem>>[vector<16xi32>], vector<16xf32>, vector<16xi1>
        %parallel_loop3A_435 = arith.constant 16896 : i32
        %parallel_loop3A_436 = tpu.memref_slice %arg5[%parallel_loop3A_435] : memref<38912xf32, #tpu.memory_space<vmem>> -> memref<512xf32, #tpu.memory_space<vmem>>
        tpu.vector_store_idx %parallel_loop3A_436[%parallel_loop3A_430], %parallel_loop3A_432 masked %parallel_loop3A_211 {add = true} : memref<512xf32, #tpu.memory_space<vmem>>[vector<16xi32>], vector<16xf32>, vector<16xi1>
        %parallel_loop3A_437 = arith.constant 15 : i32
        %parallel_loop3A_438 = arith.index_cast %parallel_loop3A_437 : i32 to index
        %parallel_loop3A_439 = arith.index_cast %parallel_loop3A_187 : i32 to index
        %parallel_loop3A_440 = arith.index_cast %parallel_loop3A_205 : i32 to index
        %parallel_loop3A_441 = tpu.vector_load %arg7[%parallel_loop3A_438, %parallel_loop3A_439, %parallel_loop3A_440] {strides = array<i32>} : memref<19x8x128xf32, #tpu.memory_space<vmem>>, vector<16xf32>,
        %parallel_loop3A_442 = arith.constant 511.999878 : f32
        %parallel_loop3A_443 = vector.broadcast %parallel_loop3A_442 : f32 to vector<16xf32>
        %parallel_loop3A_444 = arith.mulf %parallel_loop3A_441, %parallel_loop3A_443 : vector<16xf32>
        %parallel_loop3A_445 = arith.fptosi %parallel_loop3A_444 : vector<16xf32> to vector<16xi32>
        %parallel_loop3A_446 = arith.sitofp %parallel_loop3A_445 : vector<16xi32> to vector<16xf32>
        %parallel_loop3A_447 = arith.subf %parallel_loop3A_444, %parallel_loop3A_446 : vector<16xf32>
        %parallel_loop3A_448 = arith.constant 7680 : i32
        %parallel_loop3A_449 = tpu.memref_slice %arg5[%parallel_loop3A_448] : memref<38912xf32, #tpu.memory_space<vmem>> -> memref<512xf32, #tpu.memory_space<vmem>>
        tpu.vector_store_idx %parallel_loop3A_449[%parallel_loop3A_445], %broadcast_in_dim3A_39 masked %parallel_loop3A_211 {add = true} : memref<512xf32, #tpu.memory_space<vmem>>[vector<16xi32>], vector<16xf32>, vector<16xi1>
        %parallel_loop3A_450 = arith.constant 17408 : i32
        %parallel_loop3A_451 = tpu.memref_slice %arg5[%parallel_loop3A_450] : memref<38912xf32, #tpu.memory_space<vmem>> -> memref<512xf32, #tpu.memory_space<vmem>>
        tpu.vector_store_idx %parallel_loop3A_451[%parallel_loop3A_445], %parallel_loop3A_447 masked %parallel_loop3A_211 {add = true} : memref<512xf32, #tpu.memory_space<vmem>>[vector<16xi32>], vector<16xf32>, vector<16xi1>
        %parallel_loop3A_452 = arith.constant 16 : i32
        %parallel_loop3A_453 = arith.index_cast %parallel_loop3A_452 : i32 to index
        %parallel_loop3A_454 = arith.index_cast %parallel_loop3A_187 : i32 to index
        %parallel_loop3A_455 = arith.index_cast %parallel_loop3A_205 : i32 to index
        %parallel_loop3A_456 = tpu.vector_load %arg7[%parallel_loop3A_453, %parallel_loop3A_454, %parallel_loop3A_455] {strides = array<i32>} : memref<19x8x128xf32, #tpu.memory_space<vmem>>, vector<16xf32>,
        %parallel_loop3A_457 = arith.constant 511.999878 : f32
        %parallel_loop3A_458 = vector.broadcast %parallel_loop3A_457 : f32 to vector<16xf32>
        %parallel_loop3A_459 = arith.mulf %parallel_loop3A_456, %parallel_loop3A_458 : vector<16xf32>
        %parallel_loop3A_460 = arith.fptosi %parallel_loop3A_459 : vector<16xf32> to vector<16xi32>
        %parallel_loop3A_461 = arith.sitofp %parallel_loop3A_460 : vector<16xi32> to vector<16xf32>
        %parallel_loop3A_462 = arith.subf %parallel_loop3A_459, %parallel_loop3A_461 : vector<16xf32>
        %parallel_loop3A_463 = arith.constant 8192 : i32
        %parallel_loop3A_464 = tpu.memref_slice %arg5[%parallel_loop3A_463] : memref<38912xf32, #tpu.memory_space<vmem>> -> memref<512xf32, #tpu.memory_space<vmem>>
        tpu.vector_store_idx %parallel_loop3A_464[%parallel_loop3A_460], %broadcast_in_dim3A_39 masked %parallel_loop3A_211 {add = true} : memref<512xf32, #tpu.memory_space<vmem>>[vector<16xi32>], vector<16xf32>, vector<16xi1>
        %parallel_loop3A_465 = arith.constant 17920 : i32
        %parallel_loop3A_466 = tpu.memref_slice %arg5[%parallel_loop3A_465] : memref<38912xf32, #tpu.memory_space<vmem>> -> memref<512xf32, #tpu.memory_space<vmem>>
        tpu.vector_store_idx %parallel_loop3A_466[%parallel_loop3A_460], %parallel_loop3A_462 masked %parallel_loop3A_211 {add = true} : memref<512xf32, #tpu.memory_space<vmem>>[vector<16xi32>], vector<16xf32>, vector<16xi1>
        %parallel_loop3A_467 = arith.constant 17 : i32
        %parallel_loop3A_468 = arith.index_cast %parallel_loop3A_467 : i32 to index
        %parallel_loop3A_469 = arith.index_cast %parallel_loop3A_187 : i32 to index
        %parallel_loop3A_470 = arith.index_cast %parallel_loop3A_205 : i32 to index
        %parallel_loop3A_471 = tpu.vector_load %arg7[%parallel_loop3A_468, %parallel_loop3A_469, %parallel_loop3A_470] {strides = array<i32>} : memref<19x8x128xf32, #tpu.memory_space<vmem>>, vector<16xf32>,
        %parallel_loop3A_472 = arith.constant 511.999878 : f32
        %parallel_loop3A_473 = vector.broadcast %parallel_loop3A_472 : f32 to vector<16xf32>
        %parallel_loop3A_474 = arith.mulf %parallel_loop3A_471, %parallel_loop3A_473 : vector<16xf32>
        %parallel_loop3A_475 = arith.fptosi %parallel_loop3A_474 : vector<16xf32> to vector<16xi32>
        %parallel_loop3A_476 = arith.sitofp %parallel_loop3A_475 : vector<16xi32> to vector<16xf32>
        %parallel_loop3A_477 = arith.subf %parallel_loop3A_474, %parallel_loop3A_476 : vector<16xf32>
        %parallel_loop3A_478 = arith.constant 8704 : i32
        %parallel_loop3A_479 = tpu.memref_slice %arg5[%parallel_loop3A_478] : memref<38912xf32, #tpu.memory_space<vmem>> -> memref<512xf32, #tpu.memory_space<vmem>>
        tpu.vector_store_idx %parallel_loop3A_479[%parallel_loop3A_475], %broadcast_in_dim3A_39 masked %parallel_loop3A_211 {add = true} : memref<512xf32, #tpu.memory_space<vmem>>[vector<16xi32>], vector<16xf32>, vector<16xi1>
        %parallel_loop3A_480 = arith.constant 18432 : i32
        %parallel_loop3A_481 = tpu.memref_slice %arg5[%parallel_loop3A_480] : memref<38912xf32, #tpu.memory_space<vmem>> -> memref<512xf32, #tpu.memory_space<vmem>>
        tpu.vector_store_idx %parallel_loop3A_481[%parallel_loop3A_475], %parallel_loop3A_477 masked %parallel_loop3A_211 {add = true} : memref<512xf32, #tpu.memory_space<vmem>>[vector<16xi32>], vector<16xf32>, vector<16xi1>
        %parallel_loop3A_482 = arith.constant 18 : i32
        %parallel_loop3A_483 = arith.index_cast %parallel_loop3A_482 : i32 to index
        %parallel_loop3A_484 = arith.index_cast %parallel_loop3A_187 : i32 to index
        %parallel_loop3A_485 = arith.index_cast %parallel_loop3A_205 : i32 to index
        %parallel_loop3A_486 = tpu.vector_load %arg7[%parallel_loop3A_483, %parallel_loop3A_484, %parallel_loop3A_485] {strides = array<i32>} : memref<19x8x128xf32, #tpu.memory_space<vmem>>, vector<16xf32>,
        %parallel_loop3A_487 = arith.constant 511.999878 : f32
        %parallel_loop3A_488 = vector.broadcast %parallel_loop3A_487 : f32 to vector<16xf32>
        %parallel_loop3A_489 = arith.mulf %parallel_loop3A_486, %parallel_loop3A_488 : vector<16xf32>
        %parallel_loop3A_490 = arith.fptosi %parallel_loop3A_489 : vector<16xf32> to vector<16xi32>
        %parallel_loop3A_491 = arith.sitofp %parallel_loop3A_490 : vector<16xi32> to vector<16xf32>
        %parallel_loop3A_492 = arith.subf %parallel_loop3A_489, %parallel_loop3A_491 : vector<16xf32>
        %parallel_loop3A_493 = arith.constant 9216 : i32
        %parallel_loop3A_494 = tpu.memref_slice %arg5[%parallel_loop3A_493] : memref<38912xf32, #tpu.memory_space<vmem>> -> memref<512xf32, #tpu.memory_space<vmem>>
        tpu.vector_store_idx %parallel_loop3A_494[%parallel_loop3A_490], %broadcast_in_dim3A_39 masked %parallel_loop3A_211 {add = true} : memref<512xf32, #tpu.memory_space<vmem>>[vector<16xi32>], vector<16xf32>, vector<16xi1>
        %parallel_loop3A_495 = arith.constant 18944 : i32
        %parallel_loop3A_496 = tpu.memref_slice %arg5[%parallel_loop3A_495] : memref<38912xf32, #tpu.memory_space<vmem>> -> memref<512xf32, #tpu.memory_space<vmem>>
        tpu.vector_store_idx %parallel_loop3A_496[%parallel_loop3A_490], %parallel_loop3A_492 masked %parallel_loop3A_211 {add = true} : memref<512xf32, #tpu.memory_space<vmem>>[vector<16xi32>], vector<16xf32>, vector<16xi1>
        %parallel_loop3A_497 = vector.broadcast %parallel_loop3A_187 : i32 to vector<16xi32>
        %parallel_loop3A_498 = vector.broadcast %parallel_loop3A_205 : i32 to vector<16xi32>
        %parallel_loop3A_499 = arith.addi %iota3A, %parallel_loop3A_498 : vector<16xi32>
        %parallel_loop3A_500 = tpu.vector_load_idx %arg7[%parallel_loop3A_208, %parallel_loop3A_497, %parallel_loop3A_499] : memref<19x8x128xf32, #tpu.memory_space<vmem>>[vector<16xi32>, vector<16xi32>, vector<16xi32>], vector<16xf32>,
        %parallel_loop3A_501 = arith.constant 511.999878 : f32
        %parallel_loop3A_502 = vector.broadcast %parallel_loop3A_501 : f32 to vector<16xf32>
        %parallel_loop3A_503 = arith.mulf %parallel_loop3A_500, %parallel_loop3A_502 : vector<16xf32>
        %parallel_loop3A_504 = arith.fptosi %parallel_loop3A_503 : vector<16xf32> to vector<16xi32>
        %parallel_loop3A_505 = arith.sitofp %parallel_loop3A_504 : vector<16xi32> to vector<16xf32>
        %parallel_loop3A_506 = arith.subf %parallel_loop3A_503, %parallel_loop3A_505 : vector<16xf32>
        %parallel_loop3A_507 = arith.constant 512 : i32
        %parallel_loop3A_508 = vector.broadcast %parallel_loop3A_507 : i32 to vector<16xi32>
        %parallel_loop3A_509 = arith.muli %parallel_loop3A_208, %parallel_loop3A_508 : vector<16xi32>
        %parallel_loop3A_510 = arith.addi %parallel_loop3A_509, %parallel_loop3A_504 : vector<16xi32>
        %parallel_loop3A_511 = arith.constant 511.999878 : f32
        %parallel_loop3A_512 = vector.broadcast %parallel_loop3A_511 : f32 to vector<16xf32>
        %parallel_loop3A_513 = arith.subf %parallel_loop3A_512, %parallel_loop3A_503 : vector<16xf32>
        %parallel_loop3A_514 = arith.fptosi %parallel_loop3A_513 : vector<16xf32> to vector<16xi32>
        %parallel_loop3A_515 = arith.sitofp %parallel_loop3A_514 : vector<16xi32> to vector<16xf32>
        %parallel_loop3A_516 = arith.subf %parallel_loop3A_513, %parallel_loop3A_515 : vector<16xf32>
        %parallel_loop3A_517 = arith.addi %parallel_loop3A_509, %parallel_loop3A_514 : vector<16xi32>
        %parallel_loop3A_518 = arith.constant 0 : i32
        %parallel_loop3A_519 = tpu.memref_slice %arg5[%parallel_loop3A_518] : memref<38912xf32, #tpu.memory_space<vmem>> -> memref<9728xf32, #tpu.memory_space<vmem>>
        tpu.vector_store_idx %parallel_loop3A_519[%parallel_loop3A_510], %neg3A_41 masked %parallel_loop3A_211 {add = true} : memref<9728xf32, #tpu.memory_space<vmem>>[vector<16xi32>], vector<16xf32>, vector<16xi1>
        %parallel_loop3A_520 = arith.constant 0.000000e+00 : f32
        %parallel_loop3A_521 = vector.broadcast %parallel_loop3A_520 : f32 to vector<16xf32>
        %parallel_loop3A_522 = arith.subf %parallel_loop3A_521, %parallel_loop3A_506 : vector<16xf32>
        %parallel_loop3A_523 = arith.constant 9728 : i32
        %parallel_loop3A_524 = tpu.memref_slice %arg5[%parallel_loop3A_523] : memref<38912xf32, #tpu.memory_space<vmem>> -> memref<9728xf32, #tpu.memory_space<vmem>>
        tpu.vector_store_idx %parallel_loop3A_524[%parallel_loop3A_510], %parallel_loop3A_522 masked %parallel_loop3A_211 {add = true} : memref<9728xf32, #tpu.memory_space<vmem>>[vector<16xi32>], vector<16xf32>, vector<16xi1>
        %parallel_loop3A_525 = arith.constant 0 : i32
        %parallel_loop3A_526 = tpu.memref_slice %arg5[%parallel_loop3A_525] : memref<38912xf32, #tpu.memory_space<vmem>> -> memref<9728xf32, #tpu.memory_space<vmem>>
        tpu.vector_store_idx %parallel_loop3A_526[%parallel_loop3A_517], %broadcast_in_dim3A_39 masked %parallel_loop3A_211 {add = true} : memref<9728xf32, #tpu.memory_space<vmem>>[vector<16xi32>], vector<16xf32>, vector<16xi1>
        %parallel_loop3A_527 = arith.constant 9728 : i32
        %parallel_loop3A_528 = tpu.memref_slice %arg5[%parallel_loop3A_527] : memref<38912xf32, #tpu.memory_space<vmem>> -> memref<9728xf32, #tpu.memory_space<vmem>>
        tpu.vector_store_idx %parallel_loop3A_528[%parallel_loop3A_517], %parallel_loop3A_516 masked %parallel_loop3A_211 {add = true} : memref<9728xf32, #tpu.memory_space<vmem>>[vector<16xi32>], vector<16xf32>, vector<16xi1>
        %parallel_loop3A_529 = arith.constant 19456 : i32
        %parallel_loop3A_530 = tpu.memref_slice %arg5[%parallel_loop3A_529] : memref<38912xf32, #tpu.memory_space<vmem>> -> memref<9728xf32, #tpu.memory_space<vmem>>
        tpu.vector_store_idx %parallel_loop3A_530[%parallel_loop3A_517], %broadcast_in_dim3A_39 masked %parallel_loop3A_211 {add = true} : memref<9728xf32, #tpu.memory_space<vmem>>[vector<16xi32>], vector<16xf32>, vector<16xi1>
        %parallel_loop3A_531 = arith.constant 29184 : i32
        %parallel_loop3A_532 = tpu.memref_slice %arg5[%parallel_loop3A_531] : memref<38912xf32, #tpu.memory_space<vmem>> -> memref<9728xf32, #tpu.memory_space<vmem>>
        tpu.vector_store_idx %parallel_loop3A_532[%parallel_loop3A_517], %parallel_loop3A_516 masked %parallel_loop3A_211 {add = true} : memref<9728xf32, #tpu.memory_space<vmem>>[vector<16xi32>], vector<16xf32>, vector<16xi1>
      } {sc.loop_unroll_factor = 2 : i64, sc.parallel_access}
      %lt3A_139 = arith.constant 15 : i32
      %lt3A_140 = arith.cmpi slt, %scan3A_62, %lt3A_139 : i32
      %convert_element_type3A = arith.extui %lt3A_140 : i1 to i32
      %cond3A = arith.constant 0 : i32
      %cond3A_141 = arith.cmpi ne, %convert_element_type3A, %cond3A : i32
      scf.if %cond3A_141 {
        %mul3A_163 = arith.constant 2 : i32
        %mul3A_164 = arith.muli %mul3A_163, %scan3A_62 : i32
        %add3A_165 = arith.constant 2 : i32
        %add3A_166 = arith.addi %mul3A_164, %add3A_165 : i32
        %jit3A_167 = arith.constant 4 : i32
        %div3A_168 = arith.divsi %add3A_166, %jit3A_167 : i32
        %sign3A_169 = arith.constant 0 : i32
        %sign3A_170 = arith.cmpi sgt, %add3A_166, %sign3A_169 : i32
        %sign3A_171 = arith.extui %sign3A_170 : i1 to i32
        %sign3A_172 = arith.constant 0 : i32
        %sign3A_173 = arith.cmpi slt, %add3A_166, %sign3A_172 : i32
        %sign3A_174 = arith.extui %sign3A_173 : i1 to i32
        %sign3A_175 = arith.subi %sign3A_171, %sign3A_174 : i32
        %sign3A_176 = arith.constant 0 : i32
        %sign3A_177 = arith.cmpi sgt, %jit3A_167, %sign3A_176 : i32
        %sign3A_178 = arith.extui %sign3A_177 : i1 to i32
        %sign3A_179 = arith.constant 0 : i32
        %sign3A_180 = arith.cmpi slt, %jit3A_167, %sign3A_179 : i32
        %sign3A_181 = arith.extui %sign3A_180 : i1 to i32
        %sign3A_182 = arith.subi %sign3A_178, %sign3A_181 : i32
        %ne3A_183 = arith.cmpi ne, %sign3A_175, %sign3A_182 : i32
        %rem3A_184 = arith.remsi %add3A_166, %jit3A_167 : i32
        %ne3A_185 = arith.constant 0 : i32
        %ne3A_186 = arith.cmpi ne, %rem3A_184, %ne3A_185 : i32
        %and3A_187 = arith.andi %ne3A_183, %ne3A_186 : i1
        %sub3A_188 = arith.constant 1 : i32
        %sub3A_189 = arith.subi %div3A_168, %sub3A_188 : i32
        %select_n3A_190 = arith.select %and3A_187, %sub3A_189, %div3A_168 : i32
        %mul3A_191 = arith.constant 8 : i32
        %mul3A_192 = arith.muli %select_n3A_190, %mul3A_191 : i32
        %add3A_193 = arith.addi %mul3A_32, %mul3A_192 : i32
        %jit3A_194 = arith.constant 4 : i32
        %eq3A_195 = arith.constant 0 : i32
        %eq3A_196 = arith.cmpi eq, %jit3A_194, %eq3A_195 : i32
        %jit3A_197 = arith.constant 1 : i32
        %select_n3A_198 = arith.select %eq3A_196, %jit3A_197, %jit3A_194 : i32
        %rem3A_199 = arith.remsi %add3A_166, %select_n3A_198 : i32
        %ne3A_200 = arith.constant 0 : i32
        %ne3A_201 = arith.cmpi ne, %rem3A_199, %ne3A_200 : i32
        %lt3A_202 = arith.constant 0 : i32
        %lt3A_203 = arith.cmpi slt, %rem3A_199, %lt3A_202 : i32
        %lt3A_204 = arith.constant 0 : i32
        %lt3A_205 = arith.cmpi slt, %select_n3A_198, %lt3A_204 : i32
        %ne3A_206 = arith.xori %lt3A_203, %lt3A_205 : i1
        %and3A_207 = arith.andi %ne3A_206, %ne3A_201 : i1
        %add3A_208 = arith.addi %rem3A_199, %select_n3A_198 : i32
        %select_n3A_209 = arith.select %and3A_207, %add3A_208, %rem3A_199 : i32
        %mul3A_210 = arith.constant 128 : i32
        %mul3A_211 = arith.muli %select_n3A_209, %mul3A_210 : i32
        %dma_start3A_212 = tpu.memref_slice %arg3[%select_n3A, %add3A_193, %mul3A_211] : memref<4x512x512xi32, #tpu.memory_space<hbm>> -> memref<1x8x128xi32, #tpu.memory_space<hbm>>
        %dma_start3A_213 = tpu.memref_squeeze %dma_start3A_212 : memref<1x8x128xi32, #tpu.memory_space<hbm>> -> memref<8x128xi32, #tpu.memory_space<hbm>>
        %dma_start3A_214 = tpu.memref_slice %arg3[%select_n3A, %add3A_193, %mul3A_211] : memref<4x512x512xi32, #tpu.memory_space<hbm>> -> memref<1x8x128xi32, #tpu.memory_space<hbm>>
        %dma_start3A_215 = tpu.memref_squeeze %dma_start3A_214 : memref<1x8x128xi32, #tpu.memory_space<hbm>> -> memref<8x128xi32, #tpu.memory_space<hbm>>
        tpu.enqueue_dma source(%dma_start3A_215 : memref<8x128xi32, #tpu.memory_space<hbm>>) target(%arg6 : memref<8x128xi32, #tpu.memory_space<vmem>>) target_semaphore(%arg10 : memref<!tpu.dma_semaphore, #tpu.memory_space<semaphore_mem>>)
        %mul3A_216 = arith.constant 19 : i32
        %mul3A_217 = arith.muli %select_n3A, %mul3A_216 : i32
        %dma_start3A_218 = tpu.memref_slice %arg2[%mul3A_217, %add3A_193, %mul3A_211] : memref<76x512x512xf32, #tpu.memory_space<hbm>> -> memref<19x8x128xf32, #tpu.memory_space<hbm>>
        %dma_start3A_219 = tpu.memref_slice %arg2[%mul3A_217, %add3A_193, %mul3A_211] : memref<76x512x512xf32, #tpu.memory_space<hbm>> -> memref<19x8x128xf32, #tpu.memory_space<hbm>>
        tpu.enqueue_dma source(%dma_start3A_219 : memref<19x8x128xf32, #tpu.memory_space<hbm>>) target(%arg7 : memref<19x8x128xf32, #tpu.memory_space<vmem>>) target_semaphore(%arg10 : memref<!tpu.dma_semaphore, #tpu.memory_space<semaphore_mem>>)
      } else {
      }
      %dma_wait3A_142 = arith.constant 0 : i32
      %dma_wait3A_143 = arith.constant 0 : i32
      %dma_wait3A_144 = arith.constant 0 : i32
      %dma_wait3A_145 = tpu.memref_slice %arg3[%dma_wait3A_142, %dma_wait3A_143, %dma_wait3A_144] : memref<4x512x512xi32, #tpu.memory_space<hbm>> -> memref<1x8x128xi32, #tpu.memory_space<hbm>>
      %dma_wait3A_146 = tpu.memref_squeeze %dma_wait3A_145 : memref<1x8x128xi32, #tpu.memory_space<hbm>> -> memref<8x128xi32, #tpu.memory_space<hbm>>
      %dma_wait3A_147 = arith.constant 0 : i32
      %dma_wait3A_148 = arith.constant 0 : i32
      %dma_wait3A_149 = tpu.memref_slice %arg3[%dma_wait3A_142, %dma_wait3A_147, %dma_wait3A_148] : memref<4x512x512xi32, #tpu.memory_space<hbm>> -> memref<1x8x128xi32, #tpu.memory_space<hbm>>
      %dma_wait3A_150 = tpu.memref_squeeze %dma_wait3A_149 : memref<1x8x128xi32, #tpu.memory_space<hbm>> -> memref<8x128xi32, #tpu.memory_space<hbm>>
      tpu.wait_dma2 semaphore(%arg11 : memref<!tpu.dma_semaphore, #tpu.memory_space<semaphore_mem>>) src(%dma_wait3A_150 : memref<8x128xi32, #tpu.memory_space<hbm>>) dst(%arg8 : memref<8x128xi32, #tpu.memory_space<vmem>>)
      %dma_wait3A_151 = arith.constant 0 : i32
      %dma_wait3A_152 = arith.constant 0 : i32
      %dma_wait3A_153 = arith.constant 0 : i32
      %dma_wait3A_154 = tpu.memref_slice %arg2[%dma_wait3A_151, %dma_wait3A_152, %dma_wait3A_153] : memref<76x512x512xf32, #tpu.memory_space<hbm>> -> memref<19x8x128xf32, #tpu.memory_space<hbm>>
      %dma_wait3A_155 = arith.constant 0 : i32
      %dma_wait3A_156 = arith.constant 0 : i32
      %dma_wait3A_157 = arith.constant 0 : i32
      %dma_wait3A_158 = tpu.memref_slice %arg2[%dma_wait3A_155, %dma_wait3A_156, %dma_wait3A_157] : memref<76x512x512xf32, #tpu.memory_space<hbm>> -> memref<19x8x128xf32, #tpu.memory_space<hbm>>
      tpu.wait_dma2 semaphore(%arg11 : memref<!tpu.dma_semaphore, #tpu.memory_space<semaphore_mem>>) src(%dma_wait3A_158 : memref<19x8x128xf32, #tpu.memory_space<hbm>>) dst(%arg9 : memref<19x8x128xf32, #tpu.memory_space<vmem>>)
      %parallel_loop3A_159 = arith.constant 0 : i32
      %parallel_loop3A_160 = arith.constant 64 : i32
      %parallel_loop3A_161 = arith.constant 1 : i32
      scf.for %parallel_loop3A_163 = %parallel_loop3A_159 to %parallel_loop3A_160 step %parallel_loop3A_161  : i32 {
        %parallel_loop3A_164 = arith.constant 8 : i32
        %parallel_loop3A_165 = arith.divsi %parallel_loop3A_163, %parallel_loop3A_164 : i32
        %parallel_loop3A_166 = arith.constant 0 : i32
        %parallel_loop3A_167 = arith.cmpi sgt, %parallel_loop3A_163, %parallel_loop3A_166 : i32
        %parallel_loop3A_168 = arith.extui %parallel_loop3A_167 : i1 to i32
        %parallel_loop3A_169 = arith.constant 0 : i32
        %parallel_loop3A_170 = arith.cmpi slt, %parallel_loop3A_163, %parallel_loop3A_169 : i32
        %parallel_loop3A_171 = arith.extui %parallel_loop3A_170 : i1 to i32
        %parallel_loop3A_172 = arith.subi %parallel_loop3A_168, %parallel_loop3A_171 : i32
        %parallel_loop3A_173 = arith.constant 0 : i32
        %parallel_loop3A_174 = arith.cmpi sgt, %parallel_loop3A_164, %parallel_loop3A_173 : i32
        %parallel_loop3A_175 = arith.extui %parallel_loop3A_174 : i1 to i32
        %parallel_loop3A_176 = arith.constant 0 : i32
        %parallel_loop3A_177 = arith.cmpi slt, %parallel_loop3A_164, %parallel_loop3A_176 : i32
        %parallel_loop3A_178 = arith.extui %parallel_loop3A_177 : i1 to i32
        %parallel_loop3A_179 = arith.subi %parallel_loop3A_175, %parallel_loop3A_178 : i32
        %parallel_loop3A_180 = arith.cmpi ne, %parallel_loop3A_172, %parallel_loop3A_179 : i32
        %parallel_loop3A_181 = arith.remsi %parallel_loop3A_163, %parallel_loop3A_164 : i32
        %parallel_loop3A_182 = arith.constant 0 : i32
        %parallel_loop3A_183 = arith.cmpi ne, %parallel_loop3A_181, %parallel_loop3A_182 : i32
        %parallel_loop3A_184 = arith.andi %parallel_loop3A_180, %parallel_loop3A_183 : i1
        %parallel_loop3A_185 = arith.constant 1 : i32
        %parallel_loop3A_186 = arith.subi %parallel_loop3A_165, %parallel_loop3A_185 : i32
        %parallel_loop3A_187 = arith.select %parallel_loop3A_184, %parallel_loop3A_186, %parallel_loop3A_165 : i32
        %parallel_loop3A_188 = arith.constant 8 : i32
        %parallel_loop3A_189 = arith.constant 0 : i32
        %parallel_loop3A_190 = arith.cmpi eq, %parallel_loop3A_188, %parallel_loop3A_189 : i32
        %parallel_loop3A_191 = arith.constant 1 : i32
        %parallel_loop3A_192 = arith.select %parallel_loop3A_190, %parallel_loop3A_191, %parallel_loop3A_188 : i32
        %parallel_loop3A_193 = arith.remsi %parallel_loop3A_163, %parallel_loop3A_192 : i32
        %parallel_loop3A_194 = arith.constant 0 : i32
        %parallel_loop3A_195 = arith.cmpi ne, %parallel_loop3A_193, %parallel_loop3A_194 : i32
        %parallel_loop3A_196 = arith.constant 0 : i32
        %parallel_loop3A_197 = arith.cmpi slt, %parallel_loop3A_193, %parallel_loop3A_196 : i32
        %parallel_loop3A_198 = arith.constant 0 : i32
        %parallel_loop3A_199 = arith.cmpi slt, %parallel_loop3A_192, %parallel_loop3A_198 : i32
        %parallel_loop3A_200 = arith.xori %parallel_loop3A_197, %parallel_loop3A_199 : i1
        %parallel_loop3A_201 = arith.andi %parallel_loop3A_200, %parallel_loop3A_195 : i1
        %parallel_loop3A_202 = arith.addi %parallel_loop3A_193, %parallel_loop3A_192 : i32
        %parallel_loop3A_203 = arith.select %parallel_loop3A_201, %parallel_loop3A_202, %parallel_loop3A_193 : i32
        %parallel_loop3A_204 = arith.constant 16 : i32
        %parallel_loop3A_205 = arith.muli %parallel_loop3A_203, %parallel_loop3A_204 : i32
        %parallel_loop3A_206 = arith.index_cast %parallel_loop3A_187 : i32 to index
        %parallel_loop3A_207 = arith.index_cast %parallel_loop3A_205 : i32 to index
        %parallel_loop3A_208 = tpu.vector_load %arg8[%parallel_loop3A_206, %parallel_loop3A_207] {strides = array<i32>} : memref<8x128xi32, #tpu.memory_space<vmem>>, vector<16xi32>,
        %parallel_loop3A_209 = arith.constant 0 : i32
        %parallel_loop3A_210 = vector.broadcast %parallel_loop3A_209 : i32 to vector<16xi32>
        %parallel_loop3A_211 = arith.cmpi ne, %parallel_loop3A_208, %parallel_loop3A_210 : vector<16xi32>
        %parallel_loop3A_212 = arith.constant 0 : i32
        %parallel_loop3A_213 = arith.index_cast %parallel_loop3A_212 : i32 to index
        %parallel_loop3A_214 = arith.index_cast %parallel_loop3A_187 : i32 to index
        %parallel_loop3A_215 = arith.index_cast %parallel_loop3A_205 : i32 to index
        %parallel_loop3A_216 = tpu.vector_load %arg9[%parallel_loop3A_213, %parallel_loop3A_214, %parallel_loop3A_215] {strides = array<i32>} : memref<19x8x128xf32, #tpu.memory_space<vmem>>, vector<16xf32>,
        %parallel_loop3A_217 = arith.constant 511.999878 : f32
        %parallel_loop3A_218 = vector.broadcast %parallel_loop3A_217 : f32 to vector<16xf32>
        %parallel_loop3A_219 = arith.mulf %parallel_loop3A_216, %parallel_loop3A_218 : vector<16xf32>
        %parallel_loop3A_220 = arith.fptosi %parallel_loop3A_219 : vector<16xf32> to vector<16xi32>
        %parallel_loop3A_221 = arith.sitofp %parallel_loop3A_220 : vector<16xi32> to vector<16xf32>
        %parallel_loop3A_222 = arith.subf %parallel_loop3A_219, %parallel_loop3A_221 : vector<16xf32>
        %parallel_loop3A_223 = arith.constant 0 : i32
        %parallel_loop3A_224 = tpu.memref_slice %arg5[%parallel_loop3A_223] : memref<38912xf32, #tpu.memory_space<vmem>> -> memref<512xf32, #tpu.memory_space<vmem>>
        tpu.vector_store_idx %parallel_loop3A_224[%parallel_loop3A_220], %broadcast_in_dim3A_39 masked %parallel_loop3A_211 {add = true} : memref<512xf32, #tpu.memory_space<vmem>>[vector<16xi32>], vector<16xf32>, vector<16xi1>
        %parallel_loop3A_225 = arith.constant 9728 : i32
        %parallel_loop3A_226 = tpu.memref_slice %arg5[%parallel_loop3A_225] : memref<38912xf32, #tpu.memory_space<vmem>> -> memref<512xf32, #tpu.memory_space<vmem>>
        tpu.vector_store_idx %parallel_loop3A_226[%parallel_loop3A_220], %parallel_loop3A_222 masked %parallel_loop3A_211 {add = true} : memref<512xf32, #tpu.memory_space<vmem>>[vector<16xi32>], vector<16xf32>, vector<16xi1>
        %parallel_loop3A_227 = arith.constant 1 : i32
        %parallel_loop3A_228 = arith.index_cast %parallel_loop3A_227 : i32 to index
        %parallel_loop3A_229 = arith.index_cast %parallel_loop3A_187 : i32 to index
        %parallel_loop3A_230 = arith.index_cast %parallel_loop3A_205 : i32 to index
        %parallel_loop3A_231 = tpu.vector_load %arg9[%parallel_loop3A_228, %parallel_loop3A_229, %parallel_loop3A_230] {strides = array<i32>} : memref<19x8x128xf32, #tpu.memory_space<vmem>>, vector<16xf32>,
        %parallel_loop3A_232 = arith.constant 511.999878 : f32
        %parallel_loop3A_233 = vector.broadcast %parallel_loop3A_232 : f32 to vector<16xf32>
        %parallel_loop3A_234 = arith.mulf %parallel_loop3A_231, %parallel_loop3A_233 : vector<16xf32>
        %parallel_loop3A_235 = arith.fptosi %parallel_loop3A_234 : vector<16xf32> to vector<16xi32>
        %parallel_loop3A_236 = arith.sitofp %parallel_loop3A_235 : vector<16xi32> to vector<16xf32>
        %parallel_loop3A_237 = arith.subf %parallel_loop3A_234, %parallel_loop3A_236 : vector<16xf32>
        %parallel_loop3A_238 = arith.constant 512 : i32
        %parallel_loop3A_239 = tpu.memref_slice %arg5[%parallel_loop3A_238] : memref<38912xf32, #tpu.memory_space<vmem>> -> memref<512xf32, #tpu.memory_space<vmem>>
        tpu.vector_store_idx %parallel_loop3A_239[%parallel_loop3A_235], %broadcast_in_dim3A_39 masked %parallel_loop3A_211 {add = true} : memref<512xf32, #tpu.memory_space<vmem>>[vector<16xi32>], vector<16xf32>, vector<16xi1>
        %parallel_loop3A_240 = arith.constant 10240 : i32
        %parallel_loop3A_241 = tpu.memref_slice %arg5[%parallel_loop3A_240] : memref<38912xf32, #tpu.memory_space<vmem>> -> memref<512xf32, #tpu.memory_space<vmem>>
        tpu.vector_store_idx %parallel_loop3A_241[%parallel_loop3A_235], %parallel_loop3A_237 masked %parallel_loop3A_211 {add = true} : memref<512xf32, #tpu.memory_space<vmem>>[vector<16xi32>], vector<16xf32>, vector<16xi1>
        %parallel_loop3A_242 = arith.constant 2 : i32
        %parallel_loop3A_243 = arith.index_cast %parallel_loop3A_242 : i32 to index
        %parallel_loop3A_244 = arith.index_cast %parallel_loop3A_187 : i32 to index
        %parallel_loop3A_245 = arith.index_cast %parallel_loop3A_205 : i32 to index
        %parallel_loop3A_246 = tpu.vector_load %arg9[%parallel_loop3A_243, %parallel_loop3A_244, %parallel_loop3A_245] {strides = array<i32>} : memref<19x8x128xf32, #tpu.memory_space<vmem>>, vector<16xf32>,
        %parallel_loop3A_247 = arith.constant 511.999878 : f32
        %parallel_loop3A_248 = vector.broadcast %parallel_loop3A_247 : f32 to vector<16xf32>
        %parallel_loop3A_249 = arith.mulf %parallel_loop3A_246, %parallel_loop3A_248 : vector<16xf32>
        %parallel_loop3A_250 = arith.fptosi %parallel_loop3A_249 : vector<16xf32> to vector<16xi32>
        %parallel_loop3A_251 = arith.sitofp %parallel_loop3A_250 : vector<16xi32> to vector<16xf32>
        %parallel_loop3A_252 = arith.subf %parallel_loop3A_249, %parallel_loop3A_251 : vector<16xf32>
        %parallel_loop3A_253 = arith.constant 1024 : i32
        %parallel_loop3A_254 = tpu.memref_slice %arg5[%parallel_loop3A_253] : memref<38912xf32, #tpu.memory_space<vmem>> -> memref<512xf32, #tpu.memory_space<vmem>>
        tpu.vector_store_idx %parallel_loop3A_254[%parallel_loop3A_250], %broadcast_in_dim3A_39 masked %parallel_loop3A_211 {add = true} : memref<512xf32, #tpu.memory_space<vmem>>[vector<16xi32>], vector<16xf32>, vector<16xi1>
        %parallel_loop3A_255 = arith.constant 10752 : i32
        %parallel_loop3A_256 = tpu.memref_slice %arg5[%parallel_loop3A_255] : memref<38912xf32, #tpu.memory_space<vmem>> -> memref<512xf32, #tpu.memory_space<vmem>>
        tpu.vector_store_idx %parallel_loop3A_256[%parallel_loop3A_250], %parallel_loop3A_252 masked %parallel_loop3A_211 {add = true} : memref<512xf32, #tpu.memory_space<vmem>>[vector<16xi32>], vector<16xf32>, vector<16xi1>
        %parallel_loop3A_257 = arith.constant 3 : i32
        %parallel_loop3A_258 = arith.index_cast %parallel_loop3A_257 : i32 to index
        %parallel_loop3A_259 = arith.index_cast %parallel_loop3A_187 : i32 to index
        %parallel_loop3A_260 = arith.index_cast %parallel_loop3A_205 : i32 to index
        %parallel_loop3A_261 = tpu.vector_load %arg9[%parallel_loop3A_258, %parallel_loop3A_259, %parallel_loop3A_260] {strides = array<i32>} : memref<19x8x128xf32, #tpu.memory_space<vmem>>, vector<16xf32>,
        %parallel_loop3A_262 = arith.constant 511.999878 : f32
        %parallel_loop3A_263 = vector.broadcast %parallel_loop3A_262 : f32 to vector<16xf32>
        %parallel_loop3A_264 = arith.mulf %parallel_loop3A_261, %parallel_loop3A_263 : vector<16xf32>
        %parallel_loop3A_265 = arith.fptosi %parallel_loop3A_264 : vector<16xf32> to vector<16xi32>
        %parallel_loop3A_266 = arith.sitofp %parallel_loop3A_265 : vector<16xi32> to vector<16xf32>
        %parallel_loop3A_267 = arith.subf %parallel_loop3A_264, %parallel_loop3A_266 : vector<16xf32>
        %parallel_loop3A_268 = arith.constant 1536 : i32
        %parallel_loop3A_269 = tpu.memref_slice %arg5[%parallel_loop3A_268] : memref<38912xf32, #tpu.memory_space<vmem>> -> memref<512xf32, #tpu.memory_space<vmem>>
        tpu.vector_store_idx %parallel_loop3A_269[%parallel_loop3A_265], %broadcast_in_dim3A_39 masked %parallel_loop3A_211 {add = true} : memref<512xf32, #tpu.memory_space<vmem>>[vector<16xi32>], vector<16xf32>, vector<16xi1>
        %parallel_loop3A_270 = arith.constant 11264 : i32
        %parallel_loop3A_271 = tpu.memref_slice %arg5[%parallel_loop3A_270] : memref<38912xf32, #tpu.memory_space<vmem>> -> memref<512xf32, #tpu.memory_space<vmem>>
        tpu.vector_store_idx %parallel_loop3A_271[%parallel_loop3A_265], %parallel_loop3A_267 masked %parallel_loop3A_211 {add = true} : memref<512xf32, #tpu.memory_space<vmem>>[vector<16xi32>], vector<16xf32>, vector<16xi1>
        %parallel_loop3A_272 = arith.constant 4 : i32
        %parallel_loop3A_273 = arith.index_cast %parallel_loop3A_272 : i32 to index
        %parallel_loop3A_274 = arith.index_cast %parallel_loop3A_187 : i32 to index
        %parallel_loop3A_275 = arith.index_cast %parallel_loop3A_205 : i32 to index
        %parallel_loop3A_276 = tpu.vector_load %arg9[%parallel_loop3A_273, %parallel_loop3A_274, %parallel_loop3A_275] {strides = array<i32>} : memref<19x8x128xf32, #tpu.memory_space<vmem>>, vector<16xf32>,
        %parallel_loop3A_277 = arith.constant 511.999878 : f32
        %parallel_loop3A_278 = vector.broadcast %parallel_loop3A_277 : f32 to vector<16xf32>
        %parallel_loop3A_279 = arith.mulf %parallel_loop3A_276, %parallel_loop3A_278 : vector<16xf32>
        %parallel_loop3A_280 = arith.fptosi %parallel_loop3A_279 : vector<16xf32> to vector<16xi32>
        %parallel_loop3A_281 = arith.sitofp %parallel_loop3A_280 : vector<16xi32> to vector<16xf32>
        %parallel_loop3A_282 = arith.subf %parallel_loop3A_279, %parallel_loop3A_281 : vector<16xf32>
        %parallel_loop3A_283 = arith.constant 2048 : i32
        %parallel_loop3A_284 = tpu.memref_slice %arg5[%parallel_loop3A_283] : memref<38912xf32, #tpu.memory_space<vmem>> -> memref<512xf32, #tpu.memory_space<vmem>>
        tpu.vector_store_idx %parallel_loop3A_284[%parallel_loop3A_280], %broadcast_in_dim3A_39 masked %parallel_loop3A_211 {add = true} : memref<512xf32, #tpu.memory_space<vmem>>[vector<16xi32>], vector<16xf32>, vector<16xi1>
        %parallel_loop3A_285 = arith.constant 11776 : i32
        %parallel_loop3A_286 = tpu.memref_slice %arg5[%parallel_loop3A_285] : memref<38912xf32, #tpu.memory_space<vmem>> -> memref<512xf32, #tpu.memory_space<vmem>>
        tpu.vector_store_idx %parallel_loop3A_286[%parallel_loop3A_280], %parallel_loop3A_282 masked %parallel_loop3A_211 {add = true} : memref<512xf32, #tpu.memory_space<vmem>>[vector<16xi32>], vector<16xf32>, vector<16xi1>
        %parallel_loop3A_287 = arith.constant 5 : i32
        %parallel_loop3A_288 = arith.index_cast %parallel_loop3A_287 : i32 to index
        %parallel_loop3A_289 = arith.index_cast %parallel_loop3A_187 : i32 to index
        %parallel_loop3A_290 = arith.index_cast %parallel_loop3A_205 : i32 to index
        %parallel_loop3A_291 = tpu.vector_load %arg9[%parallel_loop3A_288, %parallel_loop3A_289, %parallel_loop3A_290] {strides = array<i32>} : memref<19x8x128xf32, #tpu.memory_space<vmem>>, vector<16xf32>,
        %parallel_loop3A_292 = arith.constant 511.999878 : f32
        %parallel_loop3A_293 = vector.broadcast %parallel_loop3A_292 : f32 to vector<16xf32>
        %parallel_loop3A_294 = arith.mulf %parallel_loop3A_291, %parallel_loop3A_293 : vector<16xf32>
        %parallel_loop3A_295 = arith.fptosi %parallel_loop3A_294 : vector<16xf32> to vector<16xi32>
        %parallel_loop3A_296 = arith.sitofp %parallel_loop3A_295 : vector<16xi32> to vector<16xf32>
        %parallel_loop3A_297 = arith.subf %parallel_loop3A_294, %parallel_loop3A_296 : vector<16xf32>
        %parallel_loop3A_298 = arith.constant 2560 : i32
        %parallel_loop3A_299 = tpu.memref_slice %arg5[%parallel_loop3A_298] : memref<38912xf32, #tpu.memory_space<vmem>> -> memref<512xf32, #tpu.memory_space<vmem>>
        tpu.vector_store_idx %parallel_loop3A_299[%parallel_loop3A_295], %broadcast_in_dim3A_39 masked %parallel_loop3A_211 {add = true} : memref<512xf32, #tpu.memory_space<vmem>>[vector<16xi32>], vector<16xf32>, vector<16xi1>
        %parallel_loop3A_300 = arith.constant 12288 : i32
        %parallel_loop3A_301 = tpu.memref_slice %arg5[%parallel_loop3A_300] : memref<38912xf32, #tpu.memory_space<vmem>> -> memref<512xf32, #tpu.memory_space<vmem>>
        tpu.vector_store_idx %parallel_loop3A_301[%parallel_loop3A_295], %parallel_loop3A_297 masked %parallel_loop3A_211 {add = true} : memref<512xf32, #tpu.memory_space<vmem>>[vector<16xi32>], vector<16xf32>, vector<16xi1>
        %parallel_loop3A_302 = arith.constant 6 : i32
        %parallel_loop3A_303 = arith.index_cast %parallel_loop3A_302 : i32 to index
        %parallel_loop3A_304 = arith.index_cast %parallel_loop3A_187 : i32 to index
        %parallel_loop3A_305 = arith.index_cast %parallel_loop3A_205 : i32 to index
        %parallel_loop3A_306 = tpu.vector_load %arg9[%parallel_loop3A_303, %parallel_loop3A_304, %parallel_loop3A_305] {strides = array<i32>} : memref<19x8x128xf32, #tpu.memory_space<vmem>>, vector<16xf32>,
        %parallel_loop3A_307 = arith.constant 511.999878 : f32
        %parallel_loop3A_308 = vector.broadcast %parallel_loop3A_307 : f32 to vector<16xf32>
        %parallel_loop3A_309 = arith.mulf %parallel_loop3A_306, %parallel_loop3A_308 : vector<16xf32>
        %parallel_loop3A_310 = arith.fptosi %parallel_loop3A_309 : vector<16xf32> to vector<16xi32>
        %parallel_loop3A_311 = arith.sitofp %parallel_loop3A_310 : vector<16xi32> to vector<16xf32>
        %parallel_loop3A_312 = arith.subf %parallel_loop3A_309, %parallel_loop3A_311 : vector<16xf32>
        %parallel_loop3A_313 = arith.constant 3072 : i32
        %parallel_loop3A_314 = tpu.memref_slice %arg5[%parallel_loop3A_313] : memref<38912xf32, #tpu.memory_space<vmem>> -> memref<512xf32, #tpu.memory_space<vmem>>
        tpu.vector_store_idx %parallel_loop3A_314[%parallel_loop3A_310], %broadcast_in_dim3A_39 masked %parallel_loop3A_211 {add = true} : memref<512xf32, #tpu.memory_space<vmem>>[vector<16xi32>], vector<16xf32>, vector<16xi1>
        %parallel_loop3A_315 = arith.constant 12800 : i32
        %parallel_loop3A_316 = tpu.memref_slice %arg5[%parallel_loop3A_315] : memref<38912xf32, #tpu.memory_space<vmem>> -> memref<512xf32, #tpu.memory_space<vmem>>
        tpu.vector_store_idx %parallel_loop3A_316[%parallel_loop3A_310], %parallel_loop3A_312 masked %parallel_loop3A_211 {add = true} : memref<512xf32, #tpu.memory_space<vmem>>[vector<16xi32>], vector<16xf32>, vector<16xi1>
        %parallel_loop3A_317 = arith.constant 7 : i32
        %parallel_loop3A_318 = arith.index_cast %parallel_loop3A_317 : i32 to index
        %parallel_loop3A_319 = arith.index_cast %parallel_loop3A_187 : i32 to index
        %parallel_loop3A_320 = arith.index_cast %parallel_loop3A_205 : i32 to index
        %parallel_loop3A_321 = tpu.vector_load %arg9[%parallel_loop3A_318, %parallel_loop3A_319, %parallel_loop3A_320] {strides = array<i32>} : memref<19x8x128xf32, #tpu.memory_space<vmem>>, vector<16xf32>,
        %parallel_loop3A_322 = arith.constant 511.999878 : f32
        %parallel_loop3A_323 = vector.broadcast %parallel_loop3A_322 : f32 to vector<16xf32>
        %parallel_loop3A_324 = arith.mulf %parallel_loop3A_321, %parallel_loop3A_323 : vector<16xf32>
        %parallel_loop3A_325 = arith.fptosi %parallel_loop3A_324 : vector<16xf32> to vector<16xi32>
        %parallel_loop3A_326 = arith.sitofp %parallel_loop3A_325 : vector<16xi32> to vector<16xf32>
        %parallel_loop3A_327 = arith.subf %parallel_loop3A_324, %parallel_loop3A_326 : vector<16xf32>
        %parallel_loop3A_328 = arith.constant 3584 : i32
        %parallel_loop3A_329 = tpu.memref_slice %arg5[%parallel_loop3A_328] : memref<38912xf32, #tpu.memory_space<vmem>> -> memref<512xf32, #tpu.memory_space<vmem>>
        tpu.vector_store_idx %parallel_loop3A_329[%parallel_loop3A_325], %broadcast_in_dim3A_39 masked %parallel_loop3A_211 {add = true} : memref<512xf32, #tpu.memory_space<vmem>>[vector<16xi32>], vector<16xf32>, vector<16xi1>
        %parallel_loop3A_330 = arith.constant 13312 : i32
        %parallel_loop3A_331 = tpu.memref_slice %arg5[%parallel_loop3A_330] : memref<38912xf32, #tpu.memory_space<vmem>> -> memref<512xf32, #tpu.memory_space<vmem>>
        tpu.vector_store_idx %parallel_loop3A_331[%parallel_loop3A_325], %parallel_loop3A_327 masked %parallel_loop3A_211 {add = true} : memref<512xf32, #tpu.memory_space<vmem>>[vector<16xi32>], vector<16xf32>, vector<16xi1>
        %parallel_loop3A_332 = arith.constant 8 : i32
        %parallel_loop3A_333 = arith.index_cast %parallel_loop3A_332 : i32 to index
        %parallel_loop3A_334 = arith.index_cast %parallel_loop3A_187 : i32 to index
        %parallel_loop3A_335 = arith.index_cast %parallel_loop3A_205 : i32 to index
        %parallel_loop3A_336 = tpu.vector_load %arg9[%parallel_loop3A_333, %parallel_loop3A_334, %parallel_loop3A_335] {strides = array<i32>} : memref<19x8x128xf32, #tpu.memory_space<vmem>>, vector<16xf32>,
        %parallel_loop3A_337 = arith.constant 511.999878 : f32
        %parallel_loop3A_338 = vector.broadcast %parallel_loop3A_337 : f32 to vector<16xf32>
        %parallel_loop3A_339 = arith.mulf %parallel_loop3A_336, %parallel_loop3A_338 : vector<16xf32>
        %parallel_loop3A_340 = arith.fptosi %parallel_loop3A_339 : vector<16xf32> to vector<16xi32>
        %parallel_loop3A_341 = arith.sitofp %parallel_loop3A_340 : vector<16xi32> to vector<16xf32>
        %parallel_loop3A_342 = arith.subf %parallel_loop3A_339, %parallel_loop3A_341 : vector<16xf32>
        %parallel_loop3A_343 = arith.constant 4096 : i32
        %parallel_loop3A_344 = tpu.memref_slice %arg5[%parallel_loop3A_343] : memref<38912xf32, #tpu.memory_space<vmem>> -> memref<512xf32, #tpu.memory_space<vmem>>
        tpu.vector_store_idx %parallel_loop3A_344[%parallel_loop3A_340], %broadcast_in_dim3A_39 masked %parallel_loop3A_211 {add = true} : memref<512xf32, #tpu.memory_space<vmem>>[vector<16xi32>], vector<16xf32>, vector<16xi1>
        %parallel_loop3A_345 = arith.constant 13824 : i32
        %parallel_loop3A_346 = tpu.memref_slice %arg5[%parallel_loop3A_345] : memref<38912xf32, #tpu.memory_space<vmem>> -> memref<512xf32, #tpu.memory_space<vmem>>
        tpu.vector_store_idx %parallel_loop3A_346[%parallel_loop3A_340], %parallel_loop3A_342 masked %parallel_loop3A_211 {add = true} : memref<512xf32, #tpu.memory_space<vmem>>[vector<16xi32>], vector<16xf32>, vector<16xi1>
        %parallel_loop3A_347 = arith.constant 9 : i32
        %parallel_loop3A_348 = arith.index_cast %parallel_loop3A_347 : i32 to index
        %parallel_loop3A_349 = arith.index_cast %parallel_loop3A_187 : i32 to index
        %parallel_loop3A_350 = arith.index_cast %parallel_loop3A_205 : i32 to index
        %parallel_loop3A_351 = tpu.vector_load %arg9[%parallel_loop3A_348, %parallel_loop3A_349, %parallel_loop3A_350] {strides = array<i32>} : memref<19x8x128xf32, #tpu.memory_space<vmem>>, vector<16xf32>,
        %parallel_loop3A_352 = arith.constant 511.999878 : f32
        %parallel_loop3A_353 = vector.broadcast %parallel_loop3A_352 : f32 to vector<16xf32>
        %parallel_loop3A_354 = arith.mulf %parallel_loop3A_351, %parallel_loop3A_353 : vector<16xf32>
        %parallel_loop3A_355 = arith.fptosi %parallel_loop3A_354 : vector<16xf32> to vector<16xi32>
        %parallel_loop3A_356 = arith.sitofp %parallel_loop3A_355 : vector<16xi32> to vector<16xf32>
        %parallel_loop3A_357 = arith.subf %parallel_loop3A_354, %parallel_loop3A_356 : vector<16xf32>
        %parallel_loop3A_358 = arith.constant 4608 : i32
        %parallel_loop3A_359 = tpu.memref_slice %arg5[%parallel_loop3A_358] : memref<38912xf32, #tpu.memory_space<vmem>> -> memref<512xf32, #tpu.memory_space<vmem>>
        tpu.vector_store_idx %parallel_loop3A_359[%parallel_loop3A_355], %broadcast_in_dim3A_39 masked %parallel_loop3A_211 {add = true} : memref<512xf32, #tpu.memory_space<vmem>>[vector<16xi32>], vector<16xf32>, vector<16xi1>
        %parallel_loop3A_360 = arith.constant 14336 : i32
        %parallel_loop3A_361 = tpu.memref_slice %arg5[%parallel_loop3A_360] : memref<38912xf32, #tpu.memory_space<vmem>> -> memref<512xf32, #tpu.memory_space<vmem>>
        tpu.vector_store_idx %parallel_loop3A_361[%parallel_loop3A_355], %parallel_loop3A_357 masked %parallel_loop3A_211 {add = true} : memref<512xf32, #tpu.memory_space<vmem>>[vector<16xi32>], vector<16xf32>, vector<16xi1>
        %parallel_loop3A_362 = arith.constant 10 : i32
        %parallel_loop3A_363 = arith.index_cast %parallel_loop3A_362 : i32 to index
        %parallel_loop3A_364 = arith.index_cast %parallel_loop3A_187 : i32 to index
        %parallel_loop3A_365 = arith.index_cast %parallel_loop3A_205 : i32 to index
        %parallel_loop3A_366 = tpu.vector_load %arg9[%parallel_loop3A_363, %parallel_loop3A_364, %parallel_loop3A_365] {strides = array<i32>} : memref<19x8x128xf32, #tpu.memory_space<vmem>>, vector<16xf32>,
        %parallel_loop3A_367 = arith.constant 511.999878 : f32
        %parallel_loop3A_368 = vector.broadcast %parallel_loop3A_367 : f32 to vector<16xf32>
        %parallel_loop3A_369 = arith.mulf %parallel_loop3A_366, %parallel_loop3A_368 : vector<16xf32>
        %parallel_loop3A_370 = arith.fptosi %parallel_loop3A_369 : vector<16xf32> to vector<16xi32>
        %parallel_loop3A_371 = arith.sitofp %parallel_loop3A_370 : vector<16xi32> to vector<16xf32>
        %parallel_loop3A_372 = arith.subf %parallel_loop3A_369, %parallel_loop3A_371 : vector<16xf32>
        %parallel_loop3A_373 = arith.constant 5120 : i32
        %parallel_loop3A_374 = tpu.memref_slice %arg5[%parallel_loop3A_373] : memref<38912xf32, #tpu.memory_space<vmem>> -> memref<512xf32, #tpu.memory_space<vmem>>
        tpu.vector_store_idx %parallel_loop3A_374[%parallel_loop3A_370], %broadcast_in_dim3A_39 masked %parallel_loop3A_211 {add = true} : memref<512xf32, #tpu.memory_space<vmem>>[vector<16xi32>], vector<16xf32>, vector<16xi1>
        %parallel_loop3A_375 = arith.constant 14848 : i32
        %parallel_loop3A_376 = tpu.memref_slice %arg5[%parallel_loop3A_375] : memref<38912xf32, #tpu.memory_space<vmem>> -> memref<512xf32, #tpu.memory_space<vmem>>
        tpu.vector_store_idx %parallel_loop3A_376[%parallel_loop3A_370], %parallel_loop3A_372 masked %parallel_loop3A_211 {add = true} : memref<512xf32, #tpu.memory_space<vmem>>[vector<16xi32>], vector<16xf32>, vector<16xi1>
        %parallel_loop3A_377 = arith.constant 11 : i32
        %parallel_loop3A_378 = arith.index_cast %parallel_loop3A_377 : i32 to index
        %parallel_loop3A_379 = arith.index_cast %parallel_loop3A_187 : i32 to index
        %parallel_loop3A_380 = arith.index_cast %parallel_loop3A_205 : i32 to index
        %parallel_loop3A_381 = tpu.vector_load %arg9[%parallel_loop3A_378, %parallel_loop3A_379, %parallel_loop3A_380] {strides = array<i32>} : memref<19x8x128xf32, #tpu.memory_space<vmem>>, vector<16xf32>,
        %parallel_loop3A_382 = arith.constant 511.999878 : f32
        %parallel_loop3A_383 = vector.broadcast %parallel_loop3A_382 : f32 to vector<16xf32>
        %parallel_loop3A_384 = arith.mulf %parallel_loop3A_381, %parallel_loop3A_383 : vector<16xf32>
        %parallel_loop3A_385 = arith.fptosi %parallel_loop3A_384 : vector<16xf32> to vector<16xi32>
        %parallel_loop3A_386 = arith.sitofp %parallel_loop3A_385 : vector<16xi32> to vector<16xf32>
        %parallel_loop3A_387 = arith.subf %parallel_loop3A_384, %parallel_loop3A_386 : vector<16xf32>
        %parallel_loop3A_388 = arith.constant 5632 : i32
        %parallel_loop3A_389 = tpu.memref_slice %arg5[%parallel_loop3A_388] : memref<38912xf32, #tpu.memory_space<vmem>> -> memref<512xf32, #tpu.memory_space<vmem>>
        tpu.vector_store_idx %parallel_loop3A_389[%parallel_loop3A_385], %broadcast_in_dim3A_39 masked %parallel_loop3A_211 {add = true} : memref<512xf32, #tpu.memory_space<vmem>>[vector<16xi32>], vector<16xf32>, vector<16xi1>
        %parallel_loop3A_390 = arith.constant 15360 : i32
        %parallel_loop3A_391 = tpu.memref_slice %arg5[%parallel_loop3A_390] : memref<38912xf32, #tpu.memory_space<vmem>> -> memref<512xf32, #tpu.memory_space<vmem>>
        tpu.vector_store_idx %parallel_loop3A_391[%parallel_loop3A_385], %parallel_loop3A_387 masked %parallel_loop3A_211 {add = true} : memref<512xf32, #tpu.memory_space<vmem>>[vector<16xi32>], vector<16xf32>, vector<16xi1>
        %parallel_loop3A_392 = arith.constant 12 : i32
        %parallel_loop3A_393 = arith.index_cast %parallel_loop3A_392 : i32 to index
        %parallel_loop3A_394 = arith.index_cast %parallel_loop3A_187 : i32 to index
        %parallel_loop3A_395 = arith.index_cast %parallel_loop3A_205 : i32 to index
        %parallel_loop3A_396 = tpu.vector_load %arg9[%parallel_loop3A_393, %parallel_loop3A_394, %parallel_loop3A_395] {strides = array<i32>} : memref<19x8x128xf32, #tpu.memory_space<vmem>>, vector<16xf32>,
        %parallel_loop3A_397 = arith.constant 511.999878 : f32
        %parallel_loop3A_398 = vector.broadcast %parallel_loop3A_397 : f32 to vector<16xf32>
        %parallel_loop3A_399 = arith.mulf %parallel_loop3A_396, %parallel_loop3A_398 : vector<16xf32>
        %parallel_loop3A_400 = arith.fptosi %parallel_loop3A_399 : vector<16xf32> to vector<16xi32>
        %parallel_loop3A_401 = arith.sitofp %parallel_loop3A_400 : vector<16xi32> to vector<16xf32>
        %parallel_loop3A_402 = arith.subf %parallel_loop3A_399, %parallel_loop3A_401 : vector<16xf32>
        %parallel_loop3A_403 = arith.constant 6144 : i32
        %parallel_loop3A_404 = tpu.memref_slice %arg5[%parallel_loop3A_403] : memref<38912xf32, #tpu.memory_space<vmem>> -> memref<512xf32, #tpu.memory_space<vmem>>
        tpu.vector_store_idx %parallel_loop3A_404[%parallel_loop3A_400], %broadcast_in_dim3A_39 masked %parallel_loop3A_211 {add = true} : memref<512xf32, #tpu.memory_space<vmem>>[vector<16xi32>], vector<16xf32>, vector<16xi1>
        %parallel_loop3A_405 = arith.constant 15872 : i32
        %parallel_loop3A_406 = tpu.memref_slice %arg5[%parallel_loop3A_405] : memref<38912xf32, #tpu.memory_space<vmem>> -> memref<512xf32, #tpu.memory_space<vmem>>
        tpu.vector_store_idx %parallel_loop3A_406[%parallel_loop3A_400], %parallel_loop3A_402 masked %parallel_loop3A_211 {add = true} : memref<512xf32, #tpu.memory_space<vmem>>[vector<16xi32>], vector<16xf32>, vector<16xi1>
        %parallel_loop3A_407 = arith.constant 13 : i32
        %parallel_loop3A_408 = arith.index_cast %parallel_loop3A_407 : i32 to index
        %parallel_loop3A_409 = arith.index_cast %parallel_loop3A_187 : i32 to index
        %parallel_loop3A_410 = arith.index_cast %parallel_loop3A_205 : i32 to index
        %parallel_loop3A_411 = tpu.vector_load %arg9[%parallel_loop3A_408, %parallel_loop3A_409, %parallel_loop3A_410] {strides = array<i32>} : memref<19x8x128xf32, #tpu.memory_space<vmem>>, vector<16xf32>,
        %parallel_loop3A_412 = arith.constant 511.999878 : f32
        %parallel_loop3A_413 = vector.broadcast %parallel_loop3A_412 : f32 to vector<16xf32>
        %parallel_loop3A_414 = arith.mulf %parallel_loop3A_411, %parallel_loop3A_413 : vector<16xf32>
        %parallel_loop3A_415 = arith.fptosi %parallel_loop3A_414 : vector<16xf32> to vector<16xi32>
        %parallel_loop3A_416 = arith.sitofp %parallel_loop3A_415 : vector<16xi32> to vector<16xf32>
        %parallel_loop3A_417 = arith.subf %parallel_loop3A_414, %parallel_loop3A_416 : vector<16xf32>
        %parallel_loop3A_418 = arith.constant 6656 : i32
        %parallel_loop3A_419 = tpu.memref_slice %arg5[%parallel_loop3A_418] : memref<38912xf32, #tpu.memory_space<vmem>> -> memref<512xf32, #tpu.memory_space<vmem>>
        tpu.vector_store_idx %parallel_loop3A_419[%parallel_loop3A_415], %broadcast_in_dim3A_39 masked %parallel_loop3A_211 {add = true} : memref<512xf32, #tpu.memory_space<vmem>>[vector<16xi32>], vector<16xf32>, vector<16xi1>
        %parallel_loop3A_420 = arith.constant 16384 : i32
        %parallel_loop3A_421 = tpu.memref_slice %arg5[%parallel_loop3A_420] : memref<38912xf32, #tpu.memory_space<vmem>> -> memref<512xf32, #tpu.memory_space<vmem>>
        tpu.vector_store_idx %parallel_loop3A_421[%parallel_loop3A_415], %parallel_loop3A_417 masked %parallel_loop3A_211 {add = true} : memref<512xf32, #tpu.memory_space<vmem>>[vector<16xi32>], vector<16xf32>, vector<16xi1>
        %parallel_loop3A_422 = arith.constant 14 : i32
        %parallel_loop3A_423 = arith.index_cast %parallel_loop3A_422 : i32 to index
        %parallel_loop3A_424 = arith.index_cast %parallel_loop3A_187 : i32 to index
        %parallel_loop3A_425 = arith.index_cast %parallel_loop3A_205 : i32 to index
        %parallel_loop3A_426 = tpu.vector_load %arg9[%parallel_loop3A_423, %parallel_loop3A_424, %parallel_loop3A_425] {strides = array<i32>} : memref<19x8x128xf32, #tpu.memory_space<vmem>>, vector<16xf32>,
        %parallel_loop3A_427 = arith.constant 511.999878 : f32
        %parallel_loop3A_428 = vector.broadcast %parallel_loop3A_427 : f32 to vector<16xf32>
        %parallel_loop3A_429 = arith.mulf %parallel_loop3A_426, %parallel_loop3A_428 : vector<16xf32>
        %parallel_loop3A_430 = arith.fptosi %parallel_loop3A_429 : vector<16xf32> to vector<16xi32>
        %parallel_loop3A_431 = arith.sitofp %parallel_loop3A_430 : vector<16xi32> to vector<16xf32>
        %parallel_loop3A_432 = arith.subf %parallel_loop3A_429, %parallel_loop3A_431 : vector<16xf32>
        %parallel_loop3A_433 = arith.constant 7168 : i32
        %parallel_loop3A_434 = tpu.memref_slice %arg5[%parallel_loop3A_433] : memref<38912xf32, #tpu.memory_space<vmem>> -> memref<512xf32, #tpu.memory_space<vmem>>
        tpu.vector_store_idx %parallel_loop3A_434[%parallel_loop3A_430], %broadcast_in_dim3A_39 masked %parallel_loop3A_211 {add = true} : memref<512xf32, #tpu.memory_space<vmem>>[vector<16xi32>], vector<16xf32>, vector<16xi1>
        %parallel_loop3A_435 = arith.constant 16896 : i32
        %parallel_loop3A_436 = tpu.memref_slice %arg5[%parallel_loop3A_435] : memref<38912xf32, #tpu.memory_space<vmem>> -> memref<512xf32, #tpu.memory_space<vmem>>
        tpu.vector_store_idx %parallel_loop3A_436[%parallel_loop3A_430], %parallel_loop3A_432 masked %parallel_loop3A_211 {add = true} : memref<512xf32, #tpu.memory_space<vmem>>[vector<16xi32>], vector<16xf32>, vector<16xi1>
        %parallel_loop3A_437 = arith.constant 15 : i32
        %parallel_loop3A_438 = arith.index_cast %parallel_loop3A_437 : i32 to index
        %parallel_loop3A_439 = arith.index_cast %parallel_loop3A_187 : i32 to index
        %parallel_loop3A_440 = arith.index_cast %parallel_loop3A_205 : i32 to index
        %parallel_loop3A_441 = tpu.vector_load %arg9[%parallel_loop3A_438, %parallel_loop3A_439, %parallel_loop3A_440] {strides = array<i32>} : memref<19x8x128xf32, #tpu.memory_space<vmem>>, vector<16xf32>,
        %parallel_loop3A_442 = arith.constant 511.999878 : f32
        %parallel_loop3A_443 = vector.broadcast %parallel_loop3A_442 : f32 to vector<16xf32>
        %parallel_loop3A_444 = arith.mulf %parallel_loop3A_441, %parallel_loop3A_443 : vector<16xf32>
        %parallel_loop3A_445 = arith.fptosi %parallel_loop3A_444 : vector<16xf32> to vector<16xi32>
        %parallel_loop3A_446 = arith.sitofp %parallel_loop3A_445 : vector<16xi32> to vector<16xf32>
        %parallel_loop3A_447 = arith.subf %parallel_loop3A_444, %parallel_loop3A_446 : vector<16xf32>
        %parallel_loop3A_448 = arith.constant 7680 : i32
        %parallel_loop3A_449 = tpu.memref_slice %arg5[%parallel_loop3A_448] : memref<38912xf32, #tpu.memory_space<vmem>> -> memref<512xf32, #tpu.memory_space<vmem>>
        tpu.vector_store_idx %parallel_loop3A_449[%parallel_loop3A_445], %broadcast_in_dim3A_39 masked %parallel_loop3A_211 {add = true} : memref<512xf32, #tpu.memory_space<vmem>>[vector<16xi32>], vector<16xf32>, vector<16xi1>
        %parallel_loop3A_450 = arith.constant 17408 : i32
        %parallel_loop3A_451 = tpu.memref_slice %arg5[%parallel_loop3A_450] : memref<38912xf32, #tpu.memory_space<vmem>> -> memref<512xf32, #tpu.memory_space<vmem>>
        tpu.vector_store_idx %parallel_loop3A_451[%parallel_loop3A_445], %parallel_loop3A_447 masked %parallel_loop3A_211 {add = true} : memref<512xf32, #tpu.memory_space<vmem>>[vector<16xi32>], vector<16xf32>, vector<16xi1>
        %parallel_loop3A_452 = arith.constant 16 : i32
        %parallel_loop3A_453 = arith.index_cast %parallel_loop3A_452 : i32 to index
        %parallel_loop3A_454 = arith.index_cast %parallel_loop3A_187 : i32 to index
        %parallel_loop3A_455 = arith.index_cast %parallel_loop3A_205 : i32 to index
        %parallel_loop3A_456 = tpu.vector_load %arg9[%parallel_loop3A_453, %parallel_loop3A_454, %parallel_loop3A_455] {strides = array<i32>} : memref<19x8x128xf32, #tpu.memory_space<vmem>>, vector<16xf32>,
        %parallel_loop3A_457 = arith.constant 511.999878 : f32
        %parallel_loop3A_458 = vector.broadcast %parallel_loop3A_457 : f32 to vector<16xf32>
        %parallel_loop3A_459 = arith.mulf %parallel_loop3A_456, %parallel_loop3A_458 : vector<16xf32>
        %parallel_loop3A_460 = arith.fptosi %parallel_loop3A_459 : vector<16xf32> to vector<16xi32>
        %parallel_loop3A_461 = arith.sitofp %parallel_loop3A_460 : vector<16xi32> to vector<16xf32>
        %parallel_loop3A_462 = arith.subf %parallel_loop3A_459, %parallel_loop3A_461 : vector<16xf32>
        %parallel_loop3A_463 = arith.constant 8192 : i32
        %parallel_loop3A_464 = tpu.memref_slice %arg5[%parallel_loop3A_463] : memref<38912xf32, #tpu.memory_space<vmem>> -> memref<512xf32, #tpu.memory_space<vmem>>
        tpu.vector_store_idx %parallel_loop3A_464[%parallel_loop3A_460], %broadcast_in_dim3A_39 masked %parallel_loop3A_211 {add = true} : memref<512xf32, #tpu.memory_space<vmem>>[vector<16xi32>], vector<16xf32>, vector<16xi1>
        %parallel_loop3A_465 = arith.constant 17920 : i32
        %parallel_loop3A_466 = tpu.memref_slice %arg5[%parallel_loop3A_465] : memref<38912xf32, #tpu.memory_space<vmem>> -> memref<512xf32, #tpu.memory_space<vmem>>
        tpu.vector_store_idx %parallel_loop3A_466[%parallel_loop3A_460], %parallel_loop3A_462 masked %parallel_loop3A_211 {add = true} : memref<512xf32, #tpu.memory_space<vmem>>[vector<16xi32>], vector<16xf32>, vector<16xi1>
        %parallel_loop3A_467 = arith.constant 17 : i32
        %parallel_loop3A_468 = arith.index_cast %parallel_loop3A_467 : i32 to index
        %parallel_loop3A_469 = arith.index_cast %parallel_loop3A_187 : i32 to index
        %parallel_loop3A_470 = arith.index_cast %parallel_loop3A_205 : i32 to index
        %parallel_loop3A_471 = tpu.vector_load %arg9[%parallel_loop3A_468, %parallel_loop3A_469, %parallel_loop3A_470] {strides = array<i32>} : memref<19x8x128xf32, #tpu.memory_space<vmem>>, vector<16xf32>,
        %parallel_loop3A_472 = arith.constant 511.999878 : f32
        %parallel_loop3A_473 = vector.broadcast %parallel_loop3A_472 : f32 to vector<16xf32>
        %parallel_loop3A_474 = arith.mulf %parallel_loop3A_471, %parallel_loop3A_473 : vector<16xf32>
        %parallel_loop3A_475 = arith.fptosi %parallel_loop3A_474 : vector<16xf32> to vector<16xi32>
        %parallel_loop3A_476 = arith.sitofp %parallel_loop3A_475 : vector<16xi32> to vector<16xf32>
        %parallel_loop3A_477 = arith.subf %parallel_loop3A_474, %parallel_loop3A_476 : vector<16xf32>
        %parallel_loop3A_478 = arith.constant 8704 : i32
        %parallel_loop3A_479 = tpu.memref_slice %arg5[%parallel_loop3A_478] : memref<38912xf32, #tpu.memory_space<vmem>> -> memref<512xf32, #tpu.memory_space<vmem>>
        tpu.vector_store_idx %parallel_loop3A_479[%parallel_loop3A_475], %broadcast_in_dim3A_39 masked %parallel_loop3A_211 {add = true} : memref<512xf32, #tpu.memory_space<vmem>>[vector<16xi32>], vector<16xf32>, vector<16xi1>
        %parallel_loop3A_480 = arith.constant 18432 : i32
        %parallel_loop3A_481 = tpu.memref_slice %arg5[%parallel_loop3A_480] : memref<38912xf32, #tpu.memory_space<vmem>> -> memref<512xf32, #tpu.memory_space<vmem>>
        tpu.vector_store_idx %parallel_loop3A_481[%parallel_loop3A_475], %parallel_loop3A_477 masked %parallel_loop3A_211 {add = true} : memref<512xf32, #tpu.memory_space<vmem>>[vector<16xi32>], vector<16xf32>, vector<16xi1>
        %parallel_loop3A_482 = arith.constant 18 : i32
        %parallel_loop3A_483 = arith.index_cast %parallel_loop3A_482 : i32 to index
        %parallel_loop3A_484 = arith.index_cast %parallel_loop3A_187 : i32 to index
        %parallel_loop3A_485 = arith.index_cast %parallel_loop3A_205 : i32 to index
        %parallel_loop3A_486 = tpu.vector_load %arg9[%parallel_loop3A_483, %parallel_loop3A_484, %parallel_loop3A_485] {strides = array<i32>} : memref<19x8x128xf32, #tpu.memory_space<vmem>>, vector<16xf32>,
        %parallel_loop3A_487 = arith.constant 511.999878 : f32
        %parallel_loop3A_488 = vector.broadcast %parallel_loop3A_487 : f32 to vector<16xf32>
        %parallel_loop3A_489 = arith.mulf %parallel_loop3A_486, %parallel_loop3A_488 : vector<16xf32>
        %parallel_loop3A_490 = arith.fptosi %parallel_loop3A_489 : vector<16xf32> to vector<16xi32>
        %parallel_loop3A_491 = arith.sitofp %parallel_loop3A_490 : vector<16xi32> to vector<16xf32>
        %parallel_loop3A_492 = arith.subf %parallel_loop3A_489, %parallel_loop3A_491 : vector<16xf32>
        %parallel_loop3A_493 = arith.constant 9216 : i32
        %parallel_loop3A_494 = tpu.memref_slice %arg5[%parallel_loop3A_493] : memref<38912xf32, #tpu.memory_space<vmem>> -> memref<512xf32, #tpu.memory_space<vmem>>
        tpu.vector_store_idx %parallel_loop3A_494[%parallel_loop3A_490], %broadcast_in_dim3A_39 masked %parallel_loop3A_211 {add = true} : memref<512xf32, #tpu.memory_space<vmem>>[vector<16xi32>], vector<16xf32>, vector<16xi1>
        %parallel_loop3A_495 = arith.constant 18944 : i32
        %parallel_loop3A_496 = tpu.memref_slice %arg5[%parallel_loop3A_495] : memref<38912xf32, #tpu.memory_space<vmem>> -> memref<512xf32, #tpu.memory_space<vmem>>
        tpu.vector_store_idx %parallel_loop3A_496[%parallel_loop3A_490], %parallel_loop3A_492 masked %parallel_loop3A_211 {add = true} : memref<512xf32, #tpu.memory_space<vmem>>[vector<16xi32>], vector<16xf32>, vector<16xi1>
        %parallel_loop3A_497 = vector.broadcast %parallel_loop3A_187 : i32 to vector<16xi32>
        %parallel_loop3A_498 = vector.broadcast %parallel_loop3A_205 : i32 to vector<16xi32>
        %parallel_loop3A_499 = arith.addi %iota3A, %parallel_loop3A_498 : vector<16xi32>
        %parallel_loop3A_500 = tpu.vector_load_idx %arg9[%parallel_loop3A_208, %parallel_loop3A_497, %parallel_loop3A_499] : memref<19x8x128xf32, #tpu.memory_space<vmem>>[vector<16xi32>, vector<16xi32>, vector<16xi32>], vector<16xf32>,
        %parallel_loop3A_501 = arith.constant 511.999878 : f32
        %parallel_loop3A_502 = vector.broadcast %parallel_loop3A_501 : f32 to vector<16xf32>
        %parallel_loop3A_503 = arith.mulf %parallel_loop3A_500, %parallel_loop3A_502 : vector<16xf32>
        %parallel_loop3A_504 = arith.fptosi %parallel_loop3A_503 : vector<16xf32> to vector<16xi32>
        %parallel_loop3A_505 = arith.sitofp %parallel_loop3A_504 : vector<16xi32> to vector<16xf32>
        %parallel_loop3A_506 = arith.subf %parallel_loop3A_503, %parallel_loop3A_505 : vector<16xf32>
        %parallel_loop3A_507 = arith.constant 512 : i32
        %parallel_loop3A_508 = vector.broadcast %parallel_loop3A_507 : i32 to vector<16xi32>
        %parallel_loop3A_509 = arith.muli %parallel_loop3A_208, %parallel_loop3A_508 : vector<16xi32>
        %parallel_loop3A_510 = arith.addi %parallel_loop3A_509, %parallel_loop3A_504 : vector<16xi32>
        %parallel_loop3A_511 = arith.constant 511.999878 : f32
        %parallel_loop3A_512 = vector.broadcast %parallel_loop3A_511 : f32 to vector<16xf32>
        %parallel_loop3A_513 = arith.subf %parallel_loop3A_512, %parallel_loop3A_503 : vector<16xf32>
        %parallel_loop3A_514 = arith.fptosi %parallel_loop3A_513 : vector<16xf32> to vector<16xi32>
        %parallel_loop3A_515 = arith.sitofp %parallel_loop3A_514 : vector<16xi32> to vector<16xf32>
        %parallel_loop3A_516 = arith.subf %parallel_loop3A_513, %parallel_loop3A_515 : vector<16xf32>
        %parallel_loop3A_517 = arith.addi %parallel_loop3A_509, %parallel_loop3A_514 : vector<16xi32>
        %parallel_loop3A_518 = arith.constant 0 : i32
        %parallel_loop3A_519 = tpu.memref_slice %arg5[%parallel_loop3A_518] : memref<38912xf32, #tpu.memory_space<vmem>> -> memref<9728xf32, #tpu.memory_space<vmem>>
        tpu.vector_store_idx %parallel_loop3A_519[%parallel_loop3A_510], %neg3A_41 masked %parallel_loop3A_211 {add = true} : memref<9728xf32, #tpu.memory_space<vmem>>[vector<16xi32>], vector<16xf32>, vector<16xi1>
        %parallel_loop3A_520 = arith.constant 0.000000e+00 : f32
        %parallel_loop3A_521 = vector.broadcast %parallel_loop3A_520 : f32 to vector<16xf32>
        %parallel_loop3A_522 = arith.subf %parallel_loop3A_521, %parallel_loop3A_506 : vector<16xf32>
        %parallel_loop3A_523 = arith.constant 9728 : i32
        %parallel_loop3A_524 = tpu.memref_slice %arg5[%parallel_loop3A_523] : memref<38912xf32, #tpu.memory_space<vmem>> -> memref<9728xf32, #tpu.memory_space<vmem>>
        tpu.vector_store_idx %parallel_loop3A_524[%parallel_loop3A_510], %parallel_loop3A_522 masked %parallel_loop3A_211 {add = true} : memref<9728xf32, #tpu.memory_space<vmem>>[vector<16xi32>], vector<16xf32>, vector<16xi1>
        %parallel_loop3A_525 = arith.constant 0 : i32
        %parallel_loop3A_526 = tpu.memref_slice %arg5[%parallel_loop3A_525] : memref<38912xf32, #tpu.memory_space<vmem>> -> memref<9728xf32, #tpu.memory_space<vmem>>
        tpu.vector_store_idx %parallel_loop3A_526[%parallel_loop3A_517], %broadcast_in_dim3A_39 masked %parallel_loop3A_211 {add = true} : memref<9728xf32, #tpu.memory_space<vmem>>[vector<16xi32>], vector<16xf32>, vector<16xi1>
        %parallel_loop3A_527 = arith.constant 9728 : i32
        %parallel_loop3A_528 = tpu.memref_slice %arg5[%parallel_loop3A_527] : memref<38912xf32, #tpu.memory_space<vmem>> -> memref<9728xf32, #tpu.memory_space<vmem>>
        tpu.vector_store_idx %parallel_loop3A_528[%parallel_loop3A_517], %parallel_loop3A_516 masked %parallel_loop3A_211 {add = true} : memref<9728xf32, #tpu.memory_space<vmem>>[vector<16xi32>], vector<16xf32>, vector<16xi1>
        %parallel_loop3A_529 = arith.constant 19456 : i32
        %parallel_loop3A_530 = tpu.memref_slice %arg5[%parallel_loop3A_529] : memref<38912xf32, #tpu.memory_space<vmem>> -> memref<9728xf32, #tpu.memory_space<vmem>>
        tpu.vector_store_idx %parallel_loop3A_530[%parallel_loop3A_517], %broadcast_in_dim3A_39 masked %parallel_loop3A_211 {add = true} : memref<9728xf32, #tpu.memory_space<vmem>>[vector<16xi32>], vector<16xf32>, vector<16xi1>
        %parallel_loop3A_531 = arith.constant 29184 : i32
        %parallel_loop3A_532 = tpu.memref_slice %arg5[%parallel_loop3A_531] : memref<38912xf32, #tpu.memory_space<vmem>> -> memref<9728xf32, #tpu.memory_space<vmem>>
        tpu.vector_store_idx %parallel_loop3A_532[%parallel_loop3A_517], %parallel_loop3A_516 masked %parallel_loop3A_211 {add = true} : memref<9728xf32, #tpu.memory_space<vmem>>[vector<16xi32>], vector<16xf32>, vector<16xi1>
      } {sc.loop_unroll_factor = 2 : i64, sc.parallel_access}
      %scan3A_162 = arith.constant 0 : i32
      scf.yield %scan3A_162 : i32
    }
    %scan3A_61 = arith.constant 16 : i32
    "tpu.region"() ({
      %run_scoped3A = tpu.sem_alloc : memref<!tpu.dma_semaphore, #tpu.memory_space<semaphore_mem>>
      %dma_start3A_62 = arith.constant 0 : i32
      %dma_start3A_63 = tpu.memref_slice %arg4[%add3A, %dma_start3A_62] : memref<32x38912xf32, #tpu.memory_space<hbm>> -> memref<1x38912xf32, #tpu.memory_space<hbm>>
      %dma_start3A_64 = tpu.memref_squeeze %dma_start3A_63 : memref<1x38912xf32, #tpu.memory_space<hbm>> -> memref<38912xf32, #tpu.memory_space<hbm>>
      %dma_start3A_65 = arith.constant 0 : i32
      %dma_start3A_66 = tpu.memref_slice %arg4[%add3A, %dma_start3A_65] : memref<32x38912xf32, #tpu.memory_space<hbm>> -> memref<1x38912xf32, #tpu.memory_space<hbm>>
      %dma_start3A_67 = tpu.memref_squeeze %dma_start3A_66 : memref<1x38912xf32, #tpu.memory_space<hbm>> -> memref<38912xf32, #tpu.memory_space<hbm>>
      tpu.enqueue_dma source(%arg5 : memref<38912xf32, #tpu.memory_space<vmem>>) target(%dma_start3A_67 : memref<38912xf32, #tpu.memory_space<hbm>>) target_semaphore(%run_scoped3A : memref<!tpu.dma_semaphore, #tpu.memory_space<semaphore_mem>>)
      %dma_wait3A = arith.constant 0 : i32
      %dma_wait3A_68 = tpu.memref_slice %arg4[%add3A, %dma_wait3A] : memref<32x38912xf32, #tpu.memory_space<hbm>> -> memref<1x38912xf32, #tpu.memory_space<hbm>>
      %dma_wait3A_69 = tpu.memref_squeeze %dma_wait3A_68 : memref<1x38912xf32, #tpu.memory_space<hbm>> -> memref<38912xf32, #tpu.memory_space<hbm>>
      %dma_wait3A_70 = arith.constant 0 : i32
      %dma_wait3A_71 = tpu.memref_slice %arg4[%add3A, %dma_wait3A_70] : memref<32x38912xf32, #tpu.memory_space<hbm>> -> memref<1x38912xf32, #tpu.memory_space<hbm>>
      %dma_wait3A_72 = tpu.memref_squeeze %dma_wait3A_71 : memref<1x38912xf32, #tpu.memory_space<hbm>> -> memref<38912xf32, #tpu.memory_space<hbm>>
      tpu.wait_dma2 semaphore(%run_scoped3A : memref<!tpu.dma_semaphore, #tpu.memory_space<semaphore_mem>>) src(%arg5 : memref<38912xf32, #tpu.memory_space<vmem>>) dst(%dma_wait3A_72 : memref<38912xf32, #tpu.memory_space<hbm>>)
      tpu.yield
    }) : () -> ()
    return
  }
}

module attributes {stable_mosaic.version = 14 : i64} {
  func.func @_tc_post_body(%arg0: memref<32x38912xf32, #tpu.memory_space<vmem>>, %arg1: memref<1x1xf32, #tpu.memory_space<smem>>) attributes {dimension_semantics = [], scalar_prefetch = 0 : i64, scratch_operands = 0 : i64, tpu.core_type = #tpu.core_type<tc>} {
    %get3A = arith.constant 0 : index
    %get3A_0 = arith.constant 0 : index
    %get3A_1 = vector.load %arg0[%get3A, %get3A_0] : memref<32x38912xf32, #tpu.memory_space<vmem>>, vector<32x38912xf32>
    %reduce_sum3A = arith.constant dense<0.000000e+00> : vector<38912xf32>
    %reduce_sum3A_2 = vector.multi_reduction <add>, %get3A_1, %reduce_sum3A [0] : vector<32x38912xf32> to vector<38912xf32>
    %reshape3A = vector.shape_cast %reduce_sum3A_2 : vector<38912xf32> to vector<76x512xf32>
    %slice3A = vector.extract_strided_slice %reshape3A {offsets = [0, 0], sizes = [19, 512], strides = [1, 1]} : vector<76x512xf32> to vector<19x512xf32>
    %slice3A_3 = vector.extract_strided_slice %reshape3A {offsets = [19, 0], sizes = [19, 512], strides = [1, 1]} : vector<76x512xf32> to vector<19x512xf32>
    %slice3A_4 = vector.extract_strided_slice %reshape3A {offsets = [38, 0], sizes = [19, 512], strides = [1, 1]} : vector<76x512xf32> to vector<19x512xf32>
    %slice3A_5 = vector.extract_strided_slice %reshape3A {offsets = [57, 0], sizes = [19, 512], strides = [1, 1]} : vector<76x512xf32> to vector<19x512xf32>
    %iota3A = tpu.iota {dimensions = array<i32: 0>} : vector<512x512xi32>
    %iota3A_6 = tpu.iota {dimensions = array<i32: 1>} : vector<512x512xi32>
    %gt3A = arith.cmpi sgt, %iota3A, %iota3A_6 : vector<512x512xi32>
    %convert_element_type3A = arith.extui %gt3A : vector<512x512xi1> to vector<512x512xi32>
    %convert_element_type3A_7 = arith.sitofp %convert_element_type3A : vector<512x512xi32> to vector<512x512xf32>
    %dot_general3A = arith.constant dense<0.000000e+00> : vector<19x512xf32>
    %dot_general3A_8 = tpu.matmul %slice3A, %convert_element_type3A_7, %dot_general3A {dimension_numbers = #tpu.dot_dimension_numbers<[1], [0], [0], [1], [0, 0, 1, 1], [], []>, precision = #tpu.contract_precision<fp32>, transpose_lhs_hint = false} : vector<19x512xf32>, vector<512x512xf32>, vector<19x512xf32> -> vector<19x512xf32>
    %dot_general3A_9 = arith.constant dense<0.000000e+00> : vector<19x512xf32>
    %dot_general3A_10 = tpu.matmul %slice3A_4, %convert_element_type3A_7, %dot_general3A_9 {dimension_numbers = #tpu.dot_dimension_numbers<[1], [0], [0], [1], [0, 0, 1, 1], [], []>, precision = #tpu.contract_precision<fp32>, transpose_lhs_hint = false} : vector<19x512xf32>, vector<512x512xf32>, vector<19x512xf32> -> vector<19x512xf32>
    %add3A = arith.addf %dot_general3A_8, %slice3A_3 : vector<19x512xf32>
    %add3A_11 = arith.addf %dot_general3A_10, %slice3A_5 : vector<19x512xf32>
    %reduce_sum3A_12 = arith.constant dense<0.000000e+00> : vector<19xf32>
    %reduce_sum3A_13 = vector.multi_reduction <add>, %slice3A_4, %reduce_sum3A_12 [1] : vector<19x512xf32> to vector<19xf32>
    %broadcast_in_dim3A = vector.shape_cast %reduce_sum3A_13 : vector<19xf32> to vector<19x1xf32>
    %sub3A = vector.broadcast %broadcast_in_dim3A : vector<19x1xf32> to vector<19x512xf32>
    %sub3A_14 = arith.subf %sub3A, %add3A_11 : vector<19x512xf32>
    %add3A_15 = vector.broadcast %broadcast_in_dim3A : vector<19x1xf32> to vector<19x512xf32>
    %add3A_16 = arith.addf %add3A_15, %add3A : vector<19x512xf32>
    %sub3A_17 = arith.subf %add3A_16, %add3A_11 : vector<19x512xf32>
    %max3A = arith.constant 1.000000e-30 : f32
    %max3A_18 = vector.broadcast %max3A : f32 to vector<19x512xf32>
    %max3A_19 = arith.maximumf %sub3A_17, %max3A_18 : vector<19x512xf32>
    %div3A = arith.divf %sub3A_14, %max3A_19 : vector<19x512xf32>
    %sub3A_20 = arith.constant 1.000000e+00 : f32
    %sub3A_21 = vector.broadcast %sub3A_20 : f32 to vector<19x512xf32>
    %sub3A_22 = arith.subf %sub3A_21, %div3A : vector<19x512xf32>
    %reduce_sum3A_23 = arith.constant dense<0.000000e+00> : vector<19xf32>
    %reduce_sum3A_24 = vector.multi_reduction <add>, %sub3A_22, %reduce_sum3A_23 [1] : vector<19x512xf32> to vector<19xf32>
    %mul3A = arith.constant 0.001953125 : f32
    %mul3A_25 = vector.broadcast %mul3A : f32 to vector<19xf32>
    %mul3A_26 = arith.mulf %reduce_sum3A_24, %mul3A_25 : vector<19xf32>
    %squeeze3A = vector.shape_cast %broadcast_in_dim3A : vector<19x1xf32> to vector<19xf32>
    %gt3A_27 = arith.constant 0.000000e+00 : f32
    %gt3A_28 = vector.broadcast %gt3A_27 : f32 to vector<19xf32>
    %gt3A_29 = arith.cmpf ogt, %squeeze3A, %gt3A_28 : vector<19xf32>
    %convert_element_type3A_30 = arith.extui %gt3A_29 : vector<19xi1> to vector<19xi32>
    %convert_element_type3A_31 = arith.sitofp %convert_element_type3A_30 : vector<19xi32> to vector<19xf32>
    %mul3A_32 = arith.mulf %mul3A_26, %convert_element_type3A_31 : vector<19xf32>
    %reduce_sum3A_33 = vector.shape_cast %mul3A_32 : vector<19xf32> to vector<1x19xf32>
    %reduce_sum3A_34 = arith.constant dense<0.000000e+00> : vector<1xf32>
    %reduce_sum3A_35 = vector.multi_reduction <add>, %reduce_sum3A_33, %reduce_sum3A_34 [1] : vector<1x19xf32> to vector<1xf32>
    %reduce_sum3A_36 = vector.shape_cast %reduce_sum3A_35 : vector<1xf32> to vector<1x1xf32>
    %reduce_sum3A_37 = vector.extract %reduce_sum3A_36[0, 0] : f32 from vector<1x1xf32>
    %reduce_sum3A_38 = vector.shape_cast %convert_element_type3A_31 : vector<19xf32> to vector<1x19xf32>
    %reduce_sum3A_39 = arith.constant dense<0.000000e+00> : vector<1xf32>
    %reduce_sum3A_40 = vector.multi_reduction <add>, %reduce_sum3A_38, %reduce_sum3A_39 [1] : vector<1x19xf32> to vector<1xf32>
    %reduce_sum3A_41 = vector.shape_cast %reduce_sum3A_40 : vector<1xf32> to vector<1x1xf32>
    %reduce_sum3A_42 = vector.extract %reduce_sum3A_41[0, 0] : f32 from vector<1x1xf32>
    %div3A_43 = arith.divf %reduce_sum3A_37, %reduce_sum3A_42 : f32
    %swap3A = arith.constant 0 : index
    %swap3A_44 = arith.constant 0 : index
    %swap3A_45 = memref.load %arg1[%swap3A, %swap3A_44] : memref<1x1xf32, #tpu.memory_space<smem>>
    memref.store %div3A_43, %arg1[%swap3A, %swap3A_44] : memref<1x1xf32, #tpu.memory_space<smem>>
    return
  }
}

</mosaic_0001>

<sc_bundles>
// kernel: kernel.4.cloned.1.call-start
scs
__scs_entry_jumppad:
0x0: {  	(pc) =	sbr.rel $0x88, $3  }
0x1: {  	(tag) =	ssettag $0x0;
	lr =	simm.s32 $0x1  }
0x2: {  	[smem:$0x3F9F] =	sst lr;
	_ =	strace $0xD0000000  }
0x3: {  	_ = 	snop  }
0x4: {  	_ = 	snop  }
0x5: {  	_ = 	snop  }
0x6: {  	_ = 	snop  }
0x7: {  	_ = 	snop  }
__scs_overlays_trampoline_lowered:
0x8: {  	[smem:$0x3FAE] =	sst s0  }
0x9: {  	[smem:$0x3FAF] =	sst s1  }
0xa: {  	[smem:$0x3FB0] =	sst s2  }
0xb: {  	[smem:$0x3FB1] =	sst s3  }
0xc: {  	[smem:$0x3FB2] =	sst s4  }
0xd: {  	[smem:$0x3FB3] =	sst s5  }
0xe: {  	[smem:$0x3FB4] =	sst s6  }
0xf: {  	[smem:$0x3FB5] =	sst s7  }
0x10: {  	[smem:$0x3FB6] =	sst s8  }
0x11: {  	[smem:$0x3FB7] =	sst s9;
	s0 =	simm.s32 @!p0 $0x0  }
0x12: {  	s1 =	sld [smem:$0x3F9D];
	s0 =	simm.s32 @p0 $0x1  }
0x13: {  	[smem:$0x3FB8] =	sst s0;
	s0 =	simm.s32 @!p1 $0x0  }
0x14: {  	s2 =	sld [smem:$0x3F9C];
	s0 =	simm.s32 @p1 $0x1  }
0x15: {  	[smem:$0x3FB9] =	sst s0;
	s0 =	simm.s32 @!p2 $0x0  }
0x16: {  	s3 =	sld [smem:$0x3FDB];
	s0 =	simm.s32 @p2 $0x1  }
0x17: {  	s4 =	simm.s32 $0x1BF5;
	[smem:$0x3FBB] =	sst s0  }
0x18: {  	s0 =	sld [smem:$0x3F9E];
	_ =	swait.ge [sflag:s4], $0x0  }
0x19: {  	s7 =	sld [smem:$0x3F9F]  }
0x1a: {  	s8 =	sadd.s32 $0xFFFFE003, lr  }
0x1b: {  	s9 =	sadd.s32 $0xFFFFFEF7, lr;
	s5 =	simm.s32 $0xFFFFFFFF;
	p2 =	slt.u32 s8, $0xFFFFF086  }
0x1c: {  	p1 =	slt.u32 s9, $0xF7A;
	s5 =	simm.s32 @!p2 $0x0  }
0x1d: {  	s5 =	simm.s32 @p1 $0x1;
	p0 =	seq.s32 s7, s2  }
0x1e: {  	s7 =	smul.u32 @!p0 $0xF7A, s2;
	p2 =	seq.s32 @!p0 s5, $0x0  }
0x1f: {  	s9 =	smul.u32 $0xF7A, s1;
	s8 =	simm.s32 @!p0 $0x1BF5;
	p2 =	por !p2, p0  }
0x20: {  	[sflag:s8] =	ssyncset.s32 @!p0 $0xFFFFF086;
	s6 =	sadd.s32 @!p0 s3, s7;
	s7 =	simm.s32 @!p0 $0x108  }
0x21: {  	s3 =	sadd.s32 s3, s9;
	s6 =	sadd.s32 @!p0 $0x88, s6;
	s7 =	simm.s32 @p2 $0x1082  }
0x22: {  	[simem:s7], [sflag:s8] =	dma.local @!p0 [hbm:s6], $0xF7A  }
0x23: {  	s9 =	sor.u32 $0xD0000000, s2;
	s6 =	simm.s32 $0x108;
	_ =	swait.ge @!p0 [sflag:s8], $0x0  }
0x24: {  	s3 =	sadd.s32 $0x88, s3;
	s6 =	simm.s32 @!p1 $0x1082;
	[sflag:s4] =	ssyncset.s32 $0xFFFFF086  }
0x25: {  	[simem:s6], [sflag:s4] =	dma.local [hbm:s3], $0xF7A  }
0x26: {  	[smem:$0x3F9F] =	sst s1;
	(tag) =	ssettag s2;
	_ =	strace s9  }
0x27: {  	s1 =	sld [smem:$0x3FAF]  }
0x28: {  	s2 =	sld [smem:$0x3FB0]  }
0x29: {  	s4 =	sld [smem:$0x3FB2]  }
0x2a: {  	p0 =	seq.s32 s5, $0x0;
	s5 =	sld [smem:$0x3FB3]  }
0x2b: {  	s6 =	sld [smem:$0x3FB4]  }
0x2c: {  	s7 =	sld [smem:$0x3FB5]  }
0x2d: {  	s3 =	simm.s32 $0x108;
	s8 =	sld [smem:$0x3FB6]  }
0x2e: {  	s3 =	simm.s32 @!p0 $0x1082;
	s9 =	sld [smem:$0x3FB7]  }
0x2f: {  	lr =	sadd.s32 s0, s3;
	s0 =	sld [smem:$0x3FAE]  }
0x30: {  	s3 =	sld [smem:$0x3FB1]  }
0x31: {  	[smem:$0x3FBA] =	sst s10  }
0x32: {  	s10 =	sld [smem:$0x3FB8];
	_ =	sdelay $0x3  }
0x33: {  	p0 =	seq.s32 s10, $0x1;
	s10 =	sld [smem:$0x3FBA];
	_ =	sdelay $0x3  }
0x34: {  	[smem:$0x3FBA] =	sst s10  }
0x35: {  	s10 =	sld [smem:$0x3FB9];
	_ =	sdelay $0x3  }
0x36: {  	p1 =	seq.s32 s10, $0x1;
	s10 =	sld [smem:$0x3FBA];
	_ =	sdelay $0x3  }
0x37: {  	[smem:$0x3FBA] =	sst s10  }
0x38: {  	s10 =	sld [smem:$0x3FBB]  }
0x39: {  	_ = 	snop;
	(pc) =	sbr.ind lr, $3  }
0x3a: {  	_ = 	snop  }
0x3b: {  	_ = 	snop  }
0x3c: {  	p2 =	seq.s32 s10, $0x1;
	s10 =	sld [smem:$0x3FBA]  }
0x3d: {  	_ =	shalt  }
0x3e: {  	_ =	shalt  }
0x3f: {  	_ =	shalt  }
0x40: {  	_ =	shalt  }
0x41: {  	_ =	shalt  }
0x42: {  	_ =	shalt  }
0x43: {  	_ =	shalt  }
0x44: {  	_ =	shalt  }
0x45: {  	_ =	shalt  }
0x46: {  	_ =	shalt  }
0x47: {  	_ =	shalt  }
0x48: {  	_ =	shalt  }
0x49: {  	_ =	shalt  }
0x4a: {  	_ =	shalt  }
0x4b: {  	_ =	shalt  }
0x4c: {  	_ =	shalt  }
0x4d: {  	_ =	shalt  }
0x4e: {  	_ =	shalt  }
0x4f: {  	_ =	shalt  }
0x50: {  	_ =	shalt  }
0x51: {  	_ =	shalt  }
0x52: {  	_ =	shalt  }
0x53: {  	_ =	shalt  }
0x54: {  	_ =	shalt  }
0x55: {  	_ =	shalt  }
0x56: {  	_ =	shalt  }
0x57: {  	_ =	shalt  }
0x58: {  	_ =	shalt  }
0x59: {  	_ =	shalt  }
0x5a: {  	_ =	shalt  }
0x5b: {  	_ =	shalt  }
0x5c: {  	_ =	shalt  }
0x5d: {  	_ =	shalt  }
0x5e: {  	_ =	shalt  }
0x5f: {  	_ =	shalt  }
0x60: {  	_ =	shalt  }
0x61: {  	_ =	shalt  }
0x62: {  	_ =	shalt  }
0x63: {  	_ =	shalt  }
0x64: {  	_ =	shalt  }
0x65: {  	_ =	shalt  }
0x66: {  	_ =	shalt  }
0x67: {  	_ =	shalt  }
0x68: {  	_ =	shalt  }
0x69: {  	_ =	shalt  }
0x6a: {  	_ =	shalt  }
0x6b: {  	_ =	shalt  }
0x6c: {  	_ =	shalt  }
0x6d: {  	_ =	shalt  }
0x6e: {  	_ =	shalt  }
0x6f: {  	_ =	shalt  }
0x70: {  	_ =	shalt  }
0x71: {  	_ =	shalt  }
0x72: {  	_ =	shalt  }
0x73: {  	_ =	shalt  }
0x74: {  	_ =	shalt  }
0x75: {  	_ =	shalt  }
0x76: {  	_ =	shalt  }
0x77: {  	_ =	shalt  }
0x78: {  	_ =	shalt  }
0x79: {  	_ =	shalt  }
0x7a: {  	_ =	shalt  }
0x7b: {  	_ =	shalt  }
0x7c: {  	_ =	shalt  }
0x7d: {  	_ =	shalt  }
0x7e: {  	_ =	shalt  }
0x7f: {  	_ =	shalt  }
0x80: {  	_ =	shalt  }
0x81: {  	_ =	shalt  }
0x82: {  	_ =	shalt  }
0x83: {  	_ =	shalt  }
0x84: {  	_ =	shalt  }
0x85: {  	_ =	shalt  }
0x86: {  	_ =	shalt  }
0x87: {  	_ =	shalt  }
.Lfunc_end0:
.L_simem_size_0:
called_computation_lowered:
.L_overlay_start_0:
0x88: {  	s2 =	sld [smem:$0x3FD9]  }
0x89: {  	s3 =	sld [smem:$0x3FFE];
	_ =	sdelay $0x1  }
0x8a: {  	s1 =	srdreg.scid  }
0x8b: {  	s0 =	sand.u32 $0x1, s1  }
0x8c: {  	s17 =	sshll.u32 s0, $0xA;
	s2 =	sadd.s32 s3, s2  }
0x8d: {  	s2 =	sadd.s32 s2, s17  }
0x8e: {  	[smem:$0x3FC6] =	sst s2  }
0x8f: {  	_ = 	snop  }
0x90: {  	s2 =	sld [smem:$0x3FC9]  }
0x91: {  	s18 =	sld [smem:$0x3FC8];
	(tm) =	ssettm $0x1  }
0x92: {  	s4 =	sld [smem:$0x3FFB];
	_ =	sdelay $0x3  }
0x93: {  	_ =	strace s4  }
0x94: {  	s4 =	sld [smem:$0x3FFC];
	_ =	sdelay $0x3  }
0x95: {  	_ =	strace s4  }
0x96: {  	s4 =	sld [smem:$0x3FFD];
	_ =	sdelay $0x3  }
0x97: {  	_ =	strace s4  }
0x98: {  	_ =	strace $0x8FFFFFFF  }
0x99: {  	s19 =	sld [smem:$0x3FDB];
	_ =	sdelay $0x1  }
0x9a: {  	s5 =	simm.s32 $_scs_section_size  }
0x9b: {  	s6 =	simm.s32 $_size__tile_overlayer_lowered;
	s7 =	simm.s32 $_tile_overlayer_lowered  }
0x9c: {  	s22 =	simm.s32 $0x1BFF;
	s21 =	sshll.u32 s7, $0x1;
	s4 =	sadd.s32 s5, s19  }
0x9d: {  	s8 =	simm.s32 $0x0;
	s20 =	sshll.u32 s6, $0x1;
	s6 =	sadd.s32 s21, s4  }
0x9e: {  	[timem:s8], [sflag:s22] =	dma.local [hbm:s6], s20  }
0x9f: {  	_ =	swait.ge [sflag:s22], s20  }
0xa0: {  	s5 =	ssub.s32 $0x0, s20;
	[sflag:s22] =	ssyncset.done $0x0  }
0xa1: {  	[sflag:s22] =	ssyncadd.s32 s5;
	_ =	sdelay $0x1  }
0xa2: {  	s23 =	simm.s32 $0x1B8B  }
0xa3: {  	_ =	swait.ge [sflag:s23], $0x1  }
0xa4: {  	[sflag:s23] =	ssyncset.done $0x0  }
0xa5: {  	s25 =	simm.s32 $0x1B8E;
	s24 =	sld [smem:$0x3FFE];
	[sflag:s23] =	ssyncadd.s32 $0xFFFFFFFF  }
0xa6: {  	s26 =	simm.s32 $execute0_lowered;
	[smem:$0x3FD2] =	sst s25  }
0xa7: {  	s6 =	sshll.u32 s26, $0x1;
	_ =	strace $0x80000046;
	[dreg:$0x1] =	wrdreg $0xFFFFFFFF  }
0xa8: {  	s28 =	simm.s32 $_size_execute0_lowered;
	s4 =	sadd.s32 s4, s6;
	[dreg:$0x0] =	wrdreg $0x0  }
0xa9: {  	s6 =	sshll.u32 s28, $0x1;
	[dreg:$0x2] =	wrdreg s4  }
0xaa: {  	[dreg:$0x3] =	wrdreg s6  }
0xab: {  	[dreg:$0x4] =	wrdreg $0xC0  }
0xac: {  	_ =	task [dreg:s8], $0x5FFFF  }
0xad: {  	[dreg:$0x1] =	wrdreg $0xFFFFFFFF  }
0xae: {  	[dreg:$0x0] =	wrdreg $0x60  }
0xaf: {  	[dreg:$0x2] =	wrdreg s2  }
0xb0: {  	[dreg:$0x3] =	wrdreg s18  }
0xb1: {  	[dreg:$0x4] =	wrdreg s24  }
0xb2: {  	[dreg:$0x5] =	wrdreg $0x9  }
0xb3: {  	_ =	task.clear_ibuf [dreg:s8], $0x6FFFF;
	_ =	strace $0x90000046  }
0xb4: {  	s29 =	simm.s32 $0x9;
	_ =	strace $0x80000048  }
0xb5: {  	_ =	swait.ge [sflag:s29], $0x1  }
0xb6: {  	[sflag:s29] =	ssyncadd.s32 $0xFFFFFFFF  }
0xb7: {  	_ =	strace $0x90000048  }
0xb8: {  	_ =	sfence  }
0xb9: {  	s30 =	sld [smem:$0x0];
	_ =	sdelay $0x2  }
0xba: {  	s31 =	sshll.u32 s1, $0xD;
	s1 =	sshrl.u32 s1, $0x2  }
0xbb: {  	s3 =	sand.u32 $0x4000, s31;
	s1 =	sadd.s32 s1, s30  }
0xbc: {  	s0 =	sor.u32 s3, s0;
	s1 =	sshll.u32 s1, $0x11  }
0xbd: {  	s0 =	sor.u32 s1, s0  }
0xbe: {  	s0 =	sadd.s32 $0x8F2B, s0  }
0xbf: {  	[sflag:s0] =	ssyncadd.remote.s32 $0x1  }
0xc0: {  	_ =	sfence.sel $0xFFFF  }
0xc1: {  	[dreg:$0x0] =	wrdreg $0xFFFFFFFF;
	(pc) =	sbr.abs _section_cstart, $3  }
0xc2: {  	[dreg:$0x1] =	wrdreg $0xFFFFFFFF  }
0xc3: {  	_ =	task.clear_ibuf [dreg:s8], $0x2FFFF;
	_ =	strace $0x9FFFFFFF  }
0xc4: {  	(tm) =	ssettm $0x7FFFFFFF  }
0xc5: {  	_ =	shalt  }
tec
execute0_lowered:
.L_overlay_start_1:
0x0: {  	(tag) =	ssettag $0x1  }
0x1: {  	s7 =	rddreg [dreg:$0x0]  }
0x2: {  	s0 =	srdreg.scid;
	s8 =	rddreg [dreg:$0x1]  }
0x3: {  	s2 =	stileid.u32;
	s3 =	rddreg [dreg:$0x2];
	s4 =	simm.s32 $0x0  }
0x4: {  	s19 =	simm.s32 $0x9C00;
	s12 =	simm.s32 $0x2A00;
	s15 =	simm.s32 $0x600  }
0x5: {  	s11 =	simm.s32 $0x2E00;
	s13 =	simm.s32 $0xA00;
	s30 =	simm.s32 $0xC00  }
0x6: {  	s16 =	simm.s32 $0x3200;
	s31 =	simm.s32 $0x1000;
	s29 =	simm.s32 $0x3600  }
0x7: {  	s9 =	simm.s32 $0x1200;
	s10 =	simm.s32 $0x3A00;
	s0 =	sand.u32 $0x1, s0  }
0x8: {  	s1 =	sshll.u32 s2, $0x1;
	s2 =	sshrl.u32 s2, $0x2;
	[smem:$0x7FF] =	sst s4  }
0x9: {  	s1 =	sor.u32 s0, s1;
	s5 =	smul.u32 $0x4C000, s2;
	_ =	strace $0x80000047  }
0xa: {  	s20 =	smul.u32 $0x4C0000, s2;
	s0 =	ssub.s32 $0x2, s0;
	s2 =	sshll.u32 s2, $0x12  }
0xb: {  	s6 =	sshll.u32 s1, $0x7;
	s1 =	sshll.u32 s1, $0xF;
	s22 =	sshrl.u32 s0, $0x1  }
0xc: {  	[dreg:$0x5] =	wrdreg s2;
	s6 =	sand.u32 $0x380, s6;
	s21 =	sand.u32 $0x38000, s1  }
0xd: {  	[dreg:$0x4] =	wrdreg s20;
	s0 =	ssub.s32 s0, s22;
	s22 =	simm.s32 $0x800  }
0xe: {  	s5 =	sor.u32 s5, s6;
	s2 =	sor.u32 s2, s21;
	s0 =	smax.u32 s0, $0x1  }
0xf: {  	[dreg:$0x6] =	wrdreg s21;
	s28 =	sor.u32 $0x400, s21;
	s6 =	simm.s32 $0x2800  }
0x10: {  	s5 =	sshrl.u32 s5, $0x3;
	s23 =	sshrl.u32 s2, $0x3;
	[dreg:$0xa] =	wrdreg s0  }
0x11: {  	[dreg:$0xb] =	wrdreg s28;
	s2 =	simm.s32 $0x0;
	s3 =	sadd.s32 s5, s3  }
0x12: {  	s5 =	sor.u32 s20, s21;
	s1 =	sadd.s32 s8, s23;
	s20 =	simm.s32 $0x2600  }
0x13: {  	s8 =	simm.s32 $0x1600;
	s24 =	sshrl.u32 s5, $0x3;
	[dreg:$0x7] =	wrdreg s1  }
0x14: {  	s26 =	sadd.s32 $0x600, s3;
	s5 =	simm.s32 $0x400;
	s3 =	simm.s32 $0x200  }
0x15: {  	v0 =	vimm.f32 $0.0e+00;
	s25 =	sadd.s32 s7, s24;
	[dreg:$0x9] =	wrdreg s26;
	s7 =	simm.s32 $0xEC00  }
0x16: {  	v1 =	vimm.f32 $1.000000000e+00;
	v2 =	vlaneseq.u32;
	v3 =	vimm.f32 $-1.000000000e+00;
	s26 =	simm.s32 $0xE00;
	s24 =	simm.s32 $0x1C00;
	[dreg:$0x8] =	wrdreg s25  }
.LBB2_1:
0x17: {  	[dreg:$0xc] =	wrdreg s2;
	s0 =	simm.s32 $0x40;
	s1 =	simm.s32 $0x0  }
.LBB2_2:
0x18: {  	p0 =	sne.s32 s0, $0x25FC0;
	[tilespmem:s1+$0x0] =	vst v0;
	s1 =	smov.u32 s0;
	s0 =	sadd.s32 $0x40, s0  }
.Ltmp0:
0x19: {  	(pc) =	sbr.rel @p0 .LBB2_2-.Ltmp0, $2  }
0x1a: {  	_ =	sdelay $0x2  }
0x1b: {  	s1 =	sshra.s32 s1, $0x2  }
0x1c: {  	[tilespmem:s1+$0x0] =	vst v0;
	s2 =	simm.s32 $0x0;
	s0 =	rddreg [dreg:$0x7];
	s23 =	simm.s32 $0x9800  }
0x1d: {  	[tilespmem:s23], [sflag:$0x1] =	stream.linear.gather [hbm4b:s0+s2], $0x400, $0x38;
	[tilespmem:$0x13800] =	vst v63  }
0x1e: {  	s25 =	rddreg [dreg:$0x8];
	s28 =	simm.s32 $0x40000;
	s0 =	simm.s32 $0x0  }
0x1f: {  	[tilespmem:s19], [sflag:$0x1] =	stream.strided.gather [hbm4b:s25+s5], $0x4C00, s28, s5, $0x38;
	[tilespmem:$0x13800] =	vst v63  }
.LBB2_4:
0x20: {  	[dreg:$0xd] =	wrdreg s0  }
0x21: {  	s17 =	sshll.u32 s0, $0xB;
	s1 =	rddreg [dreg:$0xb]  }
0x22: {  	s18 =	rddreg [dreg:$0x5];
	s0 =	sand.u32 $0x7800, s17  }
0x23: {  	s2 =	rddreg [dreg:$0x1];
	s0 =	sor.u32 s1, s0  }
0x24: {  	s21 =	simm.s32 $0xE800;
	s25 =	rddreg [dreg:$0x4];
	s1 =	sor.u32 s18, s0  }
0x25: {  	s23 =	simm.s32 $0x0;
	s0 =	sor.u32 s25, s0;
	s1 =	sshrl.u32 s1, $0x3  }
0x26: {  	s28 =	rddreg [dreg:$0x0];
	s0 =	sshrl.u32 s0, $0x3;
	s1 =	sadd.s32 s2, s1  }
0x27: {  	[tilespmem:s21], [sflag:$0x2] =	stream.linear.gather [hbm4b:s1+s23], $0x400, $0x38;
	[tilespmem:$0x13800] =	vst v63  }
0x28: {  	s0 =	sadd.s32 s28, s0;
	s2 =	simm.s32 $0x40000  }
0x29: {  	[tilespmem:s7], [sflag:$0x2] =	stream.strided.gather [hbm4b:s0+s5], $0x4C00, s2, s5, $0x38;
	[tilespmem:$0x13800] =	vst v63  }
0x2a: {  	[dreg:$0xe] =	wrdreg s17;
	s7 =	simm.s32 $0x1  }
0x2b: {  	_ =	swait.ge [sflag:s7], $0x400  }
0x2c: {  	[sflag:s7] =	ssyncset.done $0x0  }
0x2d: {  	[sflag:s7] =	ssyncadd.s32 $0xFFFFFC00  }
0x2e: {  	s14 =	simm.s32 $0x0;
	s28 =	sand.u32 $0x60, s23;
	_ =	swait.ge [sflag:s7], $0x4C00  }
0x2f: {  	s21 =	sand.u32 $0xFFFFFF80, s14;
	s18 =	sor.u32 $0x10, s28;
	[sflag:s7] =	ssyncset.done $0x0  }
0x30: {  	s0 =	sor.u32 s21, s18;
	[sflag:s7] =	ssyncadd.s32 $0xFFFFB400  }
0x31: {  	v4 =	vld [tilespmem:s0+$0x9C00];
	_ =	sdelay $0x1  }
0x32: {  	s17 =	sor.u32 s28, s21;
	v7 =	vld [tilespmem:s0+$0x9800]  }
0x33: {  	v5 =	vld [tilespmem:s17+$0x9C00];
	_ =	sdelay $0x1  }
0x34: {  	v4 =	vmul.f32 $5.119998780e+02, v4  }
0x35: {  	v6 =	vld [tilespmem:s17+$0x9800]  }
0x36: {  	v8 =	vtrunc.f32 v4  }
0x37: {  	vm0 =	vne.s32 v7, $0x0;
	v5 =	vmul.f32 $5.119998780e+02, v5;
	v8 =	vcvt.f32.s32 v8;
	_ =	sdelay $0x1  }
0x38: {  	v9 =	vtrunc.f32 v5  }
0x39: {  	vm1 =	vne.s32 v6, $0x0;
	v9 =	vcvt.f32.s32 v9;
	v10 =	vcvt.s32.f32 v8;
	_ =	sdelay $0x1  }
0x3a: {  	v4 =	vsub.f32 v4, v10  }
0x3b: {  	s23 =	sadd.s32 $0xA000, s21;
	v10 =	vcvt.s32.f32 v9;
	[tilespmem:v8+s4+$0x0] =	vst.idx.add.f32.msk vm0, v1  }
0x3c: {  	s25 =	sor.u32 s18, s23;
	[tilespmem:v8+s20+$0x0] =	vst.idx.add.f32.msk vm0, v4  }
0x3d: {  	v5 =	vsub.f32 v5, v10;
	v4 =	vld [tilespmem:s25+$0x0]  }
0x3e: {  	[tilespmem:v9+s4+$0x0] =	vst.idx.add.f32.msk vm1, v1  }
0x3f: {  	s0 =	sor.u32 s28, s23;
	[tilespmem:v9+s20+$0x0] =	vst.idx.add.f32.msk vm1, v5  }
0x40: {  	v5 =	vld [tilespmem:s0+$0x0];
	_ =	sdelay $0x1  }
0x41: {  	v4 =	vmul.f32 $5.119998780e+02, v4;
	_ =	sdelay $0x1  }
0x42: {  	v8 =	vtrunc.f32 v4  }
0x43: {  	v5 =	vmul.f32 $5.119998780e+02, v5;
	v8 =	vcvt.f32.s32 v8;
	_ =	sdelay $0x1  }
0x44: {  	v9 =	vtrunc.f32 v5  }
0x45: {  	v9 =	vcvt.f32.s32 v9;
	v10 =	vcvt.s32.f32 v8;
	_ =	sdelay $0x1  }
0x46: {  	v4 =	vsub.f32 v4, v10  }
0x47: {  	s2 =	sadd.s32 $0xA400, s21;
	v10 =	vcvt.s32.f32 v9;
	[tilespmem:v8+s3+$0x0] =	vst.idx.add.f32.msk vm0, v1  }
0x48: {  	s7 =	sor.u32 s18, s2;
	[tilespmem:v8+s6+$0x0] =	vst.idx.add.f32.msk vm0, v4  }
0x49: {  	v5 =	vsub.f32 v5, v10;
	v4 =	vld [tilespmem:s7+$0x0]  }
0x4a: {  	[tilespmem:v9+s3+$0x0] =	vst.idx.add.f32.msk vm1, v1  }
0x4b: {  	s0 =	sor.u32 s28, s2;
	[tilespmem:v9+s6+$0x0] =	vst.idx.add.f32.msk vm1, v5  }
0x4c: {  	v5 =	vld [tilespmem:s0+$0x0];
	_ =	sdelay $0x1  }
0x4d: {  	v4 =	vmul.f32 $5.119998780e+02, v4;
	_ =	sdelay $0x1  }
0x4e: {  	v8 =	vtrunc.f32 v4  }
0x4f: {  	v5 =	vmul.f32 $5.119998780e+02, v5;
	v8 =	vcvt.f32.s32 v8;
	_ =	sdelay $0x1  }
0x50: {  	v9 =	vtrunc.f32 v5  }
0x51: {  	v9 =	vcvt.f32.s32 v9;
	v10 =	vcvt.s32.f32 v8;
	_ =	sdelay $0x1  }
0x52: {  	v4 =	vsub.f32 v4, v10  }
0x53: {  	s14 =	sadd.s32 $0xA800, s21;
	v10 =	vcvt.s32.f32 v9;
	[tilespmem:v8+s5+$0x0] =	vst.idx.add.f32.msk vm0, v1  }
0x54: {  	s17 =	sor.u32 s18, s14;
	[tilespmem:v8+s12+$0x0] =	vst.idx.add.f32.msk vm0, v4  }
0x55: {  	v5 =	vsub.f32 v5, v10;
	v4 =	vld [tilespmem:s17+$0x0]  }
0x56: {  	[tilespmem:v9+s5+$0x0] =	vst.idx.add.f32.msk vm1, v1  }
0x57: {  	s0 =	sor.u32 s28, s14;
	[tilespmem:v9+s12+$0x0] =	vst.idx.add.f32.msk vm1, v5  }
0x58: {  	v5 =	vld [tilespmem:s0+$0x0];
	_ =	sdelay $0x1  }
0x59: {  	v4 =	vmul.f32 $5.119998780e+02, v4;
	_ =	sdelay $0x1  }
0x5a: {  	v8 =	vtrunc.f32 v4  }
0x5b: {  	v5 =	vmul.f32 $5.119998780e+02, v5;
	v8 =	vcvt.f32.s32 v8;
	_ =	sdelay $0x1  }
0x5c: {  	v9 =	vtrunc.f32 v5  }
0x5d: {  	v9 =	vcvt.f32.s32 v9;
	v10 =	vcvt.s32.f32 v8;
	_ =	sdelay $0x1  }
0x5e: {  	v4 =	vsub.f32 v4, v10  }
0x5f: {  	s23 =	sadd.s32 $0xAC00, s21;
	s7 =	simm.s32 $0x2C00;
	v10 =	vcvt.s32.f32 v9;
	[tilespmem:v8+s15+$0x0] =	vst.idx.add.f32.msk vm0, v1  }
0x60: {  	s25 =	sor.u32 s18, s23;
	[tilespmem:v8+s7+$0x0] =	vst.idx.add.f32.msk vm0, v4  }
0x61: {  	v5 =	vsub.f32 v5, v10;
	v4 =	vld [tilespmem:s25+$0x0]  }
0x62: {  	[tilespmem:v9+s15+$0x0] =	vst.idx.add.f32.msk vm1, v1  }
0x63: {  	s0 =	sor.u32 s28, s23;
	[tilespmem:v9+s7+$0x0] =	vst.idx.add.f32.msk vm1, v5  }
0x64: {  	v5 =	vld [tilespmem:s0+$0x0];
	_ =	sdelay $0x1  }
0x65: {  	v4 =	vmul.f32 $5.119998780e+02, v4;
	_ =	sdelay $0x1  }
0x66: {  	v8 =	vtrunc.f32 v4  }
0x67: {  	vm0 =	vmmov vm0;
	v5 =	vmul.f32 $5.119998780e+02, v5;
	v8 =	vcvt.f32.s32 v8;
	_ =	sdelay $0x1  }
0x68: {  	v9 =	vtrunc.f32 v5  }
0x69: {  	v9 =	vcvt.f32.s32 v9;
	v10 =	vcvt.s32.f32 v8;
	_ =	sdelay $0x1  }
0x6a: {  	v4 =	vsub.f32 v4, v10  }
0x6b: {  	s2 =	sadd.s32 $0xB000, s21;
	v10 =	vcvt.s32.f32 v9;
	[tilespmem:v8+s22+$0x0] =	vst.idx.add.f32.msk vm0, v1  }
0x6c: {  	s5 =	sor.u32 s18, s2;
	[tilespmem:v8+s11+$0x0] =	vst.idx.add.f32.msk vm0, v4  }
0x6d: {  	v5 =	vsub.f32 v5, v10;
	v4 =	vld [tilespmem:s5+$0x0]  }
0x6e: {  	[tilespmem:v9+s22+$0x0] =	vst.idx.add.f32.msk vm1, v1  }
0x6f: {  	s0 =	sor.u32 s28, s2;
	[tilespmem:v9+s11+$0x0] =	vst.idx.add.f32.msk vm1, v5  }
0x70: {  	v5 =	vld [tilespmem:s0+$0x0];
	_ =	sdelay $0x1  }
0x71: {  	v4 =	vmul.f32 $5.119998780e+02, v4;
	_ =	sdelay $0x1  }
0x72: {  	v8 =	vtrunc.f32 v4  }
0x73: {  	v5 =	vmul.f32 $5.119998780e+02, v5;
	v8 =	vcvt.f32.s32 v8;
	_ =	sdelay $0x1  }
0x74: {  	v9 =	vtrunc.f32 v5  }
0x75: {  	v9 =	vcvt.f32.s32 v9;
	v10 =	vcvt.s32.f32 v8;
	_ =	sdelay $0x1  }
0x76: {  	v4 =	vsub.f32 v4, v10  }
0x77: {  	s14 =	sadd.s32 $0xB400, s21;
	s17 =	simm.s32 $0x3000;
	v10 =	vcvt.s32.f32 v9;
	[tilespmem:v8+s13+$0x0] =	vst.idx.add.f32.msk vm0, v1  }
0x78: {  	s23 =	sor.u32 s18, s14;
	[tilespmem:v8+s17+$0x0] =	vst.idx.add.f32.msk vm0, v4  }
0x79: {  	v5 =	vsub.f32 v5, v10;
	v4 =	vld [tilespmem:s23+$0x0]  }
0x7a: {  	s25 =	simm.s32 $0x20;
	[tilespmem:v9+s13+$0x0] =	vst.idx.add.f32.msk vm1, v1  }
0x7b: {  	s1 =	simm.s32 $0x20;
	s25 =	sand.u32 $0x60, s25;
	s0 =	sor.u32 s28, s14;
	[tilespmem:v9+s17+$0x0] =	vst.idx.add.f32.msk vm1, v5  }
0x7c: {  	s14 =	sand.u32 $0xFFFFFF80, s1;
	s17 =	sor.u32 $0x10, s25;
	v5 =	vld [tilespmem:s0+$0x0]  }
0x7d: {  	s0 =	sor.u32 s14, s17  }
0x7e: {  	v8 =	vld [tilespmem:s0+$0x9C00];
	v4 =	vmul.f32 $5.119998780e+02, v4;
	_ =	sdelay $0x1  }
0x7f: {  	v9 =	vtrunc.f32 v4  }
0x80: {  	v5 =	vmul.f32 $5.119998780e+02, v5;
	v10 =	vcvt.f32.s32 v9  }
0x81: {  	s1 =	sor.u32 s25, s14;
	v9 =	vld [tilespmem:s0+$0x9800]  }
0x82: {  	v13 =	vld [tilespmem:s1+$0x9C00];
	v14 =	vmul.f32 $5.119998780e+02, v8;
	v12 =	vtrunc.f32 v5  }
0x83: {  	vm2 =	vmmov vm1;
	v12 =	vcvt.f32.s32 v12;
	v11 =	vcvt.s32.f32 v10;
	_ =	sdelay $0x1  }
0x84: {  	v8 =	vld [tilespmem:s1+$0x9800];
	v4 =	vsub.f32 v4, v11;
	v11 =	vtrunc.f32 v14  }
0x85: {  	s5 =	sadd.s32 $0xB800, s21;
	v15 =	vcvt.s32.f32 v12;
	vm1 =	vne.s32 v9, $0x0;
	v11 =	vcvt.f32.s32 v11;
	[tilespmem:v10+s30+$0x0] =	vst.idx.add.f32.msk vm0, v1  }
0x86: {  	s23 =	sor.u32 s18, s5;
	[tilespmem:v10+s16+$0x0] =	vst.idx.add.f32.msk vm0, v4;
	v4 =	vmul.f32 $5.119998780e+02, v13  }
0x87: {  	v5 =	vsub.f32 v5, v15;
	v10 =	vld [tilespmem:s23+$0x0]  }
0x88: {  	[tilespmem:v12+s30+$0x0] =	vst.idx.add.f32.msk vm2, v1;
	v13 =	vcvt.s32.f32 v11;
	v15 =	vtrunc.f32 v4  }
0x89: {  	s0 =	sor.u32 s28, s5;
	vm4 =	vne.s32 v8, $0x0;
	[tilespmem:v12+s16+$0x0] =	vst.idx.add.f32.msk vm2, v5;
	v5 =	vcvt.f32.s32 v15  }
0x8a: {  	v12 =	vld [tilespmem:s0+$0x0];
	v13 =	vsub.f32 v14, v13  }
0x8b: {  	s5 =	sadd.s32 $0xA000, s14;
	[tilespmem:v11+s4+$0x0] =	vst.idx.add.f32.msk vm1, v1  }
0x8c: {  	s23 =	sor.u32 s17, s5;
	[tilespmem:v11+s20+$0x0] =	vst.idx.add.f32.msk vm1, v13;
	v11 =	vcvt.s32.f32 v5;
	v10 =	vmul.f32 $5.119998780e+02, v10  }
0x8d: {  	v13 =	vld [tilespmem:s23+$0x0]  }
0x8e: {  	v4 =	vsub.f32 v4, v11;
	v14 =	vtrunc.f32 v10  }
0x8f: {  	v12 =	vmul.f32 $5.119998780e+02, v12;
	v11 =	vcvt.f32.s32 v14;
	[tilespmem:v5+s4+$0x0] =	vst.idx.add.f32.msk vm4, v1  }
0x90: {  	s0 =	sor.u32 s25, s5;
	[tilespmem:v5+s20+$0x0] =	vst.idx.add.f32.msk vm4, v4  }
0x91: {  	v5 =	vtrunc.f32 v12;
	v4 =	vcvt.s32.f32 v11;
	v14 =	vld [tilespmem:s0+$0x0]  }
0x92: {  	v5 =	vcvt.f32.s32 v5;
	v13 =	vmul.f32 $5.119998780e+02, v13;
	_ =	sdelay $0x1  }
0x93: {  	v4 =	vsub.f32 v10, v4;
	v10 =	vtrunc.f32 v13  }
0x94: {  	s23 =	simm.s32 $0x3400;
	s0 =	sadd.s32 $0xBC00, s21;
	v15 =	vcvt.s32.f32 v5;
	v10 =	vcvt.f32.s32 v10;
	[tilespmem:v11+s26+$0x0] =	vst.idx.add.f32.msk vm0, v1  }
0x95: {  	s5 =	sor.u32 s18, s0;
	[tilespmem:v11+s23+$0x0] =	vst.idx.add.f32.msk vm0, v4;
	v4 =	vmul.f32 $5.119998780e+02, v14  }
0x96: {  	v12 =	vsub.f32 v12, v15;
	v11 =	vld [tilespmem:s5+$0x0]  }
0x97: {  	v14 =	vcvt.s32.f32 v10;
	[tilespmem:v5+s26+$0x0] =	vst.idx.add.f32.msk vm2, v1;
	v15 =	vtrunc.f32 v4  }
0x98: {  	s0 =	sor.u32 s28, s0;
	[tilespmem:v5+s23+$0x0] =	vst.idx.add.f32.msk vm2, v12;
	v5 =	vcvt.f32.s32 v15  }
0x99: {  	v13 =	vsub.f32 v13, v14;
	v12 =	vld [tilespmem:s0+$0x0]  }
0x9a: {  	s5 =	sadd.s32 $0xA400, s14;
	[tilespmem:v10+s3+$0x0] =	vst.idx.add.f32.msk vm1, v1  }
0x9b: {  	s23 =	sor.u32 s17, s5;
	[tilespmem:v10+s6+$0x0] =	vst.idx.add.f32.msk vm1, v13;
	v10 =	vcvt.s32.f32 v5;
	v11 =	vmul.f32 $5.119998780e+02, v11  }
0x9c: {  	v13 =	vld [tilespmem:s23+$0x0]  }
0x9d: {  	v4 =	vsub.f32 v4, v10;
	v14 =	vtrunc.f32 v11  }
0x9e: {  	v12 =	vmul.f32 $5.119998780e+02, v12;
	v10 =	vcvt.f32.s32 v14;
	[tilespmem:v5+s3+$0x0] =	vst.idx.add.f32.msk vm4, v1  }
0x9f: {  	s0 =	sor.u32 s25, s5;
	[tilespmem:v5+s6+$0x0] =	vst.idx.add.f32.msk vm4, v4  }
0xa0: {  	v5 =	vtrunc.f32 v12;
	v4 =	vcvt.s32.f32 v10;
	v14 =	vld [tilespmem:s0+$0x0]  }
0xa1: {  	v5 =	vcvt.f32.s32 v5;
	v13 =	vmul.f32 $5.119998780e+02, v13;
	_ =	sdelay $0x1  }
0xa2: {  	v4 =	vsub.f32 v11, v4;
	v11 =	vtrunc.f32 v13  }
0xa3: {  	s5 =	sadd.s32 $0xC000, s21;
	v15 =	vcvt.s32.f32 v5;
	v11 =	vcvt.f32.s32 v11;
	[tilespmem:v10+s31+$0x0] =	vst.idx.add.f32.msk vm0, v1  }
0xa4: {  	s6 =	sor.u32 s18, s5;
	[tilespmem:v10+s29+$0x0] =	vst.idx.add.f32.msk vm0, v4;
	v4 =	vmul.f32 $5.119998780e+02, v14  }
0xa5: {  	v12 =	vsub.f32 v12, v15;
	v10 =	vld [tilespmem:s6+$0x0]  }
0xa6: {  	v14 =	vcvt.s32.f32 v11;
	[tilespmem:v5+s31+$0x0] =	vst.idx.add.f32.msk vm2, v1;
	v15 =	vtrunc.f32 v4  }
0xa7: {  	s0 =	sor.u32 s28, s5;
	[tilespmem:v5+s29+$0x0] =	vst.idx.add.f32.msk vm2, v12;
	v5 =	vcvt.f32.s32 v15  }
0xa8: {  	v13 =	vsub.f32 v13, v14;
	s29 =	simm.s32 $0x400;
	v12 =	vld [tilespmem:s0+$0x0]  }
0xa9: {  	s23 =	sadd.s32 $0xA800, s14;
	[tilespmem:v11+s29+$0x0] =	vst.idx.add.f32.msk vm1, v1  }
0xaa: {  	s5 =	sor.u32 s17, s23;
	[tilespmem:v11+s12+$0x0] =	vst.idx.add.f32.msk vm1, v13;
	v11 =	vcvt.s32.f32 v5;
	v10 =	vmul.f32 $5.119998780e+02, v10  }
0xab: {  	v13 =	vld [tilespmem:s5+$0x0]  }
0xac: {  	v4 =	vsub.f32 v4, v11;
	v14 =	vtrunc.f32 v10  }
0xad: {  	v12 =	vmul.f32 $5.119998780e+02, v12;
	v11 =	vcvt.f32.s32 v14;
	[tilespmem:v5+s29+$0x0] =	vst.idx.add.f32.msk vm4, v1  }
0xae: {  	s0 =	sor.u32 s25, s23;
	[tilespmem:v5+s12+$0x0] =	vst.idx.add.f32.msk vm4, v4  }
0xaf: {  	v5 =	vtrunc.f32 v12;
	v4 =	vcvt.s32.f32 v11;
	v14 =	vld [tilespmem:s0+$0x0]  }
0xb0: {  	v5 =	vcvt.f32.s32 v5;
	v13 =	vmul.f32 $5.119998780e+02, v13;
	_ =	sdelay $0x1  }
0xb1: {  	v4 =	vsub.f32 v10, v4;
	v10 =	vtrunc.f32 v13  }
0xb2: {  	s6 =	sadd.s32 $0xC400, s21;
	s23 =	simm.s32 $0x3800;
	v15 =	vcvt.s32.f32 v5;
	v10 =	vcvt.f32.s32 v10;
	[tilespmem:v11+s9+$0x0] =	vst.idx.add.f32.msk vm0, v1  }
0xb3: {  	s29 =	sor.u32 s18, s6;
	[tilespmem:v11+s23+$0x0] =	vst.idx.add.f32.msk vm0, v4;
	v4 =	vmul.f32 $5.119998780e+02, v14  }
0xb4: {  	v12 =	vsub.f32 v12, v15;
	v11 =	vld [tilespmem:s29+$0x0]  }
0xb5: {  	v14 =	vcvt.s32.f32 v10;
	[tilespmem:v5+s9+$0x0] =	vst.idx.add.f32.msk vm2, v1;
	v15 =	vtrunc.f32 v4  }
0xb6: {  	s0 =	sor.u32 s28, s6;
	[tilespmem:v5+s23+$0x0] =	vst.idx.add.f32.msk vm2, v12;
	v5 =	vcvt.f32.s32 v15  }
0xb7: {  	v13 =	vsub.f32 v13, v14;
	v12 =	vld [tilespmem:s0+$0x0]  }
0xb8: {  	s5 =	sadd.s32 $0xAC00, s14;
	[tilespmem:v10+s15+$0x0] =	vst.idx.add.f32.msk vm1, v1  }
0xb9: {  	s6 =	sor.u32 s17, s5;
	[tilespmem:v10+s7+$0x0] =	vst.idx.add.f32.msk vm1, v13;
	v10 =	vcvt.s32.f32 v5;
	v11 =	vmul.f32 $5.119998780e+02, v11  }
0xba: {  	v13 =	vld [tilespmem:s6+$0x0]  }
0xbb: {  	v4 =	vsub.f32 v4, v10;
	v14 =	vtrunc.f32 v11  }
0xbc: {  	v12 =	vmul.f32 $5.119998780e+02, v12;
	v10 =	vcvt.f32.s32 v14;
	[tilespmem:v5+s15+$0x0] =	vst.idx.add.f32.msk vm4, v1  }
0xbd: {  	s0 =	sor.u32 s25, s5;
	[tilespmem:v5+s7+$0x0] =	vst.idx.add.f32.msk vm4, v4  }
0xbe: {  	v5 =	vtrunc.f32 v12;
	v4 =	vcvt.s32.f32 v10;
	v14 =	vld [tilespmem:s0+$0x0]  }
0xbf: {  	v5 =	vcvt.f32.s32 v5;
	v13 =	vmul.f32 $5.119998780e+02, v13;
	_ =	sdelay $0x1  }
0xc0: {  	s2 =	simm.s32 $0x1400;
	v4 =	vsub.f32 v11, v4;
	v11 =	vtrunc.f32 v13  }
0xc1: {  	vm3 =	vmmov vm1;
	s23 =	sadd.s32 $0xC800, s21;
	v15 =	vcvt.s32.f32 v5;
	v11 =	vcvt.f32.s32 v11;
	[tilespmem:v10+s2+$0x0] =	vst.idx.add.f32.msk vm0, v1  }
0xc2: {  	s29 =	sor.u32 s18, s23;
	[tilespmem:v10+s10+$0x0] =	vst.idx.add.f32.msk vm0, v4;
	v4 =	vmul.f32 $5.119998780e+02, v14  }
0xc3: {  	v12 =	vsub.f32 v12, v15;
	v10 =	vld [tilespmem:s29+$0x0]  }
0xc4: {  	v14 =	vcvt.s32.f32 v11;
	[tilespmem:v5+s2+$0x0] =	vst.idx.add.f32.msk vm2, v1;
	v15 =	vtrunc.f32 v4  }
0xc5: {  	s0 =	sor.u32 s28, s23;
	[tilespmem:v5+s10+$0x0] =	vst.idx.add.f32.msk vm2, v12;
	v5 =	vcvt.f32.s32 v15  }
0xc6: {  	v13 =	vsub.f32 v13, v14;
	v12 =	vld [tilespmem:s0+$0x0]  }
0xc7: {  	s3 =	sadd.s32 $0xB000, s14;
	[tilespmem:v11+s22+$0x0] =	vst.idx.add.f32.msk vm3, v1  }
0xc8: {  	s5 =	sor.u32 s17, s3;
	[tilespmem:v11+s11+$0x0] =	vst.idx.add.f32.msk vm3, v13;
	v11 =	vcvt.s32.f32 v5;
	v10 =	vmul.f32 $5.119998780e+02, v10  }
0xc9: {  	v13 =	vld [tilespmem:s5+$0x0]  }
0xca: {  	v4 =	vsub.f32 v4, v11;
	v14 =	vtrunc.f32 v10  }
0xcb: {  	v12 =	vmul.f32 $5.119998780e+02, v12;
	v11 =	vcvt.f32.s32 v14;
	[tilespmem:v5+s22+$0x0] =	vst.idx.add.f32.msk vm4, v1  }
0xcc: {  	s0 =	sor.u32 s25, s3;
	[tilespmem:v5+s11+$0x0] =	vst.idx.add.f32.msk vm4, v4  }
0xcd: {  	v5 =	vtrunc.f32 v12;
	v4 =	vcvt.s32.f32 v11;
	v14 =	vld [tilespmem:s0+$0x0]  }
0xce: {  	vm2 =	vmmov vm2;
	v5 =	vcvt.f32.s32 v5;
	v13 =	vmul.f32 $5.119998780e+02, v13;
	_ =	sdelay $0x1  }
0xcf: {  	v4 =	vsub.f32 v10, v4;
	v10 =	vtrunc.f32 v13  }
0xd0: {  	s6 =	sadd.s32 $0xCC00, s21;
	s10 =	simm.s32 $0x3C00;
	v15 =	vcvt.s32.f32 v5;
	v10 =	vcvt.f32.s32 v10;
	[tilespmem:v11+s8+$0x0] =	vst.idx.add.f32.msk vm0, v1  }
0xd1: {  	s11 =	sor.u32 s18, s6;
	[tilespmem:v11+s10+$0x0] =	vst.idx.add.f32.msk vm0, v4;
	v4 =	vmul.f32 $5.119998780e+02, v14  }
0xd2: {  	v12 =	vsub.f32 v12, v15;
	v11 =	vld [tilespmem:s11+$0x0]  }
0xd3: {  	v14 =	vcvt.s32.f32 v10;
	[tilespmem:v5+s8+$0x0] =	vst.idx.add.f32.msk vm2, v1;
	v15 =	vtrunc.f32 v4  }
0xd4: {  	vm1 =	vmmov vm4;
	s0 =	sor.u32 s28, s6;
	[tilespmem:v5+s10+$0x0] =	vst.idx.add.f32.msk vm2, v12;
	v5 =	vcvt.f32.s32 v15  }
0xd5: {  	v13 =	vsub.f32 v13, v14;
	v12 =	vld [tilespmem:s0+$0x0]  }
0xd6: {  	s29 =	simm.s32 $0x3000;
	s22 =	sadd.s32 $0xB400, s14;
	[tilespmem:v10+s13+$0x0] =	vst.idx.add.f32.msk vm3, v1  }
0xd7: {  	s3 =	sor.u32 s17, s22;
	[tilespmem:v10+s29+$0x0] =	vst.idx.add.f32.msk vm3, v13;
	v10 =	vcvt.s32.f32 v5;
	v11 =	vmul.f32 $5.119998780e+02, v11  }
0xd8: {  	v13 =	vld [tilespmem:s3+$0x0]  }
0xd9: {  	v4 =	vsub.f32 v4, v10;
	v14 =	vtrunc.f32 v11  }
0xda: {  	v12 =	vmul.f32 $5.119998780e+02, v12;
	v10 =	vcvt.f32.s32 v14;
	[tilespmem:v5+s13+$0x0] =	vst.idx.add.f32.msk vm1, v1  }
0xdb: {  	s0 =	sor.u32 s25, s22;
	[tilespmem:v5+s29+$0x0] =	vst.idx.add.f32.msk vm1, v4  }
0xdc: {  	v14 =	vtrunc.f32 v12;
	v5 =	vld [tilespmem:s0+$0x0]  }
0xdd: {  	v4 =	vcvt.s32.f32 v10;
	v13 =	vmul.f32 $5.119998780e+02, v13  }
0xde: {  	v14 =	vcvt.f32.s32 v14  }
0xdf: {  	s5 =	simm.s32 $0x1800;
	v4 =	vsub.f32 v11, v4;
	v11 =	vtrunc.f32 v13  }
0xe0: {  	s8 =	simm.s32 $0x3E00;
	s0 =	sadd.s32 $0xD000, s21;
	v11 =	vcvt.f32.s32 v11;
	[tilespmem:v10+s5+$0x0] =	vst.idx.add.f32.msk vm0, v1  }
0xe1: {  	s11 =	simm.s32 $0x40;
	s10 =	sor.u32 s18, s0;
	[tilespmem:v10+s8+$0x0] =	vst.idx.add.f32.msk vm0, v4;
	v5 =	vmul.f32 $5.119998780e+02, v5  }
0xe2: {  	s30 =	sand.u32 $0x60, s11;
	s13 =	simm.s32 $0x40;
	v4 =	vld [tilespmem:s10+$0x0]  }
0xe3: {  	s31 =	sor.u32 $0x10, s30;
	s2 =	sand.u32 $0xFFFFFF80, s13;
	v10 =	vcvt.s32.f32 v11;
	v15 =	vtrunc.f32 v5  }
0xe4: {  	s1 =	sor.u32 s2, s31;
	[tilespmem:v14+s5+$0x0] =	vst.idx.add.f32.msk vm2, v1;
	v15 =	vcvt.f32.s32 v15  }
0xe5: {  	s29 =	simm.s32 $0xC00;
	v10 =	vsub.f32 v13, v10;
	v13 =	vld [tilespmem:s1+$0x9C00]  }
0xe6: {  	[tilespmem:v11+s29+$0x0] =	vst.idx.add.f32.msk vm3, v1  }
0xe7: {  	s6 =	sadd.s32 $0xB800, s14;
	[tilespmem:v11+s16+$0x0] =	vst.idx.add.f32.msk vm3, v10;
	v10 =	vcvt.s32.f32 v15;
	v16 =	vmul.f32 $5.119998780e+02, v4  }
0xe8: {  	s10 =	sor.u32 s17, s6;
	v4 =	vld [tilespmem:s1+$0x9800]  }
0xe9: {  	s3 =	simm.s32 $0xC00;
	v11 =	vcvt.s32.f32 v14;
	v18 =	vld [tilespmem:s10+$0x0];
	v5 =	vsub.f32 v5, v10;
	v17 =	vtrunc.f32 v16  }
0xea: {  	vm4 =	vmmov vm0;
	s13 =	simm.s32 $0x3200;
	v10 =	vcvt.f32.s32 v17;
	[tilespmem:v15+s3+$0x0] =	vst.idx.add.f32.msk vm1, v1;
	v17 =	vmul.f32 $5.119998780e+02, v13  }
0xeb: {  	s11 =	sor.u32 s25, s6;
	v11 =	vsub.f32 v12, v11;
	[tilespmem:v15+s13+$0x0] =	vst.idx.add.f32.msk vm1, v5  }
0xec: {  	s22 =	simm.s32 $0x3E00;
	v5 =	vld [tilespmem:s11+$0x0];
	v12 =	vtrunc.f32 v17  }
0xed: {  	s0 =	sor.u32 s28, s0;
	[tilespmem:v14+s22+$0x0] =	vst.idx.add.f32.msk vm2, v11;
	v11 =	vcvt.s32.f32 v10;
	vm0 =	vne.s32 v4, $0x0;
	v12 =	vcvt.f32.s32 v12  }
0xee: {  	s16 =	sor.u32 s30, s2;
	v14 =	vld [tilespmem:s0+$0x0];
	v15 =	vmul.f32 $5.119998780e+02, v18  }
0xef: {  	s11 =	simm.s32 $0x1A00;
	v11 =	vsub.f32 v16, v11;
	v16 =	vld [tilespmem:s16+$0x9C00]  }
0xf0: {  	s29 =	simm.s32 $0x4000;
	v13 =	vtrunc.f32 v15;
	v18 =	vcvt.s32.f32 v12;
	[tilespmem:v10+s11+$0x0] =	vst.idx.add.f32.msk vm4, v1  }
0xf1: {  	[tilespmem:v10+s29+$0x0] =	vst.idx.add.f32.msk vm4, v11;
	v10 =	vcvt.f32.s32 v13;
	v5 =	vmul.f32 $5.119998780e+02, v5  }
0xf2: {  	v13 =	vld [tilespmem:s16+$0x9800];
	v11 =	vsub.f32 v17, v18  }
0xf3: {  	s1 =	sadd.s32 $0xA000, s2;
	v17 =	vcvt.s32.f32 v10;
	v18 =	vtrunc.f32 v5;
	[tilespmem:v12+s4+$0x0] =	vst.idx.add.f32.msk vm0, v1  }
0xf4: {  	s22 =	sor.u32 s31, s1;
	s0 =	sadd.s32 $0xD400, s21;
	v16 =	vmul.f32 $5.119998780e+02, v16;
	v18 =	vcvt.f32.s32 v18;
	[tilespmem:v12+s20+$0x0] =	vst.idx.add.f32.msk vm0, v11  }
0xf5: {  	s6 =	sor.u32 s18, s0;
	v11 =	vld [tilespmem:s22+$0x0]  }
0xf6: {  	v12 =	vmul.f32 $5.119998780e+02, v14;
	v14 =	vld [tilespmem:s6+$0x0];
	v15 =	vsub.f32 v15, v17;
	v17 =	vtrunc.f32 v16  }
0xf7: {  	s10 =	sadd.s32 $0xBC00, s14;
	s16 =	simm.s32 $0x3400;
	v19 =	vcvt.s32.f32 v18;
	vm5 =	vne.s32 v13, $0x0;
	v17 =	vcvt.f32.s32 v17;
	[tilespmem:v10+s26+$0x0] =	vst.idx.add.f32.msk vm3, v1  }
0xf8: {  	s6 =	sor.u32 s17, s10;
	[tilespmem:v10+s16+$0x0] =	vst.idx.add.f32.msk vm3, v15  }
0xf9: {  	v10 =	vtrunc.f32 v12;
	v5 =	vsub.f32 v5, v19;
	v15 =	vld [tilespmem:s6+$0x0]  }
0xfa: {  	v19 =	vcvt.s32.f32 v17;
	[tilespmem:v18+s26+$0x0] =	vst.idx.add.f32.msk vm1, v1;
	v11 =	vmul.f32 $5.119998780e+02, v11  }
0xfb: {  	s3 =	sor.u32 s25, s10;
	v10 =	vcvt.f32.s32 v10;
	[tilespmem:v18+s16+$0x0] =	vst.idx.add.f32.msk vm1, v5  }
0xfc: {  	v16 =	vsub.f32 v16, v19;
	v5 =	vmul.f32 $5.119998780e+02, v14;
	v14 =	vld [tilespmem:s3+$0x0];
	v18 =	vtrunc.f32 v11  }
0xfd: {  	[tilespmem:v17+s4+$0x0] =	vst.idx.add.f32.msk vm5, v1;
	v18 =	vcvt.f32.s32 v18  }
0xfe: {  	s1 =	sor.u32 s30, s1;
	v19 =	vtrunc.f32 v5;
	[tilespmem:v17+s20+$0x0] =	vst.idx.add.f32.msk vm5, v16;
	v15 =	vmul.f32 $5.119998780e+02, v15  }
0xff: {  	v16 =	vcvt.f32.s32 v19;
	v17 =	vld [tilespmem:s1+$0x0]  }
0x100: {  	v20 =	vcvt.s32.f32 v18;
	v19 =	vtrunc.f32 v15  }
0x101: {  	v19 =	vcvt.f32.s32 v19;
	v14 =	vmul.f32 $5.119998780e+02, v14  }
0x102: {  	[tilespmem:v10+s11+$0x0] =	vst.idx.add.f32.msk vm2, v1;
	s11 =	simm.s32 $0x200;
	v11 =	vsub.f32 v11, v20  }
0x103: {  	s16 =	simm.s32 $0x2800;
	s1 =	sadd.s32 $0xA400, s2;
	v20 =	vcvt.s32.f32 v19;
	v21 =	vtrunc.f32 v14;
	[tilespmem:v18+s11+$0x0] =	vst.idx.add.f32.msk vm0, v1  }
0x104: {  	s10 =	sor.u32 s31, s1;
	v17 =	vmul.f32 $5.119998780e+02, v17;
	v21 =	vcvt.f32.s32 v21;
	[tilespmem:v18+s16+$0x0] =	vst.idx.add.f32.msk vm0, v11  }
0x105: {  	v11 =	vld [tilespmem:s10+$0x0]  }
0x106: {  	[tilespmem:v16+s24+$0x0] =	vst.idx.add.f32.msk vm4, v1;
	v15 =	vsub.f32 v15, v20;
	v18 =	vtrunc.f32 v17;
	s10 =	simm.s32 $0x1000  }
0x107: {  	s22 =	simm.s32 $0x3600;
	s3 =	sadd.s32 $0xC000, s14;
	v20 =	vcvt.s32.f32 v21;
	v18 =	vcvt.f32.s32 v18;
	[tilespmem:v19+s10+$0x0] =	vst.idx.add.f32.msk vm3, v1  }
0x108: {  	s8 =	sor.u32 s17, s3;
	[tilespmem:v19+s22+$0x0] =	vst.idx.add.f32.msk vm3, v15  }
0x109: {  	v14 =	vsub.f32 v14, v20;
	v15 =	vld [tilespmem:s8+$0x0]  }
0x10a: {  	v19 =	vcvt.s32.f32 v18;
	[tilespmem:v21+s10+$0x0] =	vst.idx.add.f32.msk vm1, v1;
	v11 =	vmul.f32 $5.119998780e+02, v11  }
0x10b: {  	s3 =	sor.u32 s25, s3;
	[tilespmem:v21+s22+$0x0] =	vst.idx.add.f32.msk vm1, v14  }
0x10c: {  	v17 =	vsub.f32 v17, v19;
	v14 =	vcvt.s32.f32 v16;
	v20 =	vld [tilespmem:s3+$0x0];
	v19 =	vtrunc.f32 v11  }
0x10d: {  	[tilespmem:v18+s11+$0x0] =	vst.idx.add.f32.msk vm5, v1;
	v19 =	vcvt.f32.s32 v19  }
0x10e: {  	v21 =	vcvt.s32.f32 v10;
	s11 =	sor.u32 s30, s1;
	v5 =	vsub.f32 v5, v14;
	[tilespmem:v18+s16+$0x0] =	vst.idx.add.f32.msk vm5, v17;
	v14 =	vmul.f32 $5.119998780e+02, v15  }
0x10f: {  	s22 =	simm.s32 $0x4200;
	s1 =	sadd.s32 $0xD800, s21;
	v15 =	vld [tilespmem:s11+$0x0]  }
0x110: {  	v12 =	vsub.f32 v12, v21;
	s8 =	sor.u32 s18, s1;
	[tilespmem:v16+s22+$0x0] =	vst.idx.add.f32.msk vm4, v5;
	v16 =	vcvt.s32.f32 v19;
	v5 =	vtrunc.f32 v14  }
0x111: {  	v17 =	vld [tilespmem:s8+$0x0];
	v5 =	vcvt.f32.s32 v5;
	v18 =	vmul.f32 $5.119998780e+02, v20  }
0x112: {  	s11 =	simm.s32 $0x400;
	[tilespmem:v10+s29+$0x0] =	vst.idx.add.f32.msk vm2, v12;
	v10 =	vsub.f32 v11, v16  }
0x113: {  	s3 =	sadd.s32 $0xA800, s2;
	v11 =	vcvt.s32.f32 v5;
	v12 =	vtrunc.f32 v18;
	[tilespmem:v19+s11+$0x0] =	vst.idx.add.f32.msk vm0, v1  }
0x114: {  	s10 =	sor.u32 s31, s3;
	v15 =	vmul.f32 $5.119998780e+02, v15;
	v12 =	vcvt.f32.s32 v12;
	[tilespmem:v19+s12+$0x0] =	vst.idx.add.f32.msk vm0, v10  }
0x115: {  	s0 =	sor.u32 s28, s0;
	v10 =	vld [tilespmem:s10+$0x0]  }
0x116: {  	s16 =	simm.s32 $0x1200;
	v16 =	vld [tilespmem:s0+$0x0];
	v17 =	vmul.f32 $5.119998780e+02, v17;
	v11 =	vsub.f32 v14, v11;
	v14 =	vtrunc.f32 v15  }
0x117: {  	s9 =	simm.s32 $0x3800;
	s0 =	sadd.s32 $0xC400, s14;
	v19 =	vcvt.s32.f32 v12;
	v14 =	vcvt.f32.s32 v14;
	[tilespmem:v5+s16+$0x0] =	vst.idx.add.f32.msk vm3, v1  }
0x118: {  	s10 =	sor.u32 s17, s0;
	v20 =	vtrunc.f32 v17;
	[tilespmem:v5+s9+$0x0] =	vst.idx.add.f32.msk vm3, v11  }
0x119: {  	v5 =	vcvt.f32.s32 v20;
	v18 =	vsub.f32 v18, v19;
	v11 =	vld [tilespmem:s10+$0x0]  }
0x11a: {  	v19 =	vcvt.s32.f32 v14;
	[tilespmem:v12+s16+$0x0] =	vst.idx.add.f32.msk vm1, v1;
	v10 =	vmul.f32 $5.119998780e+02, v10  }
0x11b: {  	s0 =	sor.u32 s25, s0;
	[tilespmem:v12+s9+$0x0] =	vst.idx.add.f32.msk vm1, v18  }
0x11c: {  	v15 =	vsub.f32 v15, v19;
	v12 =	vmul.f32 $5.119998780e+02, v16;
	v16 =	vld [tilespmem:s0+$0x0];
	v18 =	vtrunc.f32 v10  }
0x11d: {  	v19 =	vcvt.s32.f32 v5;
	[tilespmem:v14+s11+$0x0] =	vst.idx.add.f32.msk vm5, v1;
	v18 =	vcvt.f32.s32 v18  }
0x11e: {  	s11 =	sor.u32 s30, s3;
	v20 =	vtrunc.f32 v12;
	[tilespmem:v14+s12+$0x0] =	vst.idx.add.f32.msk vm5, v15;
	v11 =	vmul.f32 $5.119998780e+02, v11  }
0x11f: {  	s16 =	simm.s32 $0x1E00;
	v15 =	vsub.f32 v17, v19;
	v14 =	vcvt.f32.s32 v20;
	v17 =	vld [tilespmem:s11+$0x0]  }
0x120: {  	s29 =	simm.s32 $0x4400;
	s0 =	sadd.s32 $0xDC00, s21;
	[tilespmem:v5+s16+$0x0] =	vst.idx.add.f32.msk vm4, v1;
	v20 =	vcvt.s32.f32 v18;
	v19 =	vtrunc.f32 v11  }
0x121: {  	s8 =	sor.u32 s18, s0;
	[tilespmem:v5+s29+$0x0] =	vst.idx.add.f32.msk vm4, v15;
	v5 =	vcvt.f32.s32 v19;
	v15 =	vmul.f32 $5.119998780e+02, v16  }
0x122: {  	v16 =	vld [tilespmem:s8+$0x0];
	v10 =	vsub.f32 v10, v20  }
0x123: {  	s3 =	sadd.s32 $0xAC00, s2;
	v19 =	vcvt.s32.f32 v5;
	v20 =	vtrunc.f32 v15;
	[tilespmem:v18+s15+$0x0] =	vst.idx.add.f32.msk vm0, v1  }
0x124: {  	s9 =	sor.u32 s31, s3;
	v17 =	vmul.f32 $5.119998780e+02, v17;
	v20 =	vcvt.f32.s32 v20;
	[tilespmem:v18+s7+$0x0] =	vst.idx.add.f32.msk vm0, v10  }
0x125: {  	v10 =	vld [tilespmem:s9+$0x0]  }
0x126: {  	s12 =	simm.s32 $0x1400;
	[tilespmem:v14+s24+$0x0] =	vst.idx.add.f32.msk vm2, v1;
	v11 =	vsub.f32 v11, v19;
	v18 =	vtrunc.f32 v17  }
0x127: {  	s6 =	simm.s32 $0x3A00;
	s10 =	sadd.s32 $0xC800, s14;
	v19 =	vcvt.s32.f32 v20;
	v18 =	vcvt.f32.s32 v18;
	[tilespmem:v5+s12+$0x0] =	vst.idx.add.f32.msk vm3, v1  }
0x128: {  	s16 =	sor.u32 s17, s10;
	[tilespmem:v5+s6+$0x0] =	vst.idx.add.f32.msk vm3, v11  }
0x129: {  	v5 =	vmul.f32 $5.119998780e+02, v16;
	v15 =	vsub.f32 v15, v19;
	v11 =	vld [tilespmem:s16+$0x0]  }
0x12a: {  	v16 =	vcvt.s32.f32 v18;
	[tilespmem:v20+s12+$0x0] =	vst.idx.add.f32.msk vm1, v1;
	v10 =	vmul.f32 $5.119998780e+02, v10  }
0x12b: {  	s8 =	sor.u32 s25, s10;
	v19 =	vcvt.s32.f32 v14;
	v21 =	vtrunc.f32 v5;
	[tilespmem:v20+s6+$0x0] =	vst.idx.add.f32.msk vm1, v15  }
0x12c: {  	v16 =	vsub.f32 v17, v16;
	v15 =	vcvt.f32.s32 v21;
	v20 =	vld [tilespmem:s8+$0x0];
	v17 =	vtrunc.f32 v10  }
0x12d: {  	vm0 =	vmmov vm0;
	[tilespmem:v18+s15+$0x0] =	vst.idx.add.f32.msk vm5, v1;
	v17 =	vcvt.f32.s32 v17  }
0x12e: {  	s3 =	sor.u32 s30, s3;
	v12 =	vsub.f32 v12, v19;
	[tilespmem:v18+s7+$0x0] =	vst.idx.add.f32.msk vm5, v16;
	v11 =	vmul.f32 $5.119998780e+02, v11  }
0x12f: {  	s22 =	simm.s32 $0x4200;
	v16 =	vcvt.s32.f32 v15;
	v18 =	vld [tilespmem:s3+$0x0]  }
0x130: {  	s1 =	sor.u32 s28, s1;
	[tilespmem:v14+s22+$0x0] =	vst.idx.add.f32.msk vm2, v12;
	v14 =	vcvt.s32.f32 v17;
	v12 =	vtrunc.f32 v11  }
0x131: {  	s6 =	simm.s32 $0x2000;
	v19 =	vld [tilespmem:s1+$0x0];
	v12 =	vcvt.f32.s32 v12;
	v20 =	vmul.f32 $5.119998780e+02, v20  }
0x132: {  	s7 =	simm.s32 $0x800;
	[tilespmem:v15+s6+$0x0] =	vst.idx.add.f32.msk vm4, v1;
	v10 =	vsub.f32 v10, v14  }
0x133: {  	s11 =	simm.s32 $0x2E00;
	s3 =	sadd.s32 $0xB000, s2;
	v5 =	vsub.f32 v5, v16;
	v14 =	vcvt.s32.f32 v12;
	v16 =	vtrunc.f32 v20;
	[tilespmem:v17+s7+$0x0] =	vst.idx.add.f32.msk vm0, v1  }
0x134: {  	vm1 =	vmmov vm1;
	s12 =	sor.u32 s31, s3;
	v18 =	vmul.f32 $5.119998780e+02, v18;
	v16 =	vcvt.f32.s32 v16;
	[tilespmem:v17+s11+$0x0] =	vst.idx.add.f32.msk vm0, v10  }
0x135: {  	v10 =	vld [tilespmem:s12+$0x0];
	s12 =	simm.s32 $0x4600  }
0x136: {  	s16 =	simm.s32 $0x1600;
	v17 =	vmul.f32 $5.119998780e+02, v19;
	[tilespmem:v15+s12+$0x0] =	vst.idx.add.f32.msk vm4, v5;
	v5 =	vsub.f32 v11, v14;
	v11 =	vtrunc.f32 v18  }
0x137: {  	s23 =	simm.s32 $0x3C00;
	s15 =	sadd.s32 $0xCC00, s14;
	vm5 =	vmmov vm5;
	v14 =	vcvt.s32.f32 v16;
	[tilespmem:v12+s16+$0x0] =	vst.idx.add.f32.msk vm3, v1;
	v11 =	vcvt.f32.s32 v11  }
0x138: {  	s22 =	sor.u32 s17, s15;
	[tilespmem:v12+s23+$0x0] =	vst.idx.add.f32.msk vm3, v5  }
0x139: {  	v5 =	vtrunc.f32 v17;
	v14 =	vsub.f32 v20, v14;
	v12 =	vld [tilespmem:s22+$0x0]  }
0x13a: {  	v15 =	vcvt.s32.f32 v11;
	[tilespmem:v16+s16+$0x0] =	vst.idx.add.f32.msk vm1, v1;
	v10 =	vmul.f32 $5.119998780e+02, v10  }
0x13b: {  	s1 =	sor.u32 s25, s15;
	v5 =	vcvt.f32.s32 v5;
	[tilespmem:v16+s23+$0x0] =	vst.idx.add.f32.msk vm1, v14  }
0x13c: {  	v15 =	vsub.f32 v18, v15;
	v14 =	vld [tilespmem:s1+$0x0];
	v16 =	vtrunc.f32 v10  }
0x13d: {  	[tilespmem:v11+s7+$0x0] =	vst.idx.add.f32.msk vm5, v1;
	v16 =	vcvt.f32.s32 v16  }
0x13e: {  	s3 =	sor.u32 s30, s3;
	v18 =	vcvt.s32.f32 v5;
	s1 =	sadd.s32 $0xE000, s21;
	v12 =	vmul.f32 $5.119998780e+02, v12;
	[tilespmem:v11+s11+$0x0] =	vst.idx.add.f32.msk vm5, v15  }
0x13f: {  	s10 =	sor.u32 s18, s1;
	v11 =	vld [tilespmem:s3+$0x0]  }
0x140: {  	s15 =	simm.s32 $0x1E00;
	v17 =	vsub.f32 v17, v18;
	v15 =	vld [tilespmem:s10+$0x0];
	v19 =	vcvt.s32.f32 v16;
	v18 =	vtrunc.f32 v12  }
0x141: {  	s29 =	simm.s32 $0x4400;
	[tilespmem:v5+s15+$0x0] =	vst.idx.add.f32.msk vm2, v1;
	v18 =	vcvt.f32.s32 v18;
	v14 =	vmul.f32 $5.119998780e+02, v14  }
0x142: {  	s9 =	simm.s32 $0xA00;
	[tilespmem:v5+s29+$0x0] =	vst.idx.add.f32.msk vm2, v17;
	v5 =	vsub.f32 v10, v19  }
0x143: {  	s7 =	simm.s32 $0x3000;
	s3 =	sadd.s32 $0xB400, s2;
	v10 =	vcvt.s32.f32 v18;
	v17 =	vtrunc.f32 v14;
	[tilespmem:v16+s9+$0x0] =	vst.idx.add.f32.msk vm0, v1  }
0x144: {  	s11 =	sor.u32 s31, s3;
	v17 =	vcvt.f32.s32 v17;
	v11 =	vmul.f32 $5.119998780e+02, v11;
	[tilespmem:v16+s7+$0x0] =	vst.idx.add.f32.msk vm0, v5  }
0x145: {  	s0 =	sor.u32 s28, s0;
	v5 =	vld [tilespmem:s11+$0x0]  }
0x146: {  	s5 =	simm.s32 $0x1800;
	v15 =	vmul.f32 $5.119998780e+02, v15;
	v16 =	vld [tilespmem:s0+$0x0];
	v10 =	vsub.f32 v12, v10;
	v12 =	vtrunc.f32 v11  }
0x147: {  	s16 =	sadd.s32 $0xD000, s14;
	s23 =	simm.s32 $0x3E00;
	v19 =	vcvt.s32.f32 v17;
	[tilespmem:v18+s5+$0x0] =	vst.idx.add.f32.msk vm3, v1;
	v12 =	vcvt.f32.s32 v12  }
0x148: {  	s29 =	sor.u32 s17, s16;
	v20 =	vtrunc.f32 v15;
	[tilespmem:v18+s23+$0x0] =	vst.idx.add.f32.msk vm3, v10  }
0x149: {  	v10 =	vcvt.f32.s32 v20;
	v14 =	vsub.f32 v14, v19;
	v18 =	vld [tilespmem:s29+$0x0]  }
0x14a: {  	v19 =	vcvt.s32.f32 v12;
	[tilespmem:v17+s5+$0x0] =	vst.idx.add.f32.msk vm1, v1;
	v5 =	vmul.f32 $5.119998780e+02, v5  }
0x14b: {  	s0 =	sor.u32 s25, s16;
	[tilespmem:v17+s23+$0x0] =	vst.idx.add.f32.msk vm1, v14  }
0x14c: {  	v14 =	vmul.f32 $5.119998780e+02, v16;
	v11 =	vsub.f32 v11, v19;
	v16 =	vld [tilespmem:s0+$0x0];
	v17 =	vtrunc.f32 v5  }
0x14d: {  	v19 =	vcvt.s32.f32 v10;
	[tilespmem:v12+s9+$0x0] =	vst.idx.add.f32.msk vm5, v1;
	v17 =	vcvt.f32.s32 v17  }
0x14e: {  	s5 =	sor.u32 s30, s3;
	v20 =	vtrunc.f32 v14;
	v18 =	vmul.f32 $5.119998780e+02, v18;
	[tilespmem:v12+s7+$0x0] =	vst.idx.add.f32.msk vm5, v11  }
0x14f: {  	s8 =	simm.s32 $0x2200;
	v11 =	vsub.f32 v15, v19;
	v12 =	vcvt.f32.s32 v20;
	v15 =	vld [tilespmem:s5+$0x0]  }
0x150: {  	s10 =	sadd.s32 $0xE400, s21;
	s9 =	simm.s32 $0x4800;
	[tilespmem:v10+s8+$0x0] =	vst.idx.add.f32.msk vm4, v1;
	v20 =	vcvt.s32.f32 v17;
	v19 =	vtrunc.f32 v18  }
0x151: {  	vm6 =	vmmov vm3;
	s11 =	sor.u32 s18, s10;
	[tilespmem:v10+s9+$0x0] =	vst.idx.add.f32.msk vm4, v11;
	v11 =	vcvt.f32.s32 v19;
	v16 =	vmul.f32 $5.119998780e+02, v16  }
0x152: {  	s9 =	simm.s32 $0xC00;
	v10 =	vld [tilespmem:s11+$0x0];
	v5 =	vsub.f32 v5, v20  }
0x153: {  	s0 =	sadd.s32 $0xB800, s2;
	v19 =	vcvt.s32.f32 v11;
	v20 =	vtrunc.f32 v16;
	[tilespmem:v17+s9+$0x0] =	vst.idx.add.f32.msk vm0, v1  }
0x154: {  	s16 =	sor.u32 s31, s0;
	v20 =	vcvt.f32.s32 v20;
	v15 =	vmul.f32 $5.119998780e+02, v15;
	[tilespmem:v17+s13+$0x0] =	vst.idx.add.f32.msk vm0, v5  }
0x155: {  	s6 =	simm.s32 $0x2000;
	v5 =	vld [tilespmem:s16+$0x0]  }
0x156: {  	s29 =	simm.s32 $0x1A00;
	[tilespmem:v12+s6+$0x0] =	vst.idx.add.f32.msk vm2, v1;
	v17 =	vsub.f32 v18, v19;
	v18 =	vtrunc.f32 v15  }
0x157: {  	s23 =	sadd.s32 $0xD400, s14;
	s5 =	simm.s32 $0x4000;
	v19 =	vcvt.s32.f32 v20;
	[tilespmem:v11+s29+$0x0] =	vst.idx.add.f32.msk vm6, v1;
	v18 =	vcvt.f32.s32 v18  }
0x158: {  	s6 =	sor.u32 s17, s23;
	[tilespmem:v11+s5+$0x0] =	vst.idx.add.f32.msk vm6, v17  }
0x159: {  	v16 =	vsub.f32 v16, v19;
	v11 =	vld [tilespmem:s6+$0x0]  }
0x15a: {  	vm7 =	vmmov vm2;
	v17 =	vcvt.s32.f32 v18;
	[tilespmem:v20+s29+$0x0] =	vst.idx.add.f32.msk vm1, v1;
	v19 =	vmul.f32 $5.119998780e+02, v5  }
0x15b: {  	s3 =	sor.u32 s25, s23;
	[tilespmem:v20+s5+$0x0] =	vst.idx.add.f32.msk vm1, v16  }
0x15c: {  	v5 =	vcvt.s32.f32 v12;
	v15 =	vsub.f32 v15, v17;
	v16 =	vld [tilespmem:s3+$0x0];
	v17 =	vtrunc.f32 v19  }
0x15d: {  	[tilespmem:v18+s9+$0x0] =	vst.idx.add.f32.msk vm5, v1;
	v17 =	vcvt.f32.s32 v17;
	s9 =	simm.s32 $0x60  }
0x15e: {  	s23 =	simm.s32 $0x60;
	s16 =	sor.u32 s30, s0;
	v5 =	vsub.f32 v14, v5;
	v11 =	vmul.f32 $5.119998780e+02, v11;
	[tilespmem:v18+s13+$0x0] =	vst.idx.add.f32.msk vm5, v15;
	s0 =	sand.u32 $0x60, s9  }
0x15f: {  	s13 =	sand.u32 $0xFFFFFF80, s23;
	v14 =	vld [tilespmem:s16+$0x0];
	s8 =	sor.u32 $0x10, s0  }
0x160: {  	[tilespmem:v12+s12+$0x0] =	vst.idx.add.f32.msk vm7, v5;
	v12 =	vcvt.s32.f32 v17;
	v5 =	vtrunc.f32 v11;
	s29 =	sor.u32 s13, s8  }
0x161: {  	v15 =	vcvt.f32.s32 v5;
	v5 =	vld [tilespmem:s29+$0x9800]  }
0x162: {  	v18 =	vld [tilespmem:s29+$0x9C00];
	v12 =	vsub.f32 v19, v12  }
0x163: {  	s5 =	sadd.s32 $0xBC00, s2;
	s12 =	simm.s32 $0x3400;
	v16 =	vmul.f32 $5.119998780e+02, v16;
	[tilespmem:v17+s26+$0x0] =	vst.idx.add.f32.msk vm0, v1  }
0x164: {  	s23 =	sor.u32 s31, s5;
	v19 =	vcvt.s32.f32 v15;
	v14 =	vmul.f32 $5.119998780e+02, v14;
	[tilespmem:v17+s12+$0x0] =	vst.idx.add.f32.msk vm0, v12  }
0x165: {  	s1 =	sor.u32 s28, s1;
	v20 =	vtrunc.f32 v16;
	v12 =	vld [tilespmem:s23+$0x0]  }
0x166: {  	v20 =	vcvt.f32.s32 v20;
	v17 =	vld [tilespmem:s1+$0x0];
	v11 =	vsub.f32 v11, v19;
	v19 =	vtrunc.f32 v14  }
0x167: {  	s6 =	simm.s32 $0x4200;
	s1 =	sadd.s32 $0xD800, s14;
	v18 =	vmul.f32 $5.119998780e+02, v18;
	[tilespmem:v15+s24+$0x0] =	vst.idx.add.f32.msk vm6, v1;
	v19 =	vcvt.f32.s32 v19  }
0x168: {  	s29 =	sor.u32 s17, s1;
	[tilespmem:v15+s6+$0x0] =	vst.idx.add.f32.msk vm6, v11  }
0x169: {  	s7 =	sor.u32 s0, s13;
	v15 =	vtrunc.f32 v18;
	v11 =	vld [tilespmem:s29+$0x0];
	v21 =	vcvt.s32.f32 v19  }
0x16a: {  	v23 =	vld [tilespmem:s7+$0x9C00];
	vm3 =	vne.s32 v5, $0x0;
	v22 =	vcvt.f32.s32 v15;
	v12 =	vmul.f32 $5.119998780e+02, v12  }
0x16b: {  	v15 =	vld [tilespmem:s7+$0x9800]  }
0x16c: {  	[tilespmem:v20+s24+$0x0] =	vst.idx.add.f32.msk vm1, v1;
	v14 =	vsub.f32 v14, v21;
	v21 =	vtrunc.f32 v12  }
0x16d: {  	v24 =	vcvt.s32.f32 v22;
	[tilespmem:v19+s26+$0x0] =	vst.idx.add.f32.msk vm5, v1;
	v21 =	vcvt.f32.s32 v21  }
0x16e: {  	s3 =	sor.u32 s30, s5;
	v11 =	vmul.f32 $5.119998780e+02, v11;
	[tilespmem:v19+s12+$0x0] =	vst.idx.add.f32.msk vm5, v14  }
0x16f: {  	v23 =	vmul.f32 $5.119998780e+02, v23;
	v18 =	vsub.f32 v18, v24;
	v19 =	vld [tilespmem:s3+$0x0]  }
0x170: {  	s11 =	sadd.s32 $0xA000, s13;
	[tilespmem:v22+s4+$0x0] =	vst.idx.add.f32.msk vm3, v1;
	v25 =	vcvt.s32.f32 v21;
	v46 =	vtrunc.f32 v11  }
0x171: {  	s12 =	sor.u32 s8, s11;
	[tilespmem:v22+s20+$0x0] =	vst.idx.add.f32.msk vm3, v18;
	v24 =	vcvt.f32.s32 v46  }
0x172: {  	s7 =	simm.s32 $0x1000;
	v14 =	vcvt.s32.f32 v20;
	v22 =	vtrunc.f32 v23;
	v18 =	vld [tilespmem:s12+$0x0];
	v12 =	vsub.f32 v12, v25  }
0x173: {  	s5 =	simm.s32 $0x3600;
	vm8 =	vne.s32 v15, $0x0;
	s12 =	sadd.s32 $0xC000, s2;
	v22 =	vcvt.f32.s32 v22;
	[tilespmem:v21+s7+$0x0] =	vst.idx.add.f32.msk vm0, v1  }
0x174: {  	v14 =	vsub.f32 v16, v14;
	s23 =	sor.u32 s31, s12;
	v16 =	vcvt.s32.f32 v24;
	v19 =	vmul.f32 $5.119998780e+02, v19;
	[tilespmem:v21+s5+$0x0] =	vst.idx.add.f32.msk vm0, v12  }
0x175: {  	v12 =	vld [tilespmem:s23+$0x0]  }
0x176: {  	[tilespmem:v20+s6+$0x0] =	vst.idx.add.f32.msk vm1, v14;
	v14 =	vcvt.s32.f32 v22;
	v11 =	vsub.f32 v11, v16;
	v16 =	vtrunc.f32 v19  }
0x177: {  	s22 =	simm.s32 $0x4400;
	s23 =	sadd.s32 $0xDC00, s14;
	v18 =	vmul.f32 $5.119998780e+02, v18;
	[tilespmem:v24+s15+$0x0] =	vst.idx.add.f32.msk vm6, v1;
	v16 =	vcvt.f32.s32 v16  }
0x178: {  	s29 =	sor.u32 s17, s23;
	[tilespmem:v24+s22+$0x0] =	vst.idx.add.f32.msk vm6, v11  }
0x179: {  	v14 =	vsub.f32 v23, v14;
	v21 =	vtrunc.f32 v18;
	v11 =	vld [tilespmem:s29+$0x0];
	v20 =	vcvt.s32.f32 v16  }
0x17a: {  	[tilespmem:v22+s4+$0x0] =	vst.idx.add.f32.msk vm8, v1;
	v21 =	vcvt.f32.s32 v21;
	v12 =	vmul.f32 $5.119998780e+02, v12  }
0x17b: {  	s11 =	sor.u32 s0, s11;
	[tilespmem:v22+s20+$0x0] =	vst.idx.add.f32.msk vm8, v14  }
0x17c: {  	v14 =	vsub.f32 v19, v20;
	v19 =	vld [tilespmem:s11+$0x0];
	v20 =	vtrunc.f32 v12  }
0x17d: {  	v22 =	vcvt.s32.f32 v21;
	[tilespmem:v16+s7+$0x0] =	vst.idx.add.f32.msk vm5, v1;
	v20 =	vcvt.f32.s32 v20  }
0x17e: {  	s3 =	sor.u32 s30, s12;
	v11 =	vmul.f32 $5.119998780e+02, v11;
	[tilespmem:v16+s5+$0x0] =	vst.idx.add.f32.msk vm5, v14  }
0x17f: {  	v16 =	vsub.f32 v18, v22;
	v14 =	vld [tilespmem:s3+$0x0];
	s3 =	simm.s32 $0x200  }
0x180: {  	s22 =	simm.s32 $0x2800;
	s11 =	sadd.s32 $0xA400, s13;
	v22 =	vcvt.s32.f32 v20;
	v18 =	vtrunc.f32 v11;
	[tilespmem:v21+s3+$0x0] =	vst.idx.add.f32.msk vm3, v1  }
0x181: {  	s5 =	sor.u32 s8, s11;
	v19 =	vmul.f32 $5.119998780e+02, v19;
	v18 =	vcvt.f32.s32 v18;
	[tilespmem:v21+s22+$0x0] =	vst.idx.add.f32.msk vm3, v16  }
0x182: {  	v12 =	vsub.f32 v12, v22;
	v16 =	vld [tilespmem:s5+$0x0];
	s5 =	simm.s32 $0x1200  }
0x183: {  	s12 =	sadd.s32 $0xC400, s2;
	s7 =	simm.s32 $0x3800;
	v22 =	vtrunc.f32 v19;
	v21 =	vcvt.s32.f32 v18;
	[tilespmem:v20+s5+$0x0] =	vst.idx.add.f32.msk vm0, v1  }
0x184: {  	s6 =	sor.u32 s31, s12;
	v22 =	vcvt.f32.s32 v22;
	v14 =	vmul.f32 $5.119998780e+02, v14;
	[tilespmem:v20+s7+$0x0] =	vst.idx.add.f32.msk vm0, v12  }
0x185: {  	s1 =	sor.u32 s25, s1;
	s15 =	sadd.s32 $0xE000, s14;
	v12 =	vld [tilespmem:s6+$0x0]  }
0x186: {  	s29 =	simm.s32 $0x2000;
	v20 =	vld [tilespmem:s1+$0x0];
	v11 =	vsub.f32 v11, v21;
	v21 =	vcvt.s32.f32 v22;
	[dreg:$0x11] =	wrdreg s15;
	v23 =	vtrunc.f32 v14  }
0x187: {  	s16 =	simm.s32 $0x4600;
	[tilespmem:v18+s29+$0x0] =	vst.idx.add.f32.msk vm6, v1;
	v16 =	vmul.f32 $5.119998780e+02, v16;
	v23 =	vcvt.f32.s32 v23  }
0x188: {  	s6 =	sor.u32 s17, s15;
	[tilespmem:v18+s16+$0x0] =	vst.idx.add.f32.msk vm6, v11  }
0x189: {  	v18 =	vsub.f32 v19, v21;
	v11 =	vld [tilespmem:s6+$0x0];
	v19 =	vtrunc.f32 v16;
	v21 =	vcvt.s32.f32 v23  }
0x18a: {  	[tilespmem:v22+s3+$0x0] =	vst.idx.add.f32.msk vm8, v1;
	v19 =	vcvt.f32.s32 v19;
	v12 =	vmul.f32 $5.119998780e+02, v12  }
0x18b: {  	s11 =	sor.u32 s0, s11;
	[tilespmem:v22+s22+$0x0] =	vst.idx.add.f32.msk vm8, v18  }
0x18c: {  	v17 =	vmul.f32 $5.119998780e+02, v17;
	v14 =	vsub.f32 v14, v21;
	v18 =	vld [tilespmem:s11+$0x0];
	v21 =	vtrunc.f32 v12  }
0x18d: {  	v22 =	vcvt.s32.f32 v19;
	[tilespmem:v23+s5+$0x0] =	vst.idx.add.f32.msk vm5, v1;
	v21 =	vcvt.f32.s32 v21  }
0x18e: {  	v47 =	vtrunc.f32 v17;
	s15 =	sor.u32 s30, s12;
	[tilespmem:v23+s7+$0x0] =	vst.idx.add.f32.msk vm5, v14  }
0x18f: {  	v20 =	vmul.f32 $5.119998780e+02, v20;
	s6 =	simm.s32 $0x400;
	v14 =	vcvt.f32.s32 v47;
	v16 =	vsub.f32 v16, v22;
	v22 =	vld [tilespmem:s15+$0x0]  }
0x190: {  	s11 =	sadd.s32 $0xA800, s13;
	s7 =	simm.s32 $0x2A00;
	v23 =	vcvt.s32.f32 v21;
	[tilespmem:v19+s6+$0x0] =	vst.idx.add.f32.msk vm3, v1  }
0x191: {  	s22 =	sor.u32 s8, s11;
	v48 =	vmul.f32 $5.119998780e+02, v11;
	v11 =	vtrunc.f32 v20;
	[tilespmem:v19+s7+$0x0] =	vst.idx.add.f32.msk vm3, v16  }
0x192: {  	s3 =	simm.s32 $0x1400;
	v24 =	vcvt.s32.f32 v14;
	v16 =	vmul.f32 $5.119998780e+02, v18;
	v12 =	vsub.f32 v12, v23;
	v18 =	vld [tilespmem:s22+$0x0]  }
0x193: {  	s5 =	simm.s32 $0x3A00;
	v19 =	vcvt.f32.s32 v11;
	v11 =	vtrunc.f32 v48;
	[tilespmem:v21+s3+$0x0] =	vst.idx.add.f32.msk vm0, v1  }
0x194: {  	s1 =	simm.s32 $0x2200;
	s12 =	sadd.s32 $0xC800, s2;
	v23 =	vcvt.f32.s32 v11;
	v11 =	vtrunc.f32 v16;
	[tilespmem:v21+s5+$0x0] =	vst.idx.add.f32.msk vm0, v12  }
0x195: {  	s29 =	sor.u32 s31, s12;
	v17 =	vsub.f32 v17, v24;
	v21 =	vcvt.f32.s32 v11;
	v22 =	vmul.f32 $5.119998780e+02, v22;
	[tilespmem:v14+s1+$0x0] =	vst.idx.add.f32.msk vm7, v1  }
0x196: {  	s15 =	simm.s32 $0x4800;
	v12 =	vld [tilespmem:s29+$0x0]  }
0x197: {  	s10 =	sor.u32 s28, s10;
	[tilespmem:v14+s15+$0x0] =	vst.idx.add.f32.msk vm7, v17;
	v14 =	vcvt.s32.f32 v21;
	v17 =	vtrunc.f32 v22  }
0x198: {  	v11 =	vld [tilespmem:s10+$0x0];
	s10 =	simm.s32 $0x1E00;
	v17 =	vcvt.f32.s32 v17;
	v18 =	vmul.f32 $5.119998780e+02, v18  }
0x199: {  	[tilespmem:v19+s10+$0x0] =	vst.idx.add.f32.msk vm1, v1  }
0x19a: {  	[tilespmem:v23+s1+$0x0] =	vst.idx.add.f32.msk vm6, v1;
	v14 =	vsub.f32 v16, v14;
	v16 =	vcvt.s32.f32 v17;
	v49 =	vtrunc.f32 v18  }
0x19b: {  	[tilespmem:v21+s6+$0x0] =	vst.idx.add.f32.msk vm8, v1;
	v24 =	vcvt.f32.s32 v49;
	v12 =	vmul.f32 $5.119998780e+02, v12  }
0x19c: {  	s1 =	sor.u32 s0, s11;
	[tilespmem:v21+s7+$0x0] =	vst.idx.add.f32.msk vm8, v14  }
0x19d: {  	v14 =	vsub.f32 v22, v16;
	v16 =	vld [tilespmem:s1+$0x0];
	v21 =	vtrunc.f32 v12  }
0x19e: {  	v22 =	vcvt.s32.f32 v24;
	[tilespmem:v17+s3+$0x0] =	vst.idx.add.f32.msk vm5, v1;
	v21 =	vcvt.f32.s32 v21  }
0x19f: {  	s3 =	sor.u32 s30, s12;
	[tilespmem:v17+s5+$0x0] =	vst.idx.add.f32.msk vm5, v14  }
0x1a0: {  	s29 =	simm.s32 $0x600;
	v17 =	vsub.f32 v18, v22;
	v14 =	vld [tilespmem:s3+$0x0]  }
0x1a1: {  	s22 =	simm.s32 $0x2C00;
	s10 =	sadd.s32 $0xAC00, s13;
	v18 =	vcvt.s32.f32 v21;
	[tilespmem:v24+s29+$0x0] =	vst.idx.add.f32.msk vm3, v1  }
0x1a2: {  	s5 =	sor.u32 s8, s10;
	v16 =	vmul.f32 $5.119998780e+02, v16;
	[tilespmem:v24+s22+$0x0] =	vst.idx.add.f32.msk vm3, v17  }
0x1a3: {  	s1 =	simm.s32 $0x1600;
	v17 =	vcvt.s32.f32 v19;
	v12 =	vsub.f32 v12, v18;
	v22 =	vld [tilespmem:s5+$0x0]  }
0x1a4: {  	s11 =	sadd.s32 $0xCC00, s2;
	v18 =	vcvt.s32.f32 v23;
	s5 =	simm.s32 $0x3C00;
	v50 =	vtrunc.f32 v16;
	[tilespmem:v21+s1+$0x0] =	vst.idx.add.f32.msk vm0, v1  }
0x1a5: {  	s7 =	sor.u32 s31, s11;
	v17 =	vsub.f32 v20, v17;
	v20 =	vcvt.f32.s32 v50;
	v14 =	vmul.f32 $5.119998780e+02, v14;
	[tilespmem:v21+s5+$0x0] =	vst.idx.add.f32.msk vm0, v12  }
0x1a6: {  	s22 =	sor.u32 s25, s23;
	s23 =	simm.s32 $0x4400;
	v12 =	vld [tilespmem:s7+$0x0]  }
0x1a7: {  	v18 =	vsub.f32 v48, v18;
	[tilespmem:v19+s23+$0x0] =	vst.idx.add.f32.msk vm1, v17;
	v17 =	vcvt.s32.f32 v20;
	v19 =	vtrunc.f32 v14  }
0x1a8: {  	s3 =	sadd.s32 $0xE400, s14;
	v21 =	vld [tilespmem:s22+$0x0];
	v19 =	vcvt.f32.s32 v19;
	v22 =	vmul.f32 $5.119998780e+02, v22  }
0x1a9: {  	[tilespmem:v23+s15+$0x0] =	vst.idx.add.f32.msk vm6, v18;
	s7 =	sor.u32 s17, s3  }
0x1aa: {  	v18 =	vld [tilespmem:s7+$0x0];
	v16 =	vsub.f32 v16, v17;
	v17 =	vcvt.s32.f32 v19;
	v23 =	vtrunc.f32 v22  }
0x1ab: {  	s6 =	simm.s32 $0x2C00;
	vm3 =	vmmov vm3;
	[tilespmem:v20+s29+$0x0] =	vst.idx.add.f32.msk vm8, v1;
	v23 =	vcvt.f32.s32 v23;
	v12 =	vmul.f32 $5.119998780e+02, v12  }
0x1ac: {  	s10 =	sor.u32 s0, s10;
	[tilespmem:v20+s6+$0x0] =	vst.idx.add.f32.msk vm8, v16  }
0x1ad: {  	v16 =	vmul.f32 $5.119998780e+02, v21;
	v14 =	vsub.f32 v14, v17;
	v17 =	vld [tilespmem:s10+$0x0];
	v20 =	vtrunc.f32 v12  }
0x1ae: {  	vm0 =	vmmov vm0;
	v21 =	vcvt.s32.f32 v23;
	[tilespmem:v19+s1+$0x0] =	vst.idx.add.f32.msk vm5, v1;
	v20 =	vcvt.f32.s32 v20  }
0x1af: {  	s11 =	sor.u32 s30, s11;
	[tilespmem:v19+s5+$0x0] =	vst.idx.add.f32.msk vm5, v14  }
0x1b0: {  	v10 =	vmul.f32 $5.119998780e+02, v10;
	s6 =	simm.s32 $0x800;
	v14 =	vtrunc.f32 v16;
	v21 =	vsub.f32 v22, v21;
	v19 =	vld [tilespmem:s11+$0x0]  }
0x1b1: {  	vm1 =	vmmov vm1;
	s22 =	simm.s32 $0x2E00;
	s10 =	sadd.s32 $0xB000, s13;
	v14 =	vcvt.f32.s32 v14;
	v22 =	vcvt.s32.f32 v20;
	[tilespmem:v23+s6+$0x0] =	vst.idx.add.f32.msk vm3, v1  }
0x1b2: {  	v51 =	vtrunc.f32 v10;
	v11 =	vmul.f32 $5.119998780e+02, v11;
	s12 =	sor.u32 s8, s10;
	[tilespmem:v23+s22+$0x0] =	vst.idx.add.f32.msk vm3, v21  }
0x1b3: {  	s5 =	simm.s32 $0x1800;
	v21 =	vcvt.f32.s32 v51;
	v23 =	vshll.u32 v7, $0xA;
	v12 =	vsub.f32 v12, v22;
	v52 =	vld [tilespmem:s12+$0x0]  }
0x1b4: {  	s7 =	simm.s32 $0x3E00;
	s11 =	sadd.s32 $0xD000, s2;
	v22 =	vor.u32 s18, v23;
	v23 =	vcvt.s32.f32 v14;
	[tilespmem:v20+s5+$0x0] =	vst.idx.add.f32.msk vm0, v1  }
0x1b5: {  	v56 =	vtrunc.f32 v11;
	v17 =	vmul.f32 $5.119998780e+02, v17;
	s18 =	sor.u32 s31, s11;
	[tilespmem:v20+s7+$0x0] =	vst.idx.add.f32.msk vm0, v12  }
0x1b6: {  	v25 =	vcvt.f32.s32 v56;
	s23 =	simm.s32 $0x2000;
	v22 =	vadd.s32 s21, v22;
	v16 =	vsub.f32 v16, v23;
	v12 =	vld [tilespmem:s18+$0x0]  }
0x1b7: {  	s29 =	simm.s32 $0x4600;
	v53 =	vcvt.s32.f32 v21;
	v20 =	vor.u32 v2, v22;
	v22 =	vtrunc.f32 v17;
	[tilespmem:v14+s23+$0x0] =	vst.idx.add.f32.msk vm1, v1  }
0x1b8: {  	v19 =	vmul.f32 $5.119998780e+02, v19;
	v22 =	vcvt.f32.s32 v22;
	s18 =	simm.s32 $0x2400;
	s1 =	rddreg [dreg:$0x11];
	[tilespmem:v14+s29+$0x0] =	vst.idx.add.f32.msk vm1, v16  }
0x1b9: {  	v10 =	vsub.f32 v10, v53;
	s1 =	sor.u32 s25, s1;
	[tilespmem:v21+s18+$0x0] =	vst.idx.add.f32.msk vm4, v1  }
0x1ba: {  	s23 =	simm.s32 $0x4A00;
	v23 =	vtrunc.f32 v19;
	v16 =	vcvt.s32.f32 v22;
	v14 =	vld [tilespmem:s1+$0x0]  }
0x1bb: {  	vm2 =	vmmov vm5;
	v23 =	vcvt.f32.s32 v23;
	v24 =	vmul.f32 $5.119998780e+02, v52;
	[tilespmem:v21+s23+$0x0] =	vst.idx.add.f32.msk vm4, v10  }
0x1bc: {  	s23 =	simm.s32 $0x2400;
	v10 =	vld.idx.msk [tilespmem:v20+s19+$0x0], $0xffff  }
0x1bd: {  	v16 =	vsub.f32 v17, v16;
	v17 =	vcvt.s32.f32 v23;
	v20 =	vtrunc.f32 v24;
	[tilespmem:v25+s23+$0x0] =	vst.idx.add.f32.msk vm7, v1  }
0x1be: {  	v20 =	vcvt.f32.s32 v20;
	v12 =	vmul.f32 $5.119998780e+02, v12;
	[tilespmem:v22+s6+$0x0] =	vst.idx.add.f32.msk vm8, v1  }
0x1bf: {  	s29 =	sor.u32 s0, s10;
	[tilespmem:v22+s22+$0x0] =	vst.idx.add.f32.msk vm8, v16  }
0x1c0: {  	v17 =	vsub.f32 v19, v17;
	v16 =	vmul.f32 $5.119998780e+02, v18;
	v19 =	vtrunc.f32 v12;
	v18 =	vld [tilespmem:s29+$0x0]  }
0x1c1: {  	v21 =	vcvt.s32.f32 v20;
	[tilespmem:v23+s5+$0x0] =	vst.idx.add.f32.msk vm2, v1;
	v19 =	vcvt.f32.s32 v19  }
0x1c2: {  	s5 =	sor.u32 s30, s11;
	v22 =	vtrunc.f32 v16;
	[tilespmem:v23+s7+$0x0] =	vst.idx.add.f32.msk vm2, v17  }
0x1c3: {  	s18 =	simm.s32 $0xA00;
	v21 =	vsub.f32 v24, v21;
	v17 =	vcvt.f32.s32 v22;
	v22 =	vld [tilespmem:s5+$0x0]  }
0x1c4: {  	s10 =	sadd.s32 $0xB400, s13;
	s22 =	simm.s32 $0x3000;
	v14 =	vmul.f32 $5.119998780e+02, v14;
	v23 =	vshll.u32 v9, $0xA;
	v54 =	vcvt.s32.f32 v19;
	[tilespmem:v20+s18+$0x0] =	vst.idx.add.f32.msk vm3, v1  }
0x1c5: {  	s6 =	sor.u32 s8, s10;
	v23 =	vor.u32 s17, v23;
	[tilespmem:v20+s22+$0x0] =	vst.idx.add.f32.msk vm3, v21  }
0x1c6: {  	s17 =	simm.s32 $0x1A00;
	v20 =	vadd.s32 s14, v23;
	v21 =	vtrunc.f32 v14;
	v12 =	vsub.f32 v12, v54;
	v23 =	vld [tilespmem:s6+$0x0]  }
0x1c7: {  	s12 =	simm.s32 $0x4000;
	s1 =	sadd.s32 $0xD400, s2;
	v55 =	vcvt.s32.f32 v17;
	v20 =	vor.u32 v2, v20;
	v21 =	vcvt.f32.s32 v21;
	[tilespmem:v19+s17+$0x0] =	vst.idx.add.f32.msk vm0, v1  }
0x1c8: {  	s7 =	sor.u32 s31, s1;
	v18 =	vmul.f32 $5.119998780e+02, v18;
	[tilespmem:v19+s12+$0x0] =	vst.idx.add.f32.msk vm0, v12  }
0x1c9: {  	v16 =	vsub.f32 v16, v55;
	v12 =	vshll.u32 v6, $0xA;
	v57 =	vcvt.s32.f32 v21;
	v19 =	vld [tilespmem:s7+$0x0]  }
0x1ca: {  	vm5 =	vmmov vm8;
	v10 =	vmul.f32 $5.119998780e+02, v10;
	v12 =	vor.u32 s28, v12;
	[tilespmem:v17+s23+$0x0] =	vst.idx.add.f32.msk vm6, v1;
	s28 =	simm.s32 $0x4A00  }
0x1cb: {  	v12 =	vadd.s32 s21, v12;
	[tilespmem:v17+s28+$0x0] =	vst.idx.add.f32.msk vm6, v16;
	v17 =	vtrunc.f32 v18;
	v14 =	vsub.f32 v14, v57  }
0x1cc: {  	s29 =	simm.s32 $0x2200;
	v16 =	vld.idx.msk [tilespmem:v20+s19+$0x0], $0xffff;
	v12 =	vor.u32 v2, v12;
	v20 =	vcvt.s32.f32 v25;
	v17 =	vcvt.f32.s32 v17  }
0x1cd: {  	s15 =	simm.s32 $0x4800;
	v58 =	vtrunc.f32 v10;
	v26 =	vsub.f32 $5.119998780e+02, v10;
	[tilespmem:v21+s29+$0x0] =	vst.idx.add.f32.msk vm1, v1  }
0x1ce: {  	s3 =	sor.u32 s25, s3;
	[tilespmem:v21+s15+$0x0] =	vst.idx.add.f32.msk vm1, v14;
	v21 =	vcvt.f32.s32 v58;
	v11 =	vsub.f32 v11, v20  }
0x1cf: {  	v7 =	vshll.u32 v7, $0x9;
	v20 =	vtrunc.f32 v26;
	v59 =	vcvt.s32.f32 v17;
	v14 =	vld [tilespmem:s3+$0x0]  }
0x1d0: {  	v20 =	vcvt.f32.s32 v20;
	v27 =	vadd.s32 v21, v7;
	[tilespmem:v25+s28+$0x0] =	vst.idx.add.f32.msk vm7, v11  }
0x1d1: {  	v11 =	vmul.f32 $5.119998780e+02, v16;
	v12 =	vld.idx.msk [tilespmem:v12+s19+$0x0], $0xffff;
	v16 =	vsub.f32 v18, v59  }
0x1d2: {  	v18 =	vcvt.s32.f32 v21;
	v7 =	vadd.s32 v20, v7;
	[tilespmem:v17+s18+$0x0] =	vst.idx.add.f32.msk vm5, v1  }
0x1d3: {  	s7 =	sor.u32 s0, s10;
	v21 =	vtrunc.f32 v11;
	v60 =	vsub.f32 $5.119998780e+02, v11;
	[tilespmem:v17+s22+$0x0] =	vst.idx.add.f32.msk vm5, v16  }
0x1d4: {  	v17 =	vcvt.s32.f32 v20;
	v10 =	vsub.f32 v18, v10;
	v16 =	vld [tilespmem:s7+$0x0];
	v18 =	vcvt.f32.s32 v21  }
0x1d5: {  	v9 =	vshll.u32 v9, $0x9;
	[tilespmem:v27+s4+$0x0] =	vst.idx.add.f32.msk vm4, v3;
	v20 =	vtrunc.f32 v60  }
0x1d6: {  	v17 =	vsub.f32 v26, v17;
	[tilespmem:v27+s20+$0x0] =	vst.idx.add.f32.msk vm4, v10;
	v10 =	vadd.s32 v18, v9;
	v20 =	vcvt.f32.s32 v20  }
0x1d7: {  	v12 =	vmul.f32 $5.119998780e+02, v12;
	[tilespmem:v7+s4+$0x0] =	vst.idx.add.f32.msk vm4, v1  }
0x1d8: {  	s10 =	simm.s32 $0x4C00;
	v18 =	vcvt.s32.f32 v18;
	[tilespmem:v7+s20+$0x0] =	vst.idx.add.f32.msk vm4, v17;
	v9 =	vadd.s32 v20, v9  }
0x1d9: {  	s15 =	simm.s32 $0x7200;
	v20 =	vcvt.s32.f32 v20;
	v21 =	vtrunc.f32 v12;
	[tilespmem:v7+s10+$0x0] =	vst.idx.add.f32.msk vm4, v1  }
0x1da: {  	[tilespmem:v7+s15+$0x0] =	vst.idx.add.f32.msk vm4, v17;
	v7 =	vsub.f32 v18, v11;
	v11 =	vcvt.f32.s32 v21;
	v17 =	vmul.f32 $5.119998780e+02, v22  }
0x1db: {  	v6 =	vshll.u32 v6, $0x9;
	v21 =	vsub.f32 $5.119998780e+02, v12;
	[tilespmem:v10+s4+$0x0] =	vst.idx.add.f32.msk vm6, v3  }
0x1dc: {  	v18 =	vsub.f32 v60, v20;
	[tilespmem:v10+s20+$0x0] =	vst.idx.add.f32.msk vm6, v7;
	v7 =	vadd.s32 v11, v6;
	v10 =	vtrunc.f32 v17  }
0x1dd: {  	v22 =	vmul.f32 $5.119998780e+02, v23;
	[tilespmem:v9+s4+$0x0] =	vst.idx.add.f32.msk vm6, v1;
	v10 =	vcvt.f32.s32 v10  }
0x1de: {  	v20 =	vtrunc.f32 v21;
	v11 =	vcvt.s32.f32 v11;
	[tilespmem:v9+s20+$0x0] =	vst.idx.add.f32.msk vm6, v18  }
0x1df: {  	v20 =	vcvt.f32.s32 v20;
	[tilespmem:v9+s10+$0x0] =	vst.idx.add.f32.msk vm6, v1  }
0x1e0: {  	[tilespmem:v9+s15+$0x0] =	vst.idx.add.f32.msk vm6, v18;
	v9 =	vsub.f32 v11, v12;
	v11 =	vcvt.s32.f32 v10;
	v18 =	vtrunc.f32 v22  }
0x1e1: {  	v12 =	vadd.s32 v20, v6;
	[tilespmem:v7+s4+$0x0] =	vst.idx.add.f32.msk vm7, v3;
	v6 =	vcvt.f32.s32 v18;
	v18 =	vmul.f32 $5.119998780e+02, v19  }
0x1e2: {  	[tilespmem:v7+s20+$0x0] =	vst.idx.add.f32.msk vm7, v9;
	v7 =	vsub.f32 v17, v11  }
0x1e3: {  	vm4 =	vmmov vm7;
	v9 =	vshll.u32 v8, $0xA;
	[tilespmem:v10+s17+$0x0] =	vst.idx.add.f32.msk vm2, v1;
	v11 =	vtrunc.f32 v18  }
0x1e4: {  	s1 =	sor.u32 s30, s1;
	v9 =	vor.u32 s25, v9;
	v17 =	vcvt.s32.f32 v6;
	[tilespmem:v10+s12+$0x0] =	vst.idx.add.f32.msk vm2, v7;
	v7 =	vcvt.f32.s32 v11  }
0x1e5: {  	v23 =	vmul.f32 $5.119998780e+02, v14;
	v9 =	vadd.s32 s14, v9;
	v10 =	vshll.u32 v13, $0xA;
	v19 =	vld [tilespmem:s1+$0x0]  }
0x1e6: {  	s22 =	simm.s32 $0xC00;
	v11 =	vor.u32 v2, v9;
	v9 =	vsub.f32 v22, v17;
	[tilespmem:v12+s4+$0x0] =	vst.idx.add.f32.msk vm7, v1;
	v22 =	vmul.f32 $5.119998780e+02, v16  }
0x1e7: {  	s16 =	simm.s32 $0x3200;
	s21 =	sadd.s32 $0xB800, s13;
	v20 =	vcvt.s32.f32 v20;
	v17 =	vor.u32 s30, v10;
	v14 =	vcvt.s32.f32 v7;
	[tilespmem:v6+s22+$0x0] =	vst.idx.add.f32.msk vm3, v1  }
0x1e8: {  	s23 =	sor.u32 s8, s21;
	v10 =	vshll.u32 v8, $0x9;
	[tilespmem:v6+s16+$0x0] =	vst.idx.add.f32.msk vm3, v9;
	v6 =	vtrunc.f32 v23;
	v9 =	vtrunc.f32 v22  }
0x1e9: {  	v62 =	vsub.f32 v18, v14;
	v14 =	vsub.f32 v21, v20;
	v61 =	vld [tilespmem:s23+$0x0];
	v16 =	vcvt.f32.s32 v6  }
0x1ea: {  	s28 =	simm.s32 $0x4200;
	s25 =	sadd.s32 $0xD800, s2;
	v6 =	vadd.s32 s2, v17;
	v18 =	vcvt.f32.s32 v9;
	[tilespmem:v7+s24+$0x0] =	vst.idx.add.f32.msk vm0, v1;
	v17 =	vmul.f32 $5.119998780e+02, v19  }
0x1eb: {  	s29 =	sor.u32 s31, s25;
	v8 =	vor.u32 v2, v6;
	v6 =	vshll.u32 v15, $0xA;
	[tilespmem:v7+s28+$0x0] =	vst.idx.add.f32.msk vm0, v62;
	v7 =	vshll.u32 v13, $0x9  }
0x1ec: {  	v21 =	vcvt.s32.f32 v16;
	v6 =	vor.u32 s0, v6;
	v20 =	vld [tilespmem:s29+$0x0];
	v9 =	vtrunc.f32 v17  }
0x1ed: {  	s18 =	simm.s32 $0x4C00;
	[tilespmem:v12+s20+$0x0] =	vst.idx.add.f32.msk vm4, v14;
	v63 =	vcvt.s32.f32 v18;
	v6 =	vadd.s32 s13, v6;
	v13 =	vcvt.f32.s32 v9  }
0x1ee: {  	s5 =	simm.s32 $0x2400;
	[tilespmem:v12+s18+$0x0] =	vst.idx.add.f32.msk vm4, v1;
	v9 =	vor.u32 v2, v6;
	v6 =	vshll.u32 v15, $0x9;
	v19 =	vmul.f32 $5.119998780e+02, v61  }
0x1ef: {  	s6 =	simm.s32 $0x2000;
	v15 =	vsub.f32 v23, v21;
	v22 =	vsub.f32 v22, v63;
	[tilespmem:v16+s5+$0x0] =	vst.idx.add.f32.msk vm1, v1;
	v21 =	vcvt.s32.f32 v13  }
0x1f0: {  	s10 =	simm.s32 $0x6;
	s11 =	sor.u32 s30, s25;
	s1 =	sor.u32 s0, s21;
	[tilespmem:v18+s22+$0x0] =	vst.idx.add.f32.msk vm5, v1;
	v23 =	vtrunc.f32 v19  }
.LBB2_5:
0x1f1: {  	s10 =	sadd.s32 $0x2, s10;
	[tilespmem:v18+s16+$0x0] =	vst.idx.add.f32.msk vm5, v22;
	v18 =	vcvt.f32.s32 v23;
	s9 =	sadd.s32 $0x20, s9;
	v17 =	vsub.f32 v17, v21;
	v20 =	vmul.f32 $5.119998780e+02, v20  }
0x1f2: {  	s12 =	sand.u32 $0x60, s9;
	s3 =	sshll.u32 s10, $0x4;
	p0 =	slt.u32 s10, $0x3E;
	v21 =	vld [tilespmem:s1+$0x0]  }
0x1f3: {  	s28 =	simm.s32 $0x4200;
	s15 =	sand.u32 $0xFFFFFF80, s3;
	s1 =	sor.u32 $0x10, s12;
	[tilespmem:v13+s24+$0x0] =	vst.idx.add.f32.msk vm2, v1;
	v22 =	vtrunc.f32 v20  }
0x1f4: {  	s24 =	simm.s32 $0x4000;
	v23 =	vcvt.s32.f32 v18;
	s17 =	sor.u32 s12, s15;
	s3 =	sor.u32 s15, s1;
	[tilespmem:v13+s28+$0x0] =	vst.idx.add.f32.msk vm2, v17;
	v17 =	vcvt.f32.s32 v22  }
0x1f5: {  	v13 =	vld [tilespmem:s3+$0x9800]  }
0x1f6: {  	v19 =	vsub.f32 v19, v23;
	v22 =	vld [tilespmem:s3+$0x9C00]  }
0x1f7: {  	s14 =	simm.s32 $0x3400;
	s3 =	sadd.s32 $0xBC00, s13;
	v23 =	vcvt.s32.f32 v17;
	v21 =	vmul.f32 $5.119998780e+02, v21;
	[tilespmem:v18+s26+$0x0] =	vst.idx.add.f32.msk vm3, v1  }
0x1f8: {  	s7 =	sor.u32 s0, s3;
	s3 =	sor.u32 s8, s3;
	[tilespmem:v18+s14+$0x0] =	vst.idx.add.f32.msk vm3, v19  }
0x1f9: {  	s25 =	simm.s32 $0x1E00;
	v20 =	vsub.f32 v20, v23;
	v18 =	vtrunc.f32 v21;
	v19 =	vld [tilespmem:s3+$0x0]  }
0x1fa: {  	s5 =	sadd.s32 $0xDC00, s2;
	s23 =	simm.s32 $0x4400;
	v18 =	vcvt.f32.s32 v18;
	[tilespmem:v17+s25+$0x0] =	vst.idx.add.f32.msk vm0, v1  }
0x1fb: {  	s3 =	sor.u32 s30, s5;
	s5 =	sor.u32 s31, s5;
	v22 =	vmul.f32 $5.119998780e+02, v22;
	[tilespmem:v17+s23+$0x0] =	vst.idx.add.f32.msk vm0, v20  }
0x1fc: {  	v17 =	vcvt.s32.f32 v18;
	v20 =	vld [tilespmem:s5+$0x0]  }
0x1fd: {  	v23 =	vld [tilespmem:s17+$0x9C00];
	v24 =	vtrunc.f32 v22  }
0x1fe: {  	vm6 =	vne.s32 v13, $0x0;
	v25 =	vld [tilespmem:s17+$0x9800];
	v24 =	vcvt.f32.s32 v24;
	v19 =	vmul.f32 $5.119998780e+02, v19  }
0x1ff: {  	v17 =	vsub.f32 v21, v17;
	v21 =	vld [tilespmem:s11+$0x0]  }
0x200: {  	v26 =	vcvt.s32.f32 v24;
	[tilespmem:v18+s26+$0x0] =	vst.idx.add.f32.msk vm5, v1;
	v27 =	vtrunc.f32 v19  }
0x201: {  	[tilespmem:v18+s14+$0x0] =	vst.idx.add.f32.msk vm5, v17;
	v17 =	vcvt.f32.s32 v27;
	v18 =	vmul.f32 $5.119998780e+02, v20  }
0x202: {  	s21 =	simm.s32 $0x4A00;
	v20 =	vmul.f32 $5.119998780e+02, v23;
	v23 =	vld [tilespmem:s7+$0x0]  }
0x203: {  	v22 =	vsub.f32 v22, v26;
	vm7 =	vne.s32 v25, $0x0;
	v26 =	vtrunc.f32 v18;
	[tilespmem:v16+s21+$0x0] =	vst.idx.add.f32.msk vm1, v15  }
0x204: {  	s5 =	sadd.s32 $0xA000, s15;
	v15 =	vshll.u32 v25, $0xA;
	v16 =	vcvt.s32.f32 v17;
	[tilespmem:v24+s4+$0x0] =	vst.idx.add.f32.msk vm6, v1;
	v26 =	vcvt.f32.s32 v26  }
0x205: {  	s7 =	sor.u32 s12, s5;
	s5 =	sor.u32 s1, s5;
	v27 =	vtrunc.f32 v20;
	v15 =	vor.u32 s12, v15;
	v21 =	vmul.f32 $5.119998780e+02, v21;
	[tilespmem:v24+s20+$0x0] =	vst.idx.add.f32.msk vm6, v22  }
0x206: {  	s18 =	simm.s32 $0x1000;
	v22 =	vcvt.f32.s32 v27;
	v15 =	vadd.s32 s15, v15;
	v19 =	vsub.f32 v19, v16;
	v24 =	vld [tilespmem:s5+$0x0]  }
0x207: {  	s14 =	simm.s32 $0x3600;
	v16 =	vor.u32 v2, v15;
	s5 =	sadd.s32 $0xC000, s13;
	v27 =	vcvt.s32.f32 v26;
	v23 =	vmul.f32 $5.119998780e+02, v23;
	[tilespmem:v17+s18+$0x0] =	vst.idx.add.f32.msk vm3, v1  }
0x208: {  	v15 =	vshll.u32 v25, $0x9;
	v28 =	vcvt.s32.f32 v22;
	s17 =	sor.u32 s0, s5;
	s5 =	sor.u32 s8, s5;
	[tilespmem:v17+s14+$0x0] =	vst.idx.add.f32.msk vm3, v19;
	v17 =	vtrunc.f32 v21  }
0x209: {  	v18 =	vsub.f32 v18, v27;
	v19 =	vtrunc.f32 v23;
	v25 =	vld [tilespmem:s5+$0x0];
	v17 =	vcvt.f32.s32 v17  }
0x20a: {  	s16 =	simm.s32 $0x4600;
	v20 =	vsub.f32 v20, v28;
	s5 =	sadd.s32 $0xE000, s2;
	v19 =	vcvt.f32.s32 v19;
	[tilespmem:v26+s6+$0x0] =	vst.idx.add.f32.msk vm0, v1  }
0x20b: {  	s11 =	sor.u32 s30, s5;
	s5 =	sor.u32 s31, s5;
	v24 =	vmul.f32 $5.119998780e+02, v24;
	v27 =	vcvt.s32.f32 v17;
	[tilespmem:v26+s16+$0x0] =	vst.idx.add.f32.msk vm0, v18  }
0x20c: {  	v18 =	vcvt.s32.f32 v19;
	v26 =	vld [tilespmem:s5+$0x0]  }
0x20d: {  	[tilespmem:v22+s4+$0x0] =	vst.idx.add.f32.msk vm7, v1;
	v28 =	vtrunc.f32 v24;
	v21 =	vsub.f32 v21, v27  }
0x20e: {  	[tilespmem:v22+s20+$0x0] =	vst.idx.add.f32.msk vm7, v20;
	v20 =	vcvt.f32.s32 v28;
	v18 =	vsub.f32 v23, v18;
	v22 =	vmul.f32 $5.119998780e+02, v25  }
0x20f: {  	v23 =	vld [tilespmem:s7+$0x0]  }
0x210: {  	v25 =	vcvt.s32.f32 v20;
	[tilespmem:v19+s18+$0x0] =	vst.idx.add.f32.msk vm5, v1;
	v27 =	vtrunc.f32 v22  }
0x211: {  	[tilespmem:v19+s14+$0x0] =	vst.idx.add.f32.msk vm5, v18;
	v18 =	vcvt.f32.s32 v27;
	v19 =	vmul.f32 $5.119998780e+02, v26  }
0x212: {  	v26 =	vld [tilespmem:s17+$0x0]  }
0x213: {  	s14 =	simm.s32 $0x200;
	v24 =	vsub.f32 v24, v25;
	[tilespmem:v17+s25+$0x0] =	vst.idx.add.f32.msk vm2, v1;
	v25 =	vtrunc.f32 v19  }
0x214: {  	s5 =	sadd.s32 $0xA400, s15;
	v27 =	vcvt.s32.f32 v18;
	s25 =	simm.s32 $0x2800;
	[tilespmem:v20+s14+$0x0] =	vst.idx.add.f32.msk vm6, v1;
	v25 =	vcvt.f32.s32 v25  }
0x215: {  	s7 =	sor.u32 s12, s5;
	s5 =	sor.u32 s1, s5;
	v23 =	vmul.f32 $5.119998780e+02, v23;
	[tilespmem:v20+s25+$0x0] =	vst.idx.add.f32.msk vm6, v24  }
0x216: {  	s26 =	simm.s32 $0x1200;
	v22 =	vsub.f32 v22, v27;
	v20 =	vld [tilespmem:s5+$0x0]  }
0x217: {  	s29 =	simm.s32 $0x3800;
	v24 =	vtrunc.f32 v23;
	s5 =	sadd.s32 $0xC400, s13;
	v27 =	vcvt.s32.f32 v25;
	[tilespmem:v18+s26+$0x0] =	vst.idx.add.f32.msk vm3, v1  }
0x218: {  	v24 =	vcvt.f32.s32 v24;
	v26 =	vmul.f32 $5.119998780e+02, v26;
	s6 =	sor.u32 s0, s5;
	s5 =	sor.u32 s8, s5;
	[tilespmem:v18+s29+$0x0] =	vst.idx.add.f32.msk vm3, v22  }
0x219: {  	s18 =	simm.s32 $0x2200;
	v19 =	vsub.f32 v19, v27;
	v18 =	vld [tilespmem:s5+$0x0]  }
0x21a: {  	s22 =	simm.s32 $0x4800;
	v22 =	vcvt.s32.f32 v24;
	v27 =	vtrunc.f32 v26;
	s5 =	sadd.s32 $0xE400, s2;
	[tilespmem:v25+s18+$0x0] =	vst.idx.add.f32.msk vm0, v1  }
0x21b: {  	v27 =	vcvt.f32.s32 v27;
	s17 =	sor.u32 s30, s5;
	s5 =	sor.u32 s31, s5;
	s30 =	smov.u32 s0;
	v20 =	vmul.f32 $5.119998780e+02, v20;
	[tilespmem:v25+s22+$0x0] =	vst.idx.add.f32.msk vm0, v19  }
0x21c: {  	s0 =	smov.u32 s12;
	v19 =	vsub.f32 v23, v22;
	v22 =	vld [tilespmem:s5+$0x0]  }
0x21d: {  	v25 =	vcvt.s32.f32 v27;
	v23 =	vtrunc.f32 v20;
	[tilespmem:v17+s23+$0x0] =	vst.idx.add.f32.msk vm2, v21  }
0x21e: {  	[tilespmem:v24+s14+$0x0] =	vst.idx.add.f32.msk vm7, v1;
	v17 =	vcvt.f32.s32 v23;
	v18 =	vmul.f32 $5.119998780e+02, v18  }
0x21f: {  	[tilespmem:v24+s25+$0x0] =	vst.idx.add.f32.msk vm7, v19;
	v19 =	vsub.f32 v26, v25  }
0x220: {  	v21 =	vld [tilespmem:s7+$0x0];
	s7 =	simm.s32 $0x400;
	v23 =	vcvt.s32.f32 v17;
	v24 =	vtrunc.f32 v18  }
0x221: {  	[tilespmem:v27+s26+$0x0] =	vst.idx.add.f32.msk vm5, v1;
	v24 =	vcvt.f32.s32 v24;
	v22 =	vmul.f32 $5.119998780e+02, v22  }
0x222: {  	[tilespmem:v27+s29+$0x0] =	vst.idx.add.f32.msk vm5, v19  }
0x223: {  	s12 =	simm.s32 $0x600;
	s5 =	sadd.s32 $0xA800, s15;
	v19 =	vsub.f32 v20, v23;
	v20 =	vld [tilespmem:s6+$0x0];
	v23 =	vtrunc.f32 v22  }
0x224: {  	v26 =	vshll.u32 v4, $0xA;
	s25 =	simm.s32 $0x1400;
	s26 =	simm.s32 $0x2A00;
	v25 =	vcvt.s32.f32 v24;
	s6 =	sor.u32 s0, s5;
	[tilespmem:v17+s7+$0x0] =	vst.idx.add.f32.msk vm6, v1;
	v23 =	vcvt.f32.s32 v23  }
0x225: {  	s5 =	sor.u32 s1, s5;
	v21 =	vmul.f32 $5.119998780e+02, v21;
	[tilespmem:v17+s26+$0x0] =	vst.idx.add.f32.msk vm6, v19;
	v17 =	vor.u32 s31, v26;
	s31 =	smov.u32 s8;
	s8 =	smov.u32 s1  }
0x226: {  	v18 =	vsub.f32 v18, v25;
	v19 =	vld [tilespmem:s5+$0x0];
	v17 =	vadd.s32 s2, v17;
	s2 =	smov.u32 s13;
	s13 =	smov.u32 s15;
	s15 =	simm.s32 $0x2C00  }
0x227: {  	s23 =	simm.s32 $0x3A00;
	v26 =	vcvt.s32.f32 v23;
	v25 =	vtrunc.f32 v21;
	s1 =	sadd.s32 $0xC800, s2;
	[tilespmem:v24+s25+$0x0] =	vst.idx.add.f32.msk vm3, v1;
	v17 =	vor.u32 v2, v17  }
0x228: {  	v25 =	vcvt.f32.s32 v25;
	v20 =	vmul.f32 $5.119998780e+02, v20;
	s5 =	sor.u32 s30, s1;
	[tilespmem:v24+s23+$0x0] =	vst.idx.add.f32.msk vm3, v18;
	s1 =	sor.u32 s31, s1  }
0x229: {  	s14 =	simm.s32 $0x2400;
	v22 =	vsub.f32 v22, v26;
	v18 =	vld [tilespmem:s1+$0x0]  }
0x22a: {  	v24 =	vcvt.s32.f32 v25;
	v26 =	vtrunc.f32 v20;
	[tilespmem:v23+s14+$0x0] =	vst.idx.add.f32.msk vm0, v1  }
0x22b: {  	v26 =	vcvt.f32.s32 v26;
	[tilespmem:v23+s21+$0x0] =	vst.idx.add.f32.msk vm0, v22  }
0x22c: {  	v21 =	vsub.f32 v21, v24;
	v17 =	vld.idx.msk [tilespmem:v17+s19+$0x0], $0xffff  }
0x22d: {  	v19 =	vmul.f32 $5.119998780e+02, v19;
	v22 =	vcvt.s32.f32 v26;
	v23 =	vld [tilespmem:s3+$0x0]  }
0x22e: {  	[tilespmem:v25+s7+$0x0] =	vst.idx.add.f32.msk vm7, v1  }
0x22f: {  	[tilespmem:v25+s26+$0x0] =	vst.idx.add.f32.msk vm7, v21;
	v21 =	vtrunc.f32 v19;
	v20 =	vsub.f32 v20, v22  }
0x230: {  	v18 =	vmul.f32 $5.119998780e+02, v18;
	v22 =	vld [tilespmem:s6+$0x0];
	s6 =	simm.s32 $0x2000;
	v21 =	vcvt.f32.s32 v21  }
0x231: {  	[tilespmem:v26+s25+$0x0] =	vst.idx.add.f32.msk vm5, v1  }
0x232: {  	v17 =	vmul.f32 $5.119998780e+02, v17;
	[tilespmem:v26+s23+$0x0] =	vst.idx.add.f32.msk vm5, v20;
	v20 =	vtrunc.f32 v18  }
0x233: {  	v24 =	vcvt.s32.f32 v21;
	v25 =	vld [tilespmem:s5+$0x0];
	v20 =	vcvt.f32.s32 v20  }
0x234: {  	v23 =	vmul.f32 $5.119998780e+02, v23;
	s23 =	simm.s32 $0x7200;
	v26 =	vtrunc.f32 v17;
	v27 =	vsub.f32 $5.119998780e+02, v17;
	v28 =	vld.idx.msk [tilespmem:v11+s19+$0x0], $0xffff;
	v11 =	vmovc v8;
	v8 =	vmovc v9  }
0x235: {  	v19 =	vsub.f32 v19, v24;
	v24 =	vcvt.f32.s32 v26;
	v9 =	vmovc v16;
	v22 =	vmul.f32 $5.119998780e+02, v22;
	[tilespmem:v12+s23+$0x0] =	vst.idx.add.f32.msk vm4, v14  }
0x236: {  	s3 =	sadd.s32 $0xAC00, s13;
	v12 =	vcvt.s32.f32 v20;
	v14 =	vshll.u32 v4, $0x9;
	v16 =	vtrunc.f32 v27;
	v4 =	vmovc v5;
	v5 =	vmovc v13;
	[tilespmem:v21+s12+$0x0] =	vst.idx.add.f32.msk vm6, v1  }
0x237: {  	s1 =	sor.u32 s0, s3;
	s3 =	sor.u32 s8, s3;
	v16 =	vcvt.f32.s32 v16;
	v13 =	vtrunc.f32 v22;
	[tilespmem:v21+s15+$0x0] =	vst.idx.add.f32.msk vm6, v19;
	v19 =	vadd.s32 v24, v14  }
0x238: {  	s21 =	simm.s32 $0x1600;
	v12 =	vsub.f32 v18, v12;
	v13 =	vcvt.f32.s32 v13;
	v21 =	vld [tilespmem:s3+$0x0];
	v25 =	vmul.f32 $5.119998780e+02, v25  }
0x239: {  	s29 =	simm.s32 $0x3C00;
	s5 =	sadd.s32 $0xCC00, s2;
	v18 =	vtrunc.f32 v23;
	v24 =	vcvt.s32.f32 v24;
	v14 =	vadd.s32 v16, v14;
	[tilespmem:v20+s21+$0x0] =	vst.idx.add.f32.msk vm3, v1  }
0x23a: {  	vm4 =	vmmov vm1;
	s3 =	sor.u32 s30, s5;
	s5 =	sor.u32 s31, s5;
	v26 =	vcvt.s32.f32 v13;
	v29 =	vtrunc.f32 v25;
	[tilespmem:v20+s29+$0x0] =	vst.idx.add.f32.msk vm3, v12  }
0x23b: {  	v16 =	vcvt.s32.f32 v16;
	v17 =	vsub.f32 v24, v17;
	v20 =	vcvt.f32.s32 v29;
	v12 =	vld [tilespmem:s5+$0x0]  }
0x23c: {  	v18 =	vcvt.f32.s32 v18;
	v24 =	vmul.f32 $5.119998780e+02, v28;
	v22 =	vsub.f32 v22, v26;
	[tilespmem:v19+s4+$0x0] =	vst.idx.add.f32.msk vm0, v3  }
0x23d: {  	vm1 =	vmmov vm2;
	v16 =	vsub.f32 v27, v16;
	v26 =	vcvt.s32.f32 v20;
	[tilespmem:v19+s20+$0x0] =	vst.idx.add.f32.msk vm0, v17  }
0x23e: {  	v27 =	vsub.f32 $5.119998780e+02, v24;
	v17 =	vcvt.s32.f32 v18;
	v19 =	vtrunc.f32 v24;
	[tilespmem:v14+s4+$0x0] =	vst.idx.add.f32.msk vm0, v1  }
0x23f: {  	s25 =	simm.s32 $0x4C00;
	vm2 =	vmmov vm5;
	v19 =	vcvt.f32.s32 v19;
	v25 =	vsub.f32 v25, v26;
	[tilespmem:v14+s20+$0x0] =	vst.idx.add.f32.msk vm0, v16  }
0x240: {  	v21 =	vmul.f32 $5.119998780e+02, v21;
	v17 =	vsub.f32 v23, v17;
	v23 =	vtrunc.f32 v27;
	[tilespmem:v14+s25+$0x0] =	vst.idx.add.f32.msk vm0, v1  }
0x241: {  	[tilespmem:v14+s23+$0x0] =	vst.idx.add.f32.msk vm0, v16;
	v14 =	vcvt.s32.f32 v19;
	v16 =	vadd.s32 v19, v10;
	v19 =	vcvt.f32.s32 v23  }
0x242: {  	v23 =	vtrunc.f32 v21;
	vm0 =	vmmov vm3;
	vm3 =	vmmov vm6;
	[tilespmem:v13+s12+$0x0] =	vst.idx.add.f32.msk vm7, v1  }
0x243: {  	[tilespmem:v13+s15+$0x0] =	vst.idx.add.f32.msk vm7, v22;
	v13 =	vcvt.f32.s32 v23;
	v22 =	vmul.f32 $5.119998780e+02, v12;
	v23 =	vsub.f32 v14, v24  }
0x244: {  	v14 =	vcvt.s32.f32 v19;
	v12 =	vadd.s32 v19, v10;
	v10 =	vmovc v7;
	v7 =	vmovc v6;
	v6 =	vmov v15;
	v24 =	vld [tilespmem:s1+$0x0]  }
0x245: {  	[tilespmem:v20+s21+$0x0] =	vst.idx.add.f32.msk vm5, v1;
	v15 =	vtrunc.f32 v22;
	vm5 =	vmmov vm7  }
0x246: {  	v19 =	vcvt.s32.f32 v13;
	v14 =	vsub.f32 v27, v14;
	[tilespmem:v20+s29+$0x0] =	vst.idx.add.f32.msk vm2, v25;
	v15 =	vcvt.f32.s32 v15  }
0x247: {  	v20 =	vld [tilespmem:s3+$0x0]  }
0x248: {  	s26 =	simm.s32 $0x800;
	v19 =	vsub.f32 v21, v19;
	[tilespmem:v18+s6+$0x0] =	vst.idx.add.f32.msk vm1, v1  }
0x249: {  	s1 =	sadd.s32 $0xB000, s13;
	s29 =	simm.s32 $0x2E00;
	v21 =	vmul.f32 $5.119998780e+02, v24;
	[tilespmem:v13+s26+$0x0] =	vst.idx.add.f32.msk vm6, v1;
	v24 =	vcvt.s32.f32 v15  }
0x24a: {  	s3 =	sor.u32 s0, s1;
	s1 =	sor.u32 s8, s1;
	[tilespmem:v13+s29+$0x0] =	vst.idx.add.f32.msk vm6, v19  }
0x24b: {  	s23 =	simm.s32 $0x1800;
	v13 =	vtrunc.f32 v21;
	v19 =	vld [tilespmem:s1+$0x0];
	v22 =	vsub.f32 v22, v24  }
0x24c: {  	s21 =	simm.s32 $0x3E00;
	s1 =	sadd.s32 $0xD000, s2;
	v13 =	vcvt.f32.s32 v13;
	v20 =	vmul.f32 $5.119998780e+02, v20;
	[tilespmem:v15+s23+$0x0] =	vst.idx.add.f32.msk vm0, v1  }
0x24d: {  	s5 =	sor.u32 s30, s1;
	s1 =	sor.u32 s31, s1;
	[tilespmem:v15+s21+$0x0] =	vst.idx.add.f32.msk vm0, v22  }
0x24e: {  	v15 =	vcvt.s32.f32 v13;
	v22 =	vtrunc.f32 v20;
	v24 =	vld [tilespmem:s1+$0x0]  }
0x24f: {  	v22 =	vcvt.f32.s32 v22;
	[tilespmem:v18+s16+$0x0] =	vst.idx.add.f32.msk vm1, v17;
	s16 =	simm.s32 $0x3200  }
0x250: {  	v15 =	vsub.f32 v21, v15;
	v17 =	vmul.f32 $5.119998780e+02, v19;
	v18 =	vld [tilespmem:s11+$0x0]  }
0x251: {  	v19 =	vcvt.s32.f32 v22;
	[tilespmem:v16+s4+$0x0] =	vst.idx.add.f32.msk vm4, v3  }
0x252: {  	[tilespmem:v13+s26+$0x0] =	vst.idx.add.f32.msk vm5, v1;
	s26 =	simm.s32 $0xE00;
	v21 =	vtrunc.f32 v17  }
0x253: {  	[tilespmem:v13+s29+$0x0] =	vst.idx.add.f32.msk vm5, v15;
	v13 =	vcvt.f32.s32 v21;
	v15 =	vsub.f32 v20, v19;
	v19 =	vmul.f32 $5.119998780e+02, v24  }
0x254: {  	v20 =	vld [tilespmem:s3+$0x0]  }
0x255: {  	[tilespmem:v22+s23+$0x0] =	vst.idx.add.f32.msk vm2, v1;
	v21 =	vtrunc.f32 v19;
	v18 =	vmul.f32 $5.119998780e+02, v18  }
0x256: {  	v24 =	vcvt.s32.f32 v13;
	[tilespmem:v22+s21+$0x0] =	vst.idx.add.f32.msk vm2, v15;
	v15 =	vcvt.f32.s32 v21  }
0x257: {  	v21 =	vld [tilespmem:s5+$0x0];
	v22 =	vtrunc.f32 v18  }
0x258: {  	s21 =	simm.s32 $0xA00;
	v17 =	vsub.f32 v17, v24;
	v22 =	vcvt.f32.s32 v22;
	[tilespmem:v16+s20+$0x0] =	vst.idx.add.f32.msk vm4, v23  }
0x259: {  	s1 =	sadd.s32 $0xB400, s13;
	s23 =	simm.s32 $0x3000;
	v16 =	vmul.f32 $5.119998780e+02, v20;
	[tilespmem:v13+s21+$0x0] =	vst.idx.add.f32.msk vm3, v1;
	v20 =	vcvt.s32.f32 v15  }
0x25a: {  	s3 =	sor.u32 s0, s1;
	s1 =	sor.u32 s8, s1;
	[tilespmem:v13+s23+$0x0] =	vst.idx.add.f32.msk vm3, v17;
	v13 =	vcvt.s32.f32 v22  }
0x25b: {  	s11 =	simm.s32 $0x1A00;
	v17 =	vtrunc.f32 v16;
	v23 =	vld [tilespmem:s1+$0x0];
	v19 =	vsub.f32 v19, v20  }
0x25c: {  	s1 =	sadd.s32 $0xD400, s2;
	v17 =	vcvt.f32.s32 v17;
	v20 =	vmul.f32 $5.119998780e+02, v21;
	[tilespmem:v15+s11+$0x0] =	vst.idx.add.f32.msk vm0, v1;
	v13 =	vsub.f32 v18, v13  }
0x25d: {  	s5 =	sor.u32 s30, s1;
	s1 =	sor.u32 s31, s1;
	[tilespmem:v15+s24+$0x0] =	vst.idx.add.f32.msk vm0, v19;
	s24 =	simm.s32 $0x1C00  }
0x25e: {  	v15 =	vcvt.s32.f32 v17;
	v18 =	vtrunc.f32 v20;
	v19 =	vld [tilespmem:s1+$0x0]  }
0x25f: {  	v18 =	vcvt.f32.s32 v18;
	[tilespmem:v22+s18+$0x0] =	vst.idx.add.f32.msk vm1, v1  }
0x260: {  	v15 =	vsub.f32 v16, v15;
	v16 =	vmul.f32 $5.119998780e+02, v23;
	[tilespmem:v22+s22+$0x0] =	vst.idx.add.f32.msk vm1, v13  }
0x261: {  	v13 =	vcvt.s32.f32 v18;
	v21 =	vld [tilespmem:s17+$0x0];
	s17 =	simm.s32 $0x4000  }
0x262: {  	[tilespmem:v17+s21+$0x0] =	vst.idx.add.f32.msk vm5, v1;
	v22 =	vtrunc.f32 v16  }
0x263: {  	[tilespmem:v17+s23+$0x0] =	vst.idx.add.f32.msk vm5, v15;
	v15 =	vcvt.f32.s32 v22;
	v13 =	vsub.f32 v20, v13;
	v17 =	vmul.f32 $5.119998780e+02, v19  }
0x264: {  	v19 =	vld [tilespmem:s3+$0x0]  }
0x265: {  	[tilespmem:v18+s11+$0x0] =	vst.idx.add.f32.msk vm2, v1;
	v20 =	vtrunc.f32 v17  }
0x266: {  	v22 =	vcvt.s32.f32 v15;
	[tilespmem:v18+s17+$0x0] =	vst.idx.add.f32.msk vm2, v13;
	v13 =	vcvt.f32.s32 v20  }
0x267: {  	v21 =	vmul.f32 $5.119998780e+02, v21;
	v20 =	vld [tilespmem:s5+$0x0]  }
0x268: {  	v16 =	vsub.f32 v16, v22;
	s5 =	simm.s32 $0xC00;
	[tilespmem:v12+s4+$0x0] =	vst.idx.add.f32.msk vm4, v1  }
0x269: {  	s3 =	sadd.s32 $0xB800, s13;
	v18 =	vcvt.s32.f32 v13;
	v19 =	vmul.f32 $5.119998780e+02, v19;
	[tilespmem:v15+s5+$0x0] =	vst.idx.add.f32.msk vm3, v1  }
0x26a: {  	s1 =	sor.u32 s0, s3;
	s3 =	sor.u32 s8, s3;
	[tilespmem:v15+s16+$0x0] =	vst.idx.add.f32.msk vm3, v16;
	v15 =	vtrunc.f32 v21  }
0x26b: {  	v24 =	vsub.f32 v17, v18;
	v22 =	vtrunc.f32 v19;
	v23 =	vld [tilespmem:s3+$0x0];
	v16 =	vcvt.f32.s32 v15  }
0x26c: {  	s3 =	sadd.s32 $0xD800, s2;
	v18 =	vcvt.f32.s32 v22;
	v17 =	vmul.f32 $5.119998780e+02, v20;
	[tilespmem:v13+s24+$0x0] =	vst.idx.add.f32.msk vm0, v1  }
0x26d: {  	s11 =	sor.u32 s30, s3;
	s3 =	sor.u32 s31, s3;
	[tilespmem:v13+s28+$0x0] =	vst.idx.add.f32.msk vm0, v24;
	v15 =	vcvt.s32.f32 v16  }
.Ltmp1:
0x26e: {  	v22 =	vcvt.s32.f32 v18;
	v13 =	vtrunc.f32 v17;
	v20 =	vld [tilespmem:s3+$0x0];
	(pc) =	sbr.rel @p0 .LBB2_5-.Ltmp1, $4  }
0x26f: {  	v13 =	vcvt.f32.s32 v13;
	v15 =	vsub.f32 v21, v15;
	[tilespmem:v12+s20+$0x0] =	vst.idx.add.f32.msk vm4, v14  }
0x270: {  	v22 =	vsub.f32 v19, v22;
	v19 =	vmul.f32 $5.119998780e+02, v23;
	[tilespmem:v12+s25+$0x0] =	vst.idx.add.f32.msk vm4, v1  }
0x271: {  	v21 =	vcvt.s32.f32 v13;
	[tilespmem:v16+s14+$0x0] =	vst.idx.add.f32.msk vm1, v1  }
0x272: {  	[tilespmem:v18+s5+$0x0] =	vst.idx.add.f32.msk vm5, v1;
	v23 =	vtrunc.f32 v19  }
0x273: {  	_ =	sdelay $0x1  }
0x274: {  	v23 =	vcvt.f32.s32 v23;
	_ =	sdelay $0x2  }
0x275: {  	[tilespmem:v18+s16+$0x0] =	vst.idx.add.f32.msk vm5, v22;
	v18 =	vcvt.s32.f32 v23  }
0x276: {  	v22 =	vld [tilespmem:s1+$0x0]  }
0x277: {  	v18 =	vsub.f32 v19, v18  }
0x278: {  	s21 =	sadd.s32 $0xBC00, s13;
	s10 =	simm.s32 $0x3400;
	v19 =	vmul.f32 $5.119998780e+02, v20;
	[tilespmem:v23+s26+$0x0] =	vst.idx.add.f32.msk vm3, v1  }
0x279: {  	s3 =	sor.u32 s8, s21;
	[tilespmem:v23+s10+$0x0] =	vst.idx.add.f32.msk vm3, v18  }
0x27a: {  	v18 =	vtrunc.f32 v19;
	v20 =	vld [tilespmem:s3+$0x0]  }
0x27b: {  	v22 =	vmul.f32 $5.119998780e+02, v22;
	v18 =	vcvt.f32.s32 v18;
	_ =	sdelay $0x1  }
0x27c: {  	v23 =	vtrunc.f32 v22  }
0x27d: {  	v17 =	vsub.f32 v17, v21;
	v23 =	vcvt.f32.s32 v23;
	v21 =	vcvt.s32.f32 v18  }
0x27e: {  	[tilespmem:v13+s24+$0x0] =	vst.idx.add.f32.msk vm2, v1;
	s22 =	simm.s32 $0x4200;
	v20 =	vmul.f32 $5.119998780e+02, v20  }
0x27f: {  	s5 =	simm.s32 $0x1E00;
	[tilespmem:v13+s22+$0x0] =	vst.idx.add.f32.msk vm2, v17;
	v13 =	vsub.f32 v19, v21  }
0x280: {  	s23 =	simm.s32 $0x4400;
	s3 =	sadd.s32 $0xDC00, s2;
	v17 =	vcvt.s32.f32 v23;
	[tilespmem:v18+s5+$0x0] =	vst.idx.add.f32.msk vm0, v1;
	v19 =	vtrunc.f32 v20  }
0x281: {  	s25 =	sor.u32 s31, s3;
	[tilespmem:v18+s23+$0x0] =	vst.idx.add.f32.msk vm0, v13;
	v13 =	vcvt.f32.s32 v19  }
0x282: {  	v17 =	vsub.f32 v22, v17;
	v18 =	vld [tilespmem:s25+$0x0]  }
0x283: {  	[tilespmem:v23+s26+$0x0] =	vst.idx.add.f32.msk vm5, v1  }
0x284: {  	s1 =	sor.u32 s0, s21;
	[tilespmem:v23+s10+$0x0] =	vst.idx.add.f32.msk vm5, v17;
	v17 =	vcvt.s32.f32 v13  }
0x285: {  	v19 =	vld [tilespmem:s1+$0x0]  }
0x286: {  	s18 =	simm.s32 $0x1000;
	v21 =	vld [tilespmem:s11+$0x0];
	v17 =	vsub.f32 v20, v17  }
0x287: {  	s28 =	sadd.s32 $0xC000, s13;
	s29 =	simm.s32 $0x3600;
	v18 =	vmul.f32 $5.119998780e+02, v18;
	[tilespmem:v13+s18+$0x0] =	vst.idx.add.f32.msk vm3, v1  }
0x288: {  	s11 =	sor.u32 s8, s28;
	[tilespmem:v13+s29+$0x0] =	vst.idx.add.f32.msk vm3, v17  }
0x289: {  	v13 =	vtrunc.f32 v18;
	v17 =	vld [tilespmem:s11+$0x0]  }
0x28a: {  	v19 =	vmul.f32 $5.119998780e+02, v19;
	v20 =	vcvt.f32.s32 v13;
	_ =	sdelay $0x1  }
0x28b: {  	v13 =	vmul.f32 $5.119998780e+02, v21;
	v21 =	vtrunc.f32 v19  }
0x28c: {  	v21 =	vcvt.f32.s32 v21;
	v22 =	vcvt.s32.f32 v20  }
0x28d: {  	s14 =	simm.s32 $0x4A00;
	v17 =	vmul.f32 $5.119998780e+02, v17  }
0x28e: {  	[tilespmem:v16+s14+$0x0] =	vst.idx.add.f32.msk vm1, v15;
	v16 =	vsub.f32 v18, v22  }
0x28f: {  	s21 =	simm.s32 $0x4600;
	v18 =	vcvt.s32.f32 v21;
	[tilespmem:v20+s6+$0x0] =	vst.idx.add.f32.msk vm0, v1;
	v22 =	vtrunc.f32 v17  }
0x290: {  	[tilespmem:v20+s21+$0x0] =	vst.idx.add.f32.msk vm0, v16;
	v16 =	vcvt.f32.s32 v22  }
0x291: {  	v18 =	vsub.f32 v19, v18  }
0x292: {  	[tilespmem:v21+s18+$0x0] =	vst.idx.add.f32.msk vm5, v1  }
0x293: {  	s5 =	sor.u32 s0, s28;
	[tilespmem:v21+s29+$0x0] =	vst.idx.add.f32.msk vm5, v18;
	v18 =	vcvt.s32.f32 v16  }
0x294: {  	v19 =	vld [tilespmem:s5+$0x0]  }
0x295: {  	s25 =	simm.s32 $0x1200;
	v17 =	vsub.f32 v17, v18  }
0x296: {  	s28 =	simm.s32 $0x3800;
	s23 =	sadd.s32 $0xC400, s13;
	[tilespmem:v16+s25+$0x0] =	vst.idx.add.f32.msk vm3, v1  }
0x297: {  	s29 =	sor.u32 s8, s23;
	[tilespmem:v16+s28+$0x0] =	vst.idx.add.f32.msk vm3, v17  }
0x298: {  	v16 =	vld [tilespmem:s29+$0x0]  }
0x299: {  	v17 =	vmul.f32 $5.119998780e+02, v19;
	_ =	sdelay $0x1  }
0x29a: {  	v18 =	vtrunc.f32 v17  }
0x29b: {  	v18 =	vcvt.f32.s32 v18  }
0x29c: {  	v23 =	vtrunc.f32 v13;
	v16 =	vmul.f32 $5.119998780e+02, v16  }
0x29d: {  	v15 =	vcvt.f32.s32 v23  }
0x29e: {  	s1 =	sadd.s32 $0xE000, s2;
	v19 =	vcvt.s32.f32 v18;
	v21 =	vtrunc.f32 v16  }
0x29f: {  	s22 =	sor.u32 s31, s1;
	v21 =	vcvt.f32.s32 v21  }
0x2a0: {  	v20 =	vld [tilespmem:s22+$0x0];
	v17 =	vsub.f32 v17, v19  }
0x2a1: {  	[tilespmem:v18+s25+$0x0] =	vst.idx.add.f32.msk vm5, v1  }
0x2a2: {  	s5 =	sor.u32 s0, s23;
	[tilespmem:v18+s28+$0x0] =	vst.idx.add.f32.msk vm5, v17;
	v17 =	vcvt.s32.f32 v21  }
0x2a3: {  	s9 =	simm.s32 $0x1E00;
	v18 =	vld [tilespmem:s5+$0x0]  }
0x2a4: {  	s18 =	simm.s32 $0x1400;
	[tilespmem:v15+s9+$0x0] =	vst.idx.add.f32.msk vm2, v1;
	v16 =	vsub.f32 v16, v17  }
0x2a5: {  	s21 =	simm.s32 $0x3A00;
	s9 =	sadd.s32 $0xC800, s13;
	[tilespmem:v21+s18+$0x0] =	vst.idx.add.f32.msk vm3, v1  }
0x2a6: {  	s22 =	sor.u32 s8, s9;
	[tilespmem:v21+s21+$0x0] =	vst.idx.add.f32.msk vm3, v16  }
0x2a7: {  	v16 =	vld [tilespmem:s22+$0x0]  }
0x2a8: {  	v17 =	vmul.f32 $5.119998780e+02, v18;
	_ =	sdelay $0x1  }
0x2a9: {  	v18 =	vtrunc.f32 v17  }
0x2aa: {  	v18 =	vcvt.f32.s32 v18  }
0x2ab: {  	v16 =	vmul.f32 $5.119998780e+02, v16;
	_ =	sdelay $0x1  }
0x2ac: {  	v19 =	vcvt.s32.f32 v18;
	v21 =	vtrunc.f32 v16  }
0x2ad: {  	v21 =	vcvt.f32.s32 v21  }
0x2ae: {  	v17 =	vsub.f32 v17, v19  }
0x2af: {  	[tilespmem:v18+s18+$0x0] =	vst.idx.add.f32.msk vm5, v1  }
0x2b0: {  	s5 =	sor.u32 s0, s9;
	[tilespmem:v18+s21+$0x0] =	vst.idx.add.f32.msk vm5, v17;
	v17 =	vcvt.s32.f32 v21  }
0x2b1: {  	v18 =	vld [tilespmem:s5+$0x0]  }
0x2b2: {  	s25 =	simm.s32 $0x1600;
	v16 =	vsub.f32 v16, v17  }
0x2b3: {  	s23 =	sadd.s32 $0xCC00, s13;
	s28 =	simm.s32 $0x3C00;
	[tilespmem:v21+s25+$0x0] =	vst.idx.add.f32.msk vm3, v1  }
0x2b4: {  	s29 =	sor.u32 s8, s23;
	[tilespmem:v21+s28+$0x0] =	vst.idx.add.f32.msk vm3, v16  }
0x2b5: {  	v16 =	vld [tilespmem:s29+$0x0]  }
0x2b6: {  	v17 =	vmul.f32 $5.119998780e+02, v18;
	_ =	sdelay $0x1  }
0x2b7: {  	v18 =	vtrunc.f32 v17  }
0x2b8: {  	v18 =	vcvt.f32.s32 v18  }
0x2b9: {  	v16 =	vmul.f32 $5.119998780e+02, v16;
	_ =	sdelay $0x1  }
0x2ba: {  	v19 =	vcvt.s32.f32 v18;
	v21 =	vtrunc.f32 v16  }
0x2bb: {  	vm3 =	vmmov vm3;
	v21 =	vcvt.f32.s32 v21  }
0x2bc: {  	v17 =	vsub.f32 v17, v19  }
0x2bd: {  	[tilespmem:v18+s25+$0x0] =	vst.idx.add.f32.msk vm5, v1  }
0x2be: {  	s5 =	sor.u32 s0, s23;
	[tilespmem:v18+s28+$0x0] =	vst.idx.add.f32.msk vm5, v17;
	v17 =	vcvt.s32.f32 v21  }
0x2bf: {  	v18 =	vld [tilespmem:s5+$0x0]  }
0x2c0: {  	s21 =	simm.s32 $0x1800;
	v16 =	vsub.f32 v16, v17  }
0x2c1: {  	s18 =	sadd.s32 $0xD000, s13;
	s23 =	simm.s32 $0x3E00;
	[tilespmem:v21+s21+$0x0] =	vst.idx.add.f32.msk vm3, v1  }
0x2c2: {  	s29 =	sor.u32 s8, s18;
	[tilespmem:v21+s23+$0x0] =	vst.idx.add.f32.msk vm3, v16  }
0x2c3: {  	v16 =	vld [tilespmem:s29+$0x0]  }
0x2c4: {  	v17 =	vmul.f32 $5.119998780e+02, v18;
	_ =	sdelay $0x1  }
0x2c5: {  	v18 =	vtrunc.f32 v17  }
0x2c6: {  	v18 =	vcvt.f32.s32 v18  }
0x2c7: {  	v16 =	vmul.f32 $5.119998780e+02, v16;
	_ =	sdelay $0x1  }
0x2c8: {  	v19 =	vcvt.s32.f32 v18;
	v21 =	vtrunc.f32 v16  }
0x2c9: {  	v21 =	vcvt.f32.s32 v21  }
0x2ca: {  	s22 =	simm.s32 $0x1800;
	v17 =	vsub.f32 v17, v19  }
0x2cb: {  	s25 =	simm.s32 $0x3E00;
	[tilespmem:v18+s22+$0x0] =	vst.idx.add.f32.msk vm5, v1  }
0x2cc: {  	s5 =	sor.u32 s0, s18;
	[tilespmem:v18+s25+$0x0] =	vst.idx.add.f32.msk vm5, v17;
	v17 =	vcvt.s32.f32 v21  }
0x2cd: {  	v18 =	vld [tilespmem:s5+$0x0]  }
0x2ce: {  	s29 =	simm.s32 $0x1A00;
	v16 =	vsub.f32 v16, v17  }
0x2cf: {  	s16 =	sadd.s32 $0xD400, s13;
	[tilespmem:v21+s29+$0x0] =	vst.idx.add.f32.msk vm3, v1  }
0x2d0: {  	s18 =	sor.u32 s8, s16;
	[tilespmem:v21+s17+$0x0] =	vst.idx.add.f32.msk vm3, v16  }
0x2d1: {  	v16 =	vld [tilespmem:s18+$0x0]  }
0x2d2: {  	v17 =	vmul.f32 $5.119998780e+02, v18;
	_ =	sdelay $0x1  }
0x2d3: {  	v18 =	vtrunc.f32 v17  }
0x2d4: {  	v18 =	vcvt.f32.s32 v18  }
0x2d5: {  	vm6 =	vmmov vm5;
	v16 =	vmul.f32 $5.119998780e+02, v16;
	_ =	sdelay $0x1  }
0x2d6: {  	v19 =	vcvt.s32.f32 v18;
	v21 =	vtrunc.f32 v16  }
0x2d7: {  	v21 =	vcvt.f32.s32 v21  }
0x2d8: {  	v17 =	vsub.f32 v17, v19  }
0x2d9: {  	[tilespmem:v18+s29+$0x0] =	vst.idx.add.f32.msk vm5, v1  }
0x2da: {  	s5 =	sor.u32 s0, s16;
	[tilespmem:v18+s17+$0x0] =	vst.idx.add.f32.msk vm6, v17;
	v17 =	vcvt.s32.f32 v21  }
0x2db: {  	v18 =	vld [tilespmem:s5+$0x0]  }
0x2dc: {  	v16 =	vsub.f32 v16, v17  }
0x2dd: {  	s21 =	sadd.s32 $0xD800, s13;
	s22 =	simm.s32 $0x4200;
	[tilespmem:v21+s24+$0x0] =	vst.idx.add.f32.msk vm3, v1  }
0x2de: {  	s23 =	sor.u32 s8, s21;
	[tilespmem:v21+s22+$0x0] =	vst.idx.add.f32.msk vm3, v16  }
0x2df: {  	v16 =	vld [tilespmem:s23+$0x0]  }
0x2e0: {  	v17 =	vmul.f32 $5.119998780e+02, v18;
	_ =	sdelay $0x1  }
0x2e1: {  	v18 =	vtrunc.f32 v17  }
0x2e2: {  	v18 =	vcvt.f32.s32 v18  }
0x2e3: {  	v16 =	vmul.f32 $5.119998780e+02, v16;
	_ =	sdelay $0x1  }
0x2e4: {  	v19 =	vcvt.s32.f32 v18;
	v21 =	vtrunc.f32 v16  }
0x2e5: {  	v20 =	vmul.f32 $5.119998780e+02, v20;
	v21 =	vcvt.f32.s32 v21  }
0x2e6: {  	v17 =	vsub.f32 v17, v19  }
0x2e7: {  	v19 =	vtrunc.f32 v20;
	[tilespmem:v18+s24+$0x0] =	vst.idx.add.f32.msk vm6, v1  }
0x2e8: {  	s5 =	sor.u32 s0, s21;
	v19 =	vcvt.f32.s32 v19;
	[tilespmem:v18+s22+$0x0] =	vst.idx.add.f32.msk vm6, v17;
	v17 =	vcvt.s32.f32 v21  }
0x2e9: {  	v18 =	vld [tilespmem:s5+$0x0]  }
0x2ea: {  	s18 =	simm.s32 $0x1E00;
	v16 =	vsub.f32 v16, v17  }
0x2eb: {  	s25 =	simm.s32 $0x4400;
	s5 =	sadd.s32 $0xDC00, s13;
	v17 =	vcvt.s32.f32 v19;
	[tilespmem:v21+s18+$0x0] =	vst.idx.add.f32.msk vm3, v1  }
0x2ec: {  	s9 =	sor.u32 s8, s5;
	[tilespmem:v21+s25+$0x0] =	vst.idx.add.f32.msk vm3, v16  }
0x2ed: {  	s21 =	simm.s32 $0x2200;
	v16 =	vsub.f32 v20, v17;
	v17 =	vld [tilespmem:s9+$0x0]  }
0x2ee: {  	s22 =	simm.s32 $0x4800;
	[tilespmem:v19+s21+$0x0] =	vst.idx.add.f32.msk vm0, v1;
	v20 =	vcvt.s32.f32 v15;
	v18 =	vmul.f32 $5.119998780e+02, v18;
	s9 =	sadd.s32 $0xE400, s2  }
0x2ef: {  	[tilespmem:v19+s22+$0x0] =	vst.idx.add.f32.msk vm0, v16;
	s23 =	sor.u32 s31, s9  }
0x2f0: {  	v13 =	vsub.f32 v13, v20;
	v19 =	vtrunc.f32 v18;
	v16 =	vld [tilespmem:s23+$0x0]  }
0x2f1: {  	v19 =	vcvt.f32.s32 v19  }
0x2f2: {  	s3 =	sor.u32 s30, s3;
	[tilespmem:v15+s25+$0x0] =	vst.idx.add.f32.msk vm2, v13;
	v13 =	vmul.f32 $5.119998780e+02, v17  }
0x2f3: {  	v15 =	vld [tilespmem:s3+$0x0]  }
0x2f4: {  	v20 =	vcvt.s32.f32 v19;
	v17 =	vtrunc.f32 v13  }
0x2f5: {  	v16 =	vmul.f32 $5.119998780e+02, v16;
	v17 =	vcvt.f32.s32 v17  }
0x2f6: {  	v18 =	vsub.f32 v18, v20  }
0x2f7: {  	s25 =	simm.s32 $0x4400;
	[tilespmem:v19+s18+$0x0] =	vst.idx.add.f32.msk vm6, v1;
	v20 =	vtrunc.f32 v16  }
0x2f8: {  	s5 =	sor.u32 s0, s5;
	v15 =	vmul.f32 $5.119998780e+02, v15;
	[tilespmem:v19+s25+$0x0] =	vst.idx.add.f32.msk vm6, v18;
	v21 =	vcvt.s32.f32 v17  }
0x2f9: {  	v18 =	vcvt.f32.s32 v20;
	v19 =	vld [tilespmem:s5+$0x0]  }
0x2fa: {  	s14 =	simm.s32 $0x2000;
	v20 =	vtrunc.f32 v15;
	v13 =	vsub.f32 v13, v21  }
0x2fb: {  	s11 =	simm.s32 $0x4600;
	s6 =	sadd.s32 $0xE000, s13;
	v20 =	vcvt.f32.s32 v20;
	v22 =	vcvt.s32.f32 v18;
	[tilespmem:v17+s14+$0x0] =	vst.idx.add.f32.msk vm3, v1  }
0x2fc: {  	s16 =	sor.u32 s8, s6;
	vm5 =	vmmov vm2;
	v21 =	vshll.u32 v4, $0xA;
	[tilespmem:v17+s11+$0x0] =	vst.idx.add.f32.msk vm3, v13  }
0x2fd: {  	v21 =	vor.u32 s31, v21;
	v16 =	vsub.f32 v16, v22;
	v17 =	vld [tilespmem:s16+$0x0]  }
0x2fe: {  	s18 =	simm.s32 $0x2400;
	v13 =	vadd.s32 s2, v21;
	v21 =	vcvt.s32.f32 v20;
	v19 =	vmul.f32 $5.119998780e+02, v19  }
0x2ff: {  	s10 =	simm.s32 $0x4A00;
	v13 =	vor.u32 v2, v13;
	[tilespmem:v18+s18+$0x0] =	vst.idx.add.f32.msk vm0, v1  }
0x300: {  	s21 =	simm.s32 $0x2000;
	[tilespmem:v18+s10+$0x0] =	vst.idx.add.f32.msk vm0, v16;
	v15 =	vsub.f32 v15, v21;
	v16 =	vtrunc.f32 v19  }
0x301: {  	s22 =	simm.s32 $0x4600;
	[tilespmem:v20+s21+$0x0] =	vst.idx.add.f32.msk vm2, v1;
	v16 =	vcvt.f32.s32 v16  }
0x302: {  	s1 =	sor.u32 s30, s1;
	[tilespmem:v20+s22+$0x0] =	vst.idx.add.f32.msk vm5, v15;
	v15 =	vmul.f32 $5.119998780e+02, v17  }
0x303: {  	v17 =	vld [tilespmem:s1+$0x0]  }
0x304: {  	v20 =	vcvt.s32.f32 v16;
	v13 =	vld.idx.msk [tilespmem:v13+s19+$0x0], $0xffff;
	v18 =	vtrunc.f32 v15  }
0x305: {  	v18 =	vcvt.f32.s32 v18  }
0x306: {  	v19 =	vsub.f32 v19, v20  }
0x307: {  	[tilespmem:v16+s21+$0x0] =	vst.idx.add.f32.msk vm6, v1  }
0x308: {  	s23 =	sor.u32 s0, s6;
	[tilespmem:v16+s22+$0x0] =	vst.idx.add.f32.msk vm6, v19;
	v17 =	vmul.f32 $5.119998780e+02, v17;
	v20 =	vcvt.s32.f32 v18  }
0x309: {  	v13 =	vmul.f32 $5.119998780e+02, v13;
	v16 =	vld [tilespmem:s23+$0x0]  }
0x30a: {  	s3 =	simm.s32 $0x2200;
	v19 =	vtrunc.f32 v17;
	v15 =	vsub.f32 v15, v20  }
0x30b: {  	s25 =	sadd.s32 $0xE400, s13;
	s5 =	simm.s32 $0x4800;
	v20 =	vsub.f32 $5.119998780e+02, v13;
	v19 =	vcvt.f32.s32 v19;
	[tilespmem:v18+s3+$0x0] =	vst.idx.add.f32.msk vm3, v1  }
0x30c: {  	s10 =	sor.u32 s8, s25;
	v21 =	vtrunc.f32 v13;
	[tilespmem:v18+s5+$0x0] =	vst.idx.add.f32.msk vm3, v15  }
0x30d: {  	v15 =	vcvt.f32.s32 v21;
	v18 =	vtrunc.f32 v20;
	v21 =	vld [tilespmem:s10+$0x0]  }
0x30e: {  	v4 =	vshll.u32 v4, $0x9;
	v22 =	vcvt.s32.f32 v19;
	v16 =	vmul.f32 $5.119998780e+02, v16  }
0x30f: {  	v11 =	vld.idx.msk [tilespmem:v11+s19+$0x0], $0xffff;
	s11 =	simm.s32 $0x7200;
	v18 =	vcvt.f32.s32 v18;
	v23 =	vadd.s32 v15, v4  }
0x310: {  	[tilespmem:v12+s11+$0x0] =	vst.idx.add.f32.msk vm4, v14;
	vm2 =	vmmov vm6;
	v12 =	vsub.f32 v17, v22;
	v14 =	vtrunc.f32 v16  }
0x311: {  	v15 =	vcvt.s32.f32 v15;
	v4 =	vadd.s32 v18, v4;
	v14 =	vcvt.f32.s32 v14;
	[tilespmem:v19+s3+$0x0] =	vst.idx.add.f32.msk vm5, v1  }
0x312: {  	s18 =	sor.u32 s30, s9;
	[tilespmem:v19+s5+$0x0] =	vst.idx.add.f32.msk vm5, v12;
	v12 =	vmul.f32 $5.119998780e+02, v21  }
0x313: {  	v17 =	vcvt.s32.f32 v18;
	v13 =	vsub.f32 v15, v13;
	v15 =	vld [tilespmem:s18+$0x0]  }
0x314: {  	v19 =	vcvt.s32.f32 v14;
	[tilespmem:v23+s4+$0x0] =	vst.idx.add.f32.msk vm0, v3;
	v18 =	vtrunc.f32 v12  }
0x315: {  	v11 =	vmul.f32 $5.119998780e+02, v11;
	[tilespmem:v23+s20+$0x0] =	vst.idx.add.f32.msk vm0, v13;
	v13 =	vcvt.f32.s32 v18;
	v18 =	vshll.u32 v5, $0xA  }
0x316: {  	s16 =	simm.s32 $0x2200;
	v16 =	vsub.f32 v16, v19;
	[tilespmem:v4+s4+$0x0] =	vst.idx.add.f32.msk vm0, v1;
	v18 =	vor.u32 s8, v18  }
0x317: {  	s21 =	simm.s32 $0x4800;
	v17 =	vsub.f32 v20, v17;
	v19 =	vtrunc.f32 v11;
	[tilespmem:v14+s16+$0x0] =	vst.idx.add.f32.msk vm2, v1;
	v18 =	vadd.s32 s13, v18  }
0x318: {  	s22 =	sor.u32 s0, s25;
	[tilespmem:v14+s21+$0x0] =	vst.idx.add.f32.msk vm2, v16;
	v15 =	vmul.f32 $5.119998780e+02, v15;
	v20 =	vcvt.s32.f32 v13;
	v18 =	vor.u32 v2, v18  }
0x319: {  	vm1 =	vmmov vm1;
	v14 =	vcvt.f32.s32 v19;
	v16 =	vld [tilespmem:s22+$0x0]  }
0x31a: {  	s23 =	simm.s32 $0x2400;
	v19 =	vsub.f32 $5.119998780e+02, v11;
	[tilespmem:v4+s20+$0x0] =	vst.idx.add.f32.msk vm0, v17;
	v21 =	vtrunc.f32 v15;
	v12 =	vsub.f32 v12, v20  }
0x31b: {  	s25 =	simm.s32 $0x4A00;
	v20 =	vadd.s32 v14, v10;
	v21 =	vcvt.f32.s32 v21;
	[tilespmem:v13+s23+$0x0] =	vst.idx.add.f32.msk vm3, v1  }
0x31c: {  	v22 =	vtrunc.f32 v19;
	[tilespmem:v13+s25+$0x0] =	vst.idx.add.f32.msk vm3, v12  }
0x31d: {  	s3 =	simm.s32 $0x4C00;
	v12 =	vcvt.f32.s32 v22;
	v13 =	vld.idx.msk [tilespmem:v18+s19+$0x0], $0xffff  }
0x31e: {  	s14 =	simm.s32 $0x7200;
	[tilespmem:v4+s3+$0x0] =	vst.idx.add.f32.msk vm0, v1;
	v16 =	vmul.f32 $5.119998780e+02, v16;
	v18 =	vcvt.s32.f32 v21  }
0x31f: {  	[tilespmem:v4+s14+$0x0] =	vst.idx.add.f32.msk vm0, v17;
	v4 =	vcvt.s32.f32 v14  }
0x320: {  	v10 =	vadd.s32 v12, v10;
	[tilespmem:v20+s4+$0x0] =	vst.idx.add.f32.msk vm1, v3;
	v14 =	vsub.f32 v15, v18;
	v15 =	vtrunc.f32 v16  }
0x321: {  	v12 =	vcvt.s32.f32 v12;
	[tilespmem:v21+s23+$0x0] =	vst.idx.add.f32.msk vm5, v1;
	v15 =	vcvt.f32.s32 v15  }
0x322: {  	v4 =	vsub.f32 v4, v11;
	[tilespmem:v21+s25+$0x0] =	vst.idx.add.f32.msk vm5, v14;
	v11 =	vmul.f32 $5.119998780e+02, v13  }
0x323: {  	v12 =	vsub.f32 v19, v12;
	v8 =	vld.idx.msk [tilespmem:v8+s19+$0x0], $0xffff  }
0x324: {  	[tilespmem:v20+s20+$0x0] =	vst.idx.add.f32.msk vm1, v4;
	v14 =	vcvt.s32.f32 v15;
	v4 =	vtrunc.f32 v11;
	v13 =	vsub.f32 $5.119998780e+02, v11  }
0x325: {  	[tilespmem:v10+s4+$0x0] =	vst.idx.add.f32.msk vm1, v1;
	v4 =	vcvt.f32.s32 v4  }
0x326: {  	s6 =	simm.s32 $0x2400;
	v5 =	vshll.u32 v5, $0x9;
	[tilespmem:v10+s20+$0x0] =	vst.idx.add.f32.msk vm1, v12;
	v14 =	vsub.f32 v16, v14;
	v17 =	vtrunc.f32 v13  }
0x327: {  	s8 =	simm.s32 $0x4A00;
	[tilespmem:v15+s6+$0x0] =	vst.idx.add.f32.msk vm2, v1;
	v16 =	vadd.s32 v4, v5;
	v17 =	vcvt.f32.s32 v17  }
0x328: {  	v8 =	vmul.f32 $5.119998780e+02, v8;
	[tilespmem:v15+s8+$0x0] =	vst.idx.add.f32.msk vm2, v14  }
0x329: {  	s9 =	simm.s32 $0x4C00;
	v4 =	vcvt.s32.f32 v4;
	v9 =	vld.idx.msk [tilespmem:v9+s19+$0x0], $0xffff;
	v5 =	vadd.s32 v17, v5  }
0x32a: {  	s10 =	simm.s32 $0x7200;
	[tilespmem:v10+s9+$0x0] =	vst.idx.add.f32.msk vm1, v1;
	v14 =	vtrunc.f32 v8;
	v15 =	vsub.f32 $5.119998780e+02, v8  }
0x32b: {  	[tilespmem:v10+s10+$0x0] =	vst.idx.add.f32.msk vm1, v12;
	v10 =	vcvt.s32.f32 v17;
	v4 =	vsub.f32 v4, v11;
	v11 =	vcvt.f32.s32 v14  }
0x32c: {  	v12 =	vtrunc.f32 v15;
	[tilespmem:v16+s4+$0x0] =	vst.idx.add.f32.msk vm3, v3  }
0x32d: {  	v10 =	vsub.f32 v13, v10;
	v12 =	vcvt.f32.s32 v12;
	[tilespmem:v16+s20+$0x0] =	vst.idx.add.f32.msk vm3, v4;
	v4 =	vadd.s32 v11, v7  }
0x32e: {  	v9 =	vmul.f32 $5.119998780e+02, v9;
	[tilespmem:v5+s4+$0x0] =	vst.idx.add.f32.msk vm3, v1  }
0x32f: {  	v11 =	vcvt.s32.f32 v11;
	v7 =	vadd.s32 v12, v7;
	[tilespmem:v5+s20+$0x0] =	vst.idx.add.f32.msk vm3, v10  }
0x330: {  	v13 =	vtrunc.f32 v9;
	v14 =	vsub.f32 $5.119998780e+02, v9;
	[tilespmem:v5+s9+$0x0] =	vst.idx.add.f32.msk vm3, v1  }
0x331: {  	[tilespmem:v5+s10+$0x0] =	vst.idx.add.f32.msk vm3, v10;
	v5 =	vsub.f32 v11, v8;
	v8 =	vcvt.s32.f32 v12;
	v10 =	vcvt.f32.s32 v13  }
0x332: {  	v11 =	vtrunc.f32 v14;
	[tilespmem:v4+s4+$0x0] =	vst.idx.add.f32.msk vm5, v3  }
0x333: {  	v8 =	vsub.f32 v15, v8;
	[tilespmem:v4+s20+$0x0] =	vst.idx.add.f32.msk vm5, v5;
	v4 =	vadd.s32 v10, v6;
	v5 =	vcvt.f32.s32 v11  }
0x334: {  	[tilespmem:v7+s4+$0x0] =	vst.idx.add.f32.msk vm5, v1  }
0x335: {  	s11 =	simm.s32 $0x4C00;
	v10 =	vcvt.s32.f32 v10;
	[tilespmem:v7+s20+$0x0] =	vst.idx.add.f32.msk vm5, v8;
	v6 =	vadd.s32 v5, v6  }
0x336: {  	s13 =	simm.s32 $0x7200;
	[tilespmem:v7+s11+$0x0] =	vst.idx.add.f32.msk vm5, v1  }
0x337: {  	s0 =	rddreg [dreg:$0xd];
	[tilespmem:v7+s13+$0x0] =	vst.idx.add.f32.msk vm5, v8;
	v7 =	vsub.f32 v10, v9  }
0x338: {  	p0 =	seq.s32 s0, $0xF;
	s0 =	rddreg [dreg:$0xe];
	[tilespmem:v4+s4+$0x0] =	vst.idx.add.f32.msk vm2, v3  }
0x339: {  	v5 =	vcvt.s32.f32 v5;
	s0 =	sadd.s32 @!p0 $0x800, s0;
	[tilespmem:v4+s20+$0x0] =	vst.idx.add.f32.msk vm2, v7  }
0x33a: {  	s1 =	sand.u32 @!p0 $0xF000, s0;
	s2 =	rddreg [dreg:$0x6];
	[tilespmem:v6+s4+$0x0] =	vst.idx.add.f32.msk vm2, v1  }
0x33b: {  	v5 =	vsub.f32 v14, v5;
	s1 =	sadd.s32 @!p0 s2, s1;
	s2 =	rddreg [dreg:$0x5]  }
0x33c: {  	s0 =	sand.u32 @!p0 $0x800, s0;
	s2 =	sadd.s32 @!p0 s2, s1  }
0x33d: {  	[tilespmem:v6+s20+$0x0] =	vst.idx.add.f32.msk vm2, v5;
	s2 =	sor.u32 @!p0 s0, s2  }
0x33e: {  	s3 =	rddreg [dreg:$0x1];
	s14 =	simm.s32 $0x7200;
	[tilespmem:v6+s11+$0x0] =	vst.idx.add.f32.msk vm2, v1;
	s2 =	sshrl.u32 @!p0 s2, $0x3  }
0x33f: {  	s5 =	simm.s32 @!p0 $0x9800;
	[tilespmem:v6+s14+$0x0] =	vst.idx.add.f32.msk vm2, v5;
	s2 =	sadd.s32 @!p0 s3, s2;
	s3 =	simm.s32 @!p0 $0x0  }
0x340: {  	[tilespmem:s5], [sflag:$0x1] =	stream.linear.gather @!p0 [hbm4b:s2+s3], $0x400, $0x38;
	[tilespmem:$0x13800] =	vst v63  }
0x341: {  	s2 =	rddreg [dreg:$0x4]  }
0x342: {  	s1 =	sadd.s32 @!p0 s2, s1  }
0x343: {  	s16 =	simm.s32 $0x2;
	s0 =	sor.u32 @!p0 s0, s1  }
0x344: {  	s3 =	simm.s32 @!p0 $0x9C00;
	s1 =	rddreg [dreg:$0x0];
	s0 =	sshrl.u32 @!p0 s0, $0x3  }
0x345: {  	s2 =	simm.s32 @!p0 $0x40000;
	s0 =	sadd.s32 @!p0 s1, s0;
	s1 =	simm.s32 @!p0 $0x400  }
0x346: {  	[tilespmem:s3], [sflag:$0x1] =	stream.strided.gather @!p0 [hbm4b:s0+s1], $0x4C00, s2, s1, $0x38;
	[tilespmem:$0x13800] =	vst v63  }
0x347: {  	_ =	swait.ge [sflag:s16], $0x400  }
0x348: {  	[sflag:s16] =	ssyncset.done $0x0  }
0x349: {  	s18 =	simm.s32 $0x0;
	[sflag:s16] =	ssyncadd.s32 $0xFFFFFC00  }
0x34a: {  	s19 =	simm.s32 $0x0;
	s5 =	sand.u32 $0x60, s18;
	_ =	swait.ge [sflag:s16], $0x4C00  }
0x34b: {  	s8 =	sand.u32 $0xFFFFFF80, s19;
	s18 =	sor.u32 $0x10, s5;
	[sflag:s16] =	ssyncset.done $0x0  }
0x34c: {  	s0 =	sor.u32 s8, s18;
	[sflag:s16] =	ssyncadd.s32 $0xFFFFB400  }
0x34d: {  	v4 =	vld [tilespmem:s0+$0xEC00];
	_ =	sdelay $0x1  }
0x34e: {  	s21 =	sor.u32 s5, s8;
	v7 =	vld [tilespmem:s0+$0xE800]  }
0x34f: {  	v5 =	vld [tilespmem:s21+$0xEC00];
	_ =	sdelay $0x1  }
0x350: {  	v4 =	vmul.f32 $5.119998780e+02, v4  }
0x351: {  	v6 =	vld [tilespmem:s21+$0xE800]  }
0x352: {  	vm0 =	vmmov vm5;
	v8 =	vtrunc.f32 v4  }
0x353: {  	vm0 =	vne.s32 v7, $0x0;
	v5 =	vmul.f32 $5.119998780e+02, v5;
	v8 =	vcvt.f32.s32 v8;
	_ =	sdelay $0x1  }
0x354: {  	vm1 =	vmmov vm2;
	v9 =	vtrunc.f32 v5  }
0x355: {  	vm1 =	vne.s32 v6, $0x0;
	v9 =	vcvt.f32.s32 v9;
	v10 =	vcvt.s32.f32 v8;
	_ =	sdelay $0x1  }
0x356: {  	v4 =	vsub.f32 v4, v10  }
0x357: {  	s22 =	sadd.s32 $0xF000, s8;
	v10 =	vcvt.s32.f32 v9;
	[tilespmem:v8+s4+$0x0] =	vst.idx.add.f32.msk vm0, v1  }
0x358: {  	s23 =	sor.u32 s18, s22;
	[tilespmem:v8+s20+$0x0] =	vst.idx.add.f32.msk vm0, v4  }
0x359: {  	v5 =	vsub.f32 v5, v10;
	v4 =	vld [tilespmem:s23+$0x0]  }
0x35a: {  	[tilespmem:v9+s4+$0x0] =	vst.idx.add.f32.msk vm1, v1  }
0x35b: {  	s0 =	sor.u32 s5, s22;
	[tilespmem:v9+s20+$0x0] =	vst.idx.add.f32.msk vm1, v5  }
0x35c: {  	v5 =	vld [tilespmem:s0+$0x0];
	_ =	sdelay $0x1  }
0x35d: {  	v4 =	vmul.f32 $5.119998780e+02, v4;
	_ =	sdelay $0x1  }
0x35e: {  	v8 =	vtrunc.f32 v4  }
0x35f: {  	v5 =	vmul.f32 $5.119998780e+02, v5;
	v8 =	vcvt.f32.s32 v8;
	_ =	sdelay $0x1  }
0x360: {  	v9 =	vtrunc.f32 v5  }
0x361: {  	v9 =	vcvt.f32.s32 v9;
	v10 =	vcvt.s32.f32 v8;
	_ =	sdelay $0x1  }
0x362: {  	s2 =	simm.s32 $0x200;
	v4 =	vsub.f32 v4, v10  }
0x363: {  	s6 =	simm.s32 $0x2800;
	s25 =	sadd.s32 $0xF400, s8;
	v10 =	vcvt.s32.f32 v9;
	[tilespmem:v8+s2+$0x0] =	vst.idx.add.f32.msk vm0, v1  }
0x364: {  	s9 =	sor.u32 s18, s25;
	[tilespmem:v8+s6+$0x0] =	vst.idx.add.f32.msk vm0, v4  }
0x365: {  	v5 =	vsub.f32 v5, v10;
	v4 =	vld [tilespmem:s9+$0x0]  }
0x366: {  	[tilespmem:v9+s2+$0x0] =	vst.idx.add.f32.msk vm1, v1  }
0x367: {  	s0 =	sor.u32 s5, s25;
	[tilespmem:v9+s6+$0x0] =	vst.idx.add.f32.msk vm1, v5  }
0x368: {  	v5 =	vld [tilespmem:s0+$0x0];
	_ =	sdelay $0x1  }
0x369: {  	v4 =	vmul.f32 $5.119998780e+02, v4;
	_ =	sdelay $0x1  }
0x36a: {  	v8 =	vtrunc.f32 v4  }
0x36b: {  	v5 =	vmul.f32 $5.119998780e+02, v5;
	v8 =	vcvt.f32.s32 v8;
	_ =	sdelay $0x1  }
0x36c: {  	v9 =	vtrunc.f32 v5  }
0x36d: {  	v9 =	vcvt.f32.s32 v9;
	v10 =	vcvt.s32.f32 v8;
	_ =	sdelay $0x1  }
0x36e: {  	v4 =	vsub.f32 v4, v10  }
0x36f: {  	s10 =	sadd.s32 $0xF800, s8;
	s11 =	simm.s32 $0x2A00;
	v10 =	vcvt.s32.f32 v9;
	[tilespmem:v8+s7+$0x0] =	vst.idx.add.f32.msk vm0, v1  }
0x370: {  	s13 =	sor.u32 s18, s10;
	[tilespmem:v8+s11+$0x0] =	vst.idx.add.f32.msk vm0, v4  }
0x371: {  	v5 =	vsub.f32 v5, v10;
	v4 =	vld [tilespmem:s13+$0x0]  }
0x372: {  	[tilespmem:v9+s7+$0x0] =	vst.idx.add.f32.msk vm1, v1  }
0x373: {  	s0 =	sor.u32 s5, s10;
	[tilespmem:v9+s11+$0x0] =	vst.idx.add.f32.msk vm1, v5  }
0x374: {  	v5 =	vld [tilespmem:s0+$0x0];
	_ =	sdelay $0x1  }
0x375: {  	v4 =	vmul.f32 $5.119998780e+02, v4;
	_ =	sdelay $0x1  }
0x376: {  	v8 =	vtrunc.f32 v4  }
0x377: {  	v5 =	vmul.f32 $5.119998780e+02, v5;
	v8 =	vcvt.f32.s32 v8;
	_ =	sdelay $0x1  }
0x378: {  	v9 =	vtrunc.f32 v5  }
0x379: {  	v9 =	vcvt.f32.s32 v9;
	v10 =	vcvt.s32.f32 v8;
	_ =	sdelay $0x1  }
0x37a: {  	v4 =	vsub.f32 v4, v10  }
0x37b: {  	s14 =	sadd.s32 $0xFC00, s8;
	v10 =	vcvt.s32.f32 v9;
	[tilespmem:v8+s12+$0x0] =	vst.idx.add.f32.msk vm0, v1  }
0x37c: {  	s16 =	sor.u32 s18, s14;
	[tilespmem:v8+s15+$0x0] =	vst.idx.add.f32.msk vm0, v4  }
0x37d: {  	v5 =	vsub.f32 v5, v10;
	v4 =	vld [tilespmem:s16+$0x0]  }
0x37e: {  	[tilespmem:v9+s12+$0x0] =	vst.idx.add.f32.msk vm1, v1  }
0x37f: {  	s0 =	sor.u32 s5, s14;
	[tilespmem:v9+s15+$0x0] =	vst.idx.add.f32.msk vm1, v5  }
0x380: {  	v5 =	vld [tilespmem:s0+$0x0];
	_ =	sdelay $0x1  }
0x381: {  	v4 =	vmul.f32 $5.119998780e+02, v4;
	_ =	sdelay $0x1  }
0x382: {  	v8 =	vtrunc.f32 v4  }
0x383: {  	vm0 =	vmmov vm0;
	v5 =	vmul.f32 $5.119998780e+02, v5;
	v8 =	vcvt.f32.s32 v8;
	_ =	sdelay $0x1  }
0x384: {  	v9 =	vtrunc.f32 v5  }
0x385: {  	v9 =	vcvt.f32.s32 v9;
	v10 =	vcvt.s32.f32 v8;
	_ =	sdelay $0x1  }
0x386: {  	s21 =	simm.s32 $0x800;
	v4 =	vsub.f32 v4, v10  }
0x387: {  	s19 =	sadd.s32 $0x10000, s8;
	s22 =	simm.s32 $0x2E00;
	v10 =	vcvt.s32.f32 v9;
	[tilespmem:v8+s21+$0x0] =	vst.idx.add.f32.msk vm0, v1  }
0x388: {  	s23 =	sor.u32 s18, s19;
	[tilespmem:v8+s22+$0x0] =	vst.idx.add.f32.msk vm0, v4  }
0x389: {  	v5 =	vsub.f32 v5, v10;
	v4 =	vld [tilespmem:s23+$0x0]  }
0x38a: {  	[tilespmem:v9+s21+$0x0] =	vst.idx.add.f32.msk vm1, v1  }
0x38b: {  	s0 =	sor.u32 s5, s19;
	[tilespmem:v9+s22+$0x0] =	vst.idx.add.f32.msk vm1, v5  }
0x38c: {  	v5 =	vld [tilespmem:s0+$0x0];
	_ =	sdelay $0x1  }
0x38d: {  	v4 =	vmul.f32 $5.119998780e+02, v4;
	_ =	sdelay $0x1  }
0x38e: {  	v8 =	vtrunc.f32 v4  }
0x38f: {  	v5 =	vmul.f32 $5.119998780e+02, v5;
	v8 =	vcvt.f32.s32 v8;
	_ =	sdelay $0x1  }
0x390: {  	v9 =	vtrunc.f32 v5  }
0x391: {  	v9 =	vcvt.f32.s32 v9;
	v10 =	vcvt.s32.f32 v8;
	_ =	sdelay $0x1  }
0x392: {  	s2 =	simm.s32 $0xA00;
	v4 =	vsub.f32 v4, v10  }
0x393: {  	s25 =	sadd.s32 $0x10400, s8;
	s6 =	simm.s32 $0x3000;
	v10 =	vcvt.s32.f32 v9;
	[tilespmem:v8+s2+$0x0] =	vst.idx.add.f32.msk vm0, v1  }
0x394: {  	s9 =	sor.u32 s18, s25;
	[tilespmem:v8+s6+$0x0] =	vst.idx.add.f32.msk vm0, v4  }
0x395: {  	v5 =	vsub.f32 v5, v10;
	v4 =	vld [tilespmem:s9+$0x0]  }
0x396: {  	s10 =	simm.s32 $0x20;
	[tilespmem:v9+s2+$0x0] =	vst.idx.add.f32.msk vm1, v1  }
0x397: {  	s11 =	simm.s32 $0x20;
	s0 =	sor.u32 s5, s25;
	[tilespmem:v9+s6+$0x0] =	vst.idx.add.f32.msk vm1, v5;
	s6 =	sand.u32 $0x60, s10  }
0x398: {  	s22 =	sand.u32 $0xFFFFFF80, s11;
	v5 =	vld [tilespmem:s0+$0x0];
	s21 =	sor.u32 $0x10, s6  }
0x399: {  	s0 =	sor.u32 s22, s21  }
0x39a: {  	v8 =	vld [tilespmem:s0+$0xEC00];
	v4 =	vmul.f32 $5.119998780e+02, v4;
	_ =	sdelay $0x1  }
0x39b: {  	v9 =	vtrunc.f32 v4  }
0x39c: {  	v5 =	vmul.f32 $5.119998780e+02, v5;
	v10 =	vcvt.f32.s32 v9  }
0x39d: {  	s1 =	sor.u32 s6, s22;
	v9 =	vld [tilespmem:s0+$0xE800]  }
0x39e: {  	v13 =	vld [tilespmem:s1+$0xEC00];
	v12 =	vtrunc.f32 v5;
	v14 =	vmul.f32 $5.119998780e+02, v8  }
0x39f: {  	vm2 =	vmmov vm1;
	v12 =	vcvt.f32.s32 v12;
	v11 =	vcvt.s32.f32 v10;
	_ =	sdelay $0x1  }
0x3a0: {  	s14 =	simm.s32 $0xC00;
	v8 =	vld [tilespmem:s1+$0xE800];
	v4 =	vsub.f32 v4, v11;
	v11 =	vtrunc.f32 v14  }
0x3a1: {  	s13 =	sadd.s32 $0x10800, s8;
	s16 =	simm.s32 $0x3200;
	v15 =	vcvt.s32.f32 v12;
	vm1 =	vne.s32 v9, $0x0;
	v11 =	vcvt.f32.s32 v11;
	[tilespmem:v10+s14+$0x0] =	vst.idx.add.f32.msk vm0, v1  }
0x3a2: {  	s19 =	sor.u32 s18, s13;
	[tilespmem:v10+s16+$0x0] =	vst.idx.add.f32.msk vm0, v4;
	v4 =	vmul.f32 $5.119998780e+02, v13  }
0x3a3: {  	v5 =	vsub.f32 v5, v15;
	v10 =	vld [tilespmem:s19+$0x0]  }
0x3a4: {  	[tilespmem:v12+s14+$0x0] =	vst.idx.add.f32.msk vm2, v1;
	v13 =	vcvt.s32.f32 v11;
	v15 =	vtrunc.f32 v4  }
0x3a5: {  	s0 =	sor.u32 s5, s13;
	vm3 =	vne.s32 v8, $0x0;
	[tilespmem:v12+s16+$0x0] =	vst.idx.add.f32.msk vm2, v5;
	v5 =	vcvt.f32.s32 v15  }
0x3a6: {  	v12 =	vld [tilespmem:s0+$0x0];
	v13 =	vsub.f32 v14, v13  }
0x3a7: {  	s23 =	sadd.s32 $0xF000, s22;
	[tilespmem:v11+s4+$0x0] =	vst.idx.add.f32.msk vm1, v1  }
0x3a8: {  	s25 =	sor.u32 s21, s23;
	[tilespmem:v11+s20+$0x0] =	vst.idx.add.f32.msk vm1, v13;
	v11 =	vcvt.s32.f32 v5;
	v10 =	vmul.f32 $5.119998780e+02, v10  }
0x3a9: {  	v13 =	vld [tilespmem:s25+$0x0]  }
0x3aa: {  	v4 =	vsub.f32 v4, v11;
	v14 =	vtrunc.f32 v10  }
0x3ab: {  	v12 =	vmul.f32 $5.119998780e+02, v12;
	v11 =	vcvt.f32.s32 v14;
	[tilespmem:v5+s4+$0x0] =	vst.idx.add.f32.msk vm3, v1  }
0x3ac: {  	s0 =	sor.u32 s6, s23;
	[tilespmem:v5+s20+$0x0] =	vst.idx.add.f32.msk vm3, v4  }
0x3ad: {  	v5 =	vtrunc.f32 v12;
	v4 =	vcvt.s32.f32 v11;
	v14 =	vld [tilespmem:s0+$0x0]  }
0x3ae: {  	v5 =	vcvt.f32.s32 v5;
	v13 =	vmul.f32 $5.119998780e+02, v13;
	_ =	sdelay $0x1  }
0x3af: {  	v4 =	vsub.f32 v10, v4;
	v10 =	vtrunc.f32 v13  }
0x3b0: {  	s3 =	simm.s32 $0x3400;
	s2 =	sadd.s32 $0x10C00, s8;
	v15 =	vcvt.s32.f32 v5;
	v10 =	vcvt.f32.s32 v10;
	[tilespmem:v11+s26+$0x0] =	vst.idx.add.f32.msk vm0, v1  }
0x3b1: {  	s9 =	sor.u32 s18, s2;
	[tilespmem:v11+s3+$0x0] =	vst.idx.add.f32.msk vm0, v4;
	v4 =	vmul.f32 $5.119998780e+02, v14  }
0x3b2: {  	v12 =	vsub.f32 v12, v15;
	v11 =	vld [tilespmem:s9+$0x0]  }
0x3b3: {  	v14 =	vcvt.s32.f32 v10;
	[tilespmem:v5+s26+$0x0] =	vst.idx.add.f32.msk vm2, v1;
	v15 =	vtrunc.f32 v4  }
0x3b4: {  	s0 =	sor.u32 s5, s2;
	[tilespmem:v5+s3+$0x0] =	vst.idx.add.f32.msk vm2, v12;
	v5 =	vcvt.f32.s32 v15  }
0x3b5: {  	s11 =	simm.s32 $0x200;
	v13 =	vsub.f32 v13, v14;
	v12 =	vld [tilespmem:s0+$0x0]  }
0x3b6: {  	s10 =	sadd.s32 $0xF400, s22;
	s13 =	simm.s32 $0x2800;
	[tilespmem:v10+s11+$0x0] =	vst.idx.add.f32.msk vm1, v1  }
0x3b7: {  	s14 =	sor.u32 s21, s10;
	[tilespmem:v10+s13+$0x0] =	vst.idx.add.f32.msk vm1, v13;
	v10 =	vcvt.s32.f32 v5;
	v11 =	vmul.f32 $5.119998780e+02, v11  }
0x3b8: {  	v13 =	vld [tilespmem:s14+$0x0]  }
0x3b9: {  	v4 =	vsub.f32 v4, v10;
	v14 =	vtrunc.f32 v11  }
0x3ba: {  	v12 =	vmul.f32 $5.119998780e+02, v12;
	v10 =	vcvt.f32.s32 v14;
	[tilespmem:v5+s11+$0x0] =	vst.idx.add.f32.msk vm3, v1  }
0x3bb: {  	s0 =	sor.u32 s6, s10;
	[tilespmem:v5+s13+$0x0] =	vst.idx.add.f32.msk vm3, v4  }
0x3bc: {  	v5 =	vtrunc.f32 v12;
	v4 =	vcvt.s32.f32 v10;
	v14 =	vld [tilespmem:s0+$0x0]  }
0x3bd: {  	v5 =	vcvt.f32.s32 v5;
	v13 =	vmul.f32 $5.119998780e+02, v13;
	_ =	sdelay $0x1  }
0x3be: {  	s19 =	simm.s32 $0x1000;
	v4 =	vsub.f32 v11, v4;
	v11 =	vtrunc.f32 v13  }
0x3bf: {  	s16 =	sadd.s32 $0x11000, s8;
	s23 =	simm.s32 $0x3600;
	v15 =	vcvt.s32.f32 v5;
	v11 =	vcvt.f32.s32 v11;
	[tilespmem:v10+s19+$0x0] =	vst.idx.add.f32.msk vm0, v1  }
0x3c0: {  	s25 =	sor.u32 s18, s16;
	[tilespmem:v10+s23+$0x0] =	vst.idx.add.f32.msk vm0, v4;
	v4 =	vmul.f32 $5.119998780e+02, v14  }
0x3c1: {  	v12 =	vsub.f32 v12, v15;
	v10 =	vld [tilespmem:s25+$0x0]  }
0x3c2: {  	v14 =	vcvt.s32.f32 v11;
	[tilespmem:v5+s19+$0x0] =	vst.idx.add.f32.msk vm2, v1;
	v15 =	vtrunc.f32 v4  }
0x3c3: {  	s0 =	sor.u32 s5, s16;
	[tilespmem:v5+s23+$0x0] =	vst.idx.add.f32.msk vm2, v12;
	v5 =	vcvt.f32.s32 v15  }
0x3c4: {  	v13 =	vsub.f32 v13, v14;
	v12 =	vld [tilespmem:s0+$0x0]  }
0x3c5: {  	s9 =	simm.s32 $0x2A00;
	s3 =	sadd.s32 $0xF800, s22;
	[tilespmem:v11+s7+$0x0] =	vst.idx.add.f32.msk vm1, v1  }
0x3c6: {  	s10 =	sor.u32 s21, s3;
	[tilespmem:v11+s9+$0x0] =	vst.idx.add.f32.msk vm1, v13;
	v11 =	vcvt.s32.f32 v5;
	v10 =	vmul.f32 $5.119998780e+02, v10  }
0x3c7: {  	v13 =	vld [tilespmem:s10+$0x0]  }
0x3c8: {  	v4 =	vsub.f32 v4, v11;
	v14 =	vtrunc.f32 v10  }
0x3c9: {  	v12 =	vmul.f32 $5.119998780e+02, v12;
	v11 =	vcvt.f32.s32 v14;
	[tilespmem:v5+s7+$0x0] =	vst.idx.add.f32.msk vm3, v1  }
0x3ca: {  	s0 =	sor.u32 s6, s3;
	[tilespmem:v5+s9+$0x0] =	vst.idx.add.f32.msk vm3, v4  }
0x3cb: {  	v5 =	vtrunc.f32 v12;
	v4 =	vcvt.s32.f32 v11;
	v14 =	vld [tilespmem:s0+$0x0]  }
0x3cc: {  	v5 =	vcvt.f32.s32 v5;
	v13 =	vmul.f32 $5.119998780e+02, v13;
	_ =	sdelay $0x1  }
0x3cd: {  	s14 =	simm.s32 $0x1200;
	v4 =	vsub.f32 v10, v4;
	v10 =	vtrunc.f32 v13  }
0x3ce: {  	s13 =	sadd.s32 $0x11400, s8;
	s16 =	simm.s32 $0x3800;
	v15 =	vcvt.s32.f32 v5;
	v10 =	vcvt.f32.s32 v10;
	[tilespmem:v11+s14+$0x0] =	vst.idx.add.f32.msk vm0, v1  }
0x3cf: {  	s19 =	sor.u32 s18, s13;
	[tilespmem:v11+s16+$0x0] =	vst.idx.add.f32.msk vm0, v4;
	v4 =	vmul.f32 $5.119998780e+02, v14  }
0x3d0: {  	v12 =	vsub.f32 v12, v15;
	v11 =	vld [tilespmem:s19+$0x0]  }
0x3d1: {  	v14 =	vcvt.s32.f32 v10;
	[tilespmem:v5+s14+$0x0] =	vst.idx.add.f32.msk vm2, v1;
	v15 =	vtrunc.f32 v4  }
0x3d2: {  	s0 =	sor.u32 s5, s13;
	[tilespmem:v5+s16+$0x0] =	vst.idx.add.f32.msk vm2, v12;
	v5 =	vcvt.f32.s32 v15  }
0x3d3: {  	v13 =	vsub.f32 v13, v14;
	v12 =	vld [tilespmem:s0+$0x0]  }
0x3d4: {  	s23 =	sadd.s32 $0xFC00, s22;
	[tilespmem:v10+s12+$0x0] =	vst.idx.add.f32.msk vm1, v1  }
0x3d5: {  	s25 =	sor.u32 s21, s23;
	[tilespmem:v10+s15+$0x0] =	vst.idx.add.f32.msk vm1, v13;
	v10 =	vcvt.s32.f32 v5;
	v11 =	vmul.f32 $5.119998780e+02, v11  }
0x3d6: {  	v13 =	vld [tilespmem:s25+$0x0]  }
0x3d7: {  	v4 =	vsub.f32 v4, v10;
	v14 =	vtrunc.f32 v11  }
0x3d8: {  	v12 =	vmul.f32 $5.119998780e+02, v12;
	v10 =	vcvt.f32.s32 v14;
	[tilespmem:v5+s12+$0x0] =	vst.idx.add.f32.msk vm3, v1  }
0x3d9: {  	s0 =	sor.u32 s6, s23;
	[tilespmem:v5+s15+$0x0] =	vst.idx.add.f32.msk vm3, v4  }
0x3da: {  	v5 =	vtrunc.f32 v12;
	v4 =	vcvt.s32.f32 v10;
	v14 =	vld [tilespmem:s0+$0x0]  }
0x3db: {  	v5 =	vcvt.f32.s32 v5;
	v13 =	vmul.f32 $5.119998780e+02, v13;
	_ =	sdelay $0x1  }
0x3dc: {  	s9 =	simm.s32 $0x1400;
	v4 =	vsub.f32 v11, v4;
	v11 =	vtrunc.f32 v13  }
0x3dd: {  	vm4 =	vmmov vm1;
	s2 =	sadd.s32 $0x11800, s8;
	s10 =	simm.s32 $0x3A00;
	v15 =	vcvt.s32.f32 v5;
	v11 =	vcvt.f32.s32 v11;
	[tilespmem:v10+s9+$0x0] =	vst.idx.add.f32.msk vm0, v1  }
0x3de: {  	s13 =	sor.u32 s18, s2;
	[tilespmem:v10+s10+$0x0] =	vst.idx.add.f32.msk vm0, v4;
	v4 =	vmul.f32 $5.119998780e+02, v14  }
0x3df: {  	v12 =	vsub.f32 v12, v15;
	v10 =	vld [tilespmem:s13+$0x0]  }
0x3e0: {  	v14 =	vcvt.s32.f32 v11;
	[tilespmem:v5+s9+$0x0] =	vst.idx.add.f32.msk vm2, v1;
	v15 =	vtrunc.f32 v4  }
0x3e1: {  	s0 =	sor.u32 s5, s2;
	[tilespmem:v5+s10+$0x0] =	vst.idx.add.f32.msk vm2, v12;
	v5 =	vcvt.f32.s32 v15  }
0x3e2: {  	s19 =	simm.s32 $0x800;
	v13 =	vsub.f32 v13, v14;
	v12 =	vld [tilespmem:s0+$0x0]  }
0x3e3: {  	s16 =	sadd.s32 $0x10000, s22;
	s23 =	simm.s32 $0x2E00;
	[tilespmem:v11+s19+$0x0] =	vst.idx.add.f32.msk vm4, v1  }
0x3e4: {  	s25 =	sor.u32 s21, s16;
	[tilespmem:v11+s23+$0x0] =	vst.idx.add.f32.msk vm4, v13;
	v11 =	vcvt.s32.f32 v5;
	v10 =	vmul.f32 $5.119998780e+02, v10  }
0x3e5: {  	v13 =	vld [tilespmem:s25+$0x0]  }
0x3e6: {  	v4 =	vsub.f32 v4, v11;
	v14 =	vtrunc.f32 v10  }
0x3e7: {  	v12 =	vmul.f32 $5.119998780e+02, v12;
	v11 =	vcvt.f32.s32 v14;
	[tilespmem:v5+s19+$0x0] =	vst.idx.add.f32.msk vm3, v1  }
0x3e8: {  	s0 =	sor.u32 s6, s16;
	[tilespmem:v5+s23+$0x0] =	vst.idx.add.f32.msk vm3, v4  }
0x3e9: {  	v5 =	vtrunc.f32 v12;
	v4 =	vcvt.s32.f32 v11;
	v14 =	vld [tilespmem:s0+$0x0]  }
0x3ea: {  	vm2 =	vmmov vm2;
	v5 =	vcvt.f32.s32 v5;
	v13 =	vmul.f32 $5.119998780e+02, v13;
	_ =	sdelay $0x1  }
0x3eb: {  	s10 =	simm.s32 $0x1600;
	v4 =	vsub.f32 v10, v4;
	v10 =	vtrunc.f32 v13  }
0x3ec: {  	s9 =	sadd.s32 $0x11C00, s8;
	s13 =	simm.s32 $0x3C00;
	v15 =	vcvt.s32.f32 v5;
	v10 =	vcvt.f32.s32 v10;
	[tilespmem:v11+s10+$0x0] =	vst.idx.add.f32.msk vm0, v1  }
0x3ed: {  	s16 =	sor.u32 s18, s9;
	[tilespmem:v11+s13+$0x0] =	vst.idx.add.f32.msk vm0, v4;
	v4 =	vmul.f32 $5.119998780e+02, v14  }
0x3ee: {  	v12 =	vsub.f32 v12, v15;
	v11 =	vld [tilespmem:s16+$0x0]  }
0x3ef: {  	v14 =	vcvt.s32.f32 v10;
	[tilespmem:v5+s10+$0x0] =	vst.idx.add.f32.msk vm2, v1;
	v15 =	vtrunc.f32 v4  }
0x3f0: {  	vm1 =	vmmov vm3;
	s0 =	sor.u32 s5, s9;
	[tilespmem:v5+s13+$0x0] =	vst.idx.add.f32.msk vm2, v12;
	v5 =	vcvt.f32.s32 v15  }
0x3f1: {  	s23 =	simm.s32 $0xA00;
	v13 =	vsub.f32 v13, v14;
	v12 =	vld [tilespmem:s0+$0x0]  }
0x3f2: {  	s25 =	simm.s32 $0x3000;
	s19 =	sadd.s32 $0x10400, s22;
	[tilespmem:v10+s23+$0x0] =	vst.idx.add.f32.msk vm4, v1  }
0x3f3: {  	s14 =	smov.u32 s8;
	s8 =	smov.u32 s5;
	s5 =	sor.u32 s21, s19;
	[tilespmem:v10+s25+$0x0] =	vst.idx.add.f32.msk vm4, v13;
	v10 =	vcvt.s32.f32 v5;
	v11 =	vmul.f32 $5.119998780e+02, v11  }
0x3f4: {  	v13 =	vld [tilespmem:s5+$0x0]  }
0x3f5: {  	v4 =	vsub.f32 v4, v10;
	v14 =	vtrunc.f32 v11  }
0x3f6: {  	v12 =	vmul.f32 $5.119998780e+02, v12;
	v10 =	vcvt.f32.s32 v14;
	[tilespmem:v5+s23+$0x0] =	vst.idx.add.f32.msk vm1, v1  }
0x3f7: {  	s0 =	sor.u32 s6, s19;
	[tilespmem:v5+s25+$0x0] =	vst.idx.add.f32.msk vm1, v4  }
0x3f8: {  	v14 =	vtrunc.f32 v12;
	v5 =	vld [tilespmem:s0+$0x0]  }
0x3f9: {  	v4 =	vcvt.s32.f32 v10;
	v13 =	vmul.f32 $5.119998780e+02, v13  }
0x3fa: {  	v14 =	vcvt.f32.s32 v14  }
0x3fb: {  	s28 =	simm.s32 $0x1800;
	v4 =	vsub.f32 v11, v4;
	v11 =	vtrunc.f32 v13  }
0x3fc: {  	s13 =	simm.s32 $0x3E00;
	s0 =	sadd.s32 $0x12000, s14;
	v11 =	vcvt.f32.s32 v11;
	[tilespmem:v10+s28+$0x0] =	vst.idx.add.f32.msk vm0, v1  }
0x3fd: {  	s10 =	simm.s32 $0x40;
	s9 =	sor.u32 s18, s0;
	[tilespmem:v10+s13+$0x0] =	vst.idx.add.f32.msk vm0, v4;
	v5 =	vmul.f32 $5.119998780e+02, v5  }
0x3fe: {  	s16 =	simm.s32 $0x40;
	s30 =	sand.u32 $0x60, s10;
	v4 =	vld [tilespmem:s9+$0x0]  }
0x3ff: {  	s31 =	sand.u32 $0xFFFFFF80, s16;
	s2 =	sor.u32 $0x10, s30;
	v10 =	vcvt.s32.f32 v11;
	v15 =	vtrunc.f32 v5  }
0x400: {  	s1 =	sor.u32 s31, s2;
	[tilespmem:v14+s28+$0x0] =	vst.idx.add.f32.msk vm2, v1;
	v15 =	vcvt.f32.s32 v15  }
0x401: {  	s19 =	simm.s32 $0xC00;
	v10 =	vsub.f32 v13, v10;
	v13 =	vld [tilespmem:s1+$0xEC00]  }
0x402: {  	s25 =	simm.s32 $0x3200;
	[tilespmem:v11+s19+$0x0] =	vst.idx.add.f32.msk vm4, v1  }
0x403: {  	s23 =	sadd.s32 $0x10800, s22;
	[tilespmem:v11+s25+$0x0] =	vst.idx.add.f32.msk vm4, v10;
	v10 =	vcvt.s32.f32 v15;
	v16 =	vmul.f32 $5.119998780e+02, v4  }
0x404: {  	s28 =	sor.u32 s21, s23;
	v4 =	vld [tilespmem:s1+$0xE800]  }
0x405: {  	v11 =	vcvt.s32.f32 v14;
	v18 =	vld [tilespmem:s28+$0x0];
	v5 =	vsub.f32 v5, v10;
	v17 =	vtrunc.f32 v16  }
0x406: {  	s11 =	smov.u32 s6;
	vm3 =	vmmov vm0;
	v10 =	vcvt.f32.s32 v17;
	[tilespmem:v15+s19+$0x0] =	vst.idx.add.f32.msk vm1, v1;
	v17 =	vmul.f32 $5.119998780e+02, v13  }
0x407: {  	s6 =	sor.u32 s11, s23;
	v11 =	vsub.f32 v12, v11;
	[tilespmem:v15+s25+$0x0] =	vst.idx.add.f32.msk vm1, v5  }
0x408: {  	v5 =	vld [tilespmem:s6+$0x0];
	v12 =	vtrunc.f32 v17  }
0x409: {  	s0 =	sor.u32 s8, s0;
	[tilespmem:v14+s13+$0x0] =	vst.idx.add.f32.msk vm2, v11;
	v11 =	vcvt.s32.f32 v10;
	vm0 =	vne.s32 v4, $0x0;
	v12 =	vcvt.f32.s32 v12  }
0x40a: {  	s9 =	sor.u32 s30, s31;
	v14 =	vld [tilespmem:s0+$0x0];
	v15 =	vmul.f32 $5.119998780e+02, v18  }
0x40b: {  	v11 =	vsub.f32 v16, v11;
	v16 =	vld [tilespmem:s9+$0xEC00]  }
0x40c: {  	v13 =	vtrunc.f32 v15;
	v18 =	vcvt.s32.f32 v12;
	[tilespmem:v10+s29+$0x0] =	vst.idx.add.f32.msk vm3, v1  }
0x40d: {  	[tilespmem:v10+s17+$0x0] =	vst.idx.add.f32.msk vm3, v11;
	v10 =	vcvt.f32.s32 v13;
	v5 =	vmul.f32 $5.119998780e+02, v5  }
0x40e: {  	v13 =	vld [tilespmem:s9+$0xE800];
	v11 =	vsub.f32 v17, v18  }
0x40f: {  	s13 =	sadd.s32 $0xF000, s31;
	v17 =	vcvt.s32.f32 v10;
	v18 =	vtrunc.f32 v5;
	[tilespmem:v12+s4+$0x0] =	vst.idx.add.f32.msk vm0, v1  }
0x410: {  	s0 =	sadd.s32 $0x12400, s14;
	s16 =	sor.u32 s2, s13;
	v16 =	vmul.f32 $5.119998780e+02, v16;
	v18 =	vcvt.f32.s32 v18;
	[tilespmem:v12+s20+$0x0] =	vst.idx.add.f32.msk vm0, v11  }
0x411: {  	s19 =	sor.u32 s18, s0;
	v11 =	vld [tilespmem:s16+$0x0]  }
0x412: {  	v12 =	vmul.f32 $5.119998780e+02, v14;
	v14 =	vld [tilespmem:s19+$0x0];
	v15 =	vsub.f32 v15, v17;
	v17 =	vtrunc.f32 v16  }
0x413: {  	s23 =	sadd.s32 $0x10C00, s22;
	s25 =	simm.s32 $0x3400;
	v19 =	vcvt.s32.f32 v18;
	vm5 =	vne.s32 v13, $0x0;
	v17 =	vcvt.f32.s32 v17;
	[tilespmem:v10+s26+$0x0] =	vst.idx.add.f32.msk vm4, v1  }
0x414: {  	s28 =	sor.u32 s21, s23;
	[tilespmem:v10+s25+$0x0] =	vst.idx.add.f32.msk vm4, v15  }
0x415: {  	v10 =	vtrunc.f32 v12;
	v5 =	vsub.f32 v5, v19;
	v15 =	vld [tilespmem:s28+$0x0]  }
0x416: {  	v19 =	vcvt.s32.f32 v17;
	[tilespmem:v18+s26+$0x0] =	vst.idx.add.f32.msk vm1, v1;
	v11 =	vmul.f32 $5.119998780e+02, v11  }
0x417: {  	s3 =	sor.u32 s11, s23;
	v10 =	vcvt.f32.s32 v10;
	[tilespmem:v18+s25+$0x0] =	vst.idx.add.f32.msk vm1, v5  }
0x418: {  	v16 =	vsub.f32 v16, v19;
	v5 =	vmul.f32 $5.119998780e+02, v14;
	v14 =	vld [tilespmem:s3+$0x0];
	v18 =	vtrunc.f32 v11  }
0x419: {  	[tilespmem:v17+s4+$0x0] =	vst.idx.add.f32.msk vm5, v1;
	v18 =	vcvt.f32.s32 v18  }
0x41a: {  	s1 =	sor.u32 s30, s13;
	v19 =	vtrunc.f32 v5;
	[tilespmem:v17+s20+$0x0] =	vst.idx.add.f32.msk vm5, v16;
	v15 =	vmul.f32 $5.119998780e+02, v15  }
0x41b: {  	v16 =	vcvt.f32.s32 v19;
	v17 =	vld [tilespmem:s1+$0x0]  }
0x41c: {  	v20 =	vcvt.s32.f32 v18;
	v19 =	vtrunc.f32 v15  }
0x41d: {  	v19 =	vcvt.f32.s32 v19;
	v14 =	vmul.f32 $5.119998780e+02, v14  }
0x41e: {  	[tilespmem:v10+s29+$0x0] =	vst.idx.add.f32.msk vm2, v1;
	s29 =	simm.s32 $0x200;
	v11 =	vsub.f32 v11, v20  }
0x41f: {  	s9 =	simm.s32 $0x2800;
	s1 =	sadd.s32 $0xF400, s31;
	v20 =	vcvt.s32.f32 v19;
	v21 =	vtrunc.f32 v14;
	[tilespmem:v18+s29+$0x0] =	vst.idx.add.f32.msk vm0, v1  }
0x420: {  	s16 =	sor.u32 s2, s1;
	v17 =	vmul.f32 $5.119998780e+02, v17;
	v21 =	vcvt.f32.s32 v21;
	[tilespmem:v18+s9+$0x0] =	vst.idx.add.f32.msk vm0, v11  }
0x421: {  	v11 =	vld [tilespmem:s16+$0x0]  }
0x422: {  	s23 =	simm.s32 $0x1000;
	[tilespmem:v16+s24+$0x0] =	vst.idx.add.f32.msk vm3, v1;
	v15 =	vsub.f32 v15, v20;
	v18 =	vtrunc.f32 v17  }
0x423: {  	s19 =	sadd.s32 $0x11000, s22;
	s25 =	simm.s32 $0x3600;
	v20 =	vcvt.s32.f32 v21;
	v18 =	vcvt.f32.s32 v18;
	[tilespmem:v19+s23+$0x0] =	vst.idx.add.f32.msk vm4, v1  }
0x424: {  	s28 =	sor.u32 s21, s19;
	[tilespmem:v19+s25+$0x0] =	vst.idx.add.f32.msk vm4, v15  }
0x425: {  	v14 =	vsub.f32 v14, v20;
	v15 =	vld [tilespmem:s28+$0x0]  }
0x426: {  	v19 =	vcvt.s32.f32 v18;
	[tilespmem:v21+s23+$0x0] =	vst.idx.add.f32.msk vm1, v1;
	v11 =	vmul.f32 $5.119998780e+02, v11  }
0x427: {  	s3 =	sor.u32 s11, s19;
	[tilespmem:v21+s25+$0x0] =	vst.idx.add.f32.msk vm1, v14  }
0x428: {  	v17 =	vsub.f32 v17, v19;
	v14 =	vcvt.s32.f32 v16;
	v20 =	vld [tilespmem:s3+$0x0];
	v19 =	vtrunc.f32 v11  }
0x429: {  	[tilespmem:v18+s29+$0x0] =	vst.idx.add.f32.msk vm5, v1;
	v19 =	vcvt.f32.s32 v19  }
0x42a: {  	v21 =	vcvt.s32.f32 v10;
	s29 =	sor.u32 s30, s1;
	v5 =	vsub.f32 v5, v14;
	[tilespmem:v18+s9+$0x0] =	vst.idx.add.f32.msk vm5, v17;
	v14 =	vmul.f32 $5.119998780e+02, v15  }
0x42b: {  	s1 =	sadd.s32 $0x12800, s14;
	s9 =	simm.s32 $0x4200;
	v15 =	vld [tilespmem:s29+$0x0]  }
0x42c: {  	v12 =	vsub.f32 v12, v21;
	s5 =	sor.u32 s18, s1;
	[tilespmem:v16+s9+$0x0] =	vst.idx.add.f32.msk vm3, v5;
	v16 =	vcvt.s32.f32 v19;
	v5 =	vtrunc.f32 v14  }
0x42d: {  	v17 =	vld [tilespmem:s5+$0x0];
	v5 =	vcvt.f32.s32 v5;
	v18 =	vmul.f32 $5.119998780e+02, v20  }
0x42e: {  	[tilespmem:v10+s17+$0x0] =	vst.idx.add.f32.msk vm2, v12;
	v10 =	vsub.f32 v11, v16  }
0x42f: {  	s6 =	sadd.s32 $0xF800, s31;
	s16 =	simm.s32 $0x2A00;
	v11 =	vcvt.s32.f32 v5;
	v12 =	vtrunc.f32 v18;
	[tilespmem:v19+s7+$0x0] =	vst.idx.add.f32.msk vm0, v1  }
0x430: {  	s10 =	smov.u32 s8;
	s19 =	sor.u32 s2, s6;
	v15 =	vmul.f32 $5.119998780e+02, v15;
	v12 =	vcvt.f32.s32 v12;
	[tilespmem:v19+s16+$0x0] =	vst.idx.add.f32.msk vm0, v10  }
0x431: {  	s0 =	sor.u32 s10, s0;
	v10 =	vld [tilespmem:s19+$0x0]  }
0x432: {  	s25 =	simm.s32 $0x1200;
	v16 =	vld [tilespmem:s0+$0x0];
	v17 =	vmul.f32 $5.119998780e+02, v17;
	v11 =	vsub.f32 v14, v11;
	v14 =	vtrunc.f32 v15  }
0x433: {  	s28 =	simm.s32 $0x3800;
	s23 =	sadd.s32 $0x11400, s22;
	v19 =	vcvt.s32.f32 v12;
	v14 =	vcvt.f32.s32 v14;
	[tilespmem:v5+s25+$0x0] =	vst.idx.add.f32.msk vm4, v1  }
0x434: {  	s29 =	sor.u32 s21, s23;
	v20 =	vtrunc.f32 v17;
	[tilespmem:v5+s28+$0x0] =	vst.idx.add.f32.msk vm4, v11  }
0x435: {  	v5 =	vcvt.f32.s32 v20;
	v18 =	vsub.f32 v18, v19;
	v11 =	vld [tilespmem:s29+$0x0]  }
0x436: {  	v19 =	vcvt.s32.f32 v14;
	[tilespmem:v12+s25+$0x0] =	vst.idx.add.f32.msk vm1, v1;
	v10 =	vmul.f32 $5.119998780e+02, v10  }
0x437: {  	s0 =	sor.u32 s11, s23;
	[tilespmem:v12+s28+$0x0] =	vst.idx.add.f32.msk vm1, v18  }
0x438: {  	v15 =	vsub.f32 v15, v19;
	v12 =	vmul.f32 $5.119998780e+02, v16;
	v16 =	vld [tilespmem:s0+$0x0];
	v18 =	vtrunc.f32 v10  }
0x439: {  	v19 =	vcvt.s32.f32 v5;
	[tilespmem:v14+s7+$0x0] =	vst.idx.add.f32.msk vm5, v1;
	v18 =	vcvt.f32.s32 v18  }
0x43a: {  	s5 =	sor.u32 s30, s6;
	v20 =	vtrunc.f32 v12;
	[tilespmem:v14+s16+$0x0] =	vst.idx.add.f32.msk vm5, v15;
	v11 =	vmul.f32 $5.119998780e+02, v11  }
0x43b: {  	s13 =	simm.s32 $0x1E00;
	v15 =	vsub.f32 v17, v19;
	v14 =	vcvt.f32.s32 v20;
	v17 =	vld [tilespmem:s5+$0x0]  }
0x43c: {  	s8 =	simm.s32 $0x4400;
	s7 =	sadd.s32 $0x12C00, s14;
	[tilespmem:v5+s13+$0x0] =	vst.idx.add.f32.msk vm3, v1;
	v20 =	vcvt.s32.f32 v18;
	v19 =	vtrunc.f32 v11  }
0x43d: {  	s6 =	sor.u32 s18, s7;
	[tilespmem:v5+s8+$0x0] =	vst.idx.add.f32.msk vm3, v15;
	v5 =	vcvt.f32.s32 v19;
	v15 =	vmul.f32 $5.119998780e+02, v16  }
0x43e: {  	v16 =	vld [tilespmem:s6+$0x0];
	v10 =	vsub.f32 v10, v20  }
0x43f: {  	v19 =	vcvt.s32.f32 v5;
	v20 =	vtrunc.f32 v15;
	[tilespmem:v18+s12+$0x0] =	vst.idx.add.f32.msk vm0, v1  }
0x440: {  	s16 =	sadd.s32 $0xFC00, s31;
	v17 =	vmul.f32 $5.119998780e+02, v17;
	v20 =	vcvt.f32.s32 v20;
	[tilespmem:v18+s15+$0x0] =	vst.idx.add.f32.msk vm0, v10  }
0x441: {  	s19 =	sor.u32 s2, s16;
	[tilespmem:v14+s24+$0x0] =	vst.idx.add.f32.msk vm2, v1  }
0x442: {  	s25 =	simm.s32 $0x1400;
	v10 =	vld [tilespmem:s19+$0x0];
	v11 =	vsub.f32 v11, v19;
	v18 =	vtrunc.f32 v17  }
0x443: {  	s23 =	sadd.s32 $0x11800, s22;
	s28 =	simm.s32 $0x3A00;
	v19 =	vcvt.s32.f32 v20;
	v18 =	vcvt.f32.s32 v18;
	[tilespmem:v5+s25+$0x0] =	vst.idx.add.f32.msk vm4, v1  }
0x444: {  	s29 =	sor.u32 s21, s23;
	[tilespmem:v5+s28+$0x0] =	vst.idx.add.f32.msk vm4, v11  }
0x445: {  	v5 =	vmul.f32 $5.119998780e+02, v16;
	v15 =	vsub.f32 v15, v19;
	v11 =	vld [tilespmem:s29+$0x0]  }
0x446: {  	v16 =	vcvt.s32.f32 v18;
	[tilespmem:v20+s25+$0x0] =	vst.idx.add.f32.msk vm1, v1  }
0x447: {  	s5 =	sor.u32 s11, s23;
	v10 =	vmul.f32 $5.119998780e+02, v10;
	v21 =	vtrunc.f32 v5;
	[tilespmem:v20+s28+$0x0] =	vst.idx.add.f32.msk vm1, v15  }
0x448: {  	v19 =	vcvt.s32.f32 v14;
	v16 =	vsub.f32 v17, v16;
	v15 =	vcvt.f32.s32 v21;
	v20 =	vld [tilespmem:s5+$0x0]  }
0x449: {  	vm0 =	vmmov vm0;
	v17 =	vtrunc.f32 v10;
	[tilespmem:v18+s12+$0x0] =	vst.idx.add.f32.msk vm5, v1  }
0x44a: {  	s3 =	sor.u32 s30, s16;
	v12 =	vsub.f32 v12, v19;
	v17 =	vcvt.f32.s32 v17;
	[tilespmem:v18+s15+$0x0] =	vst.idx.add.f32.msk vm5, v16;
	v11 =	vmul.f32 $5.119998780e+02, v11  }
0x44b: {  	v16 =	vcvt.s32.f32 v15;
	v18 =	vld [tilespmem:s3+$0x0]  }
0x44c: {  	s1 =	sor.u32 s10, s1;
	[tilespmem:v14+s9+$0x0] =	vst.idx.add.f32.msk vm2, v12;
	v12 =	vtrunc.f32 v11  }
0x44d: {  	s9 =	simm.s32 $0x2000;
	v19 =	vld [tilespmem:s1+$0x0];
	v14 =	vcvt.s32.f32 v17;
	v5 =	vsub.f32 v5, v16;
	v12 =	vcvt.f32.s32 v12  }
0x44e: {  	s28 =	simm.s32 $0x4600;
	v20 =	vmul.f32 $5.119998780e+02, v20;
	[tilespmem:v15+s9+$0x0] =	vst.idx.add.f32.msk vm3, v1  }
0x44f: {  	s19 =	simm.s32 $0x800;
	v10 =	vsub.f32 v10, v14;
	[tilespmem:v15+s28+$0x0] =	vst.idx.add.f32.msk vm3, v5;
	v14 =	vcvt.s32.f32 v12  }
0x450: {  	s6 =	simm.s32 $0x2E00;
	s3 =	sadd.s32 $0x10000, s31;
	v16 =	vtrunc.f32 v20;
	[tilespmem:v17+s19+$0x0] =	vst.idx.add.f32.msk vm0, v1;
	v18 =	vmul.f32 $5.119998780e+02, v18  }
0x451: {  	vm1 =	vmmov vm1;
	s5 =	sor.u32 s2, s3;
	v16 =	vcvt.f32.s32 v16;
	[tilespmem:v17+s6+$0x0] =	vst.idx.add.f32.msk vm0, v10  }
0x452: {  	v10 =	vld [tilespmem:s5+$0x0];
	v5 =	vsub.f32 v11, v14;
	v11 =	vtrunc.f32 v18  }
0x453: {  	s16 =	simm.s32 $0x1600;
	vm5 =	vmmov vm5;
	v11 =	vcvt.f32.s32 v11  }
0x454: {  	s23 =	simm.s32 $0x3C00;
	s1 =	sadd.s32 $0x11C00, s22;
	v17 =	vmul.f32 $5.119998780e+02, v19;
	v14 =	vcvt.s32.f32 v16;
	[tilespmem:v12+s16+$0x0] =	vst.idx.add.f32.msk vm4, v1  }
0x455: {  	s25 =	sor.u32 s21, s1;
	[tilespmem:v12+s23+$0x0] =	vst.idx.add.f32.msk vm4, v5  }
0x456: {  	v5 =	vtrunc.f32 v17;
	v14 =	vsub.f32 v20, v14;
	v12 =	vld [tilespmem:s25+$0x0]  }
0x457: {  	v15 =	vcvt.s32.f32 v11;
	[tilespmem:v16+s16+$0x0] =	vst.idx.add.f32.msk vm1, v1;
	v10 =	vmul.f32 $5.119998780e+02, v10  }
0x458: {  	v5 =	vcvt.f32.s32 v5;
	[tilespmem:v16+s23+$0x0] =	vst.idx.add.f32.msk vm1, v14  }
0x459: {  	s1 =	sor.u32 s11, s1;
	v15 =	vsub.f32 v18, v15;
	v16 =	vtrunc.f32 v10;
	[tilespmem:v11+s19+$0x0] =	vst.idx.add.f32.msk vm5, v1  }
0x45a: {  	v14 =	vld [tilespmem:s1+$0x0];
	s1 =	sadd.s32 $0x13000, s14;
	v16 =	vcvt.f32.s32 v16;
	[dreg:$0xf] =	wrdreg s14  }
0x45b: {  	v18 =	vcvt.s32.f32 v5;
	s0 =	sor.u32 s18, s1;
	[tilespmem:v11+s6+$0x0] =	vst.idx.add.f32.msk vm5, v15  }
0x45c: {  	s3 =	sor.u32 s30, s3;
	v12 =	vmul.f32 $5.119998780e+02, v12;
	v15 =	vld [tilespmem:s0+$0x0]  }
0x45d: {  	v17 =	vsub.f32 v17, v18;
	v11 =	vld [tilespmem:s3+$0x0];
	v19 =	vcvt.s32.f32 v16  }
0x45e: {  	[tilespmem:v5+s13+$0x0] =	vst.idx.add.f32.msk vm2, v1;
	v18 =	vtrunc.f32 v12  }
0x45f: {  	s19 =	simm.s32 $0xA00;
	[tilespmem:v5+s8+$0x0] =	vst.idx.add.f32.msk vm2, v17;
	v18 =	vcvt.f32.s32 v18;
	v14 =	vmul.f32 $5.119998780e+02, v14;
	v5 =	vsub.f32 v10, v19  }
0x460: {  	s13 =	simm.s32 $0x3000;
	[tilespmem:v16+s19+$0x0] =	vst.idx.add.f32.msk vm0, v1  }
0x461: {  	s3 =	sadd.s32 $0x10400, s31;
	v10 =	vcvt.s32.f32 v18;
	v17 =	vtrunc.f32 v14;
	[tilespmem:v16+s13+$0x0] =	vst.idx.add.f32.msk vm0, v5  }
0x462: {  	s6 =	sor.u32 s2, s3;
	v17 =	vcvt.f32.s32 v17;
	v11 =	vmul.f32 $5.119998780e+02, v11;
	[dreg:$0x10] =	wrdreg s10  }
0x463: {  	s7 =	sor.u32 s10, s7;
	v5 =	vld [tilespmem:s6+$0x0]  }
0x464: {  	s16 =	simm.s32 $0x1800;
	v15 =	vmul.f32 $5.119998780e+02, v15;
	v10 =	vsub.f32 v12, v10;
	v16 =	vld [tilespmem:s7+$0x0];
	v12 =	vtrunc.f32 v11  }
0x465: {  	s25 =	simm.s32 $0x3E00;
	s8 =	sadd.s32 $0x12000, s22;
	v19 =	vcvt.s32.f32 v17;
	[tilespmem:v18+s16+$0x0] =	vst.idx.add.f32.msk vm4, v1;
	v12 =	vcvt.f32.s32 v12  }
0x466: {  	s29 =	sor.u32 s21, s8;
	v20 =	vtrunc.f32 v15;
	[tilespmem:v18+s25+$0x0] =	vst.idx.add.f32.msk vm4, v10  }
0x467: {  	v10 =	vcvt.f32.s32 v20;
	v14 =	vsub.f32 v14, v19;
	v18 =	vld [tilespmem:s29+$0x0]  }
0x468: {  	v19 =	vcvt.s32.f32 v12;
	[tilespmem:v17+s16+$0x0] =	vst.idx.add.f32.msk vm1, v1;
	v5 =	vmul.f32 $5.119998780e+02, v5  }
0x469: {  	s0 =	sor.u32 s11, s8;
	[tilespmem:v17+s25+$0x0] =	vst.idx.add.f32.msk vm1, v14  }
0x46a: {  	v14 =	vmul.f32 $5.119998780e+02, v16;
	v11 =	vsub.f32 v11, v19;
	v16 =	vld [tilespmem:s0+$0x0];
	v17 =	vtrunc.f32 v5  }
0x46b: {  	v19 =	vcvt.s32.f32 v10;
	[tilespmem:v12+s19+$0x0] =	vst.idx.add.f32.msk vm5, v1;
	v17 =	vcvt.f32.s32 v17  }
0x46c: {  	s5 =	sor.u32 s30, s3;
	v20 =	vtrunc.f32 v14;
	v18 =	vmul.f32 $5.119998780e+02, v18;
	[tilespmem:v12+s13+$0x0] =	vst.idx.add.f32.msk vm5, v11  }
0x46d: {  	s6 =	simm.s32 $0x2200;
	v11 =	vsub.f32 v15, v19;
	v12 =	vcvt.f32.s32 v20;
	v15 =	vld [tilespmem:s5+$0x0]  }
0x46e: {  	s7 =	simm.s32 $0x4800;
	s19 =	sadd.s32 $0x13400, s14;
	[tilespmem:v10+s6+$0x0] =	vst.idx.add.f32.msk vm3, v1;
	v19 =	vtrunc.f32 v18;
	v20 =	vcvt.s32.f32 v17  }
0x46f: {  	vm6 =	vmmov vm4;
	s8 =	sor.u32 s18, s19;
	[tilespmem:v10+s7+$0x0] =	vst.idx.add.f32.msk vm3, v11;
	v11 =	vcvt.f32.s32 v19;
	v16 =	vmul.f32 $5.119998780e+02, v16  }
0x470: {  	s7 =	simm.s32 $0xC00;
	v10 =	vld [tilespmem:s8+$0x0];
	v5 =	vsub.f32 v5, v20  }
0x471: {  	s0 =	sadd.s32 $0x10800, s31;
	s8 =	simm.s32 $0x3200;
	v19 =	vcvt.s32.f32 v11;
	v20 =	vtrunc.f32 v16;
	[tilespmem:v17+s7+$0x0] =	vst.idx.add.f32.msk vm0, v1  }
0x472: {  	s13 =	sor.u32 s2, s0;
	v20 =	vcvt.f32.s32 v20;
	v15 =	vmul.f32 $5.119998780e+02, v15;
	[tilespmem:v17+s8+$0x0] =	vst.idx.add.f32.msk vm0, v5  }
0x473: {  	v5 =	vld [tilespmem:s13+$0x0]  }
0x474: {  	s16 =	simm.s32 $0x1A00;
	[tilespmem:v12+s9+$0x0] =	vst.idx.add.f32.msk vm2, v1;
	v17 =	vsub.f32 v18, v19;
	v18 =	vtrunc.f32 v15  }
0x475: {  	s14 =	sadd.s32 $0x12400, s22;
	v19 =	vcvt.s32.f32 v20;
	[tilespmem:v11+s16+$0x0] =	vst.idx.add.f32.msk vm6, v1;
	v18 =	vcvt.f32.s32 v18  }
0x476: {  	s25 =	sor.u32 s21, s14;
	[tilespmem:v11+s17+$0x0] =	vst.idx.add.f32.msk vm6, v17  }
0x477: {  	v16 =	vsub.f32 v16, v19;
	v11 =	vld [tilespmem:s25+$0x0]  }
0x478: {  	vm7 =	vmmov vm2;
	v17 =	vcvt.s32.f32 v18;
	[tilespmem:v20+s16+$0x0] =	vst.idx.add.f32.msk vm1, v1;
	v19 =	vmul.f32 $5.119998780e+02, v5  }
0x479: {  	s3 =	sor.u32 s11, s14;
	[tilespmem:v20+s17+$0x0] =	vst.idx.add.f32.msk vm1, v16  }
0x47a: {  	v5 =	vcvt.s32.f32 v12;
	v15 =	vsub.f32 v15, v17;
	v16 =	vld [tilespmem:s3+$0x0];
	v17 =	vtrunc.f32 v19  }
0x47b: {  	s9 =	simm.s32 $0x60;
	[tilespmem:v18+s7+$0x0] =	vst.idx.add.f32.msk vm5, v1;
	v17 =	vcvt.f32.s32 v17  }
0x47c: {  	s0 =	sor.u32 s30, s0;
	s5 =	simm.s32 $0x60;
	s13 =	sand.u32 $0x60, s9;
	v5 =	vsub.f32 v14, v5;
	v11 =	vmul.f32 $5.119998780e+02, v11;
	[tilespmem:v18+s8+$0x0] =	vst.idx.add.f32.msk vm5, v15  }
0x47d: {  	s8 =	sor.u32 $0x10, s13;
	v14 =	vld [tilespmem:s0+$0x0];
	s0 =	sand.u32 $0xFFFFFF80, s5  }
0x47e: {  	[tilespmem:v12+s28+$0x0] =	vst.idx.add.f32.msk vm7, v5;
	v5 =	vtrunc.f32 v11;
	s3 =	sor.u32 s0, s8;
	v12 =	vcvt.s32.f32 v17  }
0x47f: {  	v15 =	vcvt.f32.s32 v5;
	v5 =	vld [tilespmem:s3+$0xE800]  }
0x480: {  	v18 =	vld [tilespmem:s3+$0xEC00];
	v12 =	vsub.f32 v19, v12  }
0x481: {  	s29 =	smov.u32 s11;
	s6 =	sadd.s32 $0x10C00, s31;
	s11 =	simm.s32 $0x3400;
	v16 =	vmul.f32 $5.119998780e+02, v16;
	[tilespmem:v17+s26+$0x0] =	vst.idx.add.f32.msk vm0, v1  }
0x482: {  	s7 =	sor.u32 s2, s6;
	v19 =	vcvt.s32.f32 v15;
	v14 =	vmul.f32 $5.119998780e+02, v14;
	[tilespmem:v17+s11+$0x0] =	vst.idx.add.f32.msk vm0, v12  }
0x483: {  	s28 =	sor.u32 s13, s0;
	v20 =	vtrunc.f32 v16;
	v12 =	vld [tilespmem:s7+$0x0]  }
0x484: {  	v23 =	vld [tilespmem:s28+$0xEC00];
	v20 =	vcvt.f32.s32 v20;
	v11 =	vsub.f32 v11, v19;
	v19 =	vtrunc.f32 v14  }
0x485: {  	s1 =	sor.u32 s10, s1;
	s10 =	simm.s32 $0x4200;
	s16 =	sadd.s32 $0x12800, s22;
	v18 =	vmul.f32 $5.119998780e+02, v18;
	[tilespmem:v15+s24+$0x0] =	vst.idx.add.f32.msk vm6, v1;
	v19 =	vcvt.f32.s32 v19  }
0x486: {  	s14 =	sor.u32 s21, s16;
	[tilespmem:v15+s10+$0x0] =	vst.idx.add.f32.msk vm6, v11  }
0x487: {  	v15 =	vtrunc.f32 v18;
	v11 =	vld [tilespmem:s14+$0x0];
	v21 =	vcvt.s32.f32 v19  }
0x488: {  	v17 =	vld [tilespmem:s1+$0x0];
	vm4 =	vne.s32 v5, $0x0;
	v22 =	vcvt.f32.s32 v15;
	v12 =	vmul.f32 $5.119998780e+02, v12  }
0x489: {  	v15 =	vld [tilespmem:s28+$0xE800]  }
0x48a: {  	[tilespmem:v20+s24+$0x0] =	vst.idx.add.f32.msk vm1, v1;
	v14 =	vsub.f32 v14, v21;
	v21 =	vtrunc.f32 v12  }
0x48b: {  	v24 =	vcvt.s32.f32 v22;
	[tilespmem:v19+s26+$0x0] =	vst.idx.add.f32.msk vm5, v1;
	v21 =	vcvt.f32.s32 v21  }
0x48c: {  	s3 =	sor.u32 s30, s6;
	v11 =	vmul.f32 $5.119998780e+02, v11;
	[tilespmem:v19+s11+$0x0] =	vst.idx.add.f32.msk vm5, v14  }
0x48d: {  	v23 =	vmul.f32 $5.119998780e+02, v23;
	v18 =	vsub.f32 v18, v24;
	v19 =	vld [tilespmem:s3+$0x0]  }
0x48e: {  	s1 =	sadd.s32 $0xF000, s0;
	[tilespmem:v22+s4+$0x0] =	vst.idx.add.f32.msk vm4, v1;
	v47 =	vtrunc.f32 v11;
	v25 =	vcvt.s32.f32 v21  }
0x48f: {  	s11 =	sor.u32 s8, s1;
	[tilespmem:v22+s20+$0x0] =	vst.idx.add.f32.msk vm4, v18;
	v24 =	vcvt.f32.s32 v47  }
0x490: {  	s14 =	simm.s32 $0x1000;
	v14 =	vcvt.s32.f32 v20;
	v22 =	vtrunc.f32 v23;
	v18 =	vld [tilespmem:s11+$0x0];
	v12 =	vsub.f32 v12, v25  }
0x491: {  	s6 =	sadd.s32 $0x11000, s31;
	s28 =	simm.s32 $0x3600;
	vm8 =	vne.s32 v15, $0x0;
	v22 =	vcvt.f32.s32 v22;
	[tilespmem:v21+s14+$0x0] =	vst.idx.add.f32.msk vm0, v1  }
0x492: {  	s26 =	sor.u32 s2, s6;
	v14 =	vsub.f32 v16, v14;
	v16 =	vcvt.s32.f32 v24;
	v19 =	vmul.f32 $5.119998780e+02, v19;
	[tilespmem:v21+s28+$0x0] =	vst.idx.add.f32.msk vm0, v12  }
0x493: {  	v12 =	vld [tilespmem:s26+$0x0]  }
0x494: {  	[tilespmem:v20+s10+$0x0] =	vst.idx.add.f32.msk vm1, v14;
	s10 =	simm.s32 $0x1E00;
	v14 =	vcvt.s32.f32 v22;
	v11 =	vsub.f32 v11, v16;
	v16 =	vtrunc.f32 v19  }
0x495: {  	s23 =	simm.s32 $0x4400;
	s26 =	sadd.s32 $0x12C00, s22;
	v18 =	vmul.f32 $5.119998780e+02, v18;
	[tilespmem:v24+s10+$0x0] =	vst.idx.add.f32.msk vm6, v1;
	v16 =	vcvt.f32.s32 v16  }
0x496: {  	s11 =	sor.u32 s21, s26;
	[tilespmem:v24+s23+$0x0] =	vst.idx.add.f32.msk vm6, v11  }
0x497: {  	v14 =	vsub.f32 v23, v14;
	v21 =	vtrunc.f32 v18;
	v11 =	vld [tilespmem:s11+$0x0];
	v20 =	vcvt.s32.f32 v16  }
0x498: {  	[tilespmem:v22+s4+$0x0] =	vst.idx.add.f32.msk vm8, v1;
	v21 =	vcvt.f32.s32 v21;
	v12 =	vmul.f32 $5.119998780e+02, v12  }
0x499: {  	s5 =	sor.u32 s13, s1;
	[tilespmem:v22+s20+$0x0] =	vst.idx.add.f32.msk vm8, v14  }
0x49a: {  	v14 =	vsub.f32 v19, v20;
	v19 =	vld [tilespmem:s5+$0x0];
	v20 =	vtrunc.f32 v12  }
0x49b: {  	v22 =	vcvt.s32.f32 v21;
	[tilespmem:v16+s14+$0x0] =	vst.idx.add.f32.msk vm5, v1;
	v20 =	vcvt.f32.s32 v20  }
0x49c: {  	s14 =	sor.u32 s30, s6;
	v11 =	vmul.f32 $5.119998780e+02, v11;
	[tilespmem:v16+s28+$0x0] =	vst.idx.add.f32.msk vm5, v14  }
0x49d: {  	v16 =	vsub.f32 v18, v22;
	v14 =	vld [tilespmem:s14+$0x0];
	s14 =	simm.s32 $0x200  }
0x49e: {  	s11 =	simm.s32 $0x2800;
	s5 =	sadd.s32 $0xF400, s0;
	v18 =	vtrunc.f32 v11;
	[tilespmem:v21+s14+$0x0] =	vst.idx.add.f32.msk vm4, v1;
	v22 =	vcvt.s32.f32 v20  }
0x49f: {  	s28 =	sor.u32 s8, s5;
	v19 =	vmul.f32 $5.119998780e+02, v19;
	v18 =	vcvt.f32.s32 v18;
	[tilespmem:v21+s11+$0x0] =	vst.idx.add.f32.msk vm4, v16  }
0x4a0: {  	s3 =	simm.s32 $0x1200;
	v16 =	vld [tilespmem:s28+$0x0];
	v12 =	vsub.f32 v12, v22  }
0x4a1: {  	s10 =	simm.s32 $0x3800;
	s6 =	sadd.s32 $0x11400, s31;
	v22 =	vtrunc.f32 v19;
	v21 =	vcvt.s32.f32 v18;
	[tilespmem:v20+s3+$0x0] =	vst.idx.add.f32.msk vm0, v1  }
0x4a2: {  	s1 =	sor.u32 s2, s6;
	v22 =	vcvt.f32.s32 v22;
	v14 =	vmul.f32 $5.119998780e+02, v14;
	[tilespmem:v20+s10+$0x0] =	vst.idx.add.f32.msk vm0, v12  }
0x4a3: {  	s28 =	sor.u32 s29, s16;
	v12 =	vld [tilespmem:s1+$0x0]  }
0x4a4: {  	s16 =	simm.s32 $0x2000;
	v20 =	vld [tilespmem:s28+$0x0];
	v11 =	vsub.f32 v11, v21;
	v21 =	vcvt.s32.f32 v22;
	v23 =	vtrunc.f32 v14  }
0x4a5: {  	s25 =	simm.s32 $0x4600;
	s28 =	sadd.s32 $0x13000, s22;
	[tilespmem:v18+s16+$0x0] =	vst.idx.add.f32.msk vm6, v1;
	v16 =	vmul.f32 $5.119998780e+02, v16;
	v23 =	vcvt.f32.s32 v23  }
0x4a6: {  	s1 =	sor.u32 s21, s28;
	[tilespmem:v18+s25+$0x0] =	vst.idx.add.f32.msk vm6, v11  }
0x4a7: {  	v18 =	vsub.f32 v19, v21;
	v11 =	vld [tilespmem:s1+$0x0];
	v19 =	vtrunc.f32 v16;
	v21 =	vcvt.s32.f32 v23  }
0x4a8: {  	[tilespmem:v22+s14+$0x0] =	vst.idx.add.f32.msk vm8, v1;
	v19 =	vcvt.f32.s32 v19;
	v12 =	vmul.f32 $5.119998780e+02, v12  }
0x4a9: {  	s5 =	sor.u32 s13, s5;
	[tilespmem:v22+s11+$0x0] =	vst.idx.add.f32.msk vm8, v18  }
0x4aa: {  	v17 =	vmul.f32 $5.119998780e+02, v17;
	v14 =	vsub.f32 v14, v21;
	v18 =	vld [tilespmem:s5+$0x0];
	v21 =	vtrunc.f32 v12  }
0x4ab: {  	v22 =	vcvt.s32.f32 v19;
	[tilespmem:v23+s3+$0x0] =	vst.idx.add.f32.msk vm5, v1;
	v21 =	vcvt.f32.s32 v21  }
0x4ac: {  	s7 =	sor.u32 s30, s6;
	[tilespmem:v23+s10+$0x0] =	vst.idx.add.f32.msk vm5, v14  }
0x4ad: {  	v48 =	vtrunc.f32 v17;
	s23 =	simm.s32 $0x400;
	v16 =	vsub.f32 v16, v22;
	v22 =	vld [tilespmem:s7+$0x0]  }
0x4ae: {  	s25 =	simm.s32 $0x2A00;
	s5 =	sadd.s32 $0xF800, s0;
	v14 =	vcvt.f32.s32 v48;
	[tilespmem:v19+s23+$0x0] =	vst.idx.add.f32.msk vm4, v1;
	v23 =	vcvt.s32.f32 v21  }
0x4af: {  	s10 =	sor.u32 s8, s5;
	[tilespmem:v19+s25+$0x0] =	vst.idx.add.f32.msk vm4, v16  }
0x4b0: {  	s1 =	simm.s32 $0x1400;
	v20 =	vmul.f32 $5.119998780e+02, v20;
	v16 =	vmul.f32 $5.119998780e+02, v18;
	v18 =	vld [tilespmem:s10+$0x0];
	v12 =	vsub.f32 v12, v23  }
0x4b1: {  	s6 =	sadd.s32 $0x11800, s31;
	s3 =	simm.s32 $0x3A00;
	v49 =	vmul.f32 $5.119998780e+02, v11;
	[tilespmem:v21+s1+$0x0] =	vst.idx.add.f32.msk vm0, v1  }
0x4b2: {  	s11 =	sor.u32 s2, s6;
	v11 =	vtrunc.f32 v20;
	v24 =	vcvt.s32.f32 v14;
	[tilespmem:v21+s3+$0x0] =	vst.idx.add.f32.msk vm0, v12  }
0x4b3: {  	v19 =	vcvt.f32.s32 v11;
	v11 =	vtrunc.f32 v49;
	v12 =	vld [tilespmem:s11+$0x0];
	s11 =	simm.s32 $0x2200  }
0x4b4: {  	v23 =	vcvt.f32.s32 v11;
	v11 =	vtrunc.f32 v16;
	[tilespmem:v14+s11+$0x0] =	vst.idx.add.f32.msk vm7, v1  }
0x4b5: {  	v17 =	vsub.f32 v17, v24;
	v21 =	vcvt.f32.s32 v11;
	v18 =	vmul.f32 $5.119998780e+02, v18;
	s10 =	rddreg [dreg:$0x10]  }
0x4b6: {  	v22 =	vmul.f32 $5.119998780e+02, v22;
	s14 =	sor.u32 s10, s19;
	s19 =	simm.s32 $0x4800  }
0x4b7: {  	v50 =	vtrunc.f32 v18;
	[tilespmem:v14+s19+$0x0] =	vst.idx.add.f32.msk vm7, v17;
	v14 =	vcvt.s32.f32 v21  }
0x4b8: {  	s16 =	simm.s32 $0x1E00;
	v17 =	vtrunc.f32 v22;
	v24 =	vcvt.f32.s32 v50  }
0x4b9: {  	[tilespmem:v19+s16+$0x0] =	vst.idx.add.f32.msk vm1, v1;
	v17 =	vcvt.f32.s32 v17  }
0x4ba: {  	[tilespmem:v23+s11+$0x0] =	vst.idx.add.f32.msk vm6, v1;
	v14 =	vsub.f32 v16, v14  }
0x4bb: {  	[tilespmem:v21+s23+$0x0] =	vst.idx.add.f32.msk vm8, v1;
	v12 =	vmul.f32 $5.119998780e+02, v12;
	v16 =	vcvt.s32.f32 v17  }
0x4bc: {  	s5 =	sor.u32 s13, s5;
	[tilespmem:v21+s25+$0x0] =	vst.idx.add.f32.msk vm8, v14  }
0x4bd: {  	v21 =	vtrunc.f32 v12;
	v14 =	vsub.f32 v22, v16;
	v16 =	vld [tilespmem:s5+$0x0]  }
0x4be: {  	v22 =	vcvt.s32.f32 v24;
	v21 =	vcvt.f32.s32 v21;
	[tilespmem:v24+s12+$0x0] =	vst.idx.add.f32.msk vm4, v1  }
0x4bf: {  	[tilespmem:v17+s1+$0x0] =	vst.idx.add.f32.msk vm5, v1  }
0x4c0: {  	s25 =	sor.u32 s30, s6;
	[tilespmem:v17+s3+$0x0] =	vst.idx.add.f32.msk vm5, v14;
	v17 =	vsub.f32 v18, v22  }
0x4c1: {  	s1 =	sadd.s32 $0xFC00, s0;
	v18 =	vcvt.s32.f32 v21;
	v14 =	vld [tilespmem:s25+$0x0]  }
0x4c2: {  	s23 =	sor.u32 s8, s1;
	[tilespmem:v24+s15+$0x0] =	vst.idx.add.f32.msk vm4, v17  }
0x4c3: {  	s25 =	simm.s32 $0x1600;
	v16 =	vmul.f32 $5.119998780e+02, v16;
	v12 =	vsub.f32 v12, v18;
	v22 =	vld [tilespmem:s23+$0x0]  }
0x4c4: {  	s6 =	sadd.s32 $0x11C00, s31;
	v17 =	vcvt.s32.f32 v19;
	[tilespmem:v21+s25+$0x0] =	vst.idx.add.f32.msk vm0, v1;
	s23 =	simm.s32 $0x3C00  }
0x4c5: {  	s11 =	sor.u32 s2, s6;
	v18 =	vcvt.s32.f32 v23;
	v51 =	vtrunc.f32 v16;
	[tilespmem:v21+s23+$0x0] =	vst.idx.add.f32.msk vm0, v12  }
0x4c6: {  	v17 =	vsub.f32 v20, v17;
	v20 =	vcvt.f32.s32 v51;
	v12 =	vld [tilespmem:s11+$0x0];
	v14 =	vmul.f32 $5.119998780e+02, v14  }
0x4c7: {  	s16 =	simm.s32 $0x4400;
	v11 =	vld [tilespmem:s14+$0x0]  }
0x4c8: {  	s14 =	sor.u32 s29, s26;
	v18 =	vsub.f32 v49, v18;
	[tilespmem:v19+s16+$0x0] =	vst.idx.add.f32.msk vm1, v17;
	v17 =	vcvt.s32.f32 v20;
	v19 =	vtrunc.f32 v14  }
0x4c9: {  	s3 =	sadd.s32 $0x13400, s22;
	v21 =	vld [tilespmem:s14+$0x0];
	v22 =	vmul.f32 $5.119998780e+02, v22;
	v19 =	vcvt.f32.s32 v19  }
0x4ca: {  	[tilespmem:v23+s19+$0x0] =	vst.idx.add.f32.msk vm6, v18;
	s19 =	sor.u32 s21, s3  }
0x4cb: {  	v18 =	vld [tilespmem:s19+$0x0];
	v16 =	vsub.f32 v16, v17;
	v23 =	vtrunc.f32 v22;
	v12 =	vmul.f32 $5.119998780e+02, v12  }
0x4cc: {  	vm4 =	vmmov vm4;
	v17 =	vcvt.s32.f32 v19;
	[tilespmem:v20+s12+$0x0] =	vst.idx.add.f32.msk vm8, v1;
	v23 =	vcvt.f32.s32 v23  }
0x4cd: {  	s5 =	sor.u32 s13, s1;
	[tilespmem:v20+s15+$0x0] =	vst.idx.add.f32.msk vm8, v16  }
0x4ce: {  	v16 =	vmul.f32 $5.119998780e+02, v21;
	v20 =	vtrunc.f32 v12;
	v14 =	vsub.f32 v14, v17;
	v17 =	vld [tilespmem:s5+$0x0]  }
0x4cf: {  	vm0 =	vmmov vm0;
	v21 =	vcvt.s32.f32 v23;
	v20 =	vcvt.f32.s32 v20;
	[tilespmem:v19+s25+$0x0] =	vst.idx.add.f32.msk vm5, v1  }
0x4d0: {  	s25 =	sor.u32 s30, s6;
	[tilespmem:v19+s23+$0x0] =	vst.idx.add.f32.msk vm5, v14  }
0x4d1: {  	v10 =	vmul.f32 $5.119998780e+02, v10;
	s15 =	simm.s32 $0x800;
	v21 =	vsub.f32 v22, v21;
	v14 =	vtrunc.f32 v16;
	v19 =	vld [tilespmem:s25+$0x0]  }
0x4d2: {  	vm1 =	vmmov vm1;
	s19 =	simm.s32 $0x2E00;
	s5 =	sadd.s32 $0x10000, s0;
	v22 =	vcvt.s32.f32 v20;
	v14 =	vcvt.f32.s32 v14;
	[tilespmem:v23+s15+$0x0] =	vst.idx.add.f32.msk vm4, v1  }
0x4d3: {  	v52 =	vtrunc.f32 v10;
	v11 =	vmul.f32 $5.119998780e+02, v11;
	s26 =	sor.u32 s8, s5;
	[tilespmem:v23+s19+$0x0] =	vst.idx.add.f32.msk vm4, v21  }
0x4d4: {  	s23 =	simm.s32 $0x1800;
	v12 =	vsub.f32 v12, v22;
	v21 =	vcvt.f32.s32 v52;
	v23 =	vshll.u32 v7, $0xA;
	v53 =	vld [tilespmem:s26+$0x0]  }
0x4d5: {  	s6 =	sadd.s32 $0x12000, s31;
	v22 =	vor.u32 s18, v23;
	v23 =	vcvt.s32.f32 v14;
	[tilespmem:v20+s23+$0x0] =	vst.idx.add.f32.msk vm0, v1;
	s18 =	simm.s32 $0x3E00  }
0x4d6: {  	v57 =	vtrunc.f32 v11;
	s1 =	sor.u32 s2, s6;
	v17 =	vmul.f32 $5.119998780e+02, v17;
	s16 =	rddreg [dreg:$0xf];
	[tilespmem:v20+s18+$0x0] =	vst.idx.add.f32.msk vm0, v12  }
0x4d7: {  	v25 =	vcvt.f32.s32 v57;
	s12 =	simm.s32 $0x2000;
	v22 =	vadd.s32 s16, v22;
	v12 =	vld [tilespmem:s1+$0x0];
	v16 =	vsub.f32 v16, v23  }
0x4d8: {  	s25 =	simm.s32 $0x4600;
	v54 =	vcvt.s32.f32 v21;
	v20 =	vor.u32 v2, v22;
	v22 =	vtrunc.f32 v17;
	[tilespmem:v14+s12+$0x0] =	vst.idx.add.f32.msk vm1, v1  }
0x4d9: {  	s26 =	simm.s32 $0x2400;
	v19 =	vmul.f32 $5.119998780e+02, v19;
	v22 =	vcvt.f32.s32 v22;
	[tilespmem:v14+s25+$0x0] =	vst.idx.add.f32.msk vm1, v16  }
0x4da: {  	s14 =	sor.u32 s29, s28;
	v10 =	vsub.f32 v10, v54;
	[tilespmem:v21+s26+$0x0] =	vst.idx.add.f32.msk vm3, v1  }
0x4db: {  	s28 =	simm.s32 $0x4A00;
	v23 =	vtrunc.f32 v19;
	v24 =	vmul.f32 $5.119998780e+02, v53;
	v14 =	vld [tilespmem:s14+$0x0]  }
0x4dc: {  	vm2 =	vmmov vm5;
	s25 =	simm.s32 $0x2400;
	v16 =	vcvt.s32.f32 v22;
	v23 =	vcvt.f32.s32 v23;
	[tilespmem:v21+s28+$0x0] =	vst.idx.add.f32.msk vm3, v10  }
0x4dd: {  	s7 =	simm.s32 $0xEC00;
	[tilespmem:v25+s25+$0x0] =	vst.idx.add.f32.msk vm7, v1  }
0x4de: {  	v12 =	vmul.f32 $5.119998780e+02, v12;
	v10 =	vld.idx.msk [tilespmem:v20+s7+$0x0], $0xffff;
	v16 =	vsub.f32 v17, v16;
	v20 =	vtrunc.f32 v24  }
0x4df: {  	v17 =	vcvt.s32.f32 v23;
	v20 =	vcvt.f32.s32 v20;
	[tilespmem:v22+s15+$0x0] =	vst.idx.add.f32.msk vm8, v1  }
0x4e0: {  	s14 =	sor.u32 s13, s5;
	[tilespmem:v22+s19+$0x0] =	vst.idx.add.f32.msk vm8, v16  }
0x4e1: {  	v17 =	vsub.f32 v19, v17;
	v19 =	vtrunc.f32 v12;
	v16 =	vmul.f32 $5.119998780e+02, v18;
	v18 =	vld [tilespmem:s14+$0x0]  }
0x4e2: {  	v21 =	vcvt.s32.f32 v20;
	v19 =	vcvt.f32.s32 v19;
	[tilespmem:v23+s23+$0x0] =	vst.idx.add.f32.msk vm2, v1  }
0x4e3: {  	s15 =	sor.u32 s30, s6;
	v22 =	vtrunc.f32 v16;
	[tilespmem:v23+s18+$0x0] =	vst.idx.add.f32.msk vm2, v17  }
0x4e4: {  	v21 =	vsub.f32 v24, v21;
	s18 =	simm.s32 $0xA00;
	v17 =	vcvt.f32.s32 v22;
	v22 =	vld [tilespmem:s15+$0x0]  }
0x4e5: {  	s5 =	sadd.s32 $0x10400, s0;
	v14 =	vmul.f32 $5.119998780e+02, v14;
	s14 =	simm.s32 $0x3000;
	v23 =	vshll.u32 v9, $0xA;
	v55 =	vcvt.s32.f32 v19;
	[tilespmem:v20+s18+$0x0] =	vst.idx.add.f32.msk vm4, v1  }
0x4e6: {  	s19 =	sor.u32 s8, s5;
	v23 =	vor.u32 s21, v23;
	[tilespmem:v20+s14+$0x0] =	vst.idx.add.f32.msk vm4, v21  }
0x4e7: {  	s21 =	simm.s32 $0x1A00;
	v12 =	vsub.f32 v12, v55;
	v20 =	vadd.s32 s22, v23;
	v21 =	vtrunc.f32 v14;
	v23 =	vld [tilespmem:s19+$0x0]  }
0x4e8: {  	s1 =	sadd.s32 $0x12400, s31;
	v56 =	vcvt.s32.f32 v17;
	v20 =	vor.u32 v2, v20;
	v21 =	vcvt.f32.s32 v21;
	[tilespmem:v19+s21+$0x0] =	vst.idx.add.f32.msk vm0, v1  }
0x4e9: {  	s23 =	sor.u32 s2, s1;
	v18 =	vmul.f32 $5.119998780e+02, v18;
	[tilespmem:v19+s17+$0x0] =	vst.idx.add.f32.msk vm0, v12  }
0x4ea: {  	v12 =	vshll.u32 v6, $0xA;
	v16 =	vsub.f32 v16, v56;
	v19 =	vld [tilespmem:s23+$0x0];
	v58 =	vcvt.s32.f32 v21  }
0x4eb: {  	vm5 =	vmmov vm8;
	v10 =	vmul.f32 $5.119998780e+02, v10;
	v12 =	vor.u32 s10, v12;
	[tilespmem:v17+s25+$0x0] =	vst.idx.add.f32.msk vm6, v1  }
0x4ec: {  	v12 =	vadd.s32 s16, v12;
	[tilespmem:v17+s28+$0x0] =	vst.idx.add.f32.msk vm6, v16;
	v17 =	vtrunc.f32 v18;
	v14 =	vsub.f32 v14, v58  }
0x4ed: {  	v12 =	vor.u32 v2, v12;
	s28 =	simm.s32 $0x2200;
	v16 =	vld.idx.msk [tilespmem:v20+s7+$0x0], $0xffff;
	v20 =	vcvt.s32.f32 v25;
	v17 =	vcvt.f32.s32 v17  }
0x4ee: {  	s11 =	simm.s32 $0x4800;
	v59 =	vtrunc.f32 v10;
	v26 =	vsub.f32 $5.119998780e+02, v10;
	[tilespmem:v21+s28+$0x0] =	vst.idx.add.f32.msk vm1, v1  }
0x4ef: {  	s3 =	sor.u32 s29, s3;
	[tilespmem:v21+s11+$0x0] =	vst.idx.add.f32.msk vm1, v14;
	v21 =	vcvt.f32.s32 v59;
	v11 =	vsub.f32 v11, v20  }
0x4f0: {  	v7 =	vshll.u32 v7, $0x9;
	s26 =	simm.s32 $0x4A00;
	v20 =	vtrunc.f32 v26;
	v60 =	vcvt.s32.f32 v17;
	v14 =	vld [tilespmem:s3+$0x0]  }
0x4f1: {  	v20 =	vcvt.f32.s32 v20;
	v27 =	vadd.s32 v21, v7;
	[tilespmem:v25+s26+$0x0] =	vst.idx.add.f32.msk vm7, v11  }
0x4f2: {  	v11 =	vmul.f32 $5.119998780e+02, v16;
	v12 =	vld.idx.msk [tilespmem:v12+s7+$0x0], $0xffff;
	v16 =	vsub.f32 v18, v60  }
0x4f3: {  	v18 =	vcvt.s32.f32 v21;
	v7 =	vadd.s32 v20, v7;
	[tilespmem:v17+s18+$0x0] =	vst.idx.add.f32.msk vm5, v1  }
0x4f4: {  	s15 =	sor.u32 s13, s5;
	v21 =	vtrunc.f32 v11;
	v61 =	vsub.f32 $5.119998780e+02, v11;
	[tilespmem:v17+s14+$0x0] =	vst.idx.add.f32.msk vm5, v16  }
0x4f5: {  	v17 =	vcvt.s32.f32 v20;
	v10 =	vsub.f32 v18, v10;
	v16 =	vld [tilespmem:s15+$0x0];
	v18 =	vcvt.f32.s32 v21  }
0x4f6: {  	v9 =	vshll.u32 v9, $0x9;
	[tilespmem:v27+s4+$0x0] =	vst.idx.add.f32.msk vm3, v3;
	v20 =	vtrunc.f32 v61  }
0x4f7: {  	v17 =	vsub.f32 v26, v17;
	[tilespmem:v27+s20+$0x0] =	vst.idx.add.f32.msk vm3, v10;
	v10 =	vadd.s32 v18, v9;
	v20 =	vcvt.f32.s32 v20  }
0x4f8: {  	v12 =	vmul.f32 $5.119998780e+02, v12;
	[tilespmem:v7+s4+$0x0] =	vst.idx.add.f32.msk vm3, v1  }
0x4f9: {  	s16 =	simm.s32 $0x4C00;
	v18 =	vcvt.s32.f32 v18;
	[tilespmem:v7+s20+$0x0] =	vst.idx.add.f32.msk vm3, v17;
	v9 =	vadd.s32 v20, v9  }
0x4fa: {  	s18 =	simm.s32 $0x7200;
	v20 =	vcvt.s32.f32 v20;
	v21 =	vtrunc.f32 v12;
	[tilespmem:v7+s16+$0x0] =	vst.idx.add.f32.msk vm3, v1  }
0x4fb: {  	[tilespmem:v7+s18+$0x0] =	vst.idx.add.f32.msk vm3, v17;
	v7 =	vsub.f32 v18, v11;
	v11 =	vcvt.f32.s32 v21;
	v17 =	vmul.f32 $5.119998780e+02, v22  }
0x4fc: {  	v6 =	vshll.u32 v6, $0x9;
	v18 =	vsub.f32 $5.119998780e+02, v12;
	[tilespmem:v10+s4+$0x0] =	vst.idx.add.f32.msk vm6, v3  }
0x4fd: {  	v20 =	vsub.f32 v61, v20;
	[tilespmem:v10+s20+$0x0] =	vst.idx.add.f32.msk vm6, v7;
	v7 =	vadd.s32 v11, v6;
	v10 =	vtrunc.f32 v17  }
0x4fe: {  	v22 =	vmul.f32 $5.119998780e+02, v23;
	[tilespmem:v9+s4+$0x0] =	vst.idx.add.f32.msk vm6, v1;
	v10 =	vcvt.f32.s32 v10  }
0x4ff: {  	v21 =	vtrunc.f32 v18;
	v11 =	vcvt.s32.f32 v11;
	[tilespmem:v9+s20+$0x0] =	vst.idx.add.f32.msk vm6, v20  }
0x500: {  	v21 =	vcvt.f32.s32 v21;
	[tilespmem:v9+s16+$0x0] =	vst.idx.add.f32.msk vm6, v1  }
0x501: {  	[tilespmem:v9+s18+$0x0] =	vst.idx.add.f32.msk vm6, v20;
	v9 =	vsub.f32 v11, v12;
	v11 =	vcvt.s32.f32 v10;
	v20 =	vtrunc.f32 v22  }
0x502: {  	v19 =	vmul.f32 $5.119998780e+02, v19;
	v12 =	vadd.s32 v21, v6;
	[tilespmem:v7+s4+$0x0] =	vst.idx.add.f32.msk vm7, v3;
	v6 =	vcvt.f32.s32 v20  }
0x503: {  	[tilespmem:v7+s20+$0x0] =	vst.idx.add.f32.msk vm7, v9;
	v7 =	vsub.f32 v17, v11  }
0x504: {  	v9 =	vshll.u32 v8, $0xA;
	v11 =	vtrunc.f32 v19;
	[tilespmem:v10+s21+$0x0] =	vst.idx.add.f32.msk vm2, v1  }
0x505: {  	s1 =	sor.u32 s30, s1;
	v9 =	vor.u32 s29, v9;
	v17 =	vcvt.s32.f32 v6;
	[tilespmem:v10+s17+$0x0] =	vst.idx.add.f32.msk vm2, v7;
	v7 =	vcvt.f32.s32 v11  }
0x506: {  	v62 =	vmul.f32 $5.119998780e+02, v14;
	vm3 =	vmmov vm7;
	v9 =	vadd.s32 s22, v9;
	v23 =	vld [tilespmem:s1+$0x0]  }
0x507: {  	s22 =	simm.s32 $0xC00;
	v11 =	vor.u32 v2, v9;
	v9 =	vsub.f32 v22, v17;
	[tilespmem:v12+s4+$0x0] =	vst.idx.add.f32.msk vm7, v1;
	v22 =	vmul.f32 $5.119998780e+02, v16  }
0x508: {  	s23 =	simm.s32 $0x3200;
	v21 =	vcvt.s32.f32 v21;
	s21 =	sadd.s32 $0x10800, s0;
	v10 =	vshll.u32 v13, $0xA;
	v14 =	vcvt.s32.f32 v7;
	[tilespmem:v6+s22+$0x0] =	vst.idx.add.f32.msk vm4, v1  }
0x509: {  	s25 =	sor.u32 s8, s21;
	v17 =	vor.u32 s30, v10;
	[tilespmem:v6+s23+$0x0] =	vst.idx.add.f32.msk vm4, v9;
	v6 =	vtrunc.f32 v62;
	v9 =	vtrunc.f32 v22  }
0x50a: {  	v19 =	vsub.f32 v19, v14;
	v14 =	vsub.f32 v18, v21;
	v63 =	vld [tilespmem:s25+$0x0];
	v16 =	vcvt.f32.s32 v6  }
0x50b: {  	v6 =	vadd.s32 s31, v17;
	v20 =	vcvt.f32.s32 v9;
	[tilespmem:v7+s24+$0x0] =	vst.idx.add.f32.msk vm0, v1  }
0x50c: {  	s28 =	simm.s32 $0x4200;
	s26 =	sadd.s32 $0x12800, s31;
	v10 =	vshll.u32 v8, $0x9;
	v8 =	vor.u32 v2, v6;
	v17 =	vmul.f32 $5.119998780e+02, v23;
	[tilespmem:v12+s20+$0x0] =	vst.idx.add.f32.msk vm3, v14  }
0x50d: {  	s29 =	sor.u32 s2, s26;
	v6 =	vshll.u32 v15, $0xA;
	[tilespmem:v7+s28+$0x0] =	vst.idx.add.f32.msk vm0, v19;
	v7 =	vshll.u32 v13, $0x9;
	v13 =	vcvt.s32.f32 v16  }
0x50e: {  	s19 =	simm.s32 $0x4C00;
	v6 =	vor.u32 s13, v6;
	v23 =	vcvt.s32.f32 v20;
	v19 =	vld [tilespmem:s29+$0x0];
	v9 =	vtrunc.f32 v17  }
0x50f: {  	s11 =	simm.s32 $0x2400;
	[tilespmem:v12+s19+$0x0] =	vst.idx.add.f32.msk vm3, v1;
	v6 =	vadd.s32 s0, v6;
	v18 =	vcvt.f32.s32 v9;
	v21 =	vmul.f32 $5.119998780e+02, v63  }
0x510: {  	s10 =	simm.s32 $0x6;
	s17 =	simm.s32 $0x4200;
	s1 =	sor.u32 s13, s21;
	v9 =	vor.u32 v2, v6;
	v6 =	vshll.u32 v15, $0x9;
	v13 =	vsub.f32 v62, v13;
	[tilespmem:v16+s11+$0x0] =	vst.idx.add.f32.msk vm1, v1  }
0x511: {  	s20 =	simm.s32 $0x0;
	s19 =	simm.s32 $0x2600;
	v22 =	vsub.f32 v22, v23;
	s11 =	sor.u32 s30, s26;
	v15 =	vcvt.s32.f32 v18;
	[tilespmem:v20+s22+$0x0] =	vst.idx.add.f32.msk vm5, v1;
	v23 =	vtrunc.f32 v21  }
.LBB2_7:
0x512: {  	s10 =	sadd.s32 $0x2, s10;
	s23 =	simm.s32 $0x3200;
	s9 =	sadd.s32 $0x20, s9  }
0x513: {  	v15 =	vsub.f32 v17, v15;
	v17 =	vmul.f32 $5.119998780e+02, v19;
	[tilespmem:v20+s23+$0x0] =	vst.idx.add.f32.msk vm5, v22;
	v20 =	vcvt.f32.s32 v23;
	s12 =	sand.u32 $0x60, s9;
	s3 =	sshll.u32 s10, $0x4  }
0x514: {  	p0 =	slt.u32 s10, $0x3E;
	v19 =	vld [tilespmem:s1+$0x0];
	s1 =	sand.u32 $0xFFFFFF80, s3;
	s3 =	simm.s32 $0x1C00  }
0x515: {  	s15 =	sor.u32 $0x10, s12;
	v22 =	vtrunc.f32 v17;
	[tilespmem:v18+s3+$0x0] =	vst.idx.add.f32.msk vm2, v1  }
0x516: {  	s5 =	sor.u32 s12, s1;
	s3 =	sor.u32 s1, s15;
	v23 =	vcvt.s32.f32 v20;
	[tilespmem:v18+s17+$0x0] =	vst.idx.add.f32.msk vm2, v15;
	v18 =	vcvt.f32.s32 v22  }
0x517: {  	v15 =	vld [tilespmem:s3+$0xE800]  }
0x518: {  	s16 =	simm.s32 $0xE00;
	v21 =	vsub.f32 v21, v23;
	v22 =	vld [tilespmem:s3+$0xEC00]  }
0x519: {  	s14 =	simm.s32 $0x3400;
	s3 =	sadd.s32 $0x10C00, s0;
	v23 =	vcvt.s32.f32 v18;
	v19 =	vmul.f32 $5.119998780e+02, v19;
	[tilespmem:v20+s16+$0x0] =	vst.idx.add.f32.msk vm4, v1  }
0x51a: {  	s6 =	sor.u32 s13, s3;
	s3 =	sor.u32 s8, s3;
	[tilespmem:v20+s14+$0x0] =	vst.idx.add.f32.msk vm4, v21  }
0x51b: {  	s4 =	simm.s32 $0x1E00;
	v17 =	vsub.f32 v17, v23;
	v20 =	vtrunc.f32 v19;
	v21 =	vld [tilespmem:s3+$0x0]  }
0x51c: {  	s7 =	sadd.s32 $0x12C00, s31;
	s18 =	simm.s32 $0x4400;
	v20 =	vcvt.f32.s32 v20;
	[tilespmem:v18+s4+$0x0] =	vst.idx.add.f32.msk vm0, v1  }
0x51d: {  	s3 =	sor.u32 s30, s7;
	s7 =	sor.u32 s2, s7;
	v22 =	vmul.f32 $5.119998780e+02, v22;
	[tilespmem:v18+s18+$0x0] =	vst.idx.add.f32.msk vm0, v17  }
0x51e: {  	v17 =	vcvt.s32.f32 v20;
	v18 =	vld [tilespmem:s7+$0x0]  }
0x51f: {  	v23 =	vld [tilespmem:s5+$0xEC00];
	v24 =	vtrunc.f32 v22  }
0x520: {  	vm6 =	vne.s32 v15, $0x0;
	v25 =	vld [tilespmem:s5+$0xE800];
	v24 =	vcvt.f32.s32 v24;
	v21 =	vmul.f32 $5.119998780e+02, v21  }
0x521: {  	v17 =	vsub.f32 v19, v17;
	v19 =	vld [tilespmem:s11+$0x0]  }
0x522: {  	v26 =	vcvt.s32.f32 v24;
	[tilespmem:v20+s16+$0x0] =	vst.idx.add.f32.msk vm5, v1;
	v27 =	vtrunc.f32 v21  }
0x523: {  	[tilespmem:v20+s14+$0x0] =	vst.idx.add.f32.msk vm5, v17;
	v17 =	vcvt.f32.s32 v27;
	v18 =	vmul.f32 $5.119998780e+02, v18  }
0x524: {  	s16 =	simm.s32 $0x4A00;
	v20 =	vmul.f32 $5.119998780e+02, v23;
	v23 =	vld [tilespmem:s6+$0x0]  }
0x525: {  	v22 =	vsub.f32 v22, v26;
	vm7 =	vne.s32 v25, $0x0;
	v26 =	vtrunc.f32 v18;
	[tilespmem:v16+s16+$0x0] =	vst.idx.add.f32.msk vm1, v13  }
0x526: {  	s5 =	sadd.s32 $0xF000, s1;
	v13 =	vshll.u32 v25, $0xA;
	v16 =	vcvt.s32.f32 v17;
	[tilespmem:v24+s20+$0x0] =	vst.idx.add.f32.msk vm6, v1;
	v26 =	vcvt.f32.s32 v26  }
0x527: {  	s6 =	sor.u32 s12, s5;
	s5 =	sor.u32 s15, s5;
	v27 =	vtrunc.f32 v20;
	v13 =	vor.u32 s12, v13;
	v19 =	vmul.f32 $5.119998780e+02, v19;
	[tilespmem:v24+s19+$0x0] =	vst.idx.add.f32.msk vm6, v22  }
0x528: {  	s21 =	simm.s32 $0x1000;
	v22 =	vcvt.f32.s32 v27;
	v13 =	vadd.s32 s1, v13;
	v21 =	vsub.f32 v21, v16;
	v24 =	vld [tilespmem:s5+$0x0]  }
0x529: {  	s17 =	simm.s32 $0x3600;
	v16 =	vor.u32 v2, v13;
	s5 =	sadd.s32 $0x11000, s0;
	v27 =	vcvt.s32.f32 v26;
	v23 =	vmul.f32 $5.119998780e+02, v23;
	[tilespmem:v17+s21+$0x0] =	vst.idx.add.f32.msk vm4, v1  }
0x52a: {  	v13 =	vshll.u32 v25, $0x9;
	v28 =	vcvt.s32.f32 v22;
	s7 =	sor.u32 s13, s5;
	s5 =	sor.u32 s8, s5;
	[tilespmem:v17+s17+$0x0] =	vst.idx.add.f32.msk vm4, v21;
	v17 =	vtrunc.f32 v19  }
0x52b: {  	s24 =	simm.s32 $0x2000;
	v18 =	vsub.f32 v18, v27;
	v21 =	vtrunc.f32 v23;
	v25 =	vld [tilespmem:s5+$0x0];
	v17 =	vcvt.f32.s32 v17  }
0x52c: {  	s14 =	simm.s32 $0x4600;
	v20 =	vsub.f32 v20, v28;
	s5 =	sadd.s32 $0x13000, s31;
	v21 =	vcvt.f32.s32 v21;
	[tilespmem:v26+s24+$0x0] =	vst.idx.add.f32.msk vm0, v1  }
0x52d: {  	s11 =	sor.u32 s30, s5;
	s5 =	sor.u32 s2, s5;
	v24 =	vmul.f32 $5.119998780e+02, v24;
	v27 =	vcvt.s32.f32 v17;
	[tilespmem:v26+s14+$0x0] =	vst.idx.add.f32.msk vm0, v18  }
0x52e: {  	v18 =	vcvt.s32.f32 v21;
	v26 =	vld [tilespmem:s5+$0x0]  }
0x52f: {  	[tilespmem:v22+s20+$0x0] =	vst.idx.add.f32.msk vm7, v1;
	v28 =	vtrunc.f32 v24;
	v19 =	vsub.f32 v19, v27  }
0x530: {  	[tilespmem:v22+s19+$0x0] =	vst.idx.add.f32.msk vm7, v20;
	v20 =	vcvt.f32.s32 v28;
	v18 =	vsub.f32 v23, v18;
	v22 =	vmul.f32 $5.119998780e+02, v25  }
0x531: {  	v23 =	vld [tilespmem:s6+$0x0]  }
0x532: {  	v25 =	vcvt.s32.f32 v20;
	[tilespmem:v21+s21+$0x0] =	vst.idx.add.f32.msk vm5, v1;
	v27 =	vtrunc.f32 v22  }
0x533: {  	[tilespmem:v21+s17+$0x0] =	vst.idx.add.f32.msk vm5, v18;
	v18 =	vcvt.f32.s32 v27;
	v21 =	vmul.f32 $5.119998780e+02, v26  }
0x534: {  	v26 =	vld [tilespmem:s7+$0x0]  }
0x535: {  	s22 =	simm.s32 $0x200;
	v24 =	vsub.f32 v24, v25;
	[tilespmem:v17+s4+$0x0] =	vst.idx.add.f32.msk vm2, v1;
	v25 =	vtrunc.f32 v21  }
0x536: {  	s28 =	simm.s32 $0x2800;
	s5 =	sadd.s32 $0xF400, s1;
	v27 =	vcvt.s32.f32 v18;
	[tilespmem:v20+s22+$0x0] =	vst.idx.add.f32.msk vm6, v1;
	v25 =	vcvt.f32.s32 v25  }
0x537: {  	s6 =	sor.u32 s12, s5;
	s5 =	sor.u32 s15, s5;
	v23 =	vmul.f32 $5.119998780e+02, v23;
	[tilespmem:v20+s28+$0x0] =	vst.idx.add.f32.msk vm6, v24  }
0x538: {  	s25 =	simm.s32 $0x1200;
	v22 =	vsub.f32 v22, v27;
	v20 =	vld [tilespmem:s5+$0x0]  }
0x539: {  	s21 =	simm.s32 $0x3800;
	v24 =	vtrunc.f32 v23;
	s5 =	sadd.s32 $0x11400, s0;
	v27 =	vcvt.s32.f32 v25;
	[tilespmem:v18+s25+$0x0] =	vst.idx.add.f32.msk vm4, v1  }
0x53a: {  	v24 =	vcvt.f32.s32 v24;
	v26 =	vmul.f32 $5.119998780e+02, v26;
	s7 =	sor.u32 s13, s5;
	s5 =	sor.u32 s8, s5;
	[tilespmem:v18+s21+$0x0] =	vst.idx.add.f32.msk vm4, v22  }
0x53b: {  	s26 =	simm.s32 $0x2200;
	v21 =	vsub.f32 v21, v27;
	v18 =	vld [tilespmem:s5+$0x0]  }
0x53c: {  	s29 =	simm.s32 $0x4800;
	s4 =	simm.s32 $0x4000;
	v22 =	vcvt.s32.f32 v24;
	v27 =	vtrunc.f32 v26;
	s5 =	sadd.s32 $0x13400, s31;
	[tilespmem:v25+s26+$0x0] =	vst.idx.add.f32.msk vm0, v1  }
0x53d: {  	v27 =	vcvt.f32.s32 v27;
	s17 =	sor.u32 s30, s5;
	s5 =	sor.u32 s2, s5;
	s30 =	smov.u32 s13;
	v20 =	vmul.f32 $5.119998780e+02, v20;
	[tilespmem:v25+s29+$0x0] =	vst.idx.add.f32.msk vm0, v21  }
0x53e: {  	s13 =	smov.u32 s12;
	s12 =	simm.s32 $0x2A00;
	v21 =	vsub.f32 v23, v22;
	v22 =	vld [tilespmem:s5+$0x0]  }
0x53f: {  	v25 =	vcvt.s32.f32 v27;
	v23 =	vtrunc.f32 v20;
	[tilespmem:v17+s18+$0x0] =	vst.idx.add.f32.msk vm2, v19  }
0x540: {  	[tilespmem:v24+s22+$0x0] =	vst.idx.add.f32.msk vm7, v1;
	v17 =	vcvt.f32.s32 v23;
	v18 =	vmul.f32 $5.119998780e+02, v18  }
0x541: {  	v19 =	vsub.f32 v26, v25;
	[tilespmem:v24+s28+$0x0] =	vst.idx.add.f32.msk vm7, v21  }
0x542: {  	v21 =	vld [tilespmem:s6+$0x0];
	v23 =	vcvt.s32.f32 v17;
	v24 =	vtrunc.f32 v18  }
0x543: {  	[tilespmem:v27+s25+$0x0] =	vst.idx.add.f32.msk vm5, v1;
	v24 =	vcvt.f32.s32 v24;
	v22 =	vmul.f32 $5.119998780e+02, v22  }
0x544: {  	[tilespmem:v27+s21+$0x0] =	vst.idx.add.f32.msk vm5, v19  }
0x545: {  	s5 =	sadd.s32 $0xF800, s1;
	s22 =	simm.s32 $0x400;
	v19 =	vsub.f32 v20, v23;
	v20 =	vld [tilespmem:s7+$0x0];
	s7 =	simm.s32 $0xEC00;
	v23 =	vtrunc.f32 v22  }
0x546: {  	v26 =	vshll.u32 v4, $0xA;
	s6 =	sor.u32 s13, s5;
	s5 =	sor.u32 s15, s5;
	v25 =	vcvt.s32.f32 v24;
	[tilespmem:v17+s22+$0x0] =	vst.idx.add.f32.msk vm6, v1;
	v23 =	vcvt.f32.s32 v23  }
0x547: {  	s21 =	simm.s32 $0x1400;
	v21 =	vmul.f32 $5.119998780e+02, v21;
	[tilespmem:v17+s12+$0x0] =	vst.idx.add.f32.msk vm6, v19;
	v17 =	vor.u32 s2, v26;
	s2 =	smov.u32 s8;
	s8 =	smov.u32 s15  }
0x548: {  	v18 =	vsub.f32 v18, v25;
	s15 =	simm.s32 $0x600;
	v19 =	vld [tilespmem:s5+$0x0];
	v17 =	vadd.s32 s31, v17;
	s31 =	smov.u32 s0;
	s0 =	smov.u32 s1  }
0x549: {  	s18 =	simm.s32 $0x3A00;
	v26 =	vcvt.s32.f32 v23;
	v25 =	vtrunc.f32 v21;
	s1 =	sadd.s32 $0x11800, s31;
	[tilespmem:v24+s21+$0x0] =	vst.idx.add.f32.msk vm4, v1;
	v17 =	vor.u32 v2, v17  }
0x54a: {  	v25 =	vcvt.f32.s32 v25;
	v20 =	vmul.f32 $5.119998780e+02, v20;
	s5 =	sor.u32 s30, s1;
	[tilespmem:v24+s18+$0x0] =	vst.idx.add.f32.msk vm4, v18;
	s1 =	sor.u32 s2, s1  }
0x54b: {  	s28 =	simm.s32 $0x2400;
	v22 =	vsub.f32 v22, v26;
	v18 =	vld [tilespmem:s1+$0x0]  }
0x54c: {  	v24 =	vcvt.s32.f32 v25;
	v26 =	vtrunc.f32 v20;
	[tilespmem:v23+s28+$0x0] =	vst.idx.add.f32.msk vm0, v1  }
0x54d: {  	v26 =	vcvt.f32.s32 v26;
	[tilespmem:v23+s16+$0x0] =	vst.idx.add.f32.msk vm0, v22  }
0x54e: {  	v21 =	vsub.f32 v21, v24;
	v17 =	vld.idx.msk [tilespmem:v17+s7+$0x0], $0xffff  }
0x54f: {  	v19 =	vmul.f32 $5.119998780e+02, v19;
	v22 =	vcvt.s32.f32 v26;
	v23 =	vld [tilespmem:s3+$0x0]  }
0x550: {  	[tilespmem:v25+s22+$0x0] =	vst.idx.add.f32.msk vm7, v1  }
0x551: {  	[tilespmem:v25+s12+$0x0] =	vst.idx.add.f32.msk vm7, v21;
	v21 =	vtrunc.f32 v19;
	v20 =	vsub.f32 v20, v22  }
0x552: {  	v18 =	vmul.f32 $5.119998780e+02, v18;
	v22 =	vld [tilespmem:s6+$0x0];
	s6 =	simm.s32 $0x1A00;
	v21 =	vcvt.f32.s32 v21  }
0x553: {  	[tilespmem:v26+s21+$0x0] =	vst.idx.add.f32.msk vm5, v1  }
0x554: {  	v17 =	vmul.f32 $5.119998780e+02, v17;
	[tilespmem:v26+s18+$0x0] =	vst.idx.add.f32.msk vm5, v20;
	v20 =	vtrunc.f32 v18  }
0x555: {  	v24 =	vcvt.s32.f32 v21;
	v25 =	vld [tilespmem:s5+$0x0];
	v20 =	vcvt.f32.s32 v20  }
0x556: {  	v23 =	vmul.f32 $5.119998780e+02, v23;
	s18 =	simm.s32 $0x7200;
	v26 =	vtrunc.f32 v17;
	v27 =	vsub.f32 $5.119998780e+02, v17;
	v28 =	vld.idx.msk [tilespmem:v11+s7+$0x0], $0xffff;
	v11 =	vmovc v8;
	v8 =	vmovc v9  }
0x557: {  	v19 =	vsub.f32 v19, v24;
	v24 =	vcvt.f32.s32 v26;
	v9 =	vmovc v16;
	v22 =	vmul.f32 $5.119998780e+02, v22;
	[tilespmem:v12+s18+$0x0] =	vst.idx.add.f32.msk vm3, v14  }
0x558: {  	s25 =	simm.s32 $0x2C00;
	s3 =	sadd.s32 $0xFC00, s0;
	v12 =	vcvt.s32.f32 v20;
	v14 =	vshll.u32 v4, $0x9;
	v16 =	vtrunc.f32 v27;
	v4 =	vmovc v5;
	v5 =	vmovc v15;
	[tilespmem:v21+s15+$0x0] =	vst.idx.add.f32.msk vm6, v1  }
0x559: {  	s1 =	sor.u32 s13, s3;
	s3 =	sor.u32 s8, s3;
	v16 =	vcvt.f32.s32 v16;
	v15 =	vtrunc.f32 v22;
	[tilespmem:v21+s25+$0x0] =	vst.idx.add.f32.msk vm6, v19;
	v19 =	vadd.s32 v24, v14  }
0x55a: {  	s22 =	simm.s32 $0x1600;
	v12 =	vsub.f32 v18, v12;
	v15 =	vcvt.f32.s32 v15;
	v21 =	vld [tilespmem:s3+$0x0];
	v25 =	vmul.f32 $5.119998780e+02, v25  }
0x55b: {  	s21 =	simm.s32 $0x3C00;
	s5 =	sadd.s32 $0x11C00, s31;
	v18 =	vtrunc.f32 v23;
	v24 =	vcvt.s32.f32 v24;
	v14 =	vadd.s32 v16, v14;
	[tilespmem:v20+s22+$0x0] =	vst.idx.add.f32.msk vm4, v1  }
0x55c: {  	vm3 =	vmmov vm1;
	s3 =	sor.u32 s30, s5;
	s5 =	sor.u32 s2, s5;
	v26 =	vcvt.s32.f32 v15;
	v29 =	vtrunc.f32 v25;
	[tilespmem:v20+s21+$0x0] =	vst.idx.add.f32.msk vm4, v12  }
0x55d: {  	v16 =	vcvt.s32.f32 v16;
	v17 =	vsub.f32 v24, v17;
	v20 =	vcvt.f32.s32 v29;
	v12 =	vld [tilespmem:s5+$0x0]  }
0x55e: {  	v18 =	vcvt.f32.s32 v18;
	v24 =	vmul.f32 $5.119998780e+02, v28;
	v22 =	vsub.f32 v22, v26;
	[tilespmem:v19+s20+$0x0] =	vst.idx.add.f32.msk vm0, v3  }
0x55f: {  	vm1 =	vmmov vm2;
	v16 =	vsub.f32 v27, v16;
	v26 =	vcvt.s32.f32 v20;
	[tilespmem:v19+s19+$0x0] =	vst.idx.add.f32.msk vm0, v17  }
0x560: {  	v27 =	vsub.f32 $5.119998780e+02, v24;
	v17 =	vcvt.s32.f32 v18;
	v19 =	vtrunc.f32 v24;
	[tilespmem:v14+s20+$0x0] =	vst.idx.add.f32.msk vm0, v1  }
0x561: {  	s16 =	simm.s32 $0x4C00;
	vm2 =	vmmov vm5;
	v19 =	vcvt.f32.s32 v19;
	v25 =	vsub.f32 v25, v26;
	[tilespmem:v14+s19+$0x0] =	vst.idx.add.f32.msk vm0, v16  }
0x562: {  	v21 =	vmul.f32 $5.119998780e+02, v21;
	v17 =	vsub.f32 v23, v17;
	v23 =	vtrunc.f32 v27;
	[tilespmem:v14+s16+$0x0] =	vst.idx.add.f32.msk vm0, v1  }
0x563: {  	[tilespmem:v14+s18+$0x0] =	vst.idx.add.f32.msk vm0, v16;
	v14 =	vcvt.s32.f32 v19;
	v16 =	vadd.s32 v19, v10;
	v19 =	vcvt.f32.s32 v23  }
0x564: {  	v23 =	vtrunc.f32 v21;
	vm0 =	vmmov vm4;
	vm4 =	vmmov vm6;
	[tilespmem:v15+s15+$0x0] =	vst.idx.add.f32.msk vm7, v1  }
0x565: {  	[tilespmem:v15+s25+$0x0] =	vst.idx.add.f32.msk vm7, v22;
	v15 =	vcvt.f32.s32 v23;
	v22 =	vmul.f32 $5.119998780e+02, v12;
	v23 =	vsub.f32 v14, v24  }
0x566: {  	v14 =	vcvt.s32.f32 v19;
	v12 =	vadd.s32 v19, v10;
	v10 =	vmovc v7;
	v7 =	vmovc v6;
	v6 =	vmov v13;
	v24 =	vld [tilespmem:s1+$0x0]  }
0x567: {  	[tilespmem:v20+s22+$0x0] =	vst.idx.add.f32.msk vm5, v1;
	v13 =	vtrunc.f32 v22;
	vm5 =	vmmov vm7  }
0x568: {  	v19 =	vcvt.s32.f32 v15;
	v14 =	vsub.f32 v27, v14;
	[tilespmem:v20+s21+$0x0] =	vst.idx.add.f32.msk vm2, v25;
	v13 =	vcvt.f32.s32 v13  }
0x569: {  	v20 =	vld [tilespmem:s3+$0x0]  }
0x56a: {  	v19 =	vsub.f32 v21, v19;
	[tilespmem:v18+s24+$0x0] =	vst.idx.add.f32.msk vm1, v1;
	s24 =	simm.s32 $0x800  }
0x56b: {  	s1 =	sadd.s32 $0x10000, s0;
	s22 =	simm.s32 $0x2E00;
	v21 =	vmul.f32 $5.119998780e+02, v24;
	[tilespmem:v15+s24+$0x0] =	vst.idx.add.f32.msk vm6, v1;
	v24 =	vcvt.s32.f32 v13  }
0x56c: {  	s3 =	sor.u32 s13, s1;
	s1 =	sor.u32 s8, s1;
	[tilespmem:v15+s22+$0x0] =	vst.idx.add.f32.msk vm6, v19  }
0x56d: {  	s21 =	simm.s32 $0x1800;
	v15 =	vtrunc.f32 v21;
	v19 =	vld [tilespmem:s1+$0x0];
	v22 =	vsub.f32 v22, v24  }
0x56e: {  	s18 =	simm.s32 $0x3E00;
	s1 =	sadd.s32 $0x12000, s31;
	v15 =	vcvt.f32.s32 v15;
	v20 =	vmul.f32 $5.119998780e+02, v20;
	[tilespmem:v13+s21+$0x0] =	vst.idx.add.f32.msk vm0, v1  }
0x56f: {  	s5 =	sor.u32 s30, s1;
	s1 =	sor.u32 s2, s1;
	[tilespmem:v13+s18+$0x0] =	vst.idx.add.f32.msk vm0, v22  }
0x570: {  	v13 =	vcvt.s32.f32 v15;
	v22 =	vtrunc.f32 v20;
	v24 =	vld [tilespmem:s1+$0x0]  }
0x571: {  	v22 =	vcvt.f32.s32 v22;
	[tilespmem:v18+s14+$0x0] =	vst.idx.add.f32.msk vm1, v17  }
0x572: {  	v13 =	vsub.f32 v21, v13;
	v17 =	vmul.f32 $5.119998780e+02, v19;
	v18 =	vld [tilespmem:s11+$0x0]  }
0x573: {  	v19 =	vcvt.s32.f32 v22;
	[tilespmem:v16+s20+$0x0] =	vst.idx.add.f32.msk vm3, v3  }
0x574: {  	[tilespmem:v15+s24+$0x0] =	vst.idx.add.f32.msk vm5, v1;
	v21 =	vtrunc.f32 v17  }
0x575: {  	[tilespmem:v15+s22+$0x0] =	vst.idx.add.f32.msk vm5, v13;
	v13 =	vcvt.f32.s32 v21;
	v15 =	vsub.f32 v20, v19;
	v19 =	vmul.f32 $5.119998780e+02, v24  }
0x576: {  	v20 =	vld [tilespmem:s3+$0x0]  }
0x577: {  	[tilespmem:v22+s21+$0x0] =	vst.idx.add.f32.msk vm2, v1;
	v21 =	vtrunc.f32 v19;
	v18 =	vmul.f32 $5.119998780e+02, v18  }
0x578: {  	v24 =	vcvt.s32.f32 v13;
	[tilespmem:v22+s18+$0x0] =	vst.idx.add.f32.msk vm2, v15;
	v15 =	vcvt.f32.s32 v21  }
0x579: {  	v21 =	vld [tilespmem:s5+$0x0];
	v22 =	vtrunc.f32 v18  }
0x57a: {  	s14 =	simm.s32 $0xA00;
	v17 =	vsub.f32 v17, v24;
	v22 =	vcvt.f32.s32 v22;
	[tilespmem:v16+s19+$0x0] =	vst.idx.add.f32.msk vm3, v23  }
0x57b: {  	s1 =	sadd.s32 $0x10400, s0;
	s11 =	simm.s32 $0x3000;
	v16 =	vmul.f32 $5.119998780e+02, v20;
	[tilespmem:v13+s14+$0x0] =	vst.idx.add.f32.msk vm4, v1;
	v20 =	vcvt.s32.f32 v15  }
0x57c: {  	s3 =	sor.u32 s13, s1;
	s1 =	sor.u32 s8, s1;
	[tilespmem:v13+s11+$0x0] =	vst.idx.add.f32.msk vm4, v17;
	v13 =	vcvt.s32.f32 v22  }
0x57d: {  	v17 =	vtrunc.f32 v16;
	v23 =	vld [tilespmem:s1+$0x0];
	v19 =	vsub.f32 v19, v20  }
0x57e: {  	s1 =	sadd.s32 $0x12400, s31;
	v17 =	vcvt.f32.s32 v17;
	v20 =	vmul.f32 $5.119998780e+02, v21;
	[tilespmem:v15+s6+$0x0] =	vst.idx.add.f32.msk vm0, v1;
	v13 =	vsub.f32 v18, v13  }
0x57f: {  	s5 =	sor.u32 s30, s1;
	s1 =	sor.u32 s2, s1;
	[tilespmem:v15+s4+$0x0] =	vst.idx.add.f32.msk vm0, v19  }
0x580: {  	v15 =	vcvt.s32.f32 v17;
	v18 =	vtrunc.f32 v20;
	v19 =	vld [tilespmem:s1+$0x0]  }
0x581: {  	v18 =	vcvt.f32.s32 v18;
	[tilespmem:v22+s26+$0x0] =	vst.idx.add.f32.msk vm1, v1  }
0x582: {  	v15 =	vsub.f32 v16, v15;
	v16 =	vmul.f32 $5.119998780e+02, v23;
	[tilespmem:v22+s29+$0x0] =	vst.idx.add.f32.msk vm1, v13  }
0x583: {  	s4 =	simm.s32 $0x4000;
	v13 =	vcvt.s32.f32 v18;
	v21 =	vld [tilespmem:s17+$0x0];
	s17 =	simm.s32 $0x4200  }
0x584: {  	[tilespmem:v17+s14+$0x0] =	vst.idx.add.f32.msk vm5, v1;
	v22 =	vtrunc.f32 v16  }
0x585: {  	[tilespmem:v17+s11+$0x0] =	vst.idx.add.f32.msk vm5, v15;
	v15 =	vcvt.f32.s32 v22;
	v13 =	vsub.f32 v20, v13;
	v17 =	vmul.f32 $5.119998780e+02, v19  }
0x586: {  	v19 =	vld [tilespmem:s3+$0x0]  }
0x587: {  	[tilespmem:v18+s6+$0x0] =	vst.idx.add.f32.msk vm2, v1;
	v20 =	vtrunc.f32 v17  }
0x588: {  	v22 =	vcvt.s32.f32 v15;
	[tilespmem:v18+s4+$0x0] =	vst.idx.add.f32.msk vm2, v13;
	v13 =	vcvt.f32.s32 v20  }
0x589: {  	v21 =	vmul.f32 $5.119998780e+02, v21;
	v18 =	vld [tilespmem:s5+$0x0]  }
0x58a: {  	s14 =	simm.s32 $0xC00;
	v16 =	vsub.f32 v16, v22;
	[tilespmem:v12+s20+$0x0] =	vst.idx.add.f32.msk vm3, v1  }
0x58b: {  	s3 =	sadd.s32 $0x10800, s0;
	v22 =	vmul.f32 $5.119998780e+02, v19;
	[tilespmem:v15+s14+$0x0] =	vst.idx.add.f32.msk vm4, v1;
	v19 =	vcvt.s32.f32 v13  }
0x58c: {  	s1 =	sor.u32 s13, s3;
	s3 =	sor.u32 s8, s3;
	s5 =	simm.s32 $0x3200;
	[tilespmem:v15+s23+$0x0] =	vst.idx.add.f32.msk vm4, v16;
	v15 =	vtrunc.f32 v21  }
0x58d: {  	s11 =	simm.s32 $0x1C00;
	v20 =	vtrunc.f32 v22;
	v23 =	vld [tilespmem:s3+$0x0];
	v19 =	vsub.f32 v17, v19;
	v16 =	vcvt.f32.s32 v15  }
0x58e: {  	s3 =	sadd.s32 $0x12800, s31;
	v20 =	vcvt.f32.s32 v20;
	v17 =	vmul.f32 $5.119998780e+02, v18;
	[tilespmem:v13+s11+$0x0] =	vst.idx.add.f32.msk vm0, v1  }
0x58f: {  	s11 =	sor.u32 s30, s3;
	s3 =	sor.u32 s2, s3;
	[tilespmem:v13+s17+$0x0] =	vst.idx.add.f32.msk vm0, v19;
	v13 =	vcvt.s32.f32 v16  }
.Ltmp2:
0x590: {  	v15 =	vcvt.s32.f32 v20;
	v18 =	vtrunc.f32 v17;
	v19 =	vld [tilespmem:s3+$0x0];
	(pc) =	sbr.rel @p0 .LBB2_7-.Ltmp2, $4  }
0x591: {  	v18 =	vcvt.f32.s32 v18;
	v13 =	vsub.f32 v21, v13;
	[tilespmem:v12+s19+$0x0] =	vst.idx.add.f32.msk vm3, v14  }
0x592: {  	v22 =	vsub.f32 v22, v15;
	v21 =	vmul.f32 $5.119998780e+02, v23;
	[tilespmem:v12+s16+$0x0] =	vst.idx.add.f32.msk vm3, v1  }
0x593: {  	v15 =	vcvt.s32.f32 v18;
	[tilespmem:v16+s28+$0x0] =	vst.idx.add.f32.msk vm1, v1  }
0x594: {  	[tilespmem:v20+s14+$0x0] =	vst.idx.add.f32.msk vm5, v1;
	v23 =	vtrunc.f32 v21  }
0x595: {  	_ =	sdelay $0x1  }
0x596: {  	v30 =	vcvt.f32.s32 v23;
	_ =	sdelay $0x2  }
0x597: {  	[tilespmem:v20+s5+$0x0] =	vst.idx.add.f32.msk vm5, v22;
	v23 =	vcvt.s32.f32 v30  }
0x598: {  	v22 =	vld [tilespmem:s1+$0x0]  }
0x599: {  	s9 =	simm.s32 $0xE00;
	v21 =	vsub.f32 v21, v23  }
0x59a: {  	s22 =	sadd.s32 $0x10C00, s0;
	s23 =	simm.s32 $0x3400;
	[tilespmem:v30+s9+$0x0] =	vst.idx.add.f32.msk vm4, v1  }
0x59b: {  	s3 =	sor.u32 s8, s22;
	[tilespmem:v30+s23+$0x0] =	vst.idx.add.f32.msk vm4, v21  }
0x59c: {  	v21 =	vld [tilespmem:s3+$0x0]  }
0x59d: {  	v22 =	vmul.f32 $5.119998780e+02, v22;
	_ =	sdelay $0x1  }
0x59e: {  	v31 =	vtrunc.f32 v22  }
0x59f: {  	v20 =	vcvt.f32.s32 v31  }
0x5a0: {  	v21 =	vmul.f32 $5.119998780e+02, v21;
	_ =	sdelay $0x1  }
0x5a1: {  	v32 =	vcvt.s32.f32 v20;
	v33 =	vtrunc.f32 v21  }
0x5a2: {  	v34 =	vcvt.f32.s32 v33  }
0x5a3: {  	v22 =	vsub.f32 v22, v32  }
0x5a4: {  	[tilespmem:v20+s9+$0x0] =	vst.idx.add.f32.msk vm5, v1  }
0x5a5: {  	s1 =	sor.u32 s13, s22;
	[tilespmem:v20+s23+$0x0] =	vst.idx.add.f32.msk vm5, v22;
	v23 =	vcvt.s32.f32 v34  }
0x5a6: {  	v22 =	vld [tilespmem:s1+$0x0]  }
0x5a7: {  	s25 =	simm.s32 $0x1000;
	v21 =	vsub.f32 v21, v23  }
0x5a8: {  	s24 =	sadd.s32 $0x11000, s0;
	s26 =	simm.s32 $0x3600;
	[tilespmem:v34+s25+$0x0] =	vst.idx.add.f32.msk vm4, v1  }
0x5a9: {  	s28 =	sor.u32 s8, s24;
	[tilespmem:v34+s26+$0x0] =	vst.idx.add.f32.msk vm4, v21  }
0x5aa: {  	v21 =	vld [tilespmem:s28+$0x0]  }
0x5ab: {  	v22 =	vmul.f32 $5.119998780e+02, v22;
	_ =	sdelay $0x1  }
0x5ac: {  	v35 =	vtrunc.f32 v22  }
0x5ad: {  	v20 =	vcvt.f32.s32 v35  }
0x5ae: {  	v21 =	vmul.f32 $5.119998780e+02, v21;
	_ =	sdelay $0x1  }
0x5af: {  	v36 =	vcvt.s32.f32 v20;
	v37 =	vtrunc.f32 v21  }
0x5b0: {  	v38 =	vcvt.f32.s32 v37  }
0x5b1: {  	v22 =	vsub.f32 v22, v36  }
0x5b2: {  	[tilespmem:v20+s25+$0x0] =	vst.idx.add.f32.msk vm5, v1  }
0x5b3: {  	s1 =	sor.u32 s13, s24;
	[tilespmem:v20+s26+$0x0] =	vst.idx.add.f32.msk vm5, v22;
	v23 =	vcvt.s32.f32 v38  }
0x5b4: {  	v22 =	vld [tilespmem:s1+$0x0]  }
0x5b5: {  	s14 =	simm.s32 $0x1200;
	v21 =	vsub.f32 v21, v23  }
0x5b6: {  	s10 =	sadd.s32 $0x11400, s0;
	s16 =	simm.s32 $0x3800;
	[tilespmem:v38+s14+$0x0] =	vst.idx.add.f32.msk vm4, v1  }
0x5b7: {  	s18 =	sor.u32 s8, s10;
	[tilespmem:v38+s16+$0x0] =	vst.idx.add.f32.msk vm4, v21  }
0x5b8: {  	v20 =	vld [tilespmem:s18+$0x0]  }
0x5b9: {  	v22 =	vmul.f32 $5.119998780e+02, v22;
	_ =	sdelay $0x1  }
0x5ba: {  	v39 =	vtrunc.f32 v22  }
0x5bb: {  	v21 =	vcvt.f32.s32 v39  }
0x5bc: {  	v20 =	vmul.f32 $5.119998780e+02, v20;
	_ =	sdelay $0x1  }
0x5bd: {  	v40 =	vcvt.s32.f32 v21;
	v41 =	vtrunc.f32 v20  }
0x5be: {  	v23 =	vcvt.f32.s32 v41  }
0x5bf: {  	v22 =	vsub.f32 v22, v40  }
0x5c0: {  	[tilespmem:v21+s14+$0x0] =	vst.idx.add.f32.msk vm5, v1  }
0x5c1: {  	s1 =	sor.u32 s13, s10;
	[tilespmem:v21+s16+$0x0] =	vst.idx.add.f32.msk vm5, v22;
	v42 =	vcvt.s32.f32 v23  }
0x5c2: {  	v21 =	vld [tilespmem:s1+$0x0]  }
0x5c3: {  	s22 =	simm.s32 $0x1400;
	v20 =	vsub.f32 v20, v42  }
0x5c4: {  	s21 =	sadd.s32 $0x11800, s0;
	s23 =	simm.s32 $0x3A00;
	[tilespmem:v23+s22+$0x0] =	vst.idx.add.f32.msk vm4, v1  }
0x5c5: {  	s24 =	sor.u32 s8, s21;
	[tilespmem:v23+s23+$0x0] =	vst.idx.add.f32.msk vm4, v20  }
0x5c6: {  	v20 =	vld [tilespmem:s24+$0x0]  }
0x5c7: {  	v21 =	vmul.f32 $5.119998780e+02, v21;
	_ =	sdelay $0x1  }
0x5c8: {  	v43 =	vtrunc.f32 v21  }
0x5c9: {  	v22 =	vcvt.f32.s32 v43  }
0x5ca: {  	v20 =	vmul.f32 $5.119998780e+02, v20;
	_ =	sdelay $0x1  }
0x5cb: {  	v44 =	vcvt.s32.f32 v22;
	v45 =	vtrunc.f32 v20  }
0x5cc: {  	v46 =	vcvt.f32.s32 v45  }
0x5cd: {  	v21 =	vsub.f32 v21, v44  }
0x5ce: {  	[tilespmem:v22+s22+$0x0] =	vst.idx.add.f32.msk vm5, v1  }
0x5cf: {  	s1 =	sor.u32 s13, s21;
	[tilespmem:v22+s23+$0x0] =	vst.idx.add.f32.msk vm5, v21;
	v23 =	vcvt.s32.f32 v46  }
0x5d0: {  	v22 =	vld [tilespmem:s1+$0x0]  }
0x5d1: {  	s26 =	simm.s32 $0x1600;
	v20 =	vsub.f32 v20, v23  }
0x5d2: {  	s28 =	simm.s32 $0x3C00;
	s25 =	sadd.s32 $0x11C00, s0;
	[tilespmem:v46+s26+$0x0] =	vst.idx.add.f32.msk vm4, v1  }
0x5d3: {  	s10 =	sor.u32 s8, s25;
	[tilespmem:v46+s28+$0x0] =	vst.idx.add.f32.msk vm4, v20  }
0x5d4: {  	v21 =	vld [tilespmem:s10+$0x0]  }
0x5d5: {  	v22 =	vmul.f32 $5.119998780e+02, v22;
	_ =	sdelay $0x1  }
0x5d6: {  	v47 =	vtrunc.f32 v22  }
0x5d7: {  	vm10 =	vmmov vm5;
	v20 =	vcvt.f32.s32 v47  }
0x5d8: {  	v21 =	vmul.f32 $5.119998780e+02, v21;
	_ =	sdelay $0x1  }
0x5d9: {  	v48 =	vcvt.s32.f32 v20;
	v49 =	vtrunc.f32 v21  }
0x5da: {  	vm11 =	vmmov vm4;
	v50 =	vcvt.f32.s32 v49  }
0x5db: {  	v22 =	vsub.f32 v22, v48  }
0x5dc: {  	[tilespmem:v20+s26+$0x0] =	vst.idx.add.f32.msk vm10, v1  }
0x5dd: {  	s1 =	sor.u32 s13, s25;
	[tilespmem:v20+s28+$0x0] =	vst.idx.add.f32.msk vm10, v22;
	v23 =	vcvt.s32.f32 v50  }
0x5de: {  	v22 =	vld [tilespmem:s1+$0x0]  }
0x5df: {  	s16 =	simm.s32 $0x1800;
	v21 =	vsub.f32 v21, v23  }
0x5e0: {  	s18 =	simm.s32 $0x3E00;
	s14 =	sadd.s32 $0x12000, s0;
	[tilespmem:v50+s16+$0x0] =	vst.idx.add.f32.msk vm11, v1  }
0x5e1: {  	s21 =	sor.u32 s8, s14;
	[tilespmem:v50+s18+$0x0] =	vst.idx.add.f32.msk vm11, v21  }
0x5e2: {  	v21 =	vld [tilespmem:s21+$0x0]  }
0x5e3: {  	v22 =	vmul.f32 $5.119998780e+02, v22;
	_ =	sdelay $0x1  }
0x5e4: {  	v51 =	vtrunc.f32 v22  }
0x5e5: {  	v20 =	vcvt.f32.s32 v51  }
0x5e6: {  	v21 =	vmul.f32 $5.119998780e+02, v21;
	_ =	sdelay $0x1  }
0x5e7: {  	v52 =	vcvt.s32.f32 v20;
	v53 =	vtrunc.f32 v21  }
0x5e8: {  	v54 =	vcvt.f32.s32 v53  }
0x5e9: {  	v22 =	vsub.f32 v22, v52  }
0x5ea: {  	[tilespmem:v20+s16+$0x0] =	vst.idx.add.f32.msk vm10, v1  }
0x5eb: {  	s1 =	sor.u32 s13, s14;
	[tilespmem:v20+s18+$0x0] =	vst.idx.add.f32.msk vm10, v22;
	v24 =	vcvt.s32.f32 v54  }
0x5ec: {  	v22 =	vld [tilespmem:s1+$0x0]  }
0x5ed: {  	v21 =	vsub.f32 v21, v24  }
0x5ee: {  	v19 =	vmul.f32 $5.119998780e+02, v19;
	s22 =	sadd.s32 $0x12400, s0;
	[tilespmem:v54+s6+$0x0] =	vst.idx.add.f32.msk vm11, v1  }
0x5ef: {  	s23 =	sor.u32 s8, s22;
	[tilespmem:v54+s4+$0x0] =	vst.idx.add.f32.msk vm11, v21  }
0x5f0: {  	v55 =	vtrunc.f32 v19;
	v21 =	vld [tilespmem:s23+$0x0]  }
0x5f1: {  	v23 =	vcvt.f32.s32 v55;
	v22 =	vmul.f32 $5.119998780e+02, v22;
	_ =	sdelay $0x1  }
0x5f2: {  	v57 =	vtrunc.f32 v22  }
0x5f3: {  	v56 =	vcvt.s32.f32 v23;
	v20 =	vcvt.f32.s32 v57  }
0x5f4: {  	v21 =	vmul.f32 $5.119998780e+02, v21  }
0x5f5: {  	s9 =	simm.s32 $0x1E00;
	v19 =	vsub.f32 v19, v56  }
0x5f6: {  	s24 =	sadd.s32 $0x12C00, s31;
	s10 =	simm.s32 $0x4400;
	[tilespmem:v23+s9+$0x0] =	vst.idx.add.f32.msk vm0, v1;
	v58 =	vcvt.s32.f32 v20;
	v59 =	vtrunc.f32 v21  }
0x5f7: {  	s25 =	sor.u32 s2, s24;
	[tilespmem:v23+s10+$0x0] =	vst.idx.add.f32.msk vm0, v19;
	v60 =	vcvt.f32.s32 v59  }
0x5f8: {  	v19 =	vld [tilespmem:s25+$0x0];
	v22 =	vsub.f32 v22, v58  }
0x5f9: {  	[tilespmem:v20+s6+$0x0] =	vst.idx.add.f32.msk vm10, v1  }
0x5fa: {  	s3 =	sor.u32 s13, s22;
	[tilespmem:v20+s4+$0x0] =	vst.idx.add.f32.msk vm10, v22;
	v23 =	vcvt.s32.f32 v60  }
0x5fb: {  	v22 =	vld [tilespmem:s3+$0x0]  }
0x5fc: {  	s26 =	simm.s32 $0x1C00;
	v62 =	vsub.f32 v21, v23  }
0x5fd: {  	s28 =	sadd.s32 $0x12800, s0;
	v19 =	vmul.f32 $5.119998780e+02, v19;
	[tilespmem:v60+s26+$0x0] =	vst.idx.add.f32.msk vm11, v1  }
0x5fe: {  	s16 =	sor.u32 s8, s28;
	[tilespmem:v60+s17+$0x0] =	vst.idx.add.f32.msk vm11, v62  }
0x5ff: {  	v61 =	vtrunc.f32 v19;
	v20 =	vld [tilespmem:s16+$0x0]  }
0x600: {  	v15 =	vsub.f32 v17, v15;
	v17 =	vcvt.f32.s32 v61;
	v63 =	vmul.f32 $5.119998780e+02, v22;
	_ =	sdelay $0x1  }
0x601: {  	[tilespmem:v18+s26+$0x0] =	vst.idx.add.f32.msk vm2, v1;
	v25 =	vtrunc.f32 v63  }
0x602: {  	[tilespmem:v18+s17+$0x0] =	vst.idx.add.f32.msk vm2, v15;
	v24 =	vcvt.s32.f32 v17;
	v15 =	vcvt.f32.s32 v25  }
0x603: {  	v26 =	vld [tilespmem:s11+$0x0];
	v20 =	vmul.f32 $5.119998780e+02, v20  }
0x604: {  	v19 =	vsub.f32 v19, v24;
	s16 =	simm.s32 $0x2000  }
0x605: {  	s14 =	simm.s32 $0x4600;
	s18 =	sadd.s32 $0x13000, s31;
	[tilespmem:v17+s16+$0x0] =	vst.idx.add.f32.msk vm0, v1;
	v27 =	vcvt.s32.f32 v15;
	v29 =	vtrunc.f32 v20  }
0x606: {  	s21 =	sor.u32 s2, s18;
	[tilespmem:v17+s14+$0x0] =	vst.idx.add.f32.msk vm0, v19;
	v30 =	vcvt.f32.s32 v29  }
0x607: {  	v17 =	vld [tilespmem:s21+$0x0];
	v18 =	vsub.f32 v63, v27  }
0x608: {  	v28 =	vmul.f32 $5.119998780e+02, v26;
	[tilespmem:v15+s26+$0x0] =	vst.idx.add.f32.msk vm10, v1  }
0x609: {  	s5 =	sor.u32 s13, s28;
	[tilespmem:v15+s17+$0x0] =	vst.idx.add.f32.msk vm10, v18;
	v34 =	vcvt.s32.f32 v30  }
0x60a: {  	v31 =	vtrunc.f32 v28;
	v32 =	vld [tilespmem:s5+$0x0]  }
0x60b: {  	v18 =	vcvt.f32.s32 v31;
	v20 =	vsub.f32 v20, v34  }
0x60c: {  	s22 =	sadd.s32 $0x12C00, s0;
	v17 =	vmul.f32 $5.119998780e+02, v17;
	[tilespmem:v30+s9+$0x0] =	vst.idx.add.f32.msk vm11, v1  }
0x60d: {  	s23 =	sor.u32 s8, s22;
	[tilespmem:v30+s10+$0x0] =	vst.idx.add.f32.msk vm11, v20  }
0x60e: {  	v33 =	vtrunc.f32 v17;
	v36 =	vcvt.s32.f32 v18;
	v38 =	vld [tilespmem:s23+$0x0]  }
0x60f: {  	v22 =	vcvt.f32.s32 v33;
	v21 =	vmul.f32 $5.119998780e+02, v32  }
0x610: {  	v15 =	vsub.f32 v28, v36  }
0x611: {  	[tilespmem:v18+s9+$0x0] =	vst.idx.add.f32.msk vm2, v1;
	v37 =	vtrunc.f32 v21  }
0x612: {  	s24 =	sor.u32 s30, s24;
	v35 =	vcvt.s32.f32 v22;
	[tilespmem:v18+s10+$0x0] =	vst.idx.add.f32.msk vm2, v15;
	v20 =	vcvt.f32.s32 v37  }
0x613: {  	v40 =	vld [tilespmem:s24+$0x0];
	v42 =	vmul.f32 $5.119998780e+02, v38  }
0x614: {  	s11 =	simm.s32 $0x2200;
	v17 =	vsub.f32 v17, v35  }
0x615: {  	s25 =	sadd.s32 $0x13400, s31;
	s4 =	simm.s32 $0x4800;
	[tilespmem:v22+s11+$0x0] =	vst.idx.add.f32.msk vm0, v1;
	v39 =	vcvt.s32.f32 v20;
	v43 =	vtrunc.f32 v42  }
0x616: {  	s26 =	sor.u32 s2, s25;
	[tilespmem:v22+s4+$0x0] =	vst.idx.add.f32.msk vm0, v17;
	v44 =	vcvt.f32.s32 v43  }
0x617: {  	v41 =	vld [tilespmem:s26+$0x0];
	v15 =	vsub.f32 v21, v39  }
0x618: {  	v17 =	vmul.f32 $5.119998780e+02, v40;
	[tilespmem:v20+s9+$0x0] =	vst.idx.add.f32.msk vm10, v1  }
0x619: {  	s5 =	sor.u32 s13, s22;
	[tilespmem:v20+s10+$0x0] =	vst.idx.add.f32.msk vm10, v15;
	v46 =	vcvt.s32.f32 v44  }
0x61a: {  	v45 =	vtrunc.f32 v17;
	v20 =	vld [tilespmem:s5+$0x0]  }
0x61b: {  	vm6 =	vmmov vm2;
	v21 =	vcvt.f32.s32 v45;
	v19 =	vsub.f32 v42, v46  }
0x61c: {  	s28 =	sadd.s32 $0x13000, s0;
	v18 =	vmul.f32 $5.119998780e+02, v41;
	[tilespmem:v44+s16+$0x0] =	vst.idx.add.f32.msk vm11, v1  }
0x61d: {  	s9 =	sor.u32 s8, s28;
	[tilespmem:v44+s14+$0x0] =	vst.idx.add.f32.msk vm11, v19  }
0x61e: {  	v47 =	vtrunc.f32 v18;
	v49 =	vcvt.s32.f32 v21;
	v19 =	vld [tilespmem:s9+$0x0]  }
0x61f: {  	v51 =	vshll.u32 v4, $0xA;
	s21 =	simm.s32 $0x4A00;
	v48 =	vcvt.f32.s32 v47;
	v20 =	vmul.f32 $5.119998780e+02, v20  }
0x620: {  	v23 =	vor.u32 s2, v51;
	[tilespmem:v16+s21+$0x0] =	vst.idx.add.f32.msk vm1, v13;
	v17 =	vsub.f32 v17, v49  }
0x621: {  	v53 =	vadd.s32 s31, v23;
	[tilespmem:v21+s16+$0x0] =	vst.idx.add.f32.msk vm6, v1;
	v50 =	vtrunc.f32 v20  }
0x622: {  	v54 =	vcvt.s32.f32 v48;
	[tilespmem:v21+s14+$0x0] =	vst.idx.add.f32.msk vm6, v17;
	v21 =	vor.u32 v2, v53;
	v15 =	vcvt.f32.s32 v50  }
0x623: {  	v11 =	vld.idx.msk [tilespmem:v11+s7+$0x0], $0xffff;
	s10 =	sor.u32 s30, s18;
	v19 =	vmul.f32 $5.119998780e+02, v19  }
0x624: {  	s17 =	simm.s32 $0x2400;
	v18 =	vsub.f32 v18, v54;
	v55 =	vld [tilespmem:s10+$0x0]  }
0x625: {  	[tilespmem:v48+s17+$0x0] =	vst.idx.add.f32.msk vm0, v1;
	v52 =	vcvt.s32.f32 v15;
	v56 =	vtrunc.f32 v19  }
0x626: {  	[tilespmem:v48+s21+$0x0] =	vst.idx.add.f32.msk vm0, v18;
	v57 =	vcvt.f32.s32 v56  }
0x627: {  	v18 =	vld.idx.msk [tilespmem:v21+s7+$0x0], $0xffff;
	v17 =	vsub.f32 v20, v52  }
0x628: {  	v11 =	vmul.f32 $5.119998780e+02, v11;
	[tilespmem:v15+s16+$0x0] =	vst.idx.add.f32.msk vm10, v1  }
0x629: {  	s18 =	sor.u32 s13, s28;
	v20 =	vmul.f32 $5.119998780e+02, v55;
	[tilespmem:v15+s14+$0x0] =	vst.idx.add.f32.msk vm10, v17;
	v58 =	vcvt.s32.f32 v57  }
0x62a: {  	v17 =	vld [tilespmem:s18+$0x0]  }
0x62b: {  	v34 =	vtrunc.f32 v11;
	v59 =	vtrunc.f32 v20;
	v19 =	vsub.f32 v19, v58  }
0x62c: {  	s22 =	sadd.s32 $0x13400, s0;
	v22 =	vcvt.f32.s32 v59;
	v18 =	vmul.f32 $5.119998780e+02, v18;
	[tilespmem:v57+s11+$0x0] =	vst.idx.add.f32.msk vm11, v1  }
0x62d: {  	v16 =	vcvt.f32.s32 v34;
	s23 =	sor.u32 s8, s22;
	[tilespmem:v57+s4+$0x0] =	vst.idx.add.f32.msk vm11, v19  }
0x62e: {  	v61 =	vcvt.s32.f32 v22;
	v62 =	vtrunc.f32 v18;
	v19 =	vld [tilespmem:s23+$0x0]  }
0x62f: {  	vm13 =	vmmov vm1;
	v13 =	vcvt.f32.s32 v62;
	v17 =	vmul.f32 $5.119998780e+02, v17  }
0x630: {  	v4 =	vshll.u32 v4, $0x9;
	s1 =	sor.u32 s30, s25;
	s25 =	simm.s32 $0x7200;
	v39 =	vadd.s32 v16, v10;
	v63 =	vsub.f32 $5.119998780e+02, v18  }
0x631: {  	[tilespmem:v12+s25+$0x0] =	vst.idx.add.f32.msk vm3, v14;
	v20 =	vsub.f32 v20, v61;
	v26 =	vadd.s32 v13, v4;
	v60 =	vtrunc.f32 v17  }
0x632: {  	vm12 =	vmmov vm10;
	v25 =	vtrunc.f32 v63;
	[tilespmem:v22+s11+$0x0] =	vst.idx.add.f32.msk vm6, v1;
	v15 =	vcvt.f32.s32 v60  }
0x633: {  	v13 =	vcvt.s32.f32 v13;
	[tilespmem:v22+s4+$0x0] =	vst.idx.add.f32.msk vm6, v20;
	v19 =	vmul.f32 $5.119998780e+02, v19  }
0x634: {  	v23 =	vcvt.f32.s32 v25;
	v22 =	vld [tilespmem:s1+$0x0]  }
0x635: {  	[tilespmem:v39+s20+$0x0] =	vst.idx.add.f32.msk vm13, v3;
	v31 =	vsub.f32 v13, v18;
	v24 =	vcvt.s32.f32 v15;
	v28 =	vtrunc.f32 v19  }
0x636: {  	v30 =	vshll.u32 v5, $0xA;
	v4 =	vadd.s32 v23, v4;
	[tilespmem:v26+s20+$0x0] =	vst.idx.add.f32.msk vm0, v3;
	v29 =	vcvt.f32.s32 v28  }
0x637: {  	v27 =	vcvt.s32.f32 v23;
	v23 =	vor.u32 s8, v30;
	[tilespmem:v26+s19+$0x0] =	vst.idx.add.f32.msk vm0, v31;
	v17 =	vsub.f32 v17, v24  }
0x638: {  	v32 =	vadd.s32 s0, v23;
	[tilespmem:v15+s11+$0x0] =	vst.idx.add.f32.msk vm12, v1  }
0x639: {  	s24 =	sor.u32 s13, s22;
	v13 =	vor.u32 v2, v32;
	v35 =	vmul.f32 $5.119998780e+02, v22;
	[tilespmem:v15+s4+$0x0] =	vst.idx.add.f32.msk vm12, v17;
	v36 =	vcvt.s32.f32 v29  }
0x63a: {  	v15 =	vld [tilespmem:s24+$0x0]  }
0x63b: {  	v37 =	vsub.f32 $5.119998780e+02, v11;
	[tilespmem:v4+s20+$0x0] =	vst.idx.add.f32.msk vm0, v1;
	v38 =	vtrunc.f32 v35;
	v18 =	vsub.f32 v19, v36  }
0x63c: {  	v21 =	vcvt.f32.s32 v38;
	[tilespmem:v29+s17+$0x0] =	vst.idx.add.f32.msk vm11, v1  }
0x63d: {  	v40 =	vtrunc.f32 v37;
	v33 =	vsub.f32 v63, v27;
	[tilespmem:v29+s21+$0x0] =	vst.idx.add.f32.msk vm11, v18  }
0x63e: {  	v41 =	vcvt.f32.s32 v40;
	v13 =	vld.idx.msk [tilespmem:v13+s7+$0x0], $0xffff  }
0x63f: {  	s26 =	simm.s32 $0x4C00;
	[tilespmem:v4+s19+$0x0] =	vst.idx.add.f32.msk vm0, v33;
	v42 =	vcvt.s32.f32 v21;
	v15 =	vmul.f32 $5.119998780e+02, v15  }
0x640: {  	v43 =	vadd.s32 v41, v10;
	[tilespmem:v4+s26+$0x0] =	vst.idx.add.f32.msk vm0, v1  }
0x641: {  	[tilespmem:v4+s25+$0x0] =	vst.idx.add.f32.msk vm0, v33;
	v4 =	vcvt.s32.f32 v16;
	v12 =	vsub.f32 v35, v42;
	v44 =	vtrunc.f32 v15  }
0x642: {  	v45 =	vcvt.s32.f32 v41;
	[tilespmem:v21+s17+$0x0] =	vst.idx.add.f32.msk vm6, v1;
	v14 =	vcvt.f32.s32 v44  }
0x643: {  	v4 =	vsub.f32 v4, v11;
	[tilespmem:v21+s21+$0x0] =	vst.idx.add.f32.msk vm6, v12;
	v46 =	vmul.f32 $5.119998780e+02, v13  }
0x644: {  	v47 =	vsub.f32 v37, v45;
	v8 =	vld.idx.msk [tilespmem:v8+s7+$0x0], $0xffff  }
0x645: {  	[tilespmem:v39+s19+$0x0] =	vst.idx.add.f32.msk vm13, v4;
	v48 =	vcvt.s32.f32 v14;
	v4 =	vtrunc.f32 v46;
	v13 =	vsub.f32 $5.119998780e+02, v46  }
0x646: {  	[tilespmem:v43+s20+$0x0] =	vst.idx.add.f32.msk vm13, v1;
	v4 =	vcvt.f32.s32 v4  }
0x647: {  	v5 =	vshll.u32 v5, $0x9;
	[tilespmem:v43+s19+$0x0] =	vst.idx.add.f32.msk vm13, v47;
	v15 =	vsub.f32 v15, v48;
	v49 =	vtrunc.f32 v13  }
0x648: {  	[tilespmem:v14+s17+$0x0] =	vst.idx.add.f32.msk vm12, v1;
	v50 =	vadd.s32 v4, v5;
	v17 =	vcvt.f32.s32 v49  }
0x649: {  	v8 =	vmul.f32 $5.119998780e+02, v8;
	[tilespmem:v14+s21+$0x0] =	vst.idx.add.f32.msk vm12, v15  }
0x64a: {  	v9 =	vld.idx.msk [tilespmem:v9+s7+$0x0], $0xffff;
	v4 =	vcvt.s32.f32 v4;
	v5 =	vadd.s32 v17, v5  }
0x64b: {  	[tilespmem:v43+s26+$0x0] =	vst.idx.add.f32.msk vm13, v1;
	v51 =	vtrunc.f32 v8;
	v52 =	vsub.f32 $5.119998780e+02, v8  }
0x64c: {  	[tilespmem:v43+s25+$0x0] =	vst.idx.add.f32.msk vm13, v47;
	v54 =	vcvt.f32.s32 v51;
	v53 =	vcvt.s32.f32 v17;
	v4 =	vsub.f32 v4, v46  }
0x64d: {  	v55 =	vtrunc.f32 v52;
	[tilespmem:v50+s20+$0x0] =	vst.idx.add.f32.msk vm11, v3  }
0x64e: {  	v12 =	vcvt.f32.s32 v55;
	v10 =	vsub.f32 v13, v53;
	[tilespmem:v50+s19+$0x0] =	vst.idx.add.f32.msk vm11, v4;
	v4 =	vadd.s32 v54, v7  }
0x64f: {  	v9 =	vmul.f32 $5.119998780e+02, v9;
	[tilespmem:v5+s20+$0x0] =	vst.idx.add.f32.msk vm11, v1  }
0x650: {  	v11 =	vcvt.s32.f32 v54;
	v56 =	vadd.s32 v12, v7;
	[tilespmem:v5+s19+$0x0] =	vst.idx.add.f32.msk vm11, v10  }
0x651: {  	v57 =	vtrunc.f32 v9;
	v58 =	vsub.f32 $5.119998780e+02, v9;
	[tilespmem:v5+s26+$0x0] =	vst.idx.add.f32.msk vm11, v1  }
0x652: {  	v59 =	vcvt.s32.f32 v12;
	v60 =	vcvt.f32.s32 v57;
	[tilespmem:v5+s25+$0x0] =	vst.idx.add.f32.msk vm11, v10;
	v5 =	vsub.f32 v11, v8  }
0x653: {  	v61 =	vtrunc.f32 v58;
	[tilespmem:v4+s20+$0x0] =	vst.idx.add.f32.msk vm6, v3  }
0x654: {  	v8 =	vsub.f32 v52, v59;
	[tilespmem:v4+s19+$0x0] =	vst.idx.add.f32.msk vm6, v5;
	v4 =	vadd.s32 v60, v6;
	v5 =	vcvt.f32.s32 v61  }
0x655: {  	[tilespmem:v56+s20+$0x0] =	vst.idx.add.f32.msk vm6, v1  }
0x656: {  	v10 =	vcvt.s32.f32 v60;
	[tilespmem:v56+s19+$0x0] =	vst.idx.add.f32.msk vm6, v8;
	v62 =	vadd.s32 v5, v6  }
0x657: {  	[tilespmem:v56+s26+$0x0] =	vst.idx.add.f32.msk vm6, v1  }
0x658: {  	v63 =	vsub.f32 v10, v9;
	v5 =	vcvt.s32.f32 v5;
	[tilespmem:v56+s25+$0x0] =	vst.idx.add.f32.msk vm6, v8  }
0x659: {  	[tilespmem:v4+s20+$0x0] =	vst.idx.add.f32.msk vm12, v3  }
0x65a: {  	v5 =	vsub.f32 v58, v5;
	[tilespmem:v4+s19+$0x0] =	vst.idx.add.f32.msk vm12, v63  }
0x65b: {  	[tilespmem:v62+s20+$0x0] =	vst.idx.add.f32.msk vm12, v1  }
0x65c: {  	[tilespmem:v62+s19+$0x0] =	vst.idx.add.f32.msk vm12, v5  }
0x65d: {  	s28 =	rddreg [dreg:$0xd]  }
0x65e: {  	s29 =	simm.s32 $0x3600;
	s6 =	simm.s32 $0x2800;
	s0 =	sadd.s32 $0x1, s28  }
0x65f: {  	s3 =	simm.s32 $0x200;
	s31 =	simm.s32 $0x1000;
	p0 =	sne.s32 s0, $0x10  }
.Ltmp3:
0x660: {  	s22 =	simm.s32 $0x800;
	s13 =	simm.s32 $0xA00;
	(pc) =	sbr.rel @p0 .LBB2_4-.Ltmp3, $4  }
0x661: {  	s30 =	simm.s32 $0xC00;
	s5 =	simm.s32 $0x400;
	s9 =	simm.s32 $0x1200  }
0x662: {  	s10 =	simm.s32 $0x3A00;
	s16 =	simm.s32 $0x3200;
	s8 =	simm.s32 $0x1600  }
0x663: {  	s11 =	simm.s32 $0x2E00;
	s4 =	simm.s32 $0x0;
	s24 =	simm.s32 $0x1C00;
	[tilespmem:v62+s26+$0x0] =	vst.idx.add.f32.msk vm12, v1  }
0x664: {  	vm14 =	vmmov vm6;
	vm15 =	vmmov vm12;
	s20 =	simm.s32 $0x2600;
	s19 =	simm.s32 $0x9C00;
	s26 =	simm.s32 $0xE00;
	[tilespmem:v62+s25+$0x0] =	vst.idx.add.f32.msk vm12, v5  }
0x665: {  	s0 =	rddreg [dreg:$0x9];
	s1 =	simm.s32 $0x80;
	s25 =	simm.s32 $0x3  }
0x666: {  	[hbm4b:s0+s1] =	stream.strided.scatter [tilespmem:s4], [sflag:$0x3], $0x9800, s5, s1, $0x38;
	[tilespmem:$0x13800] =	vst v63  }
0x667: {  	_ =	swait.ge [sflag:s25], $0x9800  }
0x668: {  	s2 =	rddreg [dreg:$0xc]  }
0x669: {  	s28 =	rddreg [dreg:$0xa];
	s2 =	sadd.s32 $0x1, s2  }
0x66a: {  	p0 =	sne.s32 s2, s28  }
.Ltmp4:
0x66b: {  	_ = 	snop;
	(pc) =	sbr.rel @p0 .LBB2_1-.Ltmp4, $3  }
0x66c: {  	_ =	sdelay $0x1  }
0x66d: {  	[sflag:s25] =	ssyncset.done $0x0  }
0x66e: {  	[sflag:s25] =	ssyncadd.s32 $0xFFFF6800  }
0x66f: {  	_ =	sfence.sel $0x180000  }
0x670: {  	[bflag:$0x0] =	sbarrier.arrive $0xFFFF  }
0x671: {  	_ =	strace $0x90000047  }
0x672: {  	s0 =	stileid.u32;
	[bflag:$0x2] =	sbarrier.arrive $0xFFFF  }
0x673: {  	p0 =	sne.s32 s0, $0x0;
	s0 =	rddreg [dreg:$0x3]  }
0x674: {  	s0 =	sadd.s32 @!p0 $0x100000, s0  }
0x675: {  	[sflag:s0] =	ssyncadd.tile.s32 @!p0 $0x1;
	_ =	shalt  }
.Lfunc_end2:
_tile_overlayer_lowered:
.L_overlay_start_2:
0x676: {  	(tag) =	ssettag $0x2  }
0x677: {  	s0 =	rddreg [dreg:$0x0];
	s2 =	stileid.u32  }
0x678: {  	s1 =	rddreg [dreg:$0x1];
	p0 =	sne.s32 s2, $0x0  }
0x679: {  	s3 =	rddreg [dreg:$0x2];
	[bflag:$0x3] =	sbarrier.arrive $0xFFFF;
	s2 =	simm.s32 @!p0 $0x1C03  }
0x67a: {  	[timem:s3], [sflag:s2] =	dma.local @!p0 [hbm:s0], s1  }
0x67b: {  	s0 =	simm.s32 @!p0 $0x3  }
0x67c: {  	_ =	swait.ge @!p0 [sflag:s0], s1  }
0x67d: {  	s1 =	ssub.s32 @!p0 $0x0, s1;
	[sflag:s0] =	ssyncset.done @!p0 $0x0  }
0x67e: {  	[sflag:s0] =	ssyncadd.s32 @!p0 s1  }
0x67f: {  	[bflag:$0x3] =	sbarrier.arrive $0xFFFF  }
0x680: {  	_ =	shalt  }

</sc_bundles>
